<compile_context>
chip_gen: v7x
topology: tpu7x:2x2x1
jax: 0.10.2.dev20260603
libtpu: 0.0.44.dev20260713+nightly
codegen_flags: <defaults>
</compile_context>

<pallas_src>
import functools

import jax
import jax.numpy as jnp
from jax import lax
from jax.experimental import pallas as pl
from jax.experimental.pallas import tpu as pltpu
from jax.experimental.pallas import tpu_sc as plsc

B = 16384
USER_VOCAB = 1000000
D = 64
OUT_D = 3 * D + 1 + D
NC = 2
NS = 16
NW = NC * NS
RPW = B // NW
CHUNK = 128
NCHUNK = RPW // CHUNK
HALF = 256
LANES = 16

A_OFF = 0
W_OFF = 5
T_OFF = 9
NBND = 120

def _bucketize(bnd_ref, ts16):
    pos = jnp.zeros((LANES,), jnp.int32)
    for step in (64, 32, 16, 8, 4, 2, 1):
        cand = pos + step
        safe = jnp.minimum(cand, NBND) - 1
        v = plsc.load_gather(bnd_ref, [safe])
        ok = (cand <= NBND) & (v < ts16)
        pos = jnp.where(ok, cand, pos)
    return pos


def _body(viz_hbm, ev_hbm, wt_hbm, ts_hbm, utab_hbm, comb_hbm, bnd_hbm,
          tm_hbm, td_hbm, out_hbm,
          idx_v, uv, ob, ev_v, wt_v, ts_v, comb_v, bnd_v, tm_v, td_v, gsem):
    cid = lax.axis_index("c")
    sid = lax.axis_index("s")
    wid = sid * NC + cid
    base = wid * RPW

    for c in range(NCHUNK):
        pltpu.sync_copy(viz_hbm.at[pl.ds(base + c * CHUNK, CHUNK)],
                        idx_v.at[c])
    handles = [
        pltpu.async_copy(utab_hbm.at[idx_v.at[c]],
                         uv.at[pl.ds(c * CHUNK, CHUNK)], gsem)
        for c in range(NCHUNK)
    ]
    pltpu.sync_copy(ev_hbm.at[pl.ds(base, RPW)], ev_v)
    pltpu.sync_copy(wt_hbm.at[pl.ds(base, RPW)], wt_v)
    pltpu.sync_copy(ts_hbm.at[pl.ds(base, RPW)], ts_v)
    pltpu.sync_copy(comb_hbm, comb_v)
    pltpu.sync_copy(bnd_hbm, bnd_v)
    pltpu.sync_copy(tm_hbm, tm_v)
    pltpu.sync_copy(td_hbm, td_v)

    tm16 = tm_v[...]
    td16 = td_v[...]
    lane = lax.iota(jnp.int32, LANES)

    for h in handles:
        h.wait()

    for half in range(RPW // HALF):
        def group(g, carry, half=half):
            row_loc = g * LANES + lane
            srow = half * HALF + g * LANES + lane
            ev16 = ev_v[pl.ds(half * HALF + g * LANES, LANES)]
            wt16 = wt_v[pl.ds(half * HALF + g * LANES, LANES)]
            ts16 = ts_v[pl.ds(half * HALF + g * LANES, LANES)]
            bk16 = _bucketize(bnd_v, ts16)
            arow = ev16 + A_OFF
            wrow = wt16 + W_OFF
            trow = bk16 + T_OFF
            cont = (ts16 - tm16) / td16
            plsc.store_scatter(ob, [row_loc,
                                    jnp.full((LANES,), 3 * D, jnp.int32)],
                               cont)
            for j in range(D):
                colj = jnp.full((LANES,), j, jnp.int32)
                uvv = plsc.load_gather(uv, [srow, colj])
                plsc.store_scatter(ob, [row_loc, colj], uvv)
                av = plsc.load_gather(comb_v, [arow, colj])
                plsc.store_scatter(
                    ob, [row_loc, jnp.full((LANES,), D + j, jnp.int32)], av)
                wv = plsc.load_gather(comb_v, [wrow, colj])
                plsc.store_scatter(
                    ob, [row_loc, jnp.full((LANES,), 2 * D + j, jnp.int32)],
                    wv)
                tv = plsc.load_gather(comb_v, [trow, colj])
                plsc.store_scatter(
                    ob, [row_loc, jnp.full((LANES,), 3 * D + 1 + j, jnp.int32)],
                    tv)
            return carry

        lax.fori_loop(0, HALF // LANES, group, 0)
        pltpu.sync_copy(ob, out_hbm.at[pl.ds(base + half * HALF, HALF)])


_sc_call = functools.partial(
    pl.kernel,
    out_type=jax.ShapeDtypeStruct((B, OUT_D), jnp.float32),
    mesh=plsc.VectorSubcoreMesh(core_axis_name="c", subcore_axis_name="s"),
    compiler_params=pltpu.CompilerParams(
        needs_layout_passes=False, use_tc_tiling_on_sc=False),
    scratch_types=[
        pltpu.VMEM((NCHUNK, CHUNK), jnp.int32),
        pltpu.VMEM((RPW, D), jnp.float32),
        pltpu.VMEM((HALF, OUT_D), jnp.float32),
        pltpu.VMEM((RPW,), jnp.int32),
        pltpu.VMEM((RPW,), jnp.int32),
        pltpu.VMEM((RPW,), jnp.float32),
        pltpu.VMEM((130, D), jnp.float32),
        pltpu.VMEM((128,), jnp.float32),
        pltpu.VMEM((LANES,), jnp.float32),
        pltpu.VMEM((LANES,), jnp.float32),
        pltpu.SemaphoreType.DMA,
    ],
)(_body)


def kernel(visitorid, event, weight, timestamp, user_table, action_table,
           weight_table, time_table, boundaries, time_mean, time_std):
    viz = visitorid.astype(jnp.int32)
    ev = event.astype(jnp.int32)
    wt = weight.astype(jnp.int32)
    ts = timestamp.astype(jnp.float32)
    utab = user_table
    comb = jnp.concatenate([action_table, weight_table, time_table], axis=0)
    bnd = jnp.concatenate(
        [boundaries.astype(jnp.float32), jnp.zeros((8,), jnp.float32)])
    tm = jnp.full((LANES,), time_mean, jnp.float32)
    td = jnp.full((LANES,), time_std, jnp.float32)
    return _sc_call(viz, ev, wt, ts, utab, comb, bnd, tm, td)

# --- scband reference (transcript-rebuilt; emitter-appended) ---
"""Pipeline reference for scband-user-model-47296179863837 (READ-ONLY COPY).

The authoritative reference and input builder live on the scoring server;
editing this copy changes nothing except your own understanding.
"""

import jax, jax.numpy as jnp
import numpy as np

B = 16384
USER_VOCAB = 1000000
EVENT_VOCAB = 5
WEIGHT_VOCAB = 4
DAYS = 120  # discretization boundaries -> DAYS+1 buckets
D = 64


def setup_inputs(seed: int = 0) -> dict:
    key = jax.random.key(seed)
    ks = jax.random.split(key, 8)
    visitorid = jax.random.randint(ks[0], (B,), 0, USER_VOCAB, dtype=jnp.int64 if jax.config.jax_enable_x64 else jnp.int32)
    event = jax.random.randint(ks[1], (B,), 0, EVENT_VOCAB)
    weight = jax.random.randint(ks[2], (B,), 0, WEIGHT_VOCAB)
    timestamp = jax.random.uniform(ks[3], (B,), dtype=jnp.float32) * 1.0e7
    user_table = jax.random.normal(ks[4], (USER_VOCAB, D), dtype=jnp.float32) * 0.02
    action_table = jax.random.normal(ks[5], (EVENT_VOCAB, D), dtype=jnp.float32) * 0.02
    weight_table = jax.random.normal(ks[6], (WEIGHT_VOCAB, D), dtype=jnp.float32) * 0.02
    time_table = jax.random.normal(ks[7], (DAYS + 1, D), dtype=jnp.float32) * 0.02
    boundaries = jnp.linspace(0.0, 1.0e7, DAYS).astype(jnp.float32)
    time_mean = jnp.float32(5.0e6)
    time_std = jnp.float32(2.9e6)
    return {
        "visitorid": visitorid,
        "event": event,
        "weight": weight,
        "timestamp": timestamp,
        "user_table": user_table,
        "action_table": action_table,
        "weight_table": weight_table,
        "time_table": time_table,
        "boundaries": boundaries,
        "time_mean": time_mean,
        "time_std": time_std,
    }


def reference(visitorid, event, weight, timestamp, user_table, action_table, weight_table, time_table, boundaries, time_mean, time_std):
    # StringLookup + Embedding on visitorid -> plain embedding gather
    user_emb = jnp.take(user_table, visitorid, axis=0)
    # StringLookup + Embedding on event
    action_emb = jnp.take(action_table, event, axis=0)
    # IntegerLookup + Embedding on Weight
    weight_emb = jnp.take(weight_table, weight, axis=0)
    # Normalization on timestamp (continuous feature)
    time_cont = ((timestamp - time_mean) / time_std)[:, None]
    # Discretization (bucketize against 120 boundaries) + Embedding
    bucket = jnp.searchsorted(boundaries, timestamp)
    time_disc_emb = jnp.take(time_table, bucket, axis=0)
    return jnp.concatenate([user_emb, action_emb, weight_emb, time_cont, time_disc_emb], axis=1)

if __name__ == "__main__":
    import jax
    _d = setup_inputs()
    print(jax.jit(kernel)(*tuple(_d.values())))

</pallas_src>

<mosaic_0001>
#map = affine_map<(d0, d1) -> (0)>
#map1 = affine_map<(d0, d1) -> (0, 0)>
module attributes {stable_mosaic.version = 14 : i64} {
  func.func @_body(%arg0: i32, %arg1: i32, %arg2: memref<16384xi32, #tpu.memory_space<hbm>>, %arg3: memref<16384xi32, #tpu.memory_space<hbm>>, %arg4: memref<16384xi32, #tpu.memory_space<hbm>>, %arg5: memref<16384xf32, #tpu.memory_space<hbm>>, %arg6: memref<1000000x64xf32, #tpu.memory_space<hbm>>, %arg7: memref<130x64xf32, #tpu.memory_space<hbm>>, %arg8: memref<128xf32, #tpu.memory_space<hbm>>, %arg9: memref<16xf32, #tpu.memory_space<hbm>>, %arg10: memref<16xf32, #tpu.memory_space<hbm>>, %arg11: memref<16384x257xf32, #tpu.memory_space<hbm>>, %arg12: memref<4x128xi32, #tpu.memory_space<vmem>>, %arg13: memref<512x64xf32, #tpu.memory_space<vmem>>, %arg14: memref<256x257xf32, #tpu.memory_space<vmem>>, %arg15: memref<512xi32, #tpu.memory_space<vmem>>, %arg16: memref<512xi32, #tpu.memory_space<vmem>>, %arg17: memref<512xf32, #tpu.memory_space<vmem>>, %arg18: memref<130x64xf32, #tpu.memory_space<vmem>>, %arg19: memref<128xf32, #tpu.memory_space<vmem>>, %arg20: memref<16xf32, #tpu.memory_space<vmem>>, %arg21: memref<16xf32, #tpu.memory_space<vmem>>, %arg22: memref<!tpu.dma_semaphore, #tpu.memory_space<semaphore_mem>>) attributes {dimension_semantics = [#tpu.dimension_semantics<core_parallel>, #tpu.dimension_semantics<subcore_parallel>], iteration_bounds = array<i64: 2, 16>, scalar_prefetch = 0 : i64, scratch_operands = 11 : i64, tpu.core_type = #tpu.core_type<sc_vector_subcore>, window_params = [{transform_indices = #map}, {transform_indices = #map}, {transform_indices = #map}, {transform_indices = #map}, {transform_indices = #map1}, {transform_indices = #map1}, {transform_indices = #map}, {transform_indices = #map}, {transform_indices = #map}, {transform_indices = #map1}]} {
    %mul3A = arith.constant 2 : i32
    %mul3A_0 = arith.muli %arg1, %mul3A : i32
    %add3A = arith.addi %mul3A_0, %arg0 : i32
    %mul3A_1 = arith.constant 512 : i32
    %mul3A_2 = arith.muli %add3A, %mul3A_1 : i32
    %add3A_3 = arith.constant 0 : i32
    %add3A_4 = arith.addi %mul3A_2, %add3A_3 : i32
    %run_scoped3A = arith.constant 0 : i32
    "tpu.region"() ({
      %run_scoped3A_110 = tpu.sem_alloc : memref<!tpu.dma_semaphore, #tpu.memory_space<semaphore_mem>>
      %dma_start3A_111 = arith.constant 0 : i32
      %dma_start3A_112 = tpu.memref_slice %arg12[%run_scoped3A, %dma_start3A_111] : memref<4x128xi32, #tpu.memory_space<vmem>> -> memref<1x128xi32, #tpu.memory_space<vmem>>
      %dma_start3A_113 = tpu.memref_squeeze %dma_start3A_112 : memref<1x128xi32, #tpu.memory_space<vmem>> -> memref<128xi32, #tpu.memory_space<vmem>>
      %dma_start3A_114 = tpu.memref_slice %arg2[%add3A_4] : memref<16384xi32, #tpu.memory_space<hbm>> -> memref<128xi32, #tpu.memory_space<hbm>>
      %dma_start3A_115 = arith.constant 0 : i32
      %dma_start3A_116 = tpu.memref_slice %arg12[%run_scoped3A, %dma_start3A_115] : memref<4x128xi32, #tpu.memory_space<vmem>> -> memref<1x128xi32, #tpu.memory_space<vmem>>
      %dma_start3A_117 = tpu.memref_squeeze %dma_start3A_116 : memref<1x128xi32, #tpu.memory_space<vmem>> -> memref<128xi32, #tpu.memory_space<vmem>>
      %dma_start3A_118 = tpu.memref_slice %arg2[%add3A_4] : memref<16384xi32, #tpu.memory_space<hbm>> -> memref<128xi32, #tpu.memory_space<hbm>>
      tpu.enqueue_dma source(%dma_start3A_118 : memref<128xi32, #tpu.memory_space<hbm>>) target(%dma_start3A_117 : memref<128xi32, #tpu.memory_space<vmem>>) target_semaphore(%run_scoped3A_110 : memref<!tpu.dma_semaphore, #tpu.memory_space<semaphore_mem>>)
      %dma_wait3A_119 = arith.constant 0 : i32
      %dma_wait3A_120 = tpu.memref_slice %arg12[%run_scoped3A, %dma_wait3A_119] : memref<4x128xi32, #tpu.memory_space<vmem>> -> memref<1x128xi32, #tpu.memory_space<vmem>>
      %dma_wait3A_121 = tpu.memref_squeeze %dma_wait3A_120 : memref<1x128xi32, #tpu.memory_space<vmem>> -> memref<128xi32, #tpu.memory_space<vmem>>
      %dma_wait3A_122 = tpu.memref_slice %arg2[%add3A_4] : memref<16384xi32, #tpu.memory_space<hbm>> -> memref<128xi32, #tpu.memory_space<hbm>>
      %dma_wait3A_123 = arith.constant 0 : i32
      %dma_wait3A_124 = tpu.memref_slice %arg12[%run_scoped3A, %dma_wait3A_123] : memref<4x128xi32, #tpu.memory_space<vmem>> -> memref<1x128xi32, #tpu.memory_space<vmem>>
      %dma_wait3A_125 = tpu.memref_squeeze %dma_wait3A_124 : memref<1x128xi32, #tpu.memory_space<vmem>> -> memref<128xi32, #tpu.memory_space<vmem>>
      %dma_wait3A_126 = tpu.memref_slice %arg2[%add3A_4] : memref<16384xi32, #tpu.memory_space<hbm>> -> memref<128xi32, #tpu.memory_space<hbm>>
      tpu.wait_dma2 semaphore(%run_scoped3A_110 : memref<!tpu.dma_semaphore, #tpu.memory_space<semaphore_mem>>) src(%dma_wait3A_126 : memref<128xi32, #tpu.memory_space<hbm>>) dst(%dma_wait3A_125 : memref<128xi32, #tpu.memory_space<vmem>>)
      tpu.yield
    }) : () -> ()
    %add3A_5 = arith.constant 128 : i32
    %add3A_6 = arith.addi %mul3A_2, %add3A_5 : i32
    %run_scoped3A_7 = arith.constant 1 : i32
    "tpu.region"() ({
      %run_scoped3A_110 = tpu.sem_alloc : memref<!tpu.dma_semaphore, #tpu.memory_space<semaphore_mem>>
      %dma_start3A_111 = arith.constant 0 : i32
      %dma_start3A_112 = tpu.memref_slice %arg12[%run_scoped3A_7, %dma_start3A_111] : memref<4x128xi32, #tpu.memory_space<vmem>> -> memref<1x128xi32, #tpu.memory_space<vmem>>
      %dma_start3A_113 = tpu.memref_squeeze %dma_start3A_112 : memref<1x128xi32, #tpu.memory_space<vmem>> -> memref<128xi32, #tpu.memory_space<vmem>>
      %dma_start3A_114 = tpu.memref_slice %arg2[%add3A_6] : memref<16384xi32, #tpu.memory_space<hbm>> -> memref<128xi32, #tpu.memory_space<hbm>>
      %dma_start3A_115 = arith.constant 0 : i32
      %dma_start3A_116 = tpu.memref_slice %arg12[%run_scoped3A_7, %dma_start3A_115] : memref<4x128xi32, #tpu.memory_space<vmem>> -> memref<1x128xi32, #tpu.memory_space<vmem>>
      %dma_start3A_117 = tpu.memref_squeeze %dma_start3A_116 : memref<1x128xi32, #tpu.memory_space<vmem>> -> memref<128xi32, #tpu.memory_space<vmem>>
      %dma_start3A_118 = tpu.memref_slice %arg2[%add3A_6] : memref<16384xi32, #tpu.memory_space<hbm>> -> memref<128xi32, #tpu.memory_space<hbm>>
      tpu.enqueue_dma source(%dma_start3A_118 : memref<128xi32, #tpu.memory_space<hbm>>) target(%dma_start3A_117 : memref<128xi32, #tpu.memory_space<vmem>>) target_semaphore(%run_scoped3A_110 : memref<!tpu.dma_semaphore, #tpu.memory_space<semaphore_mem>>)
      %dma_wait3A_119 = arith.constant 0 : i32
      %dma_wait3A_120 = tpu.memref_slice %arg12[%run_scoped3A_7, %dma_wait3A_119] : memref<4x128xi32, #tpu.memory_space<vmem>> -> memref<1x128xi32, #tpu.memory_space<vmem>>
      %dma_wait3A_121 = tpu.memref_squeeze %dma_wait3A_120 : memref<1x128xi32, #tpu.memory_space<vmem>> -> memref<128xi32, #tpu.memory_space<vmem>>
      %dma_wait3A_122 = tpu.memref_slice %arg2[%add3A_6] : memref<16384xi32, #tpu.memory_space<hbm>> -> memref<128xi32, #tpu.memory_space<hbm>>
      %dma_wait3A_123 = arith.constant 0 : i32
      %dma_wait3A_124 = tpu.memref_slice %arg12[%run_scoped3A_7, %dma_wait3A_123] : memref<4x128xi32, #tpu.memory_space<vmem>> -> memref<1x128xi32, #tpu.memory_space<vmem>>
      %dma_wait3A_125 = tpu.memref_squeeze %dma_wait3A_124 : memref<1x128xi32, #tpu.memory_space<vmem>> -> memref<128xi32, #tpu.memory_space<vmem>>
      %dma_wait3A_126 = tpu.memref_slice %arg2[%add3A_6] : memref<16384xi32, #tpu.memory_space<hbm>> -> memref<128xi32, #tpu.memory_space<hbm>>
      tpu.wait_dma2 semaphore(%run_scoped3A_110 : memref<!tpu.dma_semaphore, #tpu.memory_space<semaphore_mem>>) src(%dma_wait3A_126 : memref<128xi32, #tpu.memory_space<hbm>>) dst(%dma_wait3A_125 : memref<128xi32, #tpu.memory_space<vmem>>)
      tpu.yield
    }) : () -> ()
    %add3A_8 = arith.constant 256 : i32
    %add3A_9 = arith.addi %mul3A_2, %add3A_8 : i32
    %run_scoped3A_10 = arith.constant 2 : i32
    "tpu.region"() ({
      %run_scoped3A_110 = tpu.sem_alloc : memref<!tpu.dma_semaphore, #tpu.memory_space<semaphore_mem>>
      %dma_start3A_111 = arith.constant 0 : i32
      %dma_start3A_112 = tpu.memref_slice %arg12[%run_scoped3A_10, %dma_start3A_111] : memref<4x128xi32, #tpu.memory_space<vmem>> -> memref<1x128xi32, #tpu.memory_space<vmem>>
      %dma_start3A_113 = tpu.memref_squeeze %dma_start3A_112 : memref<1x128xi32, #tpu.memory_space<vmem>> -> memref<128xi32, #tpu.memory_space<vmem>>
      %dma_start3A_114 = tpu.memref_slice %arg2[%add3A_9] : memref<16384xi32, #tpu.memory_space<hbm>> -> memref<128xi32, #tpu.memory_space<hbm>>
      %dma_start3A_115 = arith.constant 0 : i32
      %dma_start3A_116 = tpu.memref_slice %arg12[%run_scoped3A_10, %dma_start3A_115] : memref<4x128xi32, #tpu.memory_space<vmem>> -> memref<1x128xi32, #tpu.memory_space<vmem>>
      %dma_start3A_117 = tpu.memref_squeeze %dma_start3A_116 : memref<1x128xi32, #tpu.memory_space<vmem>> -> memref<128xi32, #tpu.memory_space<vmem>>
      %dma_start3A_118 = tpu.memref_slice %arg2[%add3A_9] : memref<16384xi32, #tpu.memory_space<hbm>> -> memref<128xi32, #tpu.memory_space<hbm>>
      tpu.enqueue_dma source(%dma_start3A_118 : memref<128xi32, #tpu.memory_space<hbm>>) target(%dma_start3A_117 : memref<128xi32, #tpu.memory_space<vmem>>) target_semaphore(%run_scoped3A_110 : memref<!tpu.dma_semaphore, #tpu.memory_space<semaphore_mem>>)
      %dma_wait3A_119 = arith.constant 0 : i32
      %dma_wait3A_120 = tpu.memref_slice %arg12[%run_scoped3A_10, %dma_wait3A_119] : memref<4x128xi32, #tpu.memory_space<vmem>> -> memref<1x128xi32, #tpu.memory_space<vmem>>
      %dma_wait3A_121 = tpu.memref_squeeze %dma_wait3A_120 : memref<1x128xi32, #tpu.memory_space<vmem>> -> memref<128xi32, #tpu.memory_space<vmem>>
      %dma_wait3A_122 = tpu.memref_slice %arg2[%add3A_9] : memref<16384xi32, #tpu.memory_space<hbm>> -> memref<128xi32, #tpu.memory_space<hbm>>
      %dma_wait3A_123 = arith.constant 0 : i32
      %dma_wait3A_124 = tpu.memref_slice %arg12[%run_scoped3A_10, %dma_wait3A_123] : memref<4x128xi32, #tpu.memory_space<vmem>> -> memref<1x128xi32, #tpu.memory_space<vmem>>
      %dma_wait3A_125 = tpu.memref_squeeze %dma_wait3A_124 : memref<1x128xi32, #tpu.memory_space<vmem>> -> memref<128xi32, #tpu.memory_space<vmem>>
      %dma_wait3A_126 = tpu.memref_slice %arg2[%add3A_9] : memref<16384xi32, #tpu.memory_space<hbm>> -> memref<128xi32, #tpu.memory_space<hbm>>
      tpu.wait_dma2 semaphore(%run_scoped3A_110 : memref<!tpu.dma_semaphore, #tpu.memory_space<semaphore_mem>>) src(%dma_wait3A_126 : memref<128xi32, #tpu.memory_space<hbm>>) dst(%dma_wait3A_125 : memref<128xi32, #tpu.memory_space<vmem>>)
      tpu.yield
    }) : () -> ()
    %add3A_11 = arith.constant 384 : i32
    %add3A_12 = arith.addi %mul3A_2, %add3A_11 : i32
    %run_scoped3A_13 = arith.constant 3 : i32
    "tpu.region"() ({
      %run_scoped3A_110 = tpu.sem_alloc : memref<!tpu.dma_semaphore, #tpu.memory_space<semaphore_mem>>
      %dma_start3A_111 = arith.constant 0 : i32
      %dma_start3A_112 = tpu.memref_slice %arg12[%run_scoped3A_13, %dma_start3A_111] : memref<4x128xi32, #tpu.memory_space<vmem>> -> memref<1x128xi32, #tpu.memory_space<vmem>>
      %dma_start3A_113 = tpu.memref_squeeze %dma_start3A_112 : memref<1x128xi32, #tpu.memory_space<vmem>> -> memref<128xi32, #tpu.memory_space<vmem>>
      %dma_start3A_114 = tpu.memref_slice %arg2[%add3A_12] : memref<16384xi32, #tpu.memory_space<hbm>> -> memref<128xi32, #tpu.memory_space<hbm>>
      %dma_start3A_115 = arith.constant 0 : i32
      %dma_start3A_116 = tpu.memref_slice %arg12[%run_scoped3A_13, %dma_start3A_115] : memref<4x128xi32, #tpu.memory_space<vmem>> -> memref<1x128xi32, #tpu.memory_space<vmem>>
      %dma_start3A_117 = tpu.memref_squeeze %dma_start3A_116 : memref<1x128xi32, #tpu.memory_space<vmem>> -> memref<128xi32, #tpu.memory_space<vmem>>
      %dma_start3A_118 = tpu.memref_slice %arg2[%add3A_12] : memref<16384xi32, #tpu.memory_space<hbm>> -> memref<128xi32, #tpu.memory_space<hbm>>
      tpu.enqueue_dma source(%dma_start3A_118 : memref<128xi32, #tpu.memory_space<hbm>>) target(%dma_start3A_117 : memref<128xi32, #tpu.memory_space<vmem>>) target_semaphore(%run_scoped3A_110 : memref<!tpu.dma_semaphore, #tpu.memory_space<semaphore_mem>>)
      %dma_wait3A_119 = arith.constant 0 : i32
      %dma_wait3A_120 = tpu.memref_slice %arg12[%run_scoped3A_13, %dma_wait3A_119] : memref<4x128xi32, #tpu.memory_space<vmem>> -> memref<1x128xi32, #tpu.memory_space<vmem>>
      %dma_wait3A_121 = tpu.memref_squeeze %dma_wait3A_120 : memref<1x128xi32, #tpu.memory_space<vmem>> -> memref<128xi32, #tpu.memory_space<vmem>>
      %dma_wait3A_122 = tpu.memref_slice %arg2[%add3A_12] : memref<16384xi32, #tpu.memory_space<hbm>> -> memref<128xi32, #tpu.memory_space<hbm>>
      %dma_wait3A_123 = arith.constant 0 : i32
      %dma_wait3A_124 = tpu.memref_slice %arg12[%run_scoped3A_13, %dma_wait3A_123] : memref<4x128xi32, #tpu.memory_space<vmem>> -> memref<1x128xi32, #tpu.memory_space<vmem>>
      %dma_wait3A_125 = tpu.memref_squeeze %dma_wait3A_124 : memref<1x128xi32, #tpu.memory_space<vmem>> -> memref<128xi32, #tpu.memory_space<vmem>>
      %dma_wait3A_126 = tpu.memref_slice %arg2[%add3A_12] : memref<16384xi32, #tpu.memory_space<hbm>> -> memref<128xi32, #tpu.memory_space<hbm>>
      tpu.wait_dma2 semaphore(%run_scoped3A_110 : memref<!tpu.dma_semaphore, #tpu.memory_space<semaphore_mem>>) src(%dma_wait3A_126 : memref<128xi32, #tpu.memory_space<hbm>>) dst(%dma_wait3A_125 : memref<128xi32, #tpu.memory_space<vmem>>)
      tpu.yield
    }) : () -> ()
    %dma_start3A = arith.constant 0 : i32
    %dma_start3A_14 = arith.constant 0 : i32
    %dma_start3A_15 = arith.constant 0 : i32
    %dma_start3A_16 = tpu.memref_slice %arg13[%dma_start3A_14, %dma_start3A_15] : memref<512x64xf32, #tpu.memory_space<vmem>> -> memref<128x64xf32, #tpu.memory_space<vmem>>
    %dma_start3A_17 = arith.constant 0 : i32
    %dma_start3A_18 = tpu.memref_slice %arg12[%dma_start3A, %dma_start3A_17] : memref<4x128xi32, #tpu.memory_space<vmem>> -> memref<1x128xi32, #tpu.memory_space<vmem>>
    %dma_start3A_19 = tpu.memref_squeeze %dma_start3A_18 : memref<1x128xi32, #tpu.memory_space<vmem>> -> memref<128xi32, #tpu.memory_space<vmem>>
    %dma_start3A_20 = arith.constant 0 : i32
    %dma_start3A_21 = arith.constant 0 : i32
    %dma_start3A_22 = tpu.memref_slice %arg6[%dma_start3A_20, %dma_start3A_21] : memref<1000000x64xf32, #tpu.memory_space<hbm>> -> memref<1000000x64xf32, #tpu.memory_space<hbm>>
    tpu.enqueue_indirect_dma source(%dma_start3A_22 : memref<1000000x64xf32, #tpu.memory_space<hbm>>) target(%dma_start3A_16 : memref<128x64xf32, #tpu.memory_space<vmem>>) offsets(%dma_start3A_19 : memref<128xi32, #tpu.memory_space<vmem>>) semaphore(%arg22 : memref<!tpu.dma_semaphore, #tpu.memory_space<semaphore_mem>>)
    %dma_start3A_23 = arith.constant 1 : i32
    %dma_start3A_24 = arith.constant 128 : i32
    %dma_start3A_25 = arith.constant 0 : i32
    %dma_start3A_26 = tpu.memref_slice %arg13[%dma_start3A_24, %dma_start3A_25] : memref<512x64xf32, #tpu.memory_space<vmem>> -> memref<128x64xf32, #tpu.memory_space<vmem>>
    %dma_start3A_27 = arith.constant 0 : i32
    %dma_start3A_28 = tpu.memref_slice %arg12[%dma_start3A_23, %dma_start3A_27] : memref<4x128xi32, #tpu.memory_space<vmem>> -> memref<1x128xi32, #tpu.memory_space<vmem>>
    %dma_start3A_29 = tpu.memref_squeeze %dma_start3A_28 : memref<1x128xi32, #tpu.memory_space<vmem>> -> memref<128xi32, #tpu.memory_space<vmem>>
    %dma_start3A_30 = arith.constant 0 : i32
    %dma_start3A_31 = arith.constant 0 : i32
    %dma_start3A_32 = tpu.memref_slice %arg6[%dma_start3A_30, %dma_start3A_31] : memref<1000000x64xf32, #tpu.memory_space<hbm>> -> memref<1000000x64xf32, #tpu.memory_space<hbm>>
    tpu.enqueue_indirect_dma source(%dma_start3A_32 : memref<1000000x64xf32, #tpu.memory_space<hbm>>) target(%dma_start3A_26 : memref<128x64xf32, #tpu.memory_space<vmem>>) offsets(%dma_start3A_29 : memref<128xi32, #tpu.memory_space<vmem>>) semaphore(%arg22 : memref<!tpu.dma_semaphore, #tpu.memory_space<semaphore_mem>>)
    %dma_start3A_33 = arith.constant 2 : i32
    %dma_start3A_34 = arith.constant 256 : i32
    %dma_start3A_35 = arith.constant 0 : i32
    %dma_start3A_36 = tpu.memref_slice %arg13[%dma_start3A_34, %dma_start3A_35] : memref<512x64xf32, #tpu.memory_space<vmem>> -> memref<128x64xf32, #tpu.memory_space<vmem>>
    %dma_start3A_37 = arith.constant 0 : i32
    %dma_start3A_38 = tpu.memref_slice %arg12[%dma_start3A_33, %dma_start3A_37] : memref<4x128xi32, #tpu.memory_space<vmem>> -> memref<1x128xi32, #tpu.memory_space<vmem>>
    %dma_start3A_39 = tpu.memref_squeeze %dma_start3A_38 : memref<1x128xi32, #tpu.memory_space<vmem>> -> memref<128xi32, #tpu.memory_space<vmem>>
    %dma_start3A_40 = arith.constant 0 : i32
    %dma_start3A_41 = arith.constant 0 : i32
    %dma_start3A_42 = tpu.memref_slice %arg6[%dma_start3A_40, %dma_start3A_41] : memref<1000000x64xf32, #tpu.memory_space<hbm>> -> memref<1000000x64xf32, #tpu.memory_space<hbm>>
    tpu.enqueue_indirect_dma source(%dma_start3A_42 : memref<1000000x64xf32, #tpu.memory_space<hbm>>) target(%dma_start3A_36 : memref<128x64xf32, #tpu.memory_space<vmem>>) offsets(%dma_start3A_39 : memref<128xi32, #tpu.memory_space<vmem>>) semaphore(%arg22 : memref<!tpu.dma_semaphore, #tpu.memory_space<semaphore_mem>>)
    %dma_start3A_43 = arith.constant 3 : i32
    %dma_start3A_44 = arith.constant 384 : i32
    %dma_start3A_45 = arith.constant 0 : i32
    %dma_start3A_46 = tpu.memref_slice %arg13[%dma_start3A_44, %dma_start3A_45] : memref<512x64xf32, #tpu.memory_space<vmem>> -> memref<128x64xf32, #tpu.memory_space<vmem>>
    %dma_start3A_47 = arith.constant 0 : i32
    %dma_start3A_48 = tpu.memref_slice %arg12[%dma_start3A_43, %dma_start3A_47] : memref<4x128xi32, #tpu.memory_space<vmem>> -> memref<1x128xi32, #tpu.memory_space<vmem>>
    %dma_start3A_49 = tpu.memref_squeeze %dma_start3A_48 : memref<1x128xi32, #tpu.memory_space<vmem>> -> memref<128xi32, #tpu.memory_space<vmem>>
    %dma_start3A_50 = arith.constant 0 : i32
    %dma_start3A_51 = arith.constant 0 : i32
    %dma_start3A_52 = tpu.memref_slice %arg6[%dma_start3A_50, %dma_start3A_51] : memref<1000000x64xf32, #tpu.memory_space<hbm>> -> memref<1000000x64xf32, #tpu.memory_space<hbm>>
    tpu.enqueue_indirect_dma source(%dma_start3A_52 : memref<1000000x64xf32, #tpu.memory_space<hbm>>) target(%dma_start3A_46 : memref<128x64xf32, #tpu.memory_space<vmem>>) offsets(%dma_start3A_49 : memref<128xi32, #tpu.memory_space<vmem>>) semaphore(%arg22 : memref<!tpu.dma_semaphore, #tpu.memory_space<semaphore_mem>>)
    "tpu.region"() ({
      %run_scoped3A_110 = tpu.sem_alloc : memref<!tpu.dma_semaphore, #tpu.memory_space<semaphore_mem>>
      %dma_start3A_111 = tpu.memref_slice %arg3[%mul3A_2] : memref<16384xi32, #tpu.memory_space<hbm>> -> memref<512xi32, #tpu.memory_space<hbm>>
      %dma_start3A_112 = tpu.memref_slice %arg3[%mul3A_2] : memref<16384xi32, #tpu.memory_space<hbm>> -> memref<512xi32, #tpu.memory_space<hbm>>
      tpu.enqueue_dma source(%dma_start3A_112 : memref<512xi32, #tpu.memory_space<hbm>>) target(%arg15 : memref<512xi32, #tpu.memory_space<vmem>>) target_semaphore(%run_scoped3A_110 : memref<!tpu.dma_semaphore, #tpu.memory_space<semaphore_mem>>)
      %dma_wait3A_113 = tpu.memref_slice %arg3[%mul3A_2] : memref<16384xi32, #tpu.memory_space<hbm>> -> memref<512xi32, #tpu.memory_space<hbm>>
      %dma_wait3A_114 = tpu.memref_slice %arg3[%mul3A_2] : memref<16384xi32, #tpu.memory_space<hbm>> -> memref<512xi32, #tpu.memory_space<hbm>>
      tpu.wait_dma2 semaphore(%run_scoped3A_110 : memref<!tpu.dma_semaphore, #tpu.memory_space<semaphore_mem>>) src(%dma_wait3A_114 : memref<512xi32, #tpu.memory_space<hbm>>) dst(%arg15 : memref<512xi32, #tpu.memory_space<vmem>>)
      tpu.yield
    }) : () -> ()
    "tpu.region"() ({
      %run_scoped3A_110 = tpu.sem_alloc : memref<!tpu.dma_semaphore, #tpu.memory_space<semaphore_mem>>
      %dma_start3A_111 = tpu.memref_slice %arg4[%mul3A_2] : memref<16384xi32, #tpu.memory_space<hbm>> -> memref<512xi32, #tpu.memory_space<hbm>>
      %dma_start3A_112 = tpu.memref_slice %arg4[%mul3A_2] : memref<16384xi32, #tpu.memory_space<hbm>> -> memref<512xi32, #tpu.memory_space<hbm>>
      tpu.enqueue_dma source(%dma_start3A_112 : memref<512xi32, #tpu.memory_space<hbm>>) target(%arg16 : memref<512xi32, #tpu.memory_space<vmem>>) target_semaphore(%run_scoped3A_110 : memref<!tpu.dma_semaphore, #tpu.memory_space<semaphore_mem>>)
      %dma_wait3A_113 = tpu.memref_slice %arg4[%mul3A_2] : memref<16384xi32, #tpu.memory_space<hbm>> -> memref<512xi32, #tpu.memory_space<hbm>>
      %dma_wait3A_114 = tpu.memref_slice %arg4[%mul3A_2] : memref<16384xi32, #tpu.memory_space<hbm>> -> memref<512xi32, #tpu.memory_space<hbm>>
      tpu.wait_dma2 semaphore(%run_scoped3A_110 : memref<!tpu.dma_semaphore, #tpu.memory_space<semaphore_mem>>) src(%dma_wait3A_114 : memref<512xi32, #tpu.memory_space<hbm>>) dst(%arg16 : memref<512xi32, #tpu.memory_space<vmem>>)
      tpu.yield
    }) : () -> ()
    "tpu.region"() ({
      %run_scoped3A_110 = tpu.sem_alloc : memref<!tpu.dma_semaphore, #tpu.memory_space<semaphore_mem>>
      %dma_start3A_111 = tpu.memref_slice %arg5[%mul3A_2] : memref<16384xf32, #tpu.memory_space<hbm>> -> memref<512xf32, #tpu.memory_space<hbm>>
      %dma_start3A_112 = tpu.memref_slice %arg5[%mul3A_2] : memref<16384xf32, #tpu.memory_space<hbm>> -> memref<512xf32, #tpu.memory_space<hbm>>
      tpu.enqueue_dma source(%dma_start3A_112 : memref<512xf32, #tpu.memory_space<hbm>>) target(%arg17 : memref<512xf32, #tpu.memory_space<vmem>>) target_semaphore(%run_scoped3A_110 : memref<!tpu.dma_semaphore, #tpu.memory_space<semaphore_mem>>)
      %dma_wait3A_113 = tpu.memref_slice %arg5[%mul3A_2] : memref<16384xf32, #tpu.memory_space<hbm>> -> memref<512xf32, #tpu.memory_space<hbm>>
      %dma_wait3A_114 = tpu.memref_slice %arg5[%mul3A_2] : memref<16384xf32, #tpu.memory_space<hbm>> -> memref<512xf32, #tpu.memory_space<hbm>>
      tpu.wait_dma2 semaphore(%run_scoped3A_110 : memref<!tpu.dma_semaphore, #tpu.memory_space<semaphore_mem>>) src(%dma_wait3A_114 : memref<512xf32, #tpu.memory_space<hbm>>) dst(%arg17 : memref<512xf32, #tpu.memory_space<vmem>>)
      tpu.yield
    }) : () -> ()
    "tpu.region"() ({
      %run_scoped3A_110 = tpu.sem_alloc : memref<!tpu.dma_semaphore, #tpu.memory_space<semaphore_mem>>
      tpu.enqueue_dma source(%arg7 : memref<130x64xf32, #tpu.memory_space<hbm>>) target(%arg18 : memref<130x64xf32, #tpu.memory_space<vmem>>) target_semaphore(%run_scoped3A_110 : memref<!tpu.dma_semaphore, #tpu.memory_space<semaphore_mem>>)
      tpu.wait_dma2 semaphore(%run_scoped3A_110 : memref<!tpu.dma_semaphore, #tpu.memory_space<semaphore_mem>>) src(%arg7 : memref<130x64xf32, #tpu.memory_space<hbm>>) dst(%arg18 : memref<130x64xf32, #tpu.memory_space<vmem>>)
      tpu.yield
    }) : () -> ()
    "tpu.region"() ({
      %run_scoped3A_110 = tpu.sem_alloc : memref<!tpu.dma_semaphore, #tpu.memory_space<semaphore_mem>>
      tpu.enqueue_dma source(%arg8 : memref<128xf32, #tpu.memory_space<hbm>>) target(%arg19 : memref<128xf32, #tpu.memory_space<vmem>>) target_semaphore(%run_scoped3A_110 : memref<!tpu.dma_semaphore, #tpu.memory_space<semaphore_mem>>)
      tpu.wait_dma2 semaphore(%run_scoped3A_110 : memref<!tpu.dma_semaphore, #tpu.memory_space<semaphore_mem>>) src(%arg8 : memref<128xf32, #tpu.memory_space<hbm>>) dst(%arg19 : memref<128xf32, #tpu.memory_space<vmem>>)
      tpu.yield
    }) : () -> ()
    "tpu.region"() ({
      %run_scoped3A_110 = tpu.sem_alloc : memref<!tpu.dma_semaphore, #tpu.memory_space<semaphore_mem>>
      tpu.enqueue_dma source(%arg9 : memref<16xf32, #tpu.memory_space<hbm>>) target(%arg20 : memref<16xf32, #tpu.memory_space<vmem>>) target_semaphore(%run_scoped3A_110 : memref<!tpu.dma_semaphore, #tpu.memory_space<semaphore_mem>>)
      tpu.wait_dma2 semaphore(%run_scoped3A_110 : memref<!tpu.dma_semaphore, #tpu.memory_space<semaphore_mem>>) src(%arg9 : memref<16xf32, #tpu.memory_space<hbm>>) dst(%arg20 : memref<16xf32, #tpu.memory_space<vmem>>)
      tpu.yield
    }) : () -> ()
    "tpu.region"() ({
      %run_scoped3A_110 = tpu.sem_alloc : memref<!tpu.dma_semaphore, #tpu.memory_space<semaphore_mem>>
      tpu.enqueue_dma source(%arg10 : memref<16xf32, #tpu.memory_space<hbm>>) target(%arg21 : memref<16xf32, #tpu.memory_space<vmem>>) target_semaphore(%run_scoped3A_110 : memref<!tpu.dma_semaphore, #tpu.memory_space<semaphore_mem>>)
      tpu.wait_dma2 semaphore(%run_scoped3A_110 : memref<!tpu.dma_semaphore, #tpu.memory_space<semaphore_mem>>) src(%arg10 : memref<16xf32, #tpu.memory_space<hbm>>) dst(%arg21 : memref<16xf32, #tpu.memory_space<vmem>>)
      tpu.yield
    }) : () -> ()
    %get3A = arith.constant 0 : index
    %get3A_53 = tpu.vector_load %arg20[%get3A] {strides = array<i32>} : memref<16xf32, #tpu.memory_space<vmem>>, vector<16xf32>,
    %get3A_54 = arith.constant 0 : index
    %get3A_55 = tpu.vector_load %arg21[%get3A_54] {strides = array<i32>} : memref<16xf32, #tpu.memory_space<vmem>>, vector<16xf32>,
    %iota3A = tpu.iota {dimensions = array<i32: 0>} : vector<16xi32>
    %dma_wait3A = arith.constant 0 : i32
    %dma_wait3A_56 = arith.constant 0 : i32
    %dma_wait3A_57 = arith.constant 0 : i32
    %dma_wait3A_58 = tpu.memref_slice %arg13[%dma_wait3A_56, %dma_wait3A_57] : memref<512x64xf32, #tpu.memory_space<vmem>> -> memref<128x64xf32, #tpu.memory_space<vmem>>
    %dma_wait3A_59 = arith.constant 0 : i32
    %dma_wait3A_60 = tpu.memref_slice %arg12[%dma_wait3A, %dma_wait3A_59] : memref<4x128xi32, #tpu.memory_space<vmem>> -> memref<1x128xi32, #tpu.memory_space<vmem>>
    %dma_wait3A_61 = tpu.memref_squeeze %dma_wait3A_60 : memref<1x128xi32, #tpu.memory_space<vmem>> -> memref<128xi32, #tpu.memory_space<vmem>>
    %dma_wait3A_62 = arith.constant 0 : i32
    %dma_wait3A_63 = arith.constant 0 : i32
    %dma_wait3A_64 = tpu.memref_slice %arg6[%dma_wait3A_62, %dma_wait3A_63] : memref<1000000x64xf32, #tpu.memory_space<hbm>> -> memref<1000000x64xf32, #tpu.memory_space<hbm>>
    tpu.wait_indirect_dma semaphore(%arg22 : memref<!tpu.dma_semaphore, #tpu.memory_space<semaphore_mem>>) src(%dma_wait3A_64 : memref<1000000x64xf32, #tpu.memory_space<hbm>>) dst(%dma_wait3A_58 : memref<128x64xf32, #tpu.memory_space<vmem>>)
    %dma_wait3A_65 = arith.constant 1 : i32
    %dma_wait3A_66 = arith.constant 128 : i32
    %dma_wait3A_67 = arith.constant 0 : i32
    %dma_wait3A_68 = tpu.memref_slice %arg13[%dma_wait3A_66, %dma_wait3A_67] : memref<512x64xf32, #tpu.memory_space<vmem>> -> memref<128x64xf32, #tpu.memory_space<vmem>>
    %dma_wait3A_69 = arith.constant 0 : i32
    %dma_wait3A_70 = tpu.memref_slice %arg12[%dma_wait3A_65, %dma_wait3A_69] : memref<4x128xi32, #tpu.memory_space<vmem>> -> memref<1x128xi32, #tpu.memory_space<vmem>>
    %dma_wait3A_71 = tpu.memref_squeeze %dma_wait3A_70 : memref<1x128xi32, #tpu.memory_space<vmem>> -> memref<128xi32, #tpu.memory_space<vmem>>
    %dma_wait3A_72 = arith.constant 0 : i32
    %dma_wait3A_73 = arith.constant 0 : i32
    %dma_wait3A_74 = tpu.memref_slice %arg6[%dma_wait3A_72, %dma_wait3A_73] : memref<1000000x64xf32, #tpu.memory_space<hbm>> -> memref<1000000x64xf32, #tpu.memory_space<hbm>>
    tpu.wait_indirect_dma semaphore(%arg22 : memref<!tpu.dma_semaphore, #tpu.memory_space<semaphore_mem>>) src(%dma_wait3A_74 : memref<1000000x64xf32, #tpu.memory_space<hbm>>) dst(%dma_wait3A_68 : memref<128x64xf32, #tpu.memory_space<vmem>>)
    %dma_wait3A_75 = arith.constant 2 : i32
    %dma_wait3A_76 = arith.constant 256 : i32
    %dma_wait3A_77 = arith.constant 0 : i32
    %dma_wait3A_78 = tpu.memref_slice %arg13[%dma_wait3A_76, %dma_wait3A_77] : memref<512x64xf32, #tpu.memory_space<vmem>> -> memref<128x64xf32, #tpu.memory_space<vmem>>
    %dma_wait3A_79 = arith.constant 0 : i32
    %dma_wait3A_80 = tpu.memref_slice %arg12[%dma_wait3A_75, %dma_wait3A_79] : memref<4x128xi32, #tpu.memory_space<vmem>> -> memref<1x128xi32, #tpu.memory_space<vmem>>
    %dma_wait3A_81 = tpu.memref_squeeze %dma_wait3A_80 : memref<1x128xi32, #tpu.memory_space<vmem>> -> memref<128xi32, #tpu.memory_space<vmem>>
    %dma_wait3A_82 = arith.constant 0 : i32
    %dma_wait3A_83 = arith.constant 0 : i32
    %dma_wait3A_84 = tpu.memref_slice %arg6[%dma_wait3A_82, %dma_wait3A_83] : memref<1000000x64xf32, #tpu.memory_space<hbm>> -> memref<1000000x64xf32, #tpu.memory_space<hbm>>
    tpu.wait_indirect_dma semaphore(%arg22 : memref<!tpu.dma_semaphore, #tpu.memory_space<semaphore_mem>>) src(%dma_wait3A_84 : memref<1000000x64xf32, #tpu.memory_space<hbm>>) dst(%dma_wait3A_78 : memref<128x64xf32, #tpu.memory_space<vmem>>)
    %dma_wait3A_85 = arith.constant 3 : i32
    %dma_wait3A_86 = arith.constant 384 : i32
    %dma_wait3A_87 = arith.constant 0 : i32
    %dma_wait3A_88 = tpu.memref_slice %arg13[%dma_wait3A_86, %dma_wait3A_87] : memref<512x64xf32, #tpu.memory_space<vmem>> -> memref<128x64xf32, #tpu.memory_space<vmem>>
    %dma_wait3A_89 = arith.constant 0 : i32
    %dma_wait3A_90 = tpu.memref_slice %arg12[%dma_wait3A_85, %dma_wait3A_89] : memref<4x128xi32, #tpu.memory_space<vmem>> -> memref<1x128xi32, #tpu.memory_space<vmem>>
    %dma_wait3A_91 = tpu.memref_squeeze %dma_wait3A_90 : memref<1x128xi32, #tpu.memory_space<vmem>> -> memref<128xi32, #tpu.memory_space<vmem>>
    %dma_wait3A_92 = arith.constant 0 : i32
    %dma_wait3A_93 = arith.constant 0 : i32
    %dma_wait3A_94 = tpu.memref_slice %arg6[%dma_wait3A_92, %dma_wait3A_93] : memref<1000000x64xf32, #tpu.memory_space<hbm>> -> memref<1000000x64xf32, #tpu.memory_space<hbm>>
    tpu.wait_indirect_dma semaphore(%arg22 : memref<!tpu.dma_semaphore, #tpu.memory_space<semaphore_mem>>) src(%dma_wait3A_94 : memref<1000000x64xf32, #tpu.memory_space<hbm>>) dst(%dma_wait3A_88 : memref<128x64xf32, #tpu.memory_space<vmem>>)
    %scan3A = arith.constant 0 : i32
    %scan3A_95 = arith.constant 0 : i32
    %scan3A_96 = arith.constant 16 : i32
    %scan3A_97 = arith.addi %scan3A_95, %scan3A_96 : i32
    %scan3A_98 = arith.constant 1 : i32
    scf.for %scan3A_110 = %scan3A_95 to %scan3A_97 step %scan3A_98  : i32 {
      %mul3A_111 = arith.constant 16 : i32
      %mul3A_112 = arith.muli %scan3A_110, %mul3A_111 : i32
      %add3A_113 = vector.broadcast %mul3A_112 : i32 to vector<16xi32>
      %add3A_114 = arith.addi %add3A_113, %iota3A : vector<16xi32>
      %mul3A_115 = arith.constant 16 : i32
      %mul3A_116 = arith.muli %scan3A_110, %mul3A_115 : i32
      %add3A_117 = arith.constant 0 : i32
      %add3A_118 = arith.addi %add3A_117, %mul3A_116 : i32
      %add3A_119 = vector.broadcast %add3A_118 : i32 to vector<16xi32>
      %add3A_120 = arith.addi %add3A_119, %iota3A : vector<16xi32>
      %mul3A_121 = arith.constant 16 : i32
      %mul3A_122 = arith.muli %scan3A_110, %mul3A_121 : i32
      %add3A_123 = arith.constant 0 : i32
      %add3A_124 = arith.addi %add3A_123, %mul3A_122 : i32
      %get3A_125 = arith.index_cast %add3A_124 : i32 to index
      %get3A_126 = tpu.vector_load %arg15[%get3A_125] {strides = array<i32>} : memref<512xi32, #tpu.memory_space<vmem>>, vector<16xi32>,
      %mul3A_127 = arith.constant 16 : i32
      %mul3A_128 = arith.muli %scan3A_110, %mul3A_127 : i32
      %add3A_129 = arith.constant 0 : i32
      %add3A_130 = arith.addi %add3A_129, %mul3A_128 : i32
      %get3A_131 = arith.index_cast %add3A_130 : i32 to index
      %get3A_132 = tpu.vector_load %arg16[%get3A_131] {strides = array<i32>} : memref<512xi32, #tpu.memory_space<vmem>>, vector<16xi32>,
      %mul3A_133 = arith.constant 16 : i32
      %mul3A_134 = arith.muli %scan3A_110, %mul3A_133 : i32
      %add3A_135 = arith.constant 0 : i32
      %add3A_136 = arith.addi %add3A_135, %mul3A_134 : i32
      %get3A_137 = arith.index_cast %add3A_136 : i32 to index
      %get3A_138 = tpu.vector_load %arg17[%get3A_137] {strides = array<i32>} : memref<512xf32, #tpu.memory_space<vmem>>, vector<16xf32>,
      %broadcast_in_dim3A = arith.constant 0 : i32
      %broadcast_in_dim3A_139 = vector.broadcast %broadcast_in_dim3A : i32 to vector<16xi32>
      %add3A_140 = arith.constant 64 : i32
      %add3A_141 = vector.broadcast %add3A_140 : i32 to vector<16xi32>
      %add3A_142 = arith.addi %broadcast_in_dim3A_139, %add3A_141 : vector<16xi32>
      %min3A = arith.constant 120 : i32
      %min3A_143 = vector.broadcast %min3A : i32 to vector<16xi32>
      %min3A_144 = arith.minsi %add3A_142, %min3A_143 : vector<16xi32>
      %sub3A = arith.constant 1 : i32
      %sub3A_145 = vector.broadcast %sub3A : i32 to vector<16xi32>
      %sub3A_146 = arith.subi %min3A_144, %sub3A_145 : vector<16xi32>
      %gather3A = tpu.vector_load_idx %arg19[%sub3A_146] : memref<128xf32, #tpu.memory_space<vmem>>[vector<16xi32>], vector<16xf32>,
      %le3A = arith.constant 120 : i32
      %le3A_147 = vector.broadcast %le3A : i32 to vector<16xi32>
      %le3A_148 = arith.cmpi sle, %add3A_142, %le3A_147 : vector<16xi32>
      %lt3A = arith.cmpf olt, %gather3A, %get3A_138 : vector<16xf32>
      %and3A = arith.andi %le3A_148, %lt3A : vector<16xi1>
      %select_n3A = arith.select %and3A, %add3A_142, %broadcast_in_dim3A_139 : vector<16xi1>, vector<16xi32>
      %add3A_149 = arith.constant 32 : i32
      %add3A_150 = vector.broadcast %add3A_149 : i32 to vector<16xi32>
      %add3A_151 = arith.addi %select_n3A, %add3A_150 : vector<16xi32>
      %min3A_152 = arith.constant 120 : i32
      %min3A_153 = vector.broadcast %min3A_152 : i32 to vector<16xi32>
      %min3A_154 = arith.minsi %add3A_151, %min3A_153 : vector<16xi32>
      %sub3A_155 = arith.constant 1 : i32
      %sub3A_156 = vector.broadcast %sub3A_155 : i32 to vector<16xi32>
      %sub3A_157 = arith.subi %min3A_154, %sub3A_156 : vector<16xi32>
      %gather3A_158 = tpu.vector_load_idx %arg19[%sub3A_157] : memref<128xf32, #tpu.memory_space<vmem>>[vector<16xi32>], vector<16xf32>,
      %le3A_159 = arith.constant 120 : i32
      %le3A_160 = vector.broadcast %le3A_159 : i32 to vector<16xi32>
      %le3A_161 = arith.cmpi sle, %add3A_151, %le3A_160 : vector<16xi32>
      %lt3A_162 = arith.cmpf olt, %gather3A_158, %get3A_138 : vector<16xf32>
      %and3A_163 = arith.andi %le3A_161, %lt3A_162 : vector<16xi1>
      %select_n3A_164 = arith.select %and3A_163, %add3A_151, %select_n3A : vector<16xi1>, vector<16xi32>
      %add3A_165 = arith.constant 16 : i32
      %add3A_166 = vector.broadcast %add3A_165 : i32 to vector<16xi32>
      %add3A_167 = arith.addi %select_n3A_164, %add3A_166 : vector<16xi32>
      %min3A_168 = arith.constant 120 : i32
      %min3A_169 = vector.broadcast %min3A_168 : i32 to vector<16xi32>
      %min3A_170 = arith.minsi %add3A_167, %min3A_169 : vector<16xi32>
      %sub3A_171 = arith.constant 1 : i32
      %sub3A_172 = vector.broadcast %sub3A_171 : i32 to vector<16xi32>
      %sub3A_173 = arith.subi %min3A_170, %sub3A_172 : vector<16xi32>
      %gather3A_174 = tpu.vector_load_idx %arg19[%sub3A_173] : memref<128xf32, #tpu.memory_space<vmem>>[vector<16xi32>], vector<16xf32>,
      %le3A_175 = arith.constant 120 : i32
      %le3A_176 = vector.broadcast %le3A_175 : i32 to vector<16xi32>
      %le3A_177 = arith.cmpi sle, %add3A_167, %le3A_176 : vector<16xi32>
      %lt3A_178 = arith.cmpf olt, %gather3A_174, %get3A_138 : vector<16xf32>
      %and3A_179 = arith.andi %le3A_177, %lt3A_178 : vector<16xi1>
      %select_n3A_180 = arith.select %and3A_179, %add3A_167, %select_n3A_164 : vector<16xi1>, vector<16xi32>
      %add3A_181 = arith.constant 8 : i32
      %add3A_182 = vector.broadcast %add3A_181 : i32 to vector<16xi32>
      %add3A_183 = arith.addi %select_n3A_180, %add3A_182 : vector<16xi32>
      %min3A_184 = arith.constant 120 : i32
      %min3A_185 = vector.broadcast %min3A_184 : i32 to vector<16xi32>
      %min3A_186 = arith.minsi %add3A_183, %min3A_185 : vector<16xi32>
      %sub3A_187 = arith.constant 1 : i32
      %sub3A_188 = vector.broadcast %sub3A_187 : i32 to vector<16xi32>
      %sub3A_189 = arith.subi %min3A_186, %sub3A_188 : vector<16xi32>
      %gather3A_190 = tpu.vector_load_idx %arg19[%sub3A_189] : memref<128xf32, #tpu.memory_space<vmem>>[vector<16xi32>], vector<16xf32>,
      %le3A_191 = arith.constant 120 : i32
      %le3A_192 = vector.broadcast %le3A_191 : i32 to vector<16xi32>
      %le3A_193 = arith.cmpi sle, %add3A_183, %le3A_192 : vector<16xi32>
      %lt3A_194 = arith.cmpf olt, %gather3A_190, %get3A_138 : vector<16xf32>
      %and3A_195 = arith.andi %le3A_193, %lt3A_194 : vector<16xi1>
      %select_n3A_196 = arith.select %and3A_195, %add3A_183, %select_n3A_180 : vector<16xi1>, vector<16xi32>
      %add3A_197 = arith.constant 4 : i32
      %add3A_198 = vector.broadcast %add3A_197 : i32 to vector<16xi32>
      %add3A_199 = arith.addi %select_n3A_196, %add3A_198 : vector<16xi32>
      %min3A_200 = arith.constant 120 : i32
      %min3A_201 = vector.broadcast %min3A_200 : i32 to vector<16xi32>
      %min3A_202 = arith.minsi %add3A_199, %min3A_201 : vector<16xi32>
      %sub3A_203 = arith.constant 1 : i32
      %sub3A_204 = vector.broadcast %sub3A_203 : i32 to vector<16xi32>
      %sub3A_205 = arith.subi %min3A_202, %sub3A_204 : vector<16xi32>
      %gather3A_206 = tpu.vector_load_idx %arg19[%sub3A_205] : memref<128xf32, #tpu.memory_space<vmem>>[vector<16xi32>], vector<16xf32>,
      %le3A_207 = arith.constant 120 : i32
      %le3A_208 = vector.broadcast %le3A_207 : i32 to vector<16xi32>
      %le3A_209 = arith.cmpi sle, %add3A_199, %le3A_208 : vector<16xi32>
      %lt3A_210 = arith.cmpf olt, %gather3A_206, %get3A_138 : vector<16xf32>
      %and3A_211 = arith.andi %le3A_209, %lt3A_210 : vector<16xi1>
      %select_n3A_212 = arith.select %and3A_211, %add3A_199, %select_n3A_196 : vector<16xi1>, vector<16xi32>
      %add3A_213 = arith.constant 2 : i32
      %add3A_214 = vector.broadcast %add3A_213 : i32 to vector<16xi32>
      %add3A_215 = arith.addi %select_n3A_212, %add3A_214 : vector<16xi32>
      %min3A_216 = arith.constant 120 : i32
      %min3A_217 = vector.broadcast %min3A_216 : i32 to vector<16xi32>
      %min3A_218 = arith.minsi %add3A_215, %min3A_217 : vector<16xi32>
      %sub3A_219 = arith.constant 1 : i32
      %sub3A_220 = vector.broadcast %sub3A_219 : i32 to vector<16xi32>
      %sub3A_221 = arith.subi %min3A_218, %sub3A_220 : vector<16xi32>
      %gather3A_222 = tpu.vector_load_idx %arg19[%sub3A_221] : memref<128xf32, #tpu.memory_space<vmem>>[vector<16xi32>], vector<16xf32>,
      %le3A_223 = arith.constant 120 : i32
      %le3A_224 = vector.broadcast %le3A_223 : i32 to vector<16xi32>
      %le3A_225 = arith.cmpi sle, %add3A_215, %le3A_224 : vector<16xi32>
      %lt3A_226 = arith.cmpf olt, %gather3A_222, %get3A_138 : vector<16xf32>
      %and3A_227 = arith.andi %le3A_225, %lt3A_226 : vector<16xi1>
      %select_n3A_228 = arith.select %and3A_227, %add3A_215, %select_n3A_212 : vector<16xi1>, vector<16xi32>
      %add3A_229 = arith.constant 1 : i32
      %add3A_230 = vector.broadcast %add3A_229 : i32 to vector<16xi32>
      %add3A_231 = arith.addi %select_n3A_228, %add3A_230 : vector<16xi32>
      %min3A_232 = arith.constant 120 : i32
      %min3A_233 = vector.broadcast %min3A_232 : i32 to vector<16xi32>
      %min3A_234 = arith.minsi %add3A_231, %min3A_233 : vector<16xi32>
      %sub3A_235 = arith.constant 1 : i32
      %sub3A_236 = vector.broadcast %sub3A_235 : i32 to vector<16xi32>
      %sub3A_237 = arith.subi %min3A_234, %sub3A_236 : vector<16xi32>
      %gather3A_238 = tpu.vector_load_idx %arg19[%sub3A_237] : memref<128xf32, #tpu.memory_space<vmem>>[vector<16xi32>], vector<16xf32>,
      %le3A_239 = arith.constant 120 : i32
      %le3A_240 = vector.broadcast %le3A_239 : i32 to vector<16xi32>
      %le3A_241 = arith.cmpi sle, %add3A_231, %le3A_240 : vector<16xi32>
      %lt3A_242 = arith.cmpf olt, %gather3A_238, %get3A_138 : vector<16xf32>
      %and3A_243 = arith.andi %le3A_241, %lt3A_242 : vector<16xi1>
      %select_n3A_244 = arith.select %and3A_243, %add3A_231, %select_n3A_228 : vector<16xi1>, vector<16xi32>
      %add3A_245 = arith.constant 0 : i32
      %add3A_246 = vector.broadcast %add3A_245 : i32 to vector<16xi32>
      %add3A_247 = arith.addi %get3A_126, %add3A_246 : vector<16xi32>
      %add3A_248 = arith.constant 5 : i32
      %add3A_249 = vector.broadcast %add3A_248 : i32 to vector<16xi32>
      %add3A_250 = arith.addi %get3A_132, %add3A_249 : vector<16xi32>
      %add3A_251 = arith.constant 9 : i32
      %add3A_252 = vector.broadcast %add3A_251 : i32 to vector<16xi32>
      %add3A_253 = arith.addi %select_n3A_244, %add3A_252 : vector<16xi32>
      %sub3A_254 = arith.subf %get3A_138, %get3A_53 : vector<16xf32>
      %div3A = arith.divf %sub3A_254, %get3A_55 : vector<16xf32>
      %broadcast_in_dim3A_255 = arith.constant 192 : i32
      %broadcast_in_dim3A_256 = vector.broadcast %broadcast_in_dim3A_255 : i32 to vector<16xi32>
      tpu.vector_store_idx %arg14[%add3A_114, %broadcast_in_dim3A_256], %div3A : memref<256x257xf32, #tpu.memory_space<vmem>>[vector<16xi32>, vector<16xi32>], vector<16xf32>,
      %broadcast_in_dim3A_257 = arith.constant 0 : i32
      %broadcast_in_dim3A_258 = vector.broadcast %broadcast_in_dim3A_257 : i32 to vector<16xi32>
      %gather3A_259 = tpu.vector_load_idx %arg13[%add3A_120, %broadcast_in_dim3A_258] : memref<512x64xf32, #tpu.memory_space<vmem>>[vector<16xi32>, vector<16xi32>], vector<16xf32>,
      tpu.vector_store_idx %arg14[%add3A_114, %broadcast_in_dim3A_258], %gather3A_259 : memref<256x257xf32, #tpu.memory_space<vmem>>[vector<16xi32>, vector<16xi32>], vector<16xf32>,
      %gather3A_260 = tpu.vector_load_idx %arg18[%add3A_247, %broadcast_in_dim3A_258] : memref<130x64xf32, #tpu.memory_space<vmem>>[vector<16xi32>, vector<16xi32>], vector<16xf32>,
      %broadcast_in_dim3A_261 = arith.constant 64 : i32
      %broadcast_in_dim3A_262 = vector.broadcast %broadcast_in_dim3A_261 : i32 to vector<16xi32>
      tpu.vector_store_idx %arg14[%add3A_114, %broadcast_in_dim3A_262], %gather3A_260 : memref<256x257xf32, #tpu.memory_space<vmem>>[vector<16xi32>, vector<16xi32>], vector<16xf32>,
      %gather3A_263 = tpu.vector_load_idx %arg18[%add3A_250, %broadcast_in_dim3A_258] : memref<130x64xf32, #tpu.memory_space<vmem>>[vector<16xi32>, vector<16xi32>], vector<16xf32>,
      %broadcast_in_dim3A_264 = arith.constant 128 : i32
      %broadcast_in_dim3A_265 = vector.broadcast %broadcast_in_dim3A_264 : i32 to vector<16xi32>
      tpu.vector_store_idx %arg14[%add3A_114, %broadcast_in_dim3A_265], %gather3A_263 : memref<256x257xf32, #tpu.memory_space<vmem>>[vector<16xi32>, vector<16xi32>], vector<16xf32>,
      %gather3A_266 = tpu.vector_load_idx %arg18[%add3A_253, %broadcast_in_dim3A_258] : memref<130x64xf32, #tpu.memory_space<vmem>>[vector<16xi32>, vector<16xi32>], vector<16xf32>,
      %broadcast_in_dim3A_267 = arith.constant 193 : i32
      %broadcast_in_dim3A_268 = vector.broadcast %broadcast_in_dim3A_267 : i32 to vector<16xi32>
      tpu.vector_store_idx %arg14[%add3A_114, %broadcast_in_dim3A_268], %gather3A_266 : memref<256x257xf32, #tpu.memory_space<vmem>>[vector<16xi32>, vector<16xi32>], vector<16xf32>,
      %broadcast_in_dim3A_269 = arith.constant 1 : i32
      %broadcast_in_dim3A_270 = vector.broadcast %broadcast_in_dim3A_269 : i32 to vector<16xi32>
      %gather3A_271 = tpu.vector_load_idx %arg13[%add3A_120, %broadcast_in_dim3A_270] : memref<512x64xf32, #tpu.memory_space<vmem>>[vector<16xi32>, vector<16xi32>], vector<16xf32>,
      tpu.vector_store_idx %arg14[%add3A_114, %broadcast_in_dim3A_270], %gather3A_271 : memref<256x257xf32, #tpu.memory_space<vmem>>[vector<16xi32>, vector<16xi32>], vector<16xf32>,
      %gather3A_272 = tpu.vector_load_idx %arg18[%add3A_247, %broadcast_in_dim3A_270] : memref<130x64xf32, #tpu.memory_space<vmem>>[vector<16xi32>, vector<16xi32>], vector<16xf32>,
      %broadcast_in_dim3A_273 = arith.constant 65 : i32
      %broadcast_in_dim3A_274 = vector.broadcast %broadcast_in_dim3A_273 : i32 to vector<16xi32>
      tpu.vector_store_idx %arg14[%add3A_114, %broadcast_in_dim3A_274], %gather3A_272 : memref<256x257xf32, #tpu.memory_space<vmem>>[vector<16xi32>, vector<16xi32>], vector<16xf32>,
      %gather3A_275 = tpu.vector_load_idx %arg18[%add3A_250, %broadcast_in_dim3A_270] : memref<130x64xf32, #tpu.memory_space<vmem>>[vector<16xi32>, vector<16xi32>], vector<16xf32>,
      %broadcast_in_dim3A_276 = arith.constant 129 : i32
      %broadcast_in_dim3A_277 = vector.broadcast %broadcast_in_dim3A_276 : i32 to vector<16xi32>
      tpu.vector_store_idx %arg14[%add3A_114, %broadcast_in_dim3A_277], %gather3A_275 : memref<256x257xf32, #tpu.memory_space<vmem>>[vector<16xi32>, vector<16xi32>], vector<16xf32>,
      %gather3A_278 = tpu.vector_load_idx %arg18[%add3A_253, %broadcast_in_dim3A_270] : memref<130x64xf32, #tpu.memory_space<vmem>>[vector<16xi32>, vector<16xi32>], vector<16xf32>,
      %broadcast_in_dim3A_279 = arith.constant 194 : i32
      %broadcast_in_dim3A_280 = vector.broadcast %broadcast_in_dim3A_279 : i32 to vector<16xi32>
      tpu.vector_store_idx %arg14[%add3A_114, %broadcast_in_dim3A_280], %gather3A_278 : memref<256x257xf32, #tpu.memory_space<vmem>>[vector<16xi32>, vector<16xi32>], vector<16xf32>,
      %broadcast_in_dim3A_281 = arith.constant 2 : i32
      %broadcast_in_dim3A_282 = vector.broadcast %broadcast_in_dim3A_281 : i32 to vector<16xi32>
      %gather3A_283 = tpu.vector_load_idx %arg13[%add3A_120, %broadcast_in_dim3A_282] : memref<512x64xf32, #tpu.memory_space<vmem>>[vector<16xi32>, vector<16xi32>], vector<16xf32>,
      tpu.vector_store_idx %arg14[%add3A_114, %broadcast_in_dim3A_282], %gather3A_283 : memref<256x257xf32, #tpu.memory_space<vmem>>[vector<16xi32>, vector<16xi32>], vector<16xf32>,
      %gather3A_284 = tpu.vector_load_idx %arg18[%add3A_247, %broadcast_in_dim3A_282] : memref<130x64xf32, #tpu.memory_space<vmem>>[vector<16xi32>, vector<16xi32>], vector<16xf32>,
      %broadcast_in_dim3A_285 = arith.constant 66 : i32
      %broadcast_in_dim3A_286 = vector.broadcast %broadcast_in_dim3A_285 : i32 to vector<16xi32>
      tpu.vector_store_idx %arg14[%add3A_114, %broadcast_in_dim3A_286], %gather3A_284 : memref<256x257xf32, #tpu.memory_space<vmem>>[vector<16xi32>, vector<16xi32>], vector<16xf32>,
      %gather3A_287 = tpu.vector_load_idx %arg18[%add3A_250, %broadcast_in_dim3A_282] : memref<130x64xf32, #tpu.memory_space<vmem>>[vector<16xi32>, vector<16xi32>], vector<16xf32>,
      %broadcast_in_dim3A_288 = arith.constant 130 : i32
      %broadcast_in_dim3A_289 = vector.broadcast %broadcast_in_dim3A_288 : i32 to vector<16xi32>
      tpu.vector_store_idx %arg14[%add3A_114, %broadcast_in_dim3A_289], %gather3A_287 : memref<256x257xf32, #tpu.memory_space<vmem>>[vector<16xi32>, vector<16xi32>], vector<16xf32>,
      %gather3A_290 = tpu.vector_load_idx %arg18[%add3A_253, %broadcast_in_dim3A_282] : memref<130x64xf32, #tpu.memory_space<vmem>>[vector<16xi32>, vector<16xi32>], vector<16xf32>,
      %broadcast_in_dim3A_291 = arith.constant 195 : i32
      %broadcast_in_dim3A_292 = vector.broadcast %broadcast_in_dim3A_291 : i32 to vector<16xi32>
      tpu.vector_store_idx %arg14[%add3A_114, %broadcast_in_dim3A_292], %gather3A_290 : memref<256x257xf32, #tpu.memory_space<vmem>>[vector<16xi32>, vector<16xi32>], vector<16xf32>,
      %broadcast_in_dim3A_293 = arith.constant 3 : i32
      %broadcast_in_dim3A_294 = vector.broadcast %broadcast_in_dim3A_293 : i32 to vector<16xi32>
      %gather3A_295 = tpu.vector_load_idx %arg13[%add3A_120, %broadcast_in_dim3A_294] : memref<512x64xf32, #tpu.memory_space<vmem>>[vector<16xi32>, vector<16xi32>], vector<16xf32>,
      tpu.vector_store_idx %arg14[%add3A_114, %broadcast_in_dim3A_294], %gather3A_295 : memref<256x257xf32, #tpu.memory_space<vmem>>[vector<16xi32>, vector<16xi32>], vector<16xf32>,
      %gather3A_296 = tpu.vector_load_idx %arg18[%add3A_247, %broadcast_in_dim3A_294] : memref<130x64xf32, #tpu.memory_space<vmem>>[vector<16xi32>, vector<16xi32>], vector<16xf32>,
      %broadcast_in_dim3A_297 = arith.constant 67 : i32
      %broadcast_in_dim3A_298 = vector.broadcast %broadcast_in_dim3A_297 : i32 to vector<16xi32>
      tpu.vector_store_idx %arg14[%add3A_114, %broadcast_in_dim3A_298], %gather3A_296 : memref<256x257xf32, #tpu.memory_space<vmem>>[vector<16xi32>, vector<16xi32>], vector<16xf32>,
      %gather3A_299 = tpu.vector_load_idx %arg18[%add3A_250, %broadcast_in_dim3A_294] : memref<130x64xf32, #tpu.memory_space<vmem>>[vector<16xi32>, vector<16xi32>], vector<16xf32>,
      %broadcast_in_dim3A_300 = arith.constant 131 : i32
      %broadcast_in_dim3A_301 = vector.broadcast %broadcast_in_dim3A_300 : i32 to vector<16xi32>
      tpu.vector_store_idx %arg14[%add3A_114, %broadcast_in_dim3A_301], %gather3A_299 : memref<256x257xf32, #tpu.memory_space<vmem>>[vector<16xi32>, vector<16xi32>], vector<16xf32>,
      %gather3A_302 = tpu.vector_load_idx %arg18[%add3A_253, %broadcast_in_dim3A_294] : memref<130x64xf32, #tpu.memory_space<vmem>>[vector<16xi32>, vector<16xi32>], vector<16xf32>,
      %broadcast_in_dim3A_303 = arith.constant 196 : i32
      %broadcast_in_dim3A_304 = vector.broadcast %broadcast_in_dim3A_303 : i32 to vector<16xi32>
      tpu.vector_store_idx %arg14[%add3A_114, %broadcast_in_dim3A_304], %gather3A_302 : memref<256x257xf32, #tpu.memory_space<vmem>>[vector<16xi32>, vector<16xi32>], vector<16xf32>,
      %broadcast_in_dim3A_305 = arith.constant 4 : i32
      %broadcast_in_dim3A_306 = vector.broadcast %broadcast_in_dim3A_305 : i32 to vector<16xi32>
      %gather3A_307 = tpu.vector_load_idx %arg13[%add3A_120, %broadcast_in_dim3A_306] : memref<512x64xf32, #tpu.memory_space<vmem>>[vector<16xi32>, vector<16xi32>], vector<16xf32>,
      tpu.vector_store_idx %arg14[%add3A_114, %broadcast_in_dim3A_306], %gather3A_307 : memref<256x257xf32, #tpu.memory_space<vmem>>[vector<16xi32>, vector<16xi32>], vector<16xf32>,
      %gather3A_308 = tpu.vector_load_idx %arg18[%add3A_247, %broadcast_in_dim3A_306] : memref<130x64xf32, #tpu.memory_space<vmem>>[vector<16xi32>, vector<16xi32>], vector<16xf32>,
      %broadcast_in_dim3A_309 = arith.constant 68 : i32
      %broadcast_in_dim3A_310 = vector.broadcast %broadcast_in_dim3A_309 : i32 to vector<16xi32>
      tpu.vector_store_idx %arg14[%add3A_114, %broadcast_in_dim3A_310], %gather3A_308 : memref<256x257xf32, #tpu.memory_space<vmem>>[vector<16xi32>, vector<16xi32>], vector<16xf32>,
      %gather3A_311 = tpu.vector_load_idx %arg18[%add3A_250, %broadcast_in_dim3A_306] : memref<130x64xf32, #tpu.memory_space<vmem>>[vector<16xi32>, vector<16xi32>], vector<16xf32>,
      %broadcast_in_dim3A_312 = arith.constant 132 : i32
      %broadcast_in_dim3A_313 = vector.broadcast %broadcast_in_dim3A_312 : i32 to vector<16xi32>
      tpu.vector_store_idx %arg14[%add3A_114, %broadcast_in_dim3A_313], %gather3A_311 : memref<256x257xf32, #tpu.memory_space<vmem>>[vector<16xi32>, vector<16xi32>], vector<16xf32>,
      %gather3A_314 = tpu.vector_load_idx %arg18[%add3A_253, %broadcast_in_dim3A_306] : memref<130x64xf32, #tpu.memory_space<vmem>>[vector<16xi32>, vector<16xi32>], vector<16xf32>,
      %broadcast_in_dim3A_315 = arith.constant 197 : i32
      %broadcast_in_dim3A_316 = vector.broadcast %broadcast_in_dim3A_315 : i32 to vector<16xi32>
      tpu.vector_store_idx %arg14[%add3A_114, %broadcast_in_dim3A_316], %gather3A_314 : memref<256x257xf32, #tpu.memory_space<vmem>>[vector<16xi32>, vector<16xi32>], vector<16xf32>,
      %broadcast_in_dim3A_317 = arith.constant 5 : i32
      %broadcast_in_dim3A_318 = vector.broadcast %broadcast_in_dim3A_317 : i32 to vector<16xi32>
      %gather3A_319 = tpu.vector_load_idx %arg13[%add3A_120, %broadcast_in_dim3A_318] : memref<512x64xf32, #tpu.memory_space<vmem>>[vector<16xi32>, vector<16xi32>], vector<16xf32>,
      tpu.vector_store_idx %arg14[%add3A_114, %broadcast_in_dim3A_318], %gather3A_319 : memref<256x257xf32, #tpu.memory_space<vmem>>[vector<16xi32>, vector<16xi32>], vector<16xf32>,
      %gather3A_320 = tpu.vector_load_idx %arg18[%add3A_247, %broadcast_in_dim3A_318] : memref<130x64xf32, #tpu.memory_space<vmem>>[vector<16xi32>, vector<16xi32>], vector<16xf32>,
      %broadcast_in_dim3A_321 = arith.constant 69 : i32
      %broadcast_in_dim3A_322 = vector.broadcast %broadcast_in_dim3A_321 : i32 to vector<16xi32>
      tpu.vector_store_idx %arg14[%add3A_114, %broadcast_in_dim3A_322], %gather3A_320 : memref<256x257xf32, #tpu.memory_space<vmem>>[vector<16xi32>, vector<16xi32>], vector<16xf32>,
      %gather3A_323 = tpu.vector_load_idx %arg18[%add3A_250, %broadcast_in_dim3A_318] : memref<130x64xf32, #tpu.memory_space<vmem>>[vector<16xi32>, vector<16xi32>], vector<16xf32>,
      %broadcast_in_dim3A_324 = arith.constant 133 : i32
      %broadcast_in_dim3A_325 = vector.broadcast %broadcast_in_dim3A_324 : i32 to vector<16xi32>
      tpu.vector_store_idx %arg14[%add3A_114, %broadcast_in_dim3A_325], %gather3A_323 : memref<256x257xf32, #tpu.memory_space<vmem>>[vector<16xi32>, vector<16xi32>], vector<16xf32>,
      %gather3A_326 = tpu.vector_load_idx %arg18[%add3A_253, %broadcast_in_dim3A_318] : memref<130x64xf32, #tpu.memory_space<vmem>>[vector<16xi32>, vector<16xi32>], vector<16xf32>,
      %broadcast_in_dim3A_327 = arith.constant 198 : i32
      %broadcast_in_dim3A_328 = vector.broadcast %broadcast_in_dim3A_327 : i32 to vector<16xi32>
      tpu.vector_store_idx %arg14[%add3A_114, %broadcast_in_dim3A_328], %gather3A_326 : memref<256x257xf32, #tpu.memory_space<vmem>>[vector<16xi32>, vector<16xi32>], vector<16xf32>,
      %broadcast_in_dim3A_329 = arith.constant 6 : i32
      %broadcast_in_dim3A_330 = vector.broadcast %broadcast_in_dim3A_329 : i32 to vector<16xi32>
      %gather3A_331 = tpu.vector_load_idx %arg13[%add3A_120, %broadcast_in_dim3A_330] : memref<512x64xf32, #tpu.memory_space<vmem>>[vector<16xi32>, vector<16xi32>], vector<16xf32>,
      tpu.vector_store_idx %arg14[%add3A_114, %broadcast_in_dim3A_330], %gather3A_331 : memref<256x257xf32, #tpu.memory_space<vmem>>[vector<16xi32>, vector<16xi32>], vector<16xf32>,
      %gather3A_332 = tpu.vector_load_idx %arg18[%add3A_247, %broadcast_in_dim3A_330] : memref<130x64xf32, #tpu.memory_space<vmem>>[vector<16xi32>, vector<16xi32>], vector<16xf32>,
      %broadcast_in_dim3A_333 = arith.constant 70 : i32
      %broadcast_in_dim3A_334 = vector.broadcast %broadcast_in_dim3A_333 : i32 to vector<16xi32>
      tpu.vector_store_idx %arg14[%add3A_114, %broadcast_in_dim3A_334], %gather3A_332 : memref<256x257xf32, #tpu.memory_space<vmem>>[vector<16xi32>, vector<16xi32>], vector<16xf32>,
      %gather3A_335 = tpu.vector_load_idx %arg18[%add3A_250, %broadcast_in_dim3A_330] : memref<130x64xf32, #tpu.memory_space<vmem>>[vector<16xi32>, vector<16xi32>], vector<16xf32>,
      %broadcast_in_dim3A_336 = arith.constant 134 : i32
      %broadcast_in_dim3A_337 = vector.broadcast %broadcast_in_dim3A_336 : i32 to vector<16xi32>
      tpu.vector_store_idx %arg14[%add3A_114, %broadcast_in_dim3A_337], %gather3A_335 : memref<256x257xf32, #tpu.memory_space<vmem>>[vector<16xi32>, vector<16xi32>], vector<16xf32>,
      %gather3A_338 = tpu.vector_load_idx %arg18[%add3A_253, %broadcast_in_dim3A_330] : memref<130x64xf32, #tpu.memory_space<vmem>>[vector<16xi32>, vector<16xi32>], vector<16xf32>,
      %broadcast_in_dim3A_339 = arith.constant 199 : i32
      %broadcast_in_dim3A_340 = vector.broadcast %broadcast_in_dim3A_339 : i32 to vector<16xi32>
      tpu.vector_store_idx %arg14[%add3A_114, %broadcast_in_dim3A_340], %gather3A_338 : memref<256x257xf32, #tpu.memory_space<vmem>>[vector<16xi32>, vector<16xi32>], vector<16xf32>,
      %broadcast_in_dim3A_341 = arith.constant 7 : i32
      %broadcast_in_dim3A_342 = vector.broadcast %broadcast_in_dim3A_341 : i32 to vector<16xi32>
      %gather3A_343 = tpu.vector_load_idx %arg13[%add3A_120, %broadcast_in_dim3A_342] : memref<512x64xf32, #tpu.memory_space<vmem>>[vector<16xi32>, vector<16xi32>], vector<16xf32>,
      tpu.vector_store_idx %arg14[%add3A_114, %broadcast_in_dim3A_342], %gather3A_343 : memref<256x257xf32, #tpu.memory_space<vmem>>[vector<16xi32>, vector<16xi32>], vector<16xf32>,
      %gather3A_344 = tpu.vector_load_idx %arg18[%add3A_247, %broadcast_in_dim3A_342] : memref<130x64xf32, #tpu.memory_space<vmem>>[vector<16xi32>, vector<16xi32>], vector<16xf32>,
      %broadcast_in_dim3A_345 = arith.constant 71 : i32
      %broadcast_in_dim3A_346 = vector.broadcast %broadcast_in_dim3A_345 : i32 to vector<16xi32>
      tpu.vector_store_idx %arg14[%add3A_114, %broadcast_in_dim3A_346], %gather3A_344 : memref<256x257xf32, #tpu.memory_space<vmem>>[vector<16xi32>, vector<16xi32>], vector<16xf32>,
      %gather3A_347 = tpu.vector_load_idx %arg18[%add3A_250, %broadcast_in_dim3A_342] : memref<130x64xf32, #tpu.memory_space<vmem>>[vector<16xi32>, vector<16xi32>], vector<16xf32>,
      %broadcast_in_dim3A_348 = arith.constant 135 : i32
      %broadcast_in_dim3A_349 = vector.broadcast %broadcast_in_dim3A_348 : i32 to vector<16xi32>
      tpu.vector_store_idx %arg14[%add3A_114, %broadcast_in_dim3A_349], %gather3A_347 : memref<256x257xf32, #tpu.memory_space<vmem>>[vector<16xi32>, vector<16xi32>], vector<16xf32>,
      %gather3A_350 = tpu.vector_load_idx %arg18[%add3A_253, %broadcast_in_dim3A_342] : memref<130x64xf32, #tpu.memory_space<vmem>>[vector<16xi32>, vector<16xi32>], vector<16xf32>,
      %broadcast_in_dim3A_351 = arith.constant 200 : i32
      %broadcast_in_dim3A_352 = vector.broadcast %broadcast_in_dim3A_351 : i32 to vector<16xi32>
      tpu.vector_store_idx %arg14[%add3A_114, %broadcast_in_dim3A_352], %gather3A_350 : memref<256x257xf32, #tpu.memory_space<vmem>>[vector<16xi32>, vector<16xi32>], vector<16xf32>,
      %broadcast_in_dim3A_353 = arith.constant 8 : i32
      %broadcast_in_dim3A_354 = vector.broadcast %broadcast_in_dim3A_353 : i32 to vector<16xi32>
      %gather3A_355 = tpu.vector_load_idx %arg13[%add3A_120, %broadcast_in_dim3A_354] : memref<512x64xf32, #tpu.memory_space<vmem>>[vector<16xi32>, vector<16xi32>], vector<16xf32>,
      tpu.vector_store_idx %arg14[%add3A_114, %broadcast_in_dim3A_354], %gather3A_355 : memref<256x257xf32, #tpu.memory_space<vmem>>[vector<16xi32>, vector<16xi32>], vector<16xf32>,
      %gather3A_356 = tpu.vector_load_idx %arg18[%add3A_247, %broadcast_in_dim3A_354] : memref<130x64xf32, #tpu.memory_space<vmem>>[vector<16xi32>, vector<16xi32>], vector<16xf32>,
      %broadcast_in_dim3A_357 = arith.constant 72 : i32
      %broadcast_in_dim3A_358 = vector.broadcast %broadcast_in_dim3A_357 : i32 to vector<16xi32>
      tpu.vector_store_idx %arg14[%add3A_114, %broadcast_in_dim3A_358], %gather3A_356 : memref<256x257xf32, #tpu.memory_space<vmem>>[vector<16xi32>, vector<16xi32>], vector<16xf32>,
      %gather3A_359 = tpu.vector_load_idx %arg18[%add3A_250, %broadcast_in_dim3A_354] : memref<130x64xf32, #tpu.memory_space<vmem>>[vector<16xi32>, vector<16xi32>], vector<16xf32>,
      %broadcast_in_dim3A_360 = arith.constant 136 : i32
      %broadcast_in_dim3A_361 = vector.broadcast %broadcast_in_dim3A_360 : i32 to vector<16xi32>
      tpu.vector_store_idx %arg14[%add3A_114, %broadcast_in_dim3A_361], %gather3A_359 : memref<256x257xf32, #tpu.memory_space<vmem>>[vector<16xi32>, vector<16xi32>], vector<16xf32>,
      %gather3A_362 = tpu.vector_load_idx %arg18[%add3A_253, %broadcast_in_dim3A_354] : memref<130x64xf32, #tpu.memory_space<vmem>>[vector<16xi32>, vector<16xi32>], vector<16xf32>,
      %broadcast_in_dim3A_363 = arith.constant 201 : i32
      %broadcast_in_dim3A_364 = vector.broadcast %broadcast_in_dim3A_363 : i32 to vector<16xi32>
      tpu.vector_store_idx %arg14[%add3A_114, %broadcast_in_dim3A_364], %gather3A_362 : memref<256x257xf32, #tpu.memory_space<vmem>>[vector<16xi32>, vector<16xi32>], vector<16xf32>,
      %broadcast_in_dim3A_365 = arith.constant 9 : i32
      %broadcast_in_dim3A_366 = vector.broadcast %broadcast_in_dim3A_365 : i32 to vector<16xi32>
      %gather3A_367 = tpu.vector_load_idx %arg13[%add3A_120, %broadcast_in_dim3A_366] : memref<512x64xf32, #tpu.memory_space<vmem>>[vector<16xi32>, vector<16xi32>], vector<16xf32>,
      tpu.vector_store_idx %arg14[%add3A_114, %broadcast_in_dim3A_366], %gather3A_367 : memref<256x257xf32, #tpu.memory_space<vmem>>[vector<16xi32>, vector<16xi32>], vector<16xf32>,
      %gather3A_368 = tpu.vector_load_idx %arg18[%add3A_247, %broadcast_in_dim3A_366] : memref<130x64xf32, #tpu.memory_space<vmem>>[vector<16xi32>, vector<16xi32>], vector<16xf32>,
      %broadcast_in_dim3A_369 = arith.constant 73 : i32
      %broadcast_in_dim3A_370 = vector.broadcast %broadcast_in_dim3A_369 : i32 to vector<16xi32>
      tpu.vector_store_idx %arg14[%add3A_114, %broadcast_in_dim3A_370], %gather3A_368 : memref<256x257xf32, #tpu.memory_space<vmem>>[vector<16xi32>, vector<16xi32>], vector<16xf32>,
      %gather3A_371 = tpu.vector_load_idx %arg18[%add3A_250, %broadcast_in_dim3A_366] : memref<130x64xf32, #tpu.memory_space<vmem>>[vector<16xi32>, vector<16xi32>], vector<16xf32>,
      %broadcast_in_dim3A_372 = arith.constant 137 : i32
      %broadcast_in_dim3A_373 = vector.broadcast %broadcast_in_dim3A_372 : i32 to vector<16xi32>
      tpu.vector_store_idx %arg14[%add3A_114, %broadcast_in_dim3A_373], %gather3A_371 : memref<256x257xf32, #tpu.memory_space<vmem>>[vector<16xi32>, vector<16xi32>], vector<16xf32>,
      %gather3A_374 = tpu.vector_load_idx %arg18[%add3A_253, %broadcast_in_dim3A_366] : memref<130x64xf32, #tpu.memory_space<vmem>>[vector<16xi32>, vector<16xi32>], vector<16xf32>,
      %broadcast_in_dim3A_375 = arith.constant 202 : i32
      %broadcast_in_dim3A_376 = vector.broadcast %broadcast_in_dim3A_375 : i32 to vector<16xi32>
      tpu.vector_store_idx %arg14[%add3A_114, %broadcast_in_dim3A_376], %gather3A_374 : memref<256x257xf32, #tpu.memory_space<vmem>>[vector<16xi32>, vector<16xi32>], vector<16xf32>,
      %broadcast_in_dim3A_377 = arith.constant 10 : i32
      %broadcast_in_dim3A_378 = vector.broadcast %broadcast_in_dim3A_377 : i32 to vector<16xi32>
      %gather3A_379 = tpu.vector_load_idx %arg13[%add3A_120, %broadcast_in_dim3A_378] : memref<512x64xf32, #tpu.memory_space<vmem>>[vector<16xi32>, vector<16xi32>], vector<16xf32>,
      tpu.vector_store_idx %arg14[%add3A_114, %broadcast_in_dim3A_378], %gather3A_379 : memref<256x257xf32, #tpu.memory_space<vmem>>[vector<16xi32>, vector<16xi32>], vector<16xf32>,
      %gather3A_380 = tpu.vector_load_idx %arg18[%add3A_247, %broadcast_in_dim3A_378] : memref<130x64xf32, #tpu.memory_space<vmem>>[vector<16xi32>, vector<16xi32>], vector<16xf32>,
      %broadcast_in_dim3A_381 = arith.constant 74 : i32
      %broadcast_in_dim3A_382 = vector.broadcast %broadcast_in_dim3A_381 : i32 to vector<16xi32>
      tpu.vector_store_idx %arg14[%add3A_114, %broadcast_in_dim3A_382], %gather3A_380 : memref<256x257xf32, #tpu.memory_space<vmem>>[vector<16xi32>, vector<16xi32>], vector<16xf32>,
      %gather3A_383 = tpu.vector_load_idx %arg18[%add3A_250, %broadcast_in_dim3A_378] : memref<130x64xf32, #tpu.memory_space<vmem>>[vector<16xi32>, vector<16xi32>], vector<16xf32>,
      %broadcast_in_dim3A_384 = arith.constant 138 : i32
      %broadcast_in_dim3A_385 = vector.broadcast %broadcast_in_dim3A_384 : i32 to vector<16xi32>
      tpu.vector_store_idx %arg14[%add3A_114, %broadcast_in_dim3A_385], %gather3A_383 : memref<256x257xf32, #tpu.memory_space<vmem>>[vector<16xi32>, vector<16xi32>], vector<16xf32>,
      %gather3A_386 = tpu.vector_load_idx %arg18[%add3A_253, %broadcast_in_dim3A_378] : memref<130x64xf32, #tpu.memory_space<vmem>>[vector<16xi32>, vector<16xi32>], vector<16xf32>,
      %broadcast_in_dim3A_387 = arith.constant 203 : i32
      %broadcast_in_dim3A_388 = vector.broadcast %broadcast_in_dim3A_387 : i32 to vector<16xi32>
      tpu.vector_store_idx %arg14[%add3A_114, %broadcast_in_dim3A_388], %gather3A_386 : memref<256x257xf32, #tpu.memory_space<vmem>>[vector<16xi32>, vector<16xi32>], vector<16xf32>,
      %broadcast_in_dim3A_389 = arith.constant 11 : i32
      %broadcast_in_dim3A_390 = vector.broadcast %broadcast_in_dim3A_389 : i32 to vector<16xi32>
      %gather3A_391 = tpu.vector_load_idx %arg13[%add3A_120, %broadcast_in_dim3A_390] : memref<512x64xf32, #tpu.memory_space<vmem>>[vector<16xi32>, vector<16xi32>], vector<16xf32>,
      tpu.vector_store_idx %arg14[%add3A_114, %broadcast_in_dim3A_390], %gather3A_391 : memref<256x257xf32, #tpu.memory_space<vmem>>[vector<16xi32>, vector<16xi32>], vector<16xf32>,
      %gather3A_392 = tpu.vector_load_idx %arg18[%add3A_247, %broadcast_in_dim3A_390] : memref<130x64xf32, #tpu.memory_space<vmem>>[vector<16xi32>, vector<16xi32>], vector<16xf32>,
      %broadcast_in_dim3A_393 = arith.constant 75 : i32
      %broadcast_in_dim3A_394 = vector.broadcast %broadcast_in_dim3A_393 : i32 to vector<16xi32>
      tpu.vector_store_idx %arg14[%add3A_114, %broadcast_in_dim3A_394], %gather3A_392 : memref<256x257xf32, #tpu.memory_space<vmem>>[vector<16xi32>, vector<16xi32>], vector<16xf32>,
      %gather3A_395 = tpu.vector_load_idx %arg18[%add3A_250, %broadcast_in_dim3A_390] : memref<130x64xf32, #tpu.memory_space<vmem>>[vector<16xi32>, vector<16xi32>], vector<16xf32>,
      %broadcast_in_dim3A_396 = arith.constant 139 : i32
      %broadcast_in_dim3A_397 = vector.broadcast %broadcast_in_dim3A_396 : i32 to vector<16xi32>
      tpu.vector_store_idx %arg14[%add3A_114, %broadcast_in_dim3A_397], %gather3A_395 : memref<256x257xf32, #tpu.memory_space<vmem>>[vector<16xi32>, vector<16xi32>], vector<16xf32>,
      %gather3A_398 = tpu.vector_load_idx %arg18[%add3A_253, %broadcast_in_dim3A_390] : memref<130x64xf32, #tpu.memory_space<vmem>>[vector<16xi32>, vector<16xi32>], vector<16xf32>,
      %broadcast_in_dim3A_399 = arith.constant 204 : i32
      %broadcast_in_dim3A_400 = vector.broadcast %broadcast_in_dim3A_399 : i32 to vector<16xi32>
      tpu.vector_store_idx %arg14[%add3A_114, %broadcast_in_dim3A_400], %gather3A_398 : memref<256x257xf32, #tpu.memory_space<vmem>>[vector<16xi32>, vector<16xi32>], vector<16xf32>,
      %broadcast_in_dim3A_401 = arith.constant 12 : i32
      %broadcast_in_dim3A_402 = vector.broadcast %broadcast_in_dim3A_401 : i32 to vector<16xi32>
      %gather3A_403 = tpu.vector_load_idx %arg13[%add3A_120, %broadcast_in_dim3A_402] : memref<512x64xf32, #tpu.memory_space<vmem>>[vector<16xi32>, vector<16xi32>], vector<16xf32>,
      tpu.vector_store_idx %arg14[%add3A_114, %broadcast_in_dim3A_402], %gather3A_403 : memref<256x257xf32, #tpu.memory_space<vmem>>[vector<16xi32>, vector<16xi32>], vector<16xf32>,
      %gather3A_404 = tpu.vector_load_idx %arg18[%add3A_247, %broadcast_in_dim3A_402] : memref<130x64xf32, #tpu.memory_space<vmem>>[vector<16xi32>, vector<16xi32>], vector<16xf32>,
      %broadcast_in_dim3A_405 = arith.constant 76 : i32
      %broadcast_in_dim3A_406 = vector.broadcast %broadcast_in_dim3A_405 : i32 to vector<16xi32>
      tpu.vector_store_idx %arg14[%add3A_114, %broadcast_in_dim3A_406], %gather3A_404 : memref<256x257xf32, #tpu.memory_space<vmem>>[vector<16xi32>, vector<16xi32>], vector<16xf32>,
      %gather3A_407 = tpu.vector_load_idx %arg18[%add3A_250, %broadcast_in_dim3A_402] : memref<130x64xf32, #tpu.memory_space<vmem>>[vector<16xi32>, vector<16xi32>], vector<16xf32>,
      %broadcast_in_dim3A_408 = arith.constant 140 : i32
      %broadcast_in_dim3A_409 = vector.broadcast %broadcast_in_dim3A_408 : i32 to vector<16xi32>
      tpu.vector_store_idx %arg14[%add3A_114, %broadcast_in_dim3A_409], %gather3A_407 : memref<256x257xf32, #tpu.memory_space<vmem>>[vector<16xi32>, vector<16xi32>], vector<16xf32>,
      %gather3A_410 = tpu.vector_load_idx %arg18[%add3A_253, %broadcast_in_dim3A_402] : memref<130x64xf32, #tpu.memory_space<vmem>>[vector<16xi32>, vector<16xi32>], vector<16xf32>,
      %broadcast_in_dim3A_411 = arith.constant 205 : i32
      %broadcast_in_dim3A_412 = vector.broadcast %broadcast_in_dim3A_411 : i32 to vector<16xi32>
      tpu.vector_store_idx %arg14[%add3A_114, %broadcast_in_dim3A_412], %gather3A_410 : memref<256x257xf32, #tpu.memory_space<vmem>>[vector<16xi32>, vector<16xi32>], vector<16xf32>,
      %broadcast_in_dim3A_413 = arith.constant 13 : i32
      %broadcast_in_dim3A_414 = vector.broadcast %broadcast_in_dim3A_413 : i32 to vector<16xi32>
      %gather3A_415 = tpu.vector_load_idx %arg13[%add3A_120, %broadcast_in_dim3A_414] : memref<512x64xf32, #tpu.memory_space<vmem>>[vector<16xi32>, vector<16xi32>], vector<16xf32>,
      tpu.vector_store_idx %arg14[%add3A_114, %broadcast_in_dim3A_414], %gather3A_415 : memref<256x257xf32, #tpu.memory_space<vmem>>[vector<16xi32>, vector<16xi32>], vector<16xf32>,
      %gather3A_416 = tpu.vector_load_idx %arg18[%add3A_247, %broadcast_in_dim3A_414] : memref<130x64xf32, #tpu.memory_space<vmem>>[vector<16xi32>, vector<16xi32>], vector<16xf32>,
      %broadcast_in_dim3A_417 = arith.constant 77 : i32
      %broadcast_in_dim3A_418 = vector.broadcast %broadcast_in_dim3A_417 : i32 to vector<16xi32>
      tpu.vector_store_idx %arg14[%add3A_114, %broadcast_in_dim3A_418], %gather3A_416 : memref<256x257xf32, #tpu.memory_space<vmem>>[vector<16xi32>, vector<16xi32>], vector<16xf32>,
      %gather3A_419 = tpu.vector_load_idx %arg18[%add3A_250, %broadcast_in_dim3A_414] : memref<130x64xf32, #tpu.memory_space<vmem>>[vector<16xi32>, vector<16xi32>], vector<16xf32>,
      %broadcast_in_dim3A_420 = arith.constant 141 : i32
      %broadcast_in_dim3A_421 = vector.broadcast %broadcast_in_dim3A_420 : i32 to vector<16xi32>
      tpu.vector_store_idx %arg14[%add3A_114, %broadcast_in_dim3A_421], %gather3A_419 : memref<256x257xf32, #tpu.memory_space<vmem>>[vector<16xi32>, vector<16xi32>], vector<16xf32>,
      %gather3A_422 = tpu.vector_load_idx %arg18[%add3A_253, %broadcast_in_dim3A_414] : memref<130x64xf32, #tpu.memory_space<vmem>>[vector<16xi32>, vector<16xi32>], vector<16xf32>,
      %broadcast_in_dim3A_423 = arith.constant 206 : i32
      %broadcast_in_dim3A_424 = vector.broadcast %broadcast_in_dim3A_423 : i32 to vector<16xi32>
      tpu.vector_store_idx %arg14[%add3A_114, %broadcast_in_dim3A_424], %gather3A_422 : memref<256x257xf32, #tpu.memory_space<vmem>>[vector<16xi32>, vector<16xi32>], vector<16xf32>,
      %broadcast_in_dim3A_425 = arith.constant 14 : i32
      %broadcast_in_dim3A_426 = vector.broadcast %broadcast_in_dim3A_425 : i32 to vector<16xi32>
      %gather3A_427 = tpu.vector_load_idx %arg13[%add3A_120, %broadcast_in_dim3A_426] : memref<512x64xf32, #tpu.memory_space<vmem>>[vector<16xi32>, vector<16xi32>], vector<16xf32>,
      tpu.vector_store_idx %arg14[%add3A_114, %broadcast_in_dim3A_426], %gather3A_427 : memref<256x257xf32, #tpu.memory_space<vmem>>[vector<16xi32>, vector<16xi32>], vector<16xf32>,
      %gather3A_428 = tpu.vector_load_idx %arg18[%add3A_247, %broadcast_in_dim3A_426] : memref<130x64xf32, #tpu.memory_space<vmem>>[vector<16xi32>, vector<16xi32>], vector<16xf32>,
      %broadcast_in_dim3A_429 = arith.constant 78 : i32
      %broadcast_in_dim3A_430 = vector.broadcast %broadcast_in_dim3A_429 : i32 to vector<16xi32>
      tpu.vector_store_idx %arg14[%add3A_114, %broadcast_in_dim3A_430], %gather3A_428 : memref<256x257xf32, #tpu.memory_space<vmem>>[vector<16xi32>, vector<16xi32>], vector<16xf32>,
      %gather3A_431 = tpu.vector_load_idx %arg18[%add3A_250, %broadcast_in_dim3A_426] : memref<130x64xf32, #tpu.memory_space<vmem>>[vector<16xi32>, vector<16xi32>], vector<16xf32>,
      %broadcast_in_dim3A_432 = arith.constant 142 : i32
      %broadcast_in_dim3A_433 = vector.broadcast %broadcast_in_dim3A_432 : i32 to vector<16xi32>
      tpu.vector_store_idx %arg14[%add3A_114, %broadcast_in_dim3A_433], %gather3A_431 : memref<256x257xf32, #tpu.memory_space<vmem>>[vector<16xi32>, vector<16xi32>], vector<16xf32>,
      %gather3A_434 = tpu.vector_load_idx %arg18[%add3A_253, %broadcast_in_dim3A_426] : memref<130x64xf32, #tpu.memory_space<vmem>>[vector<16xi32>, vector<16xi32>], vector<16xf32>,
      %broadcast_in_dim3A_435 = arith.constant 207 : i32
      %broadcast_in_dim3A_436 = vector.broadcast %broadcast_in_dim3A_435 : i32 to vector<16xi32>
      tpu.vector_store_idx %arg14[%add3A_114, %broadcast_in_dim3A_436], %gather3A_434 : memref<256x257xf32, #tpu.memory_space<vmem>>[vector<16xi32>, vector<16xi32>], vector<16xf32>,
      %broadcast_in_dim3A_437 = arith.constant 15 : i32
      %broadcast_in_dim3A_438 = vector.broadcast %broadcast_in_dim3A_437 : i32 to vector<16xi32>
      %gather3A_439 = tpu.vector_load_idx %arg13[%add3A_120, %broadcast_in_dim3A_438] : memref<512x64xf32, #tpu.memory_space<vmem>>[vector<16xi32>, vector<16xi32>], vector<16xf32>,
      tpu.vector_store_idx %arg14[%add3A_114, %broadcast_in_dim3A_438], %gather3A_439 : memref<256x257xf32, #tpu.memory_space<vmem>>[vector<16xi32>, vector<16xi32>], vector<16xf32>,
      %gather3A_440 = tpu.vector_load_idx %arg18[%add3A_247, %broadcast_in_dim3A_438] : memref<130x64xf32, #tpu.memory_space<vmem>>[vector<16xi32>, vector<16xi32>], vector<16xf32>,
      %broadcast_in_dim3A_441 = arith.constant 79 : i32
      %broadcast_in_dim3A_442 = vector.broadcast %broadcast_in_dim3A_441 : i32 to vector<16xi32>
      tpu.vector_store_idx %arg14[%add3A_114, %broadcast_in_dim3A_442], %gather3A_440 : memref<256x257xf32, #tpu.memory_space<vmem>>[vector<16xi32>, vector<16xi32>], vector<16xf32>,
      %gather3A_443 = tpu.vector_load_idx %arg18[%add3A_250, %broadcast_in_dim3A_438] : memref<130x64xf32, #tpu.memory_space<vmem>>[vector<16xi32>, vector<16xi32>], vector<16xf32>,
      %broadcast_in_dim3A_444 = arith.constant 143 : i32
      %broadcast_in_dim3A_445 = vector.broadcast %broadcast_in_dim3A_444 : i32 to vector<16xi32>
      tpu.vector_store_idx %arg14[%add3A_114, %broadcast_in_dim3A_445], %gather3A_443 : memref<256x257xf32, #tpu.memory_space<vmem>>[vector<16xi32>, vector<16xi32>], vector<16xf32>,
      %gather3A_446 = tpu.vector_load_idx %arg18[%add3A_253, %broadcast_in_dim3A_438] : memref<130x64xf32, #tpu.memory_space<vmem>>[vector<16xi32>, vector<16xi32>], vector<16xf32>,
      %broadcast_in_dim3A_447 = arith.constant 208 : i32
      %broadcast_in_dim3A_448 = vector.broadcast %broadcast_in_dim3A_447 : i32 to vector<16xi32>
      tpu.vector_store_idx %arg14[%add3A_114, %broadcast_in_dim3A_448], %gather3A_446 : memref<256x257xf32, #tpu.memory_space<vmem>>[vector<16xi32>, vector<16xi32>], vector<16xf32>,
      %broadcast_in_dim3A_449 = arith.constant 16 : i32
      %broadcast_in_dim3A_450 = vector.broadcast %broadcast_in_dim3A_449 : i32 to vector<16xi32>
      %gather3A_451 = tpu.vector_load_idx %arg13[%add3A_120, %broadcast_in_dim3A_450] : memref<512x64xf32, #tpu.memory_space<vmem>>[vector<16xi32>, vector<16xi32>], vector<16xf32>,
      tpu.vector_store_idx %arg14[%add3A_114, %broadcast_in_dim3A_450], %gather3A_451 : memref<256x257xf32, #tpu.memory_space<vmem>>[vector<16xi32>, vector<16xi32>], vector<16xf32>,
      %gather3A_452 = tpu.vector_load_idx %arg18[%add3A_247, %broadcast_in_dim3A_450] : memref<130x64xf32, #tpu.memory_space<vmem>>[vector<16xi32>, vector<16xi32>], vector<16xf32>,
      %broadcast_in_dim3A_453 = arith.constant 80 : i32
      %broadcast_in_dim3A_454 = vector.broadcast %broadcast_in_dim3A_453 : i32 to vector<16xi32>
      tpu.vector_store_idx %arg14[%add3A_114, %broadcast_in_dim3A_454], %gather3A_452 : memref<256x257xf32, #tpu.memory_space<vmem>>[vector<16xi32>, vector<16xi32>], vector<16xf32>,
      %gather3A_455 = tpu.vector_load_idx %arg18[%add3A_250, %broadcast_in_dim3A_450] : memref<130x64xf32, #tpu.memory_space<vmem>>[vector<16xi32>, vector<16xi32>], vector<16xf32>,
      %broadcast_in_dim3A_456 = arith.constant 144 : i32
      %broadcast_in_dim3A_457 = vector.broadcast %broadcast_in_dim3A_456 : i32 to vector<16xi32>
      tpu.vector_store_idx %arg14[%add3A_114, %broadcast_in_dim3A_457], %gather3A_455 : memref<256x257xf32, #tpu.memory_space<vmem>>[vector<16xi32>, vector<16xi32>], vector<16xf32>,
      %gather3A_458 = tpu.vector_load_idx %arg18[%add3A_253, %broadcast_in_dim3A_450] : memref<130x64xf32, #tpu.memory_space<vmem>>[vector<16xi32>, vector<16xi32>], vector<16xf32>,
      %broadcast_in_dim3A_459 = arith.constant 209 : i32
      %broadcast_in_dim3A_460 = vector.broadcast %broadcast_in_dim3A_459 : i32 to vector<16xi32>
      tpu.vector_store_idx %arg14[%add3A_114, %broadcast_in_dim3A_460], %gather3A_458 : memref<256x257xf32, #tpu.memory_space<vmem>>[vector<16xi32>, vector<16xi32>], vector<16xf32>,
      %broadcast_in_dim3A_461 = arith.constant 17 : i32
      %broadcast_in_dim3A_462 = vector.broadcast %broadcast_in_dim3A_461 : i32 to vector<16xi32>
      %gather3A_463 = tpu.vector_load_idx %arg13[%add3A_120, %broadcast_in_dim3A_462] : memref<512x64xf32, #tpu.memory_space<vmem>>[vector<16xi32>, vector<16xi32>], vector<16xf32>,
      tpu.vector_store_idx %arg14[%add3A_114, %broadcast_in_dim3A_462], %gather3A_463 : memref<256x257xf32, #tpu.memory_space<vmem>>[vector<16xi32>, vector<16xi32>], vector<16xf32>,
      %gather3A_464 = tpu.vector_load_idx %arg18[%add3A_247, %broadcast_in_dim3A_462] : memref<130x64xf32, #tpu.memory_space<vmem>>[vector<16xi32>, vector<16xi32>], vector<16xf32>,
      %broadcast_in_dim3A_465 = arith.constant 81 : i32
      %broadcast_in_dim3A_466 = vector.broadcast %broadcast_in_dim3A_465 : i32 to vector<16xi32>
      tpu.vector_store_idx %arg14[%add3A_114, %broadcast_in_dim3A_466], %gather3A_464 : memref<256x257xf32, #tpu.memory_space<vmem>>[vector<16xi32>, vector<16xi32>], vector<16xf32>,
      %gather3A_467 = tpu.vector_load_idx %arg18[%add3A_250, %broadcast_in_dim3A_462] : memref<130x64xf32, #tpu.memory_space<vmem>>[vector<16xi32>, vector<16xi32>], vector<16xf32>,
      %broadcast_in_dim3A_468 = arith.constant 145 : i32
      %broadcast_in_dim3A_469 = vector.broadcast %broadcast_in_dim3A_468 : i32 to vector<16xi32>
      tpu.vector_store_idx %arg14[%add3A_114, %broadcast_in_dim3A_469], %gather3A_467 : memref<256x257xf32, #tpu.memory_space<vmem>>[vector<16xi32>, vector<16xi32>], vector<16xf32>,
      %gather3A_470 = tpu.vector_load_idx %arg18[%add3A_253, %broadcast_in_dim3A_462] : memref<130x64xf32, #tpu.memory_space<vmem>>[vector<16xi32>, vector<16xi32>], vector<16xf32>,
      %broadcast_in_dim3A_471 = arith.constant 210 : i32
      %broadcast_in_dim3A_472 = vector.broadcast %broadcast_in_dim3A_471 : i32 to vector<16xi32>
      tpu.vector_store_idx %arg14[%add3A_114, %broadcast_in_dim3A_472], %gather3A_470 : memref<256x257xf32, #tpu.memory_space<vmem>>[vector<16xi32>, vector<16xi32>], vector<16xf32>,
      %broadcast_in_dim3A_473 = arith.constant 18 : i32
      %broadcast_in_dim3A_474 = vector.broadcast %broadcast_in_dim3A_473 : i32 to vector<16xi32>
      %gather3A_475 = tpu.vector_load_idx %arg13[%add3A_120, %broadcast_in_dim3A_474] : memref<512x64xf32, #tpu.memory_space<vmem>>[vector<16xi32>, vector<16xi32>], vector<16xf32>,
      tpu.vector_store_idx %arg14[%add3A_114, %broadcast_in_dim3A_474], %gather3A_475 : memref<256x257xf32, #tpu.memory_space<vmem>>[vector<16xi32>, vector<16xi32>], vector<16xf32>,
      %gather3A_476 = tpu.vector_load_idx %arg18[%add3A_247, %broadcast_in_dim3A_474] : memref<130x64xf32, #tpu.memory_space<vmem>>[vector<16xi32>, vector<16xi32>], vector<16xf32>,
      %broadcast_in_dim3A_477 = arith.constant 82 : i32
      %broadcast_in_dim3A_478 = vector.broadcast %broadcast_in_dim3A_477 : i32 to vector<16xi32>
      tpu.vector_store_idx %arg14[%add3A_114, %broadcast_in_dim3A_478], %gather3A_476 : memref<256x257xf32, #tpu.memory_space<vmem>>[vector<16xi32>, vector<16xi32>], vector<16xf32>,
      %gather3A_479 = tpu.vector_load_idx %arg18[%add3A_250, %broadcast_in_dim3A_474] : memref<130x64xf32, #tpu.memory_space<vmem>>[vector<16xi32>, vector<16xi32>], vector<16xf32>,
      %broadcast_in_dim3A_480 = arith.constant 146 : i32
      %broadcast_in_dim3A_481 = vector.broadcast %broadcast_in_dim3A_480 : i32 to vector<16xi32>
      tpu.vector_store_idx %arg14[%add3A_114, %broadcast_in_dim3A_481], %gather3A_479 : memref<256x257xf32, #tpu.memory_space<vmem>>[vector<16xi32>, vector<16xi32>], vector<16xf32>,
      %gather3A_482 = tpu.vector_load_idx %arg18[%add3A_253, %broadcast_in_dim3A_474] : memref<130x64xf32, #tpu.memory_space<vmem>>[vector<16xi32>, vector<16xi32>], vector<16xf32>,
      %broadcast_in_dim3A_483 = arith.constant 211 : i32
      %broadcast_in_dim3A_484 = vector.broadcast %broadcast_in_dim3A_483 : i32 to vector<16xi32>
      tpu.vector_store_idx %arg14[%add3A_114, %broadcast_in_dim3A_484], %gather3A_482 : memref<256x257xf32, #tpu.memory_space<vmem>>[vector<16xi32>, vector<16xi32>], vector<16xf32>,
      %broadcast_in_dim3A_485 = arith.constant 19 : i32
      %broadcast_in_dim3A_486 = vector.broadcast %broadcast_in_dim3A_485 : i32 to vector<16xi32>
      %gather3A_487 = tpu.vector_load_idx %arg13[%add3A_120, %broadcast_in_dim3A_486] : memref<512x64xf32, #tpu.memory_space<vmem>>[vector<16xi32>, vector<16xi32>], vector<16xf32>,
      tpu.vector_store_idx %arg14[%add3A_114, %broadcast_in_dim3A_486], %gather3A_487 : memref<256x257xf32, #tpu.memory_space<vmem>>[vector<16xi32>, vector<16xi32>], vector<16xf32>,
      %gather3A_488 = tpu.vector_load_idx %arg18[%add3A_247, %broadcast_in_dim3A_486] : memref<130x64xf32, #tpu.memory_space<vmem>>[vector<16xi32>, vector<16xi32>], vector<16xf32>,
      %broadcast_in_dim3A_489 = arith.constant 83 : i32
      %broadcast_in_dim3A_490 = vector.broadcast %broadcast_in_dim3A_489 : i32 to vector<16xi32>
      tpu.vector_store_idx %arg14[%add3A_114, %broadcast_in_dim3A_490], %gather3A_488 : memref<256x257xf32, #tpu.memory_space<vmem>>[vector<16xi32>, vector<16xi32>], vector<16xf32>,
      %gather3A_491 = tpu.vector_load_idx %arg18[%add3A_250, %broadcast_in_dim3A_486] : memref<130x64xf32, #tpu.memory_space<vmem>>[vector<16xi32>, vector<16xi32>], vector<16xf32>,
      %broadcast_in_dim3A_492 = arith.constant 147 : i32
      %broadcast_in_dim3A_493 = vector.broadcast %broadcast_in_dim3A_492 : i32 to vector<16xi32>
      tpu.vector_store_idx %arg14[%add3A_114, %broadcast_in_dim3A_493], %gather3A_491 : memref<256x257xf32, #tpu.memory_space<vmem>>[vector<16xi32>, vector<16xi32>], vector<16xf32>,
      %gather3A_494 = tpu.vector_load_idx %arg18[%add3A_253, %broadcast_in_dim3A_486] : memref<130x64xf32, #tpu.memory_space<vmem>>[vector<16xi32>, vector<16xi32>], vector<16xf32>,
      %broadcast_in_dim3A_495 = arith.constant 212 : i32
      %broadcast_in_dim3A_496 = vector.broadcast %broadcast_in_dim3A_495 : i32 to vector<16xi32>
      tpu.vector_store_idx %arg14[%add3A_114, %broadcast_in_dim3A_496], %gather3A_494 : memref<256x257xf32, #tpu.memory_space<vmem>>[vector<16xi32>, vector<16xi32>], vector<16xf32>,
      %broadcast_in_dim3A_497 = arith.constant 20 : i32
      %broadcast_in_dim3A_498 = vector.broadcast %broadcast_in_dim3A_497 : i32 to vector<16xi32>
      %gather3A_499 = tpu.vector_load_idx %arg13[%add3A_120, %broadcast_in_dim3A_498] : memref<512x64xf32, #tpu.memory_space<vmem>>[vector<16xi32>, vector<16xi32>], vector<16xf32>,
      tpu.vector_store_idx %arg14[%add3A_114, %broadcast_in_dim3A_498], %gather3A_499 : memref<256x257xf32, #tpu.memory_space<vmem>>[vector<16xi32>, vector<16xi32>], vector<16xf32>,
      %gather3A_500 = tpu.vector_load_idx %arg18[%add3A_247, %broadcast_in_dim3A_498] : memref<130x64xf32, #tpu.memory_space<vmem>>[vector<16xi32>, vector<16xi32>], vector<16xf32>,
      %broadcast_in_dim3A_501 = arith.constant 84 : i32
      %broadcast_in_dim3A_502 = vector.broadcast %broadcast_in_dim3A_501 : i32 to vector<16xi32>
      tpu.vector_store_idx %arg14[%add3A_114, %broadcast_in_dim3A_502], %gather3A_500 : memref<256x257xf32, #tpu.memory_space<vmem>>[vector<16xi32>, vector<16xi32>], vector<16xf32>,
      %gather3A_503 = tpu.vector_load_idx %arg18[%add3A_250, %broadcast_in_dim3A_498] : memref<130x64xf32, #tpu.memory_space<vmem>>[vector<16xi32>, vector<16xi32>], vector<16xf32>,
      %broadcast_in_dim3A_504 = arith.constant 148 : i32
      %broadcast_in_dim3A_505 = vector.broadcast %broadcast_in_dim3A_504 : i32 to vector<16xi32>
      tpu.vector_store_idx %arg14[%add3A_114, %broadcast_in_dim3A_505], %gather3A_503 : memref<256x257xf32, #tpu.memory_space<vmem>>[vector<16xi32>, vector<16xi32>], vector<16xf32>,
      %gather3A_506 = tpu.vector_load_idx %arg18[%add3A_253, %broadcast_in_dim3A_498] : memref<130x64xf32, #tpu.memory_space<vmem>>[vector<16xi32>, vector<16xi32>], vector<16xf32>,
      %broadcast_in_dim3A_507 = arith.constant 213 : i32
      %broadcast_in_dim3A_508 = vector.broadcast %broadcast_in_dim3A_507 : i32 to vector<16xi32>
      tpu.vector_store_idx %arg14[%add3A_114, %broadcast_in_dim3A_508], %gather3A_506 : memref<256x257xf32, #tpu.memory_space<vmem>>[vector<16xi32>, vector<16xi32>], vector<16xf32>,
      %broadcast_in_dim3A_509 = arith.constant 21 : i32
      %broadcast_in_dim3A_510 = vector.broadcast %broadcast_in_dim3A_509 : i32 to vector<16xi32>
      %gather3A_511 = tpu.vector_load_idx %arg13[%add3A_120, %broadcast_in_dim3A_510] : memref<512x64xf32, #tpu.memory_space<vmem>>[vector<16xi32>, vector<16xi32>], vector<16xf32>,
      tpu.vector_store_idx %arg14[%add3A_114, %broadcast_in_dim3A_510], %gather3A_511 : memref<256x257xf32, #tpu.memory_space<vmem>>[vector<16xi32>, vector<16xi32>], vector<16xf32>,
      %gather3A_512 = tpu.vector_load_idx %arg18[%add3A_247, %broadcast_in_dim3A_510] : memref<130x64xf32, #tpu.memory_space<vmem>>[vector<16xi32>, vector<16xi32>], vector<16xf32>,
      %broadcast_in_dim3A_513 = arith.constant 85 : i32
      %broadcast_in_dim3A_514 = vector.broadcast %broadcast_in_dim3A_513 : i32 to vector<16xi32>
      tpu.vector_store_idx %arg14[%add3A_114, %broadcast_in_dim3A_514], %gather3A_512 : memref<256x257xf32, #tpu.memory_space<vmem>>[vector<16xi32>, vector<16xi32>], vector<16xf32>,
      %gather3A_515 = tpu.vector_load_idx %arg18[%add3A_250, %broadcast_in_dim3A_510] : memref<130x64xf32, #tpu.memory_space<vmem>>[vector<16xi32>, vector<16xi32>], vector<16xf32>,
      %broadcast_in_dim3A_516 = arith.constant 149 : i32
      %broadcast_in_dim3A_517 = vector.broadcast %broadcast_in_dim3A_516 : i32 to vector<16xi32>
      tpu.vector_store_idx %arg14[%add3A_114, %broadcast_in_dim3A_517], %gather3A_515 : memref<256x257xf32, #tpu.memory_space<vmem>>[vector<16xi32>, vector<16xi32>], vector<16xf32>,
      %gather3A_518 = tpu.vector_load_idx %arg18[%add3A_253, %broadcast_in_dim3A_510] : memref<130x64xf32, #tpu.memory_space<vmem>>[vector<16xi32>, vector<16xi32>], vector<16xf32>,
      %broadcast_in_dim3A_519 = arith.constant 214 : i32
      %broadcast_in_dim3A_520 = vector.broadcast %broadcast_in_dim3A_519 : i32 to vector<16xi32>
      tpu.vector_store_idx %arg14[%add3A_114, %broadcast_in_dim3A_520], %gather3A_518 : memref<256x257xf32, #tpu.memory_space<vmem>>[vector<16xi32>, vector<16xi32>], vector<16xf32>,
      %broadcast_in_dim3A_521 = arith.constant 22 : i32
      %broadcast_in_dim3A_522 = vector.broadcast %broadcast_in_dim3A_521 : i32 to vector<16xi32>
      %gather3A_523 = tpu.vector_load_idx %arg13[%add3A_120, %broadcast_in_dim3A_522] : memref<512x64xf32, #tpu.memory_space<vmem>>[vector<16xi32>, vector<16xi32>], vector<16xf32>,
      tpu.vector_store_idx %arg14[%add3A_114, %broadcast_in_dim3A_522], %gather3A_523 : memref<256x257xf32, #tpu.memory_space<vmem>>[vector<16xi32>, vector<16xi32>], vector<16xf32>,
      %gather3A_524 = tpu.vector_load_idx %arg18[%add3A_247, %broadcast_in_dim3A_522] : memref<130x64xf32, #tpu.memory_space<vmem>>[vector<16xi32>, vector<16xi32>], vector<16xf32>,
      %broadcast_in_dim3A_525 = arith.constant 86 : i32
      %broadcast_in_dim3A_526 = vector.broadcast %broadcast_in_dim3A_525 : i32 to vector<16xi32>
      tpu.vector_store_idx %arg14[%add3A_114, %broadcast_in_dim3A_526], %gather3A_524 : memref<256x257xf32, #tpu.memory_space<vmem>>[vector<16xi32>, vector<16xi32>], vector<16xf32>,
      %gather3A_527 = tpu.vector_load_idx %arg18[%add3A_250, %broadcast_in_dim3A_522] : memref<130x64xf32, #tpu.memory_space<vmem>>[vector<16xi32>, vector<16xi32>], vector<16xf32>,
      %broadcast_in_dim3A_528 = arith.constant 150 : i32
      %broadcast_in_dim3A_529 = vector.broadcast %broadcast_in_dim3A_528 : i32 to vector<16xi32>
      tpu.vector_store_idx %arg14[%add3A_114, %broadcast_in_dim3A_529], %gather3A_527 : memref<256x257xf32, #tpu.memory_space<vmem>>[vector<16xi32>, vector<16xi32>], vector<16xf32>,
      %gather3A_530 = tpu.vector_load_idx %arg18[%add3A_253, %broadcast_in_dim3A_522] : memref<130x64xf32, #tpu.memory_space<vmem>>[vector<16xi32>, vector<16xi32>], vector<16xf32>,
      %broadcast_in_dim3A_531 = arith.constant 215 : i32
      %broadcast_in_dim3A_532 = vector.broadcast %broadcast_in_dim3A_531 : i32 to vector<16xi32>
      tpu.vector_store_idx %arg14[%add3A_114, %broadcast_in_dim3A_532], %gather3A_530 : memref<256x257xf32, #tpu.memory_space<vmem>>[vector<16xi32>, vector<16xi32>], vector<16xf32>,
      %broadcast_in_dim3A_533 = arith.constant 23 : i32
      %broadcast_in_dim3A_534 = vector.broadcast %broadcast_in_dim3A_533 : i32 to vector<16xi32>
      %gather3A_535 = tpu.vector_load_idx %arg13[%add3A_120, %broadcast_in_dim3A_534] : memref<512x64xf32, #tpu.memory_space<vmem>>[vector<16xi32>, vector<16xi32>], vector<16xf32>,
      tpu.vector_store_idx %arg14[%add3A_114, %broadcast_in_dim3A_534], %gather3A_535 : memref<256x257xf32, #tpu.memory_space<vmem>>[vector<16xi32>, vector<16xi32>], vector<16xf32>,
      %gather3A_536 = tpu.vector_load_idx %arg18[%add3A_247, %broadcast_in_dim3A_534] : memref<130x64xf32, #tpu.memory_space<vmem>>[vector<16xi32>, vector<16xi32>], vector<16xf32>,
      %broadcast_in_dim3A_537 = arith.constant 87 : i32
      %broadcast_in_dim3A_538 = vector.broadcast %broadcast_in_dim3A_537 : i32 to vector<16xi32>
      tpu.vector_store_idx %arg14[%add3A_114, %broadcast_in_dim3A_538], %gather3A_536 : memref<256x257xf32, #tpu.memory_space<vmem>>[vector<16xi32>, vector<16xi32>], vector<16xf32>,
      %gather3A_539 = tpu.vector_load_idx %arg18[%add3A_250, %broadcast_in_dim3A_534] : memref<130x64xf32, #tpu.memory_space<vmem>>[vector<16xi32>, vector<16xi32>], vector<16xf32>,
      %broadcast_in_dim3A_540 = arith.constant 151 : i32
      %broadcast_in_dim3A_541 = vector.broadcast %broadcast_in_dim3A_540 : i32 to vector<16xi32>
      tpu.vector_store_idx %arg14[%add3A_114, %broadcast_in_dim3A_541], %gather3A_539 : memref<256x257xf32, #tpu.memory_space<vmem>>[vector<16xi32>, vector<16xi32>], vector<16xf32>,
      %gather3A_542 = tpu.vector_load_idx %arg18[%add3A_253, %broadcast_in_dim3A_534] : memref<130x64xf32, #tpu.memory_space<vmem>>[vector<16xi32>, vector<16xi32>], vector<16xf32>,
      %broadcast_in_dim3A_543 = arith.constant 216 : i32
      %broadcast_in_dim3A_544 = vector.broadcast %broadcast_in_dim3A_543 : i32 to vector<16xi32>
      tpu.vector_store_idx %arg14[%add3A_114, %broadcast_in_dim3A_544], %gather3A_542 : memref<256x257xf32, #tpu.memory_space<vmem>>[vector<16xi32>, vector<16xi32>], vector<16xf32>,
      %broadcast_in_dim3A_545 = arith.constant 24 : i32
      %broadcast_in_dim3A_546 = vector.broadcast %broadcast_in_dim3A_545 : i32 to vector<16xi32>
      %gather3A_547 = tpu.vector_load_idx %arg13[%add3A_120, %broadcast_in_dim3A_546] : memref<512x64xf32, #tpu.memory_space<vmem>>[vector<16xi32>, vector<16xi32>], vector<16xf32>,
      tpu.vector_store_idx %arg14[%add3A_114, %broadcast_in_dim3A_546], %gather3A_547 : memref<256x257xf32, #tpu.memory_space<vmem>>[vector<16xi32>, vector<16xi32>], vector<16xf32>,
      %gather3A_548 = tpu.vector_load_idx %arg18[%add3A_247, %broadcast_in_dim3A_546] : memref<130x64xf32, #tpu.memory_space<vmem>>[vector<16xi32>, vector<16xi32>], vector<16xf32>,
      %broadcast_in_dim3A_549 = arith.constant 88 : i32
      %broadcast_in_dim3A_550 = vector.broadcast %broadcast_in_dim3A_549 : i32 to vector<16xi32>
      tpu.vector_store_idx %arg14[%add3A_114, %broadcast_in_dim3A_550], %gather3A_548 : memref<256x257xf32, #tpu.memory_space<vmem>>[vector<16xi32>, vector<16xi32>], vector<16xf32>,
      %gather3A_551 = tpu.vector_load_idx %arg18[%add3A_250, %broadcast_in_dim3A_546] : memref<130x64xf32, #tpu.memory_space<vmem>>[vector<16xi32>, vector<16xi32>], vector<16xf32>,
      %broadcast_in_dim3A_552 = arith.constant 152 : i32
      %broadcast_in_dim3A_553 = vector.broadcast %broadcast_in_dim3A_552 : i32 to vector<16xi32>
      tpu.vector_store_idx %arg14[%add3A_114, %broadcast_in_dim3A_553], %gather3A_551 : memref<256x257xf32, #tpu.memory_space<vmem>>[vector<16xi32>, vector<16xi32>], vector<16xf32>,
      %gather3A_554 = tpu.vector_load_idx %arg18[%add3A_253, %broadcast_in_dim3A_546] : memref<130x64xf32, #tpu.memory_space<vmem>>[vector<16xi32>, vector<16xi32>], vector<16xf32>,
      %broadcast_in_dim3A_555 = arith.constant 217 : i32
      %broadcast_in_dim3A_556 = vector.broadcast %broadcast_in_dim3A_555 : i32 to vector<16xi32>
      tpu.vector_store_idx %arg14[%add3A_114, %broadcast_in_dim3A_556], %gather3A_554 : memref<256x257xf32, #tpu.memory_space<vmem>>[vector<16xi32>, vector<16xi32>], vector<16xf32>,
      %broadcast_in_dim3A_557 = arith.constant 25 : i32
      %broadcast_in_dim3A_558 = vector.broadcast %broadcast_in_dim3A_557 : i32 to vector<16xi32>
      %gather3A_559 = tpu.vector_load_idx %arg13[%add3A_120, %broadcast_in_dim3A_558] : memref<512x64xf32, #tpu.memory_space<vmem>>[vector<16xi32>, vector<16xi32>], vector<16xf32>,
      tpu.vector_store_idx %arg14[%add3A_114, %broadcast_in_dim3A_558], %gather3A_559 : memref<256x257xf32, #tpu.memory_space<vmem>>[vector<16xi32>, vector<16xi32>], vector<16xf32>,
      %gather3A_560 = tpu.vector_load_idx %arg18[%add3A_247, %broadcast_in_dim3A_558] : memref<130x64xf32, #tpu.memory_space<vmem>>[vector<16xi32>, vector<16xi32>], vector<16xf32>,
      %broadcast_in_dim3A_561 = arith.constant 89 : i32
      %broadcast_in_dim3A_562 = vector.broadcast %broadcast_in_dim3A_561 : i32 to vector<16xi32>
      tpu.vector_store_idx %arg14[%add3A_114, %broadcast_in_dim3A_562], %gather3A_560 : memref<256x257xf32, #tpu.memory_space<vmem>>[vector<16xi32>, vector<16xi32>], vector<16xf32>,
      %gather3A_563 = tpu.vector_load_idx %arg18[%add3A_250, %broadcast_in_dim3A_558] : memref<130x64xf32, #tpu.memory_space<vmem>>[vector<16xi32>, vector<16xi32>], vector<16xf32>,
      %broadcast_in_dim3A_564 = arith.constant 153 : i32
      %broadcast_in_dim3A_565 = vector.broadcast %broadcast_in_dim3A_564 : i32 to vector<16xi32>
      tpu.vector_store_idx %arg14[%add3A_114, %broadcast_in_dim3A_565], %gather3A_563 : memref<256x257xf32, #tpu.memory_space<vmem>>[vector<16xi32>, vector<16xi32>], vector<16xf32>,
      %gather3A_566 = tpu.vector_load_idx %arg18[%add3A_253, %broadcast_in_dim3A_558] : memref<130x64xf32, #tpu.memory_space<vmem>>[vector<16xi32>, vector<16xi32>], vector<16xf32>,
      %broadcast_in_dim3A_567 = arith.constant 218 : i32
      %broadcast_in_dim3A_568 = vector.broadcast %broadcast_in_dim3A_567 : i32 to vector<16xi32>
      tpu.vector_store_idx %arg14[%add3A_114, %broadcast_in_dim3A_568], %gather3A_566 : memref<256x257xf32, #tpu.memory_space<vmem>>[vector<16xi32>, vector<16xi32>], vector<16xf32>,
      %broadcast_in_dim3A_569 = arith.constant 26 : i32
      %broadcast_in_dim3A_570 = vector.broadcast %broadcast_in_dim3A_569 : i32 to vector<16xi32>
      %gather3A_571 = tpu.vector_load_idx %arg13[%add3A_120, %broadcast_in_dim3A_570] : memref<512x64xf32, #tpu.memory_space<vmem>>[vector<16xi32>, vector<16xi32>], vector<16xf32>,
      tpu.vector_store_idx %arg14[%add3A_114, %broadcast_in_dim3A_570], %gather3A_571 : memref<256x257xf32, #tpu.memory_space<vmem>>[vector<16xi32>, vector<16xi32>], vector<16xf32>,
      %gather3A_572 = tpu.vector_load_idx %arg18[%add3A_247, %broadcast_in_dim3A_570] : memref<130x64xf32, #tpu.memory_space<vmem>>[vector<16xi32>, vector<16xi32>], vector<16xf32>,
      %broadcast_in_dim3A_573 = arith.constant 90 : i32
      %broadcast_in_dim3A_574 = vector.broadcast %broadcast_in_dim3A_573 : i32 to vector<16xi32>
      tpu.vector_store_idx %arg14[%add3A_114, %broadcast_in_dim3A_574], %gather3A_572 : memref<256x257xf32, #tpu.memory_space<vmem>>[vector<16xi32>, vector<16xi32>], vector<16xf32>,
      %gather3A_575 = tpu.vector_load_idx %arg18[%add3A_250, %broadcast_in_dim3A_570] : memref<130x64xf32, #tpu.memory_space<vmem>>[vector<16xi32>, vector<16xi32>], vector<16xf32>,
      %broadcast_in_dim3A_576 = arith.constant 154 : i32
      %broadcast_in_dim3A_577 = vector.broadcast %broadcast_in_dim3A_576 : i32 to vector<16xi32>
      tpu.vector_store_idx %arg14[%add3A_114, %broadcast_in_dim3A_577], %gather3A_575 : memref<256x257xf32, #tpu.memory_space<vmem>>[vector<16xi32>, vector<16xi32>], vector<16xf32>,
      %gather3A_578 = tpu.vector_load_idx %arg18[%add3A_253, %broadcast_in_dim3A_570] : memref<130x64xf32, #tpu.memory_space<vmem>>[vector<16xi32>, vector<16xi32>], vector<16xf32>,
      %broadcast_in_dim3A_579 = arith.constant 219 : i32
      %broadcast_in_dim3A_580 = vector.broadcast %broadcast_in_dim3A_579 : i32 to vector<16xi32>
      tpu.vector_store_idx %arg14[%add3A_114, %broadcast_in_dim3A_580], %gather3A_578 : memref<256x257xf32, #tpu.memory_space<vmem>>[vector<16xi32>, vector<16xi32>], vector<16xf32>,
      %broadcast_in_dim3A_581 = arith.constant 27 : i32
      %broadcast_in_dim3A_582 = vector.broadcast %broadcast_in_dim3A_581 : i32 to vector<16xi32>
      %gather3A_583 = tpu.vector_load_idx %arg13[%add3A_120, %broadcast_in_dim3A_582] : memref<512x64xf32, #tpu.memory_space<vmem>>[vector<16xi32>, vector<16xi32>], vector<16xf32>,
      tpu.vector_store_idx %arg14[%add3A_114, %broadcast_in_dim3A_582], %gather3A_583 : memref<256x257xf32, #tpu.memory_space<vmem>>[vector<16xi32>, vector<16xi32>], vector<16xf32>,
      %gather3A_584 = tpu.vector_load_idx %arg18[%add3A_247, %broadcast_in_dim3A_582] : memref<130x64xf32, #tpu.memory_space<vmem>>[vector<16xi32>, vector<16xi32>], vector<16xf32>,
      %broadcast_in_dim3A_585 = arith.constant 91 : i32
      %broadcast_in_dim3A_586 = vector.broadcast %broadcast_in_dim3A_585 : i32 to vector<16xi32>
      tpu.vector_store_idx %arg14[%add3A_114, %broadcast_in_dim3A_586], %gather3A_584 : memref<256x257xf32, #tpu.memory_space<vmem>>[vector<16xi32>, vector<16xi32>], vector<16xf32>,
      %gather3A_587 = tpu.vector_load_idx %arg18[%add3A_250, %broadcast_in_dim3A_582] : memref<130x64xf32, #tpu.memory_space<vmem>>[vector<16xi32>, vector<16xi32>], vector<16xf32>,
      %broadcast_in_dim3A_588 = arith.constant 155 : i32
      %broadcast_in_dim3A_589 = vector.broadcast %broadcast_in_dim3A_588 : i32 to vector<16xi32>
      tpu.vector_store_idx %arg14[%add3A_114, %broadcast_in_dim3A_589], %gather3A_587 : memref<256x257xf32, #tpu.memory_space<vmem>>[vector<16xi32>, vector<16xi32>], vector<16xf32>,
      %gather3A_590 = tpu.vector_load_idx %arg18[%add3A_253, %broadcast_in_dim3A_582] : memref<130x64xf32, #tpu.memory_space<vmem>>[vector<16xi32>, vector<16xi32>], vector<16xf32>,
      %broadcast_in_dim3A_591 = arith.constant 220 : i32
      %broadcast_in_dim3A_592 = vector.broadcast %broadcast_in_dim3A_591 : i32 to vector<16xi32>
      tpu.vector_store_idx %arg14[%add3A_114, %broadcast_in_dim3A_592], %gather3A_590 : memref<256x257xf32, #tpu.memory_space<vmem>>[vector<16xi32>, vector<16xi32>], vector<16xf32>,
      %broadcast_in_dim3A_593 = arith.constant 28 : i32
      %broadcast_in_dim3A_594 = vector.broadcast %broadcast_in_dim3A_593 : i32 to vector<16xi32>
      %gather3A_595 = tpu.vector_load_idx %arg13[%add3A_120, %broadcast_in_dim3A_594] : memref<512x64xf32, #tpu.memory_space<vmem>>[vector<16xi32>, vector<16xi32>], vector<16xf32>,
      tpu.vector_store_idx %arg14[%add3A_114, %broadcast_in_dim3A_594], %gather3A_595 : memref<256x257xf32, #tpu.memory_space<vmem>>[vector<16xi32>, vector<16xi32>], vector<16xf32>,
      %gather3A_596 = tpu.vector_load_idx %arg18[%add3A_247, %broadcast_in_dim3A_594] : memref<130x64xf32, #tpu.memory_space<vmem>>[vector<16xi32>, vector<16xi32>], vector<16xf32>,
      %broadcast_in_dim3A_597 = arith.constant 92 : i32
      %broadcast_in_dim3A_598 = vector.broadcast %broadcast_in_dim3A_597 : i32 to vector<16xi32>
      tpu.vector_store_idx %arg14[%add3A_114, %broadcast_in_dim3A_598], %gather3A_596 : memref<256x257xf32, #tpu.memory_space<vmem>>[vector<16xi32>, vector<16xi32>], vector<16xf32>,
      %gather3A_599 = tpu.vector_load_idx %arg18[%add3A_250, %broadcast_in_dim3A_594] : memref<130x64xf32, #tpu.memory_space<vmem>>[vector<16xi32>, vector<16xi32>], vector<16xf32>,
      %broadcast_in_dim3A_600 = arith.constant 156 : i32
      %broadcast_in_dim3A_601 = vector.broadcast %broadcast_in_dim3A_600 : i32 to vector<16xi32>
      tpu.vector_store_idx %arg14[%add3A_114, %broadcast_in_dim3A_601], %gather3A_599 : memref<256x257xf32, #tpu.memory_space<vmem>>[vector<16xi32>, vector<16xi32>], vector<16xf32>,
      %gather3A_602 = tpu.vector_load_idx %arg18[%add3A_253, %broadcast_in_dim3A_594] : memref<130x64xf32, #tpu.memory_space<vmem>>[vector<16xi32>, vector<16xi32>], vector<16xf32>,
      %broadcast_in_dim3A_603 = arith.constant 221 : i32
      %broadcast_in_dim3A_604 = vector.broadcast %broadcast_in_dim3A_603 : i32 to vector<16xi32>
      tpu.vector_store_idx %arg14[%add3A_114, %broadcast_in_dim3A_604], %gather3A_602 : memref<256x257xf32, #tpu.memory_space<vmem>>[vector<16xi32>, vector<16xi32>], vector<16xf32>,
      %broadcast_in_dim3A_605 = arith.constant 29 : i32
      %broadcast_in_dim3A_606 = vector.broadcast %broadcast_in_dim3A_605 : i32 to vector<16xi32>
      %gather3A_607 = tpu.vector_load_idx %arg13[%add3A_120, %broadcast_in_dim3A_606] : memref<512x64xf32, #tpu.memory_space<vmem>>[vector<16xi32>, vector<16xi32>], vector<16xf32>,
      tpu.vector_store_idx %arg14[%add3A_114, %broadcast_in_dim3A_606], %gather3A_607 : memref<256x257xf32, #tpu.memory_space<vmem>>[vector<16xi32>, vector<16xi32>], vector<16xf32>,
      %gather3A_608 = tpu.vector_load_idx %arg18[%add3A_247, %broadcast_in_dim3A_606] : memref<130x64xf32, #tpu.memory_space<vmem>>[vector<16xi32>, vector<16xi32>], vector<16xf32>,
      %broadcast_in_dim3A_609 = arith.constant 93 : i32
      %broadcast_in_dim3A_610 = vector.broadcast %broadcast_in_dim3A_609 : i32 to vector<16xi32>
      tpu.vector_store_idx %arg14[%add3A_114, %broadcast_in_dim3A_610], %gather3A_608 : memref<256x257xf32, #tpu.memory_space<vmem>>[vector<16xi32>, vector<16xi32>], vector<16xf32>,
      %gather3A_611 = tpu.vector_load_idx %arg18[%add3A_250, %broadcast_in_dim3A_606] : memref<130x64xf32, #tpu.memory_space<vmem>>[vector<16xi32>, vector<16xi32>], vector<16xf32>,
      %broadcast_in_dim3A_612 = arith.constant 157 : i32
      %broadcast_in_dim3A_613 = vector.broadcast %broadcast_in_dim3A_612 : i32 to vector<16xi32>
      tpu.vector_store_idx %arg14[%add3A_114, %broadcast_in_dim3A_613], %gather3A_611 : memref<256x257xf32, #tpu.memory_space<vmem>>[vector<16xi32>, vector<16xi32>], vector<16xf32>,
      %gather3A_614 = tpu.vector_load_idx %arg18[%add3A_253, %broadcast_in_dim3A_606] : memref<130x64xf32, #tpu.memory_space<vmem>>[vector<16xi32>, vector<16xi32>], vector<16xf32>,
      %broadcast_in_dim3A_615 = arith.constant 222 : i32
      %broadcast_in_dim3A_616 = vector.broadcast %broadcast_in_dim3A_615 : i32 to vector<16xi32>
      tpu.vector_store_idx %arg14[%add3A_114, %broadcast_in_dim3A_616], %gather3A_614 : memref<256x257xf32, #tpu.memory_space<vmem>>[vector<16xi32>, vector<16xi32>], vector<16xf32>,
      %broadcast_in_dim3A_617 = arith.constant 30 : i32
      %broadcast_in_dim3A_618 = vector.broadcast %broadcast_in_dim3A_617 : i32 to vector<16xi32>
      %gather3A_619 = tpu.vector_load_idx %arg13[%add3A_120, %broadcast_in_dim3A_618] : memref<512x64xf32, #tpu.memory_space<vmem>>[vector<16xi32>, vector<16xi32>], vector<16xf32>,
      tpu.vector_store_idx %arg14[%add3A_114, %broadcast_in_dim3A_618], %gather3A_619 : memref<256x257xf32, #tpu.memory_space<vmem>>[vector<16xi32>, vector<16xi32>], vector<16xf32>,
      %gather3A_620 = tpu.vector_load_idx %arg18[%add3A_247, %broadcast_in_dim3A_618] : memref<130x64xf32, #tpu.memory_space<vmem>>[vector<16xi32>, vector<16xi32>], vector<16xf32>,
      %broadcast_in_dim3A_621 = arith.constant 94 : i32
      %broadcast_in_dim3A_622 = vector.broadcast %broadcast_in_dim3A_621 : i32 to vector<16xi32>
      tpu.vector_store_idx %arg14[%add3A_114, %broadcast_in_dim3A_622], %gather3A_620 : memref<256x257xf32, #tpu.memory_space<vmem>>[vector<16xi32>, vector<16xi32>], vector<16xf32>,
      %gather3A_623 = tpu.vector_load_idx %arg18[%add3A_250, %broadcast_in_dim3A_618] : memref<130x64xf32, #tpu.memory_space<vmem>>[vector<16xi32>, vector<16xi32>], vector<16xf32>,
      %broadcast_in_dim3A_624 = arith.constant 158 : i32
      %broadcast_in_dim3A_625 = vector.broadcast %broadcast_in_dim3A_624 : i32 to vector<16xi32>
      tpu.vector_store_idx %arg14[%add3A_114, %broadcast_in_dim3A_625], %gather3A_623 : memref<256x257xf32, #tpu.memory_space<vmem>>[vector<16xi32>, vector<16xi32>], vector<16xf32>,
      %gather3A_626 = tpu.vector_load_idx %arg18[%add3A_253, %broadcast_in_dim3A_618] : memref<130x64xf32, #tpu.memory_space<vmem>>[vector<16xi32>, vector<16xi32>], vector<16xf32>,
      %broadcast_in_dim3A_627 = arith.constant 223 : i32
      %broadcast_in_dim3A_628 = vector.broadcast %broadcast_in_dim3A_627 : i32 to vector<16xi32>
      tpu.vector_store_idx %arg14[%add3A_114, %broadcast_in_dim3A_628], %gather3A_626 : memref<256x257xf32, #tpu.memory_space<vmem>>[vector<16xi32>, vector<16xi32>], vector<16xf32>,
      %broadcast_in_dim3A_629 = arith.constant 31 : i32
      %broadcast_in_dim3A_630 = vector.broadcast %broadcast_in_dim3A_629 : i32 to vector<16xi32>
      %gather3A_631 = tpu.vector_load_idx %arg13[%add3A_120, %broadcast_in_dim3A_630] : memref<512x64xf32, #tpu.memory_space<vmem>>[vector<16xi32>, vector<16xi32>], vector<16xf32>,
      tpu.vector_store_idx %arg14[%add3A_114, %broadcast_in_dim3A_630], %gather3A_631 : memref<256x257xf32, #tpu.memory_space<vmem>>[vector<16xi32>, vector<16xi32>], vector<16xf32>,
      %gather3A_632 = tpu.vector_load_idx %arg18[%add3A_247, %broadcast_in_dim3A_630] : memref<130x64xf32, #tpu.memory_space<vmem>>[vector<16xi32>, vector<16xi32>], vector<16xf32>,
      %broadcast_in_dim3A_633 = arith.constant 95 : i32
      %broadcast_in_dim3A_634 = vector.broadcast %broadcast_in_dim3A_633 : i32 to vector<16xi32>
      tpu.vector_store_idx %arg14[%add3A_114, %broadcast_in_dim3A_634], %gather3A_632 : memref<256x257xf32, #tpu.memory_space<vmem>>[vector<16xi32>, vector<16xi32>], vector<16xf32>,
      %gather3A_635 = tpu.vector_load_idx %arg18[%add3A_250, %broadcast_in_dim3A_630] : memref<130x64xf32, #tpu.memory_space<vmem>>[vector<16xi32>, vector<16xi32>], vector<16xf32>,
      %broadcast_in_dim3A_636 = arith.constant 159 : i32
      %broadcast_in_dim3A_637 = vector.broadcast %broadcast_in_dim3A_636 : i32 to vector<16xi32>
      tpu.vector_store_idx %arg14[%add3A_114, %broadcast_in_dim3A_637], %gather3A_635 : memref<256x257xf32, #tpu.memory_space<vmem>>[vector<16xi32>, vector<16xi32>], vector<16xf32>,
      %gather3A_638 = tpu.vector_load_idx %arg18[%add3A_253, %broadcast_in_dim3A_630] : memref<130x64xf32, #tpu.memory_space<vmem>>[vector<16xi32>, vector<16xi32>], vector<16xf32>,
      %broadcast_in_dim3A_639 = arith.constant 224 : i32
      %broadcast_in_dim3A_640 = vector.broadcast %broadcast_in_dim3A_639 : i32 to vector<16xi32>
      tpu.vector_store_idx %arg14[%add3A_114, %broadcast_in_dim3A_640], %gather3A_638 : memref<256x257xf32, #tpu.memory_space<vmem>>[vector<16xi32>, vector<16xi32>], vector<16xf32>,
      %broadcast_in_dim3A_641 = arith.constant 32 : i32
      %broadcast_in_dim3A_642 = vector.broadcast %broadcast_in_dim3A_641 : i32 to vector<16xi32>
      %gather3A_643 = tpu.vector_load_idx %arg13[%add3A_120, %broadcast_in_dim3A_642] : memref<512x64xf32, #tpu.memory_space<vmem>>[vector<16xi32>, vector<16xi32>], vector<16xf32>,
      tpu.vector_store_idx %arg14[%add3A_114, %broadcast_in_dim3A_642], %gather3A_643 : memref<256x257xf32, #tpu.memory_space<vmem>>[vector<16xi32>, vector<16xi32>], vector<16xf32>,
      %gather3A_644 = tpu.vector_load_idx %arg18[%add3A_247, %broadcast_in_dim3A_642] : memref<130x64xf32, #tpu.memory_space<vmem>>[vector<16xi32>, vector<16xi32>], vector<16xf32>,
      %broadcast_in_dim3A_645 = arith.constant 96 : i32
      %broadcast_in_dim3A_646 = vector.broadcast %broadcast_in_dim3A_645 : i32 to vector<16xi32>
      tpu.vector_store_idx %arg14[%add3A_114, %broadcast_in_dim3A_646], %gather3A_644 : memref<256x257xf32, #tpu.memory_space<vmem>>[vector<16xi32>, vector<16xi32>], vector<16xf32>,
      %gather3A_647 = tpu.vector_load_idx %arg18[%add3A_250, %broadcast_in_dim3A_642] : memref<130x64xf32, #tpu.memory_space<vmem>>[vector<16xi32>, vector<16xi32>], vector<16xf32>,
      %broadcast_in_dim3A_648 = arith.constant 160 : i32
      %broadcast_in_dim3A_649 = vector.broadcast %broadcast_in_dim3A_648 : i32 to vector<16xi32>
      tpu.vector_store_idx %arg14[%add3A_114, %broadcast_in_dim3A_649], %gather3A_647 : memref<256x257xf32, #tpu.memory_space<vmem>>[vector<16xi32>, vector<16xi32>], vector<16xf32>,
      %gather3A_650 = tpu.vector_load_idx %arg18[%add3A_253, %broadcast_in_dim3A_642] : memref<130x64xf32, #tpu.memory_space<vmem>>[vector<16xi32>, vector<16xi32>], vector<16xf32>,
      %broadcast_in_dim3A_651 = arith.constant 225 : i32
      %broadcast_in_dim3A_652 = vector.broadcast %broadcast_in_dim3A_651 : i32 to vector<16xi32>
      tpu.vector_store_idx %arg14[%add3A_114, %broadcast_in_dim3A_652], %gather3A_650 : memref<256x257xf32, #tpu.memory_space<vmem>>[vector<16xi32>, vector<16xi32>], vector<16xf32>,
      %broadcast_in_dim3A_653 = arith.constant 33 : i32
      %broadcast_in_dim3A_654 = vector.broadcast %broadcast_in_dim3A_653 : i32 to vector<16xi32>
      %gather3A_655 = tpu.vector_load_idx %arg13[%add3A_120, %broadcast_in_dim3A_654] : memref<512x64xf32, #tpu.memory_space<vmem>>[vector<16xi32>, vector<16xi32>], vector<16xf32>,
      tpu.vector_store_idx %arg14[%add3A_114, %broadcast_in_dim3A_654], %gather3A_655 : memref<256x257xf32, #tpu.memory_space<vmem>>[vector<16xi32>, vector<16xi32>], vector<16xf32>,
      %gather3A_656 = tpu.vector_load_idx %arg18[%add3A_247, %broadcast_in_dim3A_654] : memref<130x64xf32, #tpu.memory_space<vmem>>[vector<16xi32>, vector<16xi32>], vector<16xf32>,
      %broadcast_in_dim3A_657 = arith.constant 97 : i32
      %broadcast_in_dim3A_658 = vector.broadcast %broadcast_in_dim3A_657 : i32 to vector<16xi32>
      tpu.vector_store_idx %arg14[%add3A_114, %broadcast_in_dim3A_658], %gather3A_656 : memref<256x257xf32, #tpu.memory_space<vmem>>[vector<16xi32>, vector<16xi32>], vector<16xf32>,
      %gather3A_659 = tpu.vector_load_idx %arg18[%add3A_250, %broadcast_in_dim3A_654] : memref<130x64xf32, #tpu.memory_space<vmem>>[vector<16xi32>, vector<16xi32>], vector<16xf32>,
      %broadcast_in_dim3A_660 = arith.constant 161 : i32
      %broadcast_in_dim3A_661 = vector.broadcast %broadcast_in_dim3A_660 : i32 to vector<16xi32>
      tpu.vector_store_idx %arg14[%add3A_114, %broadcast_in_dim3A_661], %gather3A_659 : memref<256x257xf32, #tpu.memory_space<vmem>>[vector<16xi32>, vector<16xi32>], vector<16xf32>,
      %gather3A_662 = tpu.vector_load_idx %arg18[%add3A_253, %broadcast_in_dim3A_654] : memref<130x64xf32, #tpu.memory_space<vmem>>[vector<16xi32>, vector<16xi32>], vector<16xf32>,
      %broadcast_in_dim3A_663 = arith.constant 226 : i32
      %broadcast_in_dim3A_664 = vector.broadcast %broadcast_in_dim3A_663 : i32 to vector<16xi32>
      tpu.vector_store_idx %arg14[%add3A_114, %broadcast_in_dim3A_664], %gather3A_662 : memref<256x257xf32, #tpu.memory_space<vmem>>[vector<16xi32>, vector<16xi32>], vector<16xf32>,
      %broadcast_in_dim3A_665 = arith.constant 34 : i32
      %broadcast_in_dim3A_666 = vector.broadcast %broadcast_in_dim3A_665 : i32 to vector<16xi32>
      %gather3A_667 = tpu.vector_load_idx %arg13[%add3A_120, %broadcast_in_dim3A_666] : memref<512x64xf32, #tpu.memory_space<vmem>>[vector<16xi32>, vector<16xi32>], vector<16xf32>,
      tpu.vector_store_idx %arg14[%add3A_114, %broadcast_in_dim3A_666], %gather3A_667 : memref<256x257xf32, #tpu.memory_space<vmem>>[vector<16xi32>, vector<16xi32>], vector<16xf32>,
      %gather3A_668 = tpu.vector_load_idx %arg18[%add3A_247, %broadcast_in_dim3A_666] : memref<130x64xf32, #tpu.memory_space<vmem>>[vector<16xi32>, vector<16xi32>], vector<16xf32>,
      %broadcast_in_dim3A_669 = arith.constant 98 : i32
      %broadcast_in_dim3A_670 = vector.broadcast %broadcast_in_dim3A_669 : i32 to vector<16xi32>
      tpu.vector_store_idx %arg14[%add3A_114, %broadcast_in_dim3A_670], %gather3A_668 : memref<256x257xf32, #tpu.memory_space<vmem>>[vector<16xi32>, vector<16xi32>], vector<16xf32>,
      %gather3A_671 = tpu.vector_load_idx %arg18[%add3A_250, %broadcast_in_dim3A_666] : memref<130x64xf32, #tpu.memory_space<vmem>>[vector<16xi32>, vector<16xi32>], vector<16xf32>,
      %broadcast_in_dim3A_672 = arith.constant 162 : i32
      %broadcast_in_dim3A_673 = vector.broadcast %broadcast_in_dim3A_672 : i32 to vector<16xi32>
      tpu.vector_store_idx %arg14[%add3A_114, %broadcast_in_dim3A_673], %gather3A_671 : memref<256x257xf32, #tpu.memory_space<vmem>>[vector<16xi32>, vector<16xi32>], vector<16xf32>,
      %gather3A_674 = tpu.vector_load_idx %arg18[%add3A_253, %broadcast_in_dim3A_666] : memref<130x64xf32, #tpu.memory_space<vmem>>[vector<16xi32>, vector<16xi32>], vector<16xf32>,
      %broadcast_in_dim3A_675 = arith.constant 227 : i32
      %broadcast_in_dim3A_676 = vector.broadcast %broadcast_in_dim3A_675 : i32 to vector<16xi32>
      tpu.vector_store_idx %arg14[%add3A_114, %broadcast_in_dim3A_676], %gather3A_674 : memref<256x257xf32, #tpu.memory_space<vmem>>[vector<16xi32>, vector<16xi32>], vector<16xf32>,
      %broadcast_in_dim3A_677 = arith.constant 35 : i32
      %broadcast_in_dim3A_678 = vector.broadcast %broadcast_in_dim3A_677 : i32 to vector<16xi32>
      %gather3A_679 = tpu.vector_load_idx %arg13[%add3A_120, %broadcast_in_dim3A_678] : memref<512x64xf32, #tpu.memory_space<vmem>>[vector<16xi32>, vector<16xi32>], vector<16xf32>,
      tpu.vector_store_idx %arg14[%add3A_114, %broadcast_in_dim3A_678], %gather3A_679 : memref<256x257xf32, #tpu.memory_space<vmem>>[vector<16xi32>, vector<16xi32>], vector<16xf32>,
      %gather3A_680 = tpu.vector_load_idx %arg18[%add3A_247, %broadcast_in_dim3A_678] : memref<130x64xf32, #tpu.memory_space<vmem>>[vector<16xi32>, vector<16xi32>], vector<16xf32>,
      %broadcast_in_dim3A_681 = arith.constant 99 : i32
      %broadcast_in_dim3A_682 = vector.broadcast %broadcast_in_dim3A_681 : i32 to vector<16xi32>
      tpu.vector_store_idx %arg14[%add3A_114, %broadcast_in_dim3A_682], %gather3A_680 : memref<256x257xf32, #tpu.memory_space<vmem>>[vector<16xi32>, vector<16xi32>], vector<16xf32>,
      %gather3A_683 = tpu.vector_load_idx %arg18[%add3A_250, %broadcast_in_dim3A_678] : memref<130x64xf32, #tpu.memory_space<vmem>>[vector<16xi32>, vector<16xi32>], vector<16xf32>,
      %broadcast_in_dim3A_684 = arith.constant 163 : i32
      %broadcast_in_dim3A_685 = vector.broadcast %broadcast_in_dim3A_684 : i32 to vector<16xi32>
      tpu.vector_store_idx %arg14[%add3A_114, %broadcast_in_dim3A_685], %gather3A_683 : memref<256x257xf32, #tpu.memory_space<vmem>>[vector<16xi32>, vector<16xi32>], vector<16xf32>,
      %gather3A_686 = tpu.vector_load_idx %arg18[%add3A_253, %broadcast_in_dim3A_678] : memref<130x64xf32, #tpu.memory_space<vmem>>[vector<16xi32>, vector<16xi32>], vector<16xf32>,
      %broadcast_in_dim3A_687 = arith.constant 228 : i32
      %broadcast_in_dim3A_688 = vector.broadcast %broadcast_in_dim3A_687 : i32 to vector<16xi32>
      tpu.vector_store_idx %arg14[%add3A_114, %broadcast_in_dim3A_688], %gather3A_686 : memref<256x257xf32, #tpu.memory_space<vmem>>[vector<16xi32>, vector<16xi32>], vector<16xf32>,
      %broadcast_in_dim3A_689 = arith.constant 36 : i32
      %broadcast_in_dim3A_690 = vector.broadcast %broadcast_in_dim3A_689 : i32 to vector<16xi32>
      %gather3A_691 = tpu.vector_load_idx %arg13[%add3A_120, %broadcast_in_dim3A_690] : memref<512x64xf32, #tpu.memory_space<vmem>>[vector<16xi32>, vector<16xi32>], vector<16xf32>,
      tpu.vector_store_idx %arg14[%add3A_114, %broadcast_in_dim3A_690], %gather3A_691 : memref<256x257xf32, #tpu.memory_space<vmem>>[vector<16xi32>, vector<16xi32>], vector<16xf32>,
      %gather3A_692 = tpu.vector_load_idx %arg18[%add3A_247, %broadcast_in_dim3A_690] : memref<130x64xf32, #tpu.memory_space<vmem>>[vector<16xi32>, vector<16xi32>], vector<16xf32>,
      %broadcast_in_dim3A_693 = arith.constant 100 : i32
      %broadcast_in_dim3A_694 = vector.broadcast %broadcast_in_dim3A_693 : i32 to vector<16xi32>
      tpu.vector_store_idx %arg14[%add3A_114, %broadcast_in_dim3A_694], %gather3A_692 : memref<256x257xf32, #tpu.memory_space<vmem>>[vector<16xi32>, vector<16xi32>], vector<16xf32>,
      %gather3A_695 = tpu.vector_load_idx %arg18[%add3A_250, %broadcast_in_dim3A_690] : memref<130x64xf32, #tpu.memory_space<vmem>>[vector<16xi32>, vector<16xi32>], vector<16xf32>,
      %broadcast_in_dim3A_696 = arith.constant 164 : i32
      %broadcast_in_dim3A_697 = vector.broadcast %broadcast_in_dim3A_696 : i32 to vector<16xi32>
      tpu.vector_store_idx %arg14[%add3A_114, %broadcast_in_dim3A_697], %gather3A_695 : memref<256x257xf32, #tpu.memory_space<vmem>>[vector<16xi32>, vector<16xi32>], vector<16xf32>,
      %gather3A_698 = tpu.vector_load_idx %arg18[%add3A_253, %broadcast_in_dim3A_690] : memref<130x64xf32, #tpu.memory_space<vmem>>[vector<16xi32>, vector<16xi32>], vector<16xf32>,
      %broadcast_in_dim3A_699 = arith.constant 229 : i32
      %broadcast_in_dim3A_700 = vector.broadcast %broadcast_in_dim3A_699 : i32 to vector<16xi32>
      tpu.vector_store_idx %arg14[%add3A_114, %broadcast_in_dim3A_700], %gather3A_698 : memref<256x257xf32, #tpu.memory_space<vmem>>[vector<16xi32>, vector<16xi32>], vector<16xf32>,
      %broadcast_in_dim3A_701 = arith.constant 37 : i32
      %broadcast_in_dim3A_702 = vector.broadcast %broadcast_in_dim3A_701 : i32 to vector<16xi32>
      %gather3A_703 = tpu.vector_load_idx %arg13[%add3A_120, %broadcast_in_dim3A_702] : memref<512x64xf32, #tpu.memory_space<vmem>>[vector<16xi32>, vector<16xi32>], vector<16xf32>,
      tpu.vector_store_idx %arg14[%add3A_114, %broadcast_in_dim3A_702], %gather3A_703 : memref<256x257xf32, #tpu.memory_space<vmem>>[vector<16xi32>, vector<16xi32>], vector<16xf32>,
      %gather3A_704 = tpu.vector_load_idx %arg18[%add3A_247, %broadcast_in_dim3A_702] : memref<130x64xf32, #tpu.memory_space<vmem>>[vector<16xi32>, vector<16xi32>], vector<16xf32>,
      %broadcast_in_dim3A_705 = arith.constant 101 : i32
      %broadcast_in_dim3A_706 = vector.broadcast %broadcast_in_dim3A_705 : i32 to vector<16xi32>
      tpu.vector_store_idx %arg14[%add3A_114, %broadcast_in_dim3A_706], %gather3A_704 : memref<256x257xf32, #tpu.memory_space<vmem>>[vector<16xi32>, vector<16xi32>], vector<16xf32>,
      %gather3A_707 = tpu.vector_load_idx %arg18[%add3A_250, %broadcast_in_dim3A_702] : memref<130x64xf32, #tpu.memory_space<vmem>>[vector<16xi32>, vector<16xi32>], vector<16xf32>,
      %broadcast_in_dim3A_708 = arith.constant 165 : i32
      %broadcast_in_dim3A_709 = vector.broadcast %broadcast_in_dim3A_708 : i32 to vector<16xi32>
      tpu.vector_store_idx %arg14[%add3A_114, %broadcast_in_dim3A_709], %gather3A_707 : memref<256x257xf32, #tpu.memory_space<vmem>>[vector<16xi32>, vector<16xi32>], vector<16xf32>,
      %gather3A_710 = tpu.vector_load_idx %arg18[%add3A_253, %broadcast_in_dim3A_702] : memref<130x64xf32, #tpu.memory_space<vmem>>[vector<16xi32>, vector<16xi32>], vector<16xf32>,
      %broadcast_in_dim3A_711 = arith.constant 230 : i32
      %broadcast_in_dim3A_712 = vector.broadcast %broadcast_in_dim3A_711 : i32 to vector<16xi32>
      tpu.vector_store_idx %arg14[%add3A_114, %broadcast_in_dim3A_712], %gather3A_710 : memref<256x257xf32, #tpu.memory_space<vmem>>[vector<16xi32>, vector<16xi32>], vector<16xf32>,
      %broadcast_in_dim3A_713 = arith.constant 38 : i32
      %broadcast_in_dim3A_714 = vector.broadcast %broadcast_in_dim3A_713 : i32 to vector<16xi32>
      %gather3A_715 = tpu.vector_load_idx %arg13[%add3A_120, %broadcast_in_dim3A_714] : memref<512x64xf32, #tpu.memory_space<vmem>>[vector<16xi32>, vector<16xi32>], vector<16xf32>,
      tpu.vector_store_idx %arg14[%add3A_114, %broadcast_in_dim3A_714], %gather3A_715 : memref<256x257xf32, #tpu.memory_space<vmem>>[vector<16xi32>, vector<16xi32>], vector<16xf32>,
      %gather3A_716 = tpu.vector_load_idx %arg18[%add3A_247, %broadcast_in_dim3A_714] : memref<130x64xf32, #tpu.memory_space<vmem>>[vector<16xi32>, vector<16xi32>], vector<16xf32>,
      %broadcast_in_dim3A_717 = arith.constant 102 : i32
      %broadcast_in_dim3A_718 = vector.broadcast %broadcast_in_dim3A_717 : i32 to vector<16xi32>
      tpu.vector_store_idx %arg14[%add3A_114, %broadcast_in_dim3A_718], %gather3A_716 : memref<256x257xf32, #tpu.memory_space<vmem>>[vector<16xi32>, vector<16xi32>], vector<16xf32>,
      %gather3A_719 = tpu.vector_load_idx %arg18[%add3A_250, %broadcast_in_dim3A_714] : memref<130x64xf32, #tpu.memory_space<vmem>>[vector<16xi32>, vector<16xi32>], vector<16xf32>,
      %broadcast_in_dim3A_720 = arith.constant 166 : i32
      %broadcast_in_dim3A_721 = vector.broadcast %broadcast_in_dim3A_720 : i32 to vector<16xi32>
      tpu.vector_store_idx %arg14[%add3A_114, %broadcast_in_dim3A_721], %gather3A_719 : memref<256x257xf32, #tpu.memory_space<vmem>>[vector<16xi32>, vector<16xi32>], vector<16xf32>,
      %gather3A_722 = tpu.vector_load_idx %arg18[%add3A_253, %broadcast_in_dim3A_714] : memref<130x64xf32, #tpu.memory_space<vmem>>[vector<16xi32>, vector<16xi32>], vector<16xf32>,
      %broadcast_in_dim3A_723 = arith.constant 231 : i32
      %broadcast_in_dim3A_724 = vector.broadcast %broadcast_in_dim3A_723 : i32 to vector<16xi32>
      tpu.vector_store_idx %arg14[%add3A_114, %broadcast_in_dim3A_724], %gather3A_722 : memref<256x257xf32, #tpu.memory_space<vmem>>[vector<16xi32>, vector<16xi32>], vector<16xf32>,
      %broadcast_in_dim3A_725 = arith.constant 39 : i32
      %broadcast_in_dim3A_726 = vector.broadcast %broadcast_in_dim3A_725 : i32 to vector<16xi32>
      %gather3A_727 = tpu.vector_load_idx %arg13[%add3A_120, %broadcast_in_dim3A_726] : memref<512x64xf32, #tpu.memory_space<vmem>>[vector<16xi32>, vector<16xi32>], vector<16xf32>,
      tpu.vector_store_idx %arg14[%add3A_114, %broadcast_in_dim3A_726], %gather3A_727 : memref<256x257xf32, #tpu.memory_space<vmem>>[vector<16xi32>, vector<16xi32>], vector<16xf32>,
      %gather3A_728 = tpu.vector_load_idx %arg18[%add3A_247, %broadcast_in_dim3A_726] : memref<130x64xf32, #tpu.memory_space<vmem>>[vector<16xi32>, vector<16xi32>], vector<16xf32>,
      %broadcast_in_dim3A_729 = arith.constant 103 : i32
      %broadcast_in_dim3A_730 = vector.broadcast %broadcast_in_dim3A_729 : i32 to vector<16xi32>
      tpu.vector_store_idx %arg14[%add3A_114, %broadcast_in_dim3A_730], %gather3A_728 : memref<256x257xf32, #tpu.memory_space<vmem>>[vector<16xi32>, vector<16xi32>], vector<16xf32>,
      %gather3A_731 = tpu.vector_load_idx %arg18[%add3A_250, %broadcast_in_dim3A_726] : memref<130x64xf32, #tpu.memory_space<vmem>>[vector<16xi32>, vector<16xi32>], vector<16xf32>,
      %broadcast_in_dim3A_732 = arith.constant 167 : i32
      %broadcast_in_dim3A_733 = vector.broadcast %broadcast_in_dim3A_732 : i32 to vector<16xi32>
      tpu.vector_store_idx %arg14[%add3A_114, %broadcast_in_dim3A_733], %gather3A_731 : memref<256x257xf32, #tpu.memory_space<vmem>>[vector<16xi32>, vector<16xi32>], vector<16xf32>,
      %gather3A_734 = tpu.vector_load_idx %arg18[%add3A_253, %broadcast_in_dim3A_726] : memref<130x64xf32, #tpu.memory_space<vmem>>[vector<16xi32>, vector<16xi32>], vector<16xf32>,
      %broadcast_in_dim3A_735 = arith.constant 232 : i32
      %broadcast_in_dim3A_736 = vector.broadcast %broadcast_in_dim3A_735 : i32 to vector<16xi32>
      tpu.vector_store_idx %arg14[%add3A_114, %broadcast_in_dim3A_736], %gather3A_734 : memref<256x257xf32, #tpu.memory_space<vmem>>[vector<16xi32>, vector<16xi32>], vector<16xf32>,
      %broadcast_in_dim3A_737 = arith.constant 40 : i32
      %broadcast_in_dim3A_738 = vector.broadcast %broadcast_in_dim3A_737 : i32 to vector<16xi32>
      %gather3A_739 = tpu.vector_load_idx %arg13[%add3A_120, %broadcast_in_dim3A_738] : memref<512x64xf32, #tpu.memory_space<vmem>>[vector<16xi32>, vector<16xi32>], vector<16xf32>,
      tpu.vector_store_idx %arg14[%add3A_114, %broadcast_in_dim3A_738], %gather3A_739 : memref<256x257xf32, #tpu.memory_space<vmem>>[vector<16xi32>, vector<16xi32>], vector<16xf32>,
      %gather3A_740 = tpu.vector_load_idx %arg18[%add3A_247, %broadcast_in_dim3A_738] : memref<130x64xf32, #tpu.memory_space<vmem>>[vector<16xi32>, vector<16xi32>], vector<16xf32>,
      %broadcast_in_dim3A_741 = arith.constant 104 : i32
      %broadcast_in_dim3A_742 = vector.broadcast %broadcast_in_dim3A_741 : i32 to vector<16xi32>
      tpu.vector_store_idx %arg14[%add3A_114, %broadcast_in_dim3A_742], %gather3A_740 : memref<256x257xf32, #tpu.memory_space<vmem>>[vector<16xi32>, vector<16xi32>], vector<16xf32>,
      %gather3A_743 = tpu.vector_load_idx %arg18[%add3A_250, %broadcast_in_dim3A_738] : memref<130x64xf32, #tpu.memory_space<vmem>>[vector<16xi32>, vector<16xi32>], vector<16xf32>,
      %broadcast_in_dim3A_744 = arith.constant 168 : i32
      %broadcast_in_dim3A_745 = vector.broadcast %broadcast_in_dim3A_744 : i32 to vector<16xi32>
      tpu.vector_store_idx %arg14[%add3A_114, %broadcast_in_dim3A_745], %gather3A_743 : memref<256x257xf32, #tpu.memory_space<vmem>>[vector<16xi32>, vector<16xi32>], vector<16xf32>,
      %gather3A_746 = tpu.vector_load_idx %arg18[%add3A_253, %broadcast_in_dim3A_738] : memref<130x64xf32, #tpu.memory_space<vmem>>[vector<16xi32>, vector<16xi32>], vector<16xf32>,
      %broadcast_in_dim3A_747 = arith.constant 233 : i32
      %broadcast_in_dim3A_748 = vector.broadcast %broadcast_in_dim3A_747 : i32 to vector<16xi32>
      tpu.vector_store_idx %arg14[%add3A_114, %broadcast_in_dim3A_748], %gather3A_746 : memref<256x257xf32, #tpu.memory_space<vmem>>[vector<16xi32>, vector<16xi32>], vector<16xf32>,
      %broadcast_in_dim3A_749 = arith.constant 41 : i32
      %broadcast_in_dim3A_750 = vector.broadcast %broadcast_in_dim3A_749 : i32 to vector<16xi32>
      %gather3A_751 = tpu.vector_load_idx %arg13[%add3A_120, %broadcast_in_dim3A_750] : memref<512x64xf32, #tpu.memory_space<vmem>>[vector<16xi32>, vector<16xi32>], vector<16xf32>,
      tpu.vector_store_idx %arg14[%add3A_114, %broadcast_in_dim3A_750], %gather3A_751 : memref<256x257xf32, #tpu.memory_space<vmem>>[vector<16xi32>, vector<16xi32>], vector<16xf32>,
      %gather3A_752 = tpu.vector_load_idx %arg18[%add3A_247, %broadcast_in_dim3A_750] : memref<130x64xf32, #tpu.memory_space<vmem>>[vector<16xi32>, vector<16xi32>], vector<16xf32>,
      %broadcast_in_dim3A_753 = arith.constant 105 : i32
      %broadcast_in_dim3A_754 = vector.broadcast %broadcast_in_dim3A_753 : i32 to vector<16xi32>
      tpu.vector_store_idx %arg14[%add3A_114, %broadcast_in_dim3A_754], %gather3A_752 : memref<256x257xf32, #tpu.memory_space<vmem>>[vector<16xi32>, vector<16xi32>], vector<16xf32>,
      %gather3A_755 = tpu.vector_load_idx %arg18[%add3A_250, %broadcast_in_dim3A_750] : memref<130x64xf32, #tpu.memory_space<vmem>>[vector<16xi32>, vector<16xi32>], vector<16xf32>,
      %broadcast_in_dim3A_756 = arith.constant 169 : i32
      %broadcast_in_dim3A_757 = vector.broadcast %broadcast_in_dim3A_756 : i32 to vector<16xi32>
      tpu.vector_store_idx %arg14[%add3A_114, %broadcast_in_dim3A_757], %gather3A_755 : memref<256x257xf32, #tpu.memory_space<vmem>>[vector<16xi32>, vector<16xi32>], vector<16xf32>,
      %gather3A_758 = tpu.vector_load_idx %arg18[%add3A_253, %broadcast_in_dim3A_750] : memref<130x64xf32, #tpu.memory_space<vmem>>[vector<16xi32>, vector<16xi32>], vector<16xf32>,
      %broadcast_in_dim3A_759 = arith.constant 234 : i32
      %broadcast_in_dim3A_760 = vector.broadcast %broadcast_in_dim3A_759 : i32 to vector<16xi32>
      tpu.vector_store_idx %arg14[%add3A_114, %broadcast_in_dim3A_760], %gather3A_758 : memref<256x257xf32, #tpu.memory_space<vmem>>[vector<16xi32>, vector<16xi32>], vector<16xf32>,
      %broadcast_in_dim3A_761 = arith.constant 42 : i32
      %broadcast_in_dim3A_762 = vector.broadcast %broadcast_in_dim3A_761 : i32 to vector<16xi32>
      %gather3A_763 = tpu.vector_load_idx %arg13[%add3A_120, %broadcast_in_dim3A_762] : memref<512x64xf32, #tpu.memory_space<vmem>>[vector<16xi32>, vector<16xi32>], vector<16xf32>,
      tpu.vector_store_idx %arg14[%add3A_114, %broadcast_in_dim3A_762], %gather3A_763 : memref<256x257xf32, #tpu.memory_space<vmem>>[vector<16xi32>, vector<16xi32>], vector<16xf32>,
      %gather3A_764 = tpu.vector_load_idx %arg18[%add3A_247, %broadcast_in_dim3A_762] : memref<130x64xf32, #tpu.memory_space<vmem>>[vector<16xi32>, vector<16xi32>], vector<16xf32>,
      %broadcast_in_dim3A_765 = arith.constant 106 : i32
      %broadcast_in_dim3A_766 = vector.broadcast %broadcast_in_dim3A_765 : i32 to vector<16xi32>
      tpu.vector_store_idx %arg14[%add3A_114, %broadcast_in_dim3A_766], %gather3A_764 : memref<256x257xf32, #tpu.memory_space<vmem>>[vector<16xi32>, vector<16xi32>], vector<16xf32>,
      %gather3A_767 = tpu.vector_load_idx %arg18[%add3A_250, %broadcast_in_dim3A_762] : memref<130x64xf32, #tpu.memory_space<vmem>>[vector<16xi32>, vector<16xi32>], vector<16xf32>,
      %broadcast_in_dim3A_768 = arith.constant 170 : i32
      %broadcast_in_dim3A_769 = vector.broadcast %broadcast_in_dim3A_768 : i32 to vector<16xi32>
      tpu.vector_store_idx %arg14[%add3A_114, %broadcast_in_dim3A_769], %gather3A_767 : memref<256x257xf32, #tpu.memory_space<vmem>>[vector<16xi32>, vector<16xi32>], vector<16xf32>,
      %gather3A_770 = tpu.vector_load_idx %arg18[%add3A_253, %broadcast_in_dim3A_762] : memref<130x64xf32, #tpu.memory_space<vmem>>[vector<16xi32>, vector<16xi32>], vector<16xf32>,
      %broadcast_in_dim3A_771 = arith.constant 235 : i32
      %broadcast_in_dim3A_772 = vector.broadcast %broadcast_in_dim3A_771 : i32 to vector<16xi32>
      tpu.vector_store_idx %arg14[%add3A_114, %broadcast_in_dim3A_772], %gather3A_770 : memref<256x257xf32, #tpu.memory_space<vmem>>[vector<16xi32>, vector<16xi32>], vector<16xf32>,
      %broadcast_in_dim3A_773 = arith.constant 43 : i32
      %broadcast_in_dim3A_774 = vector.broadcast %broadcast_in_dim3A_773 : i32 to vector<16xi32>
      %gather3A_775 = tpu.vector_load_idx %arg13[%add3A_120, %broadcast_in_dim3A_774] : memref<512x64xf32, #tpu.memory_space<vmem>>[vector<16xi32>, vector<16xi32>], vector<16xf32>,
      tpu.vector_store_idx %arg14[%add3A_114, %broadcast_in_dim3A_774], %gather3A_775 : memref<256x257xf32, #tpu.memory_space<vmem>>[vector<16xi32>, vector<16xi32>], vector<16xf32>,
      %gather3A_776 = tpu.vector_load_idx %arg18[%add3A_247, %broadcast_in_dim3A_774] : memref<130x64xf32, #tpu.memory_space<vmem>>[vector<16xi32>, vector<16xi32>], vector<16xf32>,
      %broadcast_in_dim3A_777 = arith.constant 107 : i32
      %broadcast_in_dim3A_778 = vector.broadcast %broadcast_in_dim3A_777 : i32 to vector<16xi32>
      tpu.vector_store_idx %arg14[%add3A_114, %broadcast_in_dim3A_778], %gather3A_776 : memref<256x257xf32, #tpu.memory_space<vmem>>[vector<16xi32>, vector<16xi32>], vector<16xf32>,
      %gather3A_779 = tpu.vector_load_idx %arg18[%add3A_250, %broadcast_in_dim3A_774] : memref<130x64xf32, #tpu.memory_space<vmem>>[vector<16xi32>, vector<16xi32>], vector<16xf32>,
      %broadcast_in_dim3A_780 = arith.constant 171 : i32
      %broadcast_in_dim3A_781 = vector.broadcast %broadcast_in_dim3A_780 : i32 to vector<16xi32>
      tpu.vector_store_idx %arg14[%add3A_114, %broadcast_in_dim3A_781], %gather3A_779 : memref<256x257xf32, #tpu.memory_space<vmem>>[vector<16xi32>, vector<16xi32>], vector<16xf32>,
      %gather3A_782 = tpu.vector_load_idx %arg18[%add3A_253, %broadcast_in_dim3A_774] : memref<130x64xf32, #tpu.memory_space<vmem>>[vector<16xi32>, vector<16xi32>], vector<16xf32>,
      %broadcast_in_dim3A_783 = arith.constant 236 : i32
      %broadcast_in_dim3A_784 = vector.broadcast %broadcast_in_dim3A_783 : i32 to vector<16xi32>
      tpu.vector_store_idx %arg14[%add3A_114, %broadcast_in_dim3A_784], %gather3A_782 : memref<256x257xf32, #tpu.memory_space<vmem>>[vector<16xi32>, vector<16xi32>], vector<16xf32>,
      %broadcast_in_dim3A_785 = arith.constant 44 : i32
      %broadcast_in_dim3A_786 = vector.broadcast %broadcast_in_dim3A_785 : i32 to vector<16xi32>
      %gather3A_787 = tpu.vector_load_idx %arg13[%add3A_120, %broadcast_in_dim3A_786] : memref<512x64xf32, #tpu.memory_space<vmem>>[vector<16xi32>, vector<16xi32>], vector<16xf32>,
      tpu.vector_store_idx %arg14[%add3A_114, %broadcast_in_dim3A_786], %gather3A_787 : memref<256x257xf32, #tpu.memory_space<vmem>>[vector<16xi32>, vector<16xi32>], vector<16xf32>,
      %gather3A_788 = tpu.vector_load_idx %arg18[%add3A_247, %broadcast_in_dim3A_786] : memref<130x64xf32, #tpu.memory_space<vmem>>[vector<16xi32>, vector<16xi32>], vector<16xf32>,
      %broadcast_in_dim3A_789 = arith.constant 108 : i32
      %broadcast_in_dim3A_790 = vector.broadcast %broadcast_in_dim3A_789 : i32 to vector<16xi32>
      tpu.vector_store_idx %arg14[%add3A_114, %broadcast_in_dim3A_790], %gather3A_788 : memref<256x257xf32, #tpu.memory_space<vmem>>[vector<16xi32>, vector<16xi32>], vector<16xf32>,
      %gather3A_791 = tpu.vector_load_idx %arg18[%add3A_250, %broadcast_in_dim3A_786] : memref<130x64xf32, #tpu.memory_space<vmem>>[vector<16xi32>, vector<16xi32>], vector<16xf32>,
      %broadcast_in_dim3A_792 = arith.constant 172 : i32
      %broadcast_in_dim3A_793 = vector.broadcast %broadcast_in_dim3A_792 : i32 to vector<16xi32>
      tpu.vector_store_idx %arg14[%add3A_114, %broadcast_in_dim3A_793], %gather3A_791 : memref<256x257xf32, #tpu.memory_space<vmem>>[vector<16xi32>, vector<16xi32>], vector<16xf32>,
      %gather3A_794 = tpu.vector_load_idx %arg18[%add3A_253, %broadcast_in_dim3A_786] : memref<130x64xf32, #tpu.memory_space<vmem>>[vector<16xi32>, vector<16xi32>], vector<16xf32>,
      %broadcast_in_dim3A_795 = arith.constant 237 : i32
      %broadcast_in_dim3A_796 = vector.broadcast %broadcast_in_dim3A_795 : i32 to vector<16xi32>
      tpu.vector_store_idx %arg14[%add3A_114, %broadcast_in_dim3A_796], %gather3A_794 : memref<256x257xf32, #tpu.memory_space<vmem>>[vector<16xi32>, vector<16xi32>], vector<16xf32>,
      %broadcast_in_dim3A_797 = arith.constant 45 : i32
      %broadcast_in_dim3A_798 = vector.broadcast %broadcast_in_dim3A_797 : i32 to vector<16xi32>
      %gather3A_799 = tpu.vector_load_idx %arg13[%add3A_120, %broadcast_in_dim3A_798] : memref<512x64xf32, #tpu.memory_space<vmem>>[vector<16xi32>, vector<16xi32>], vector<16xf32>,
      tpu.vector_store_idx %arg14[%add3A_114, %broadcast_in_dim3A_798], %gather3A_799 : memref<256x257xf32, #tpu.memory_space<vmem>>[vector<16xi32>, vector<16xi32>], vector<16xf32>,
      %gather3A_800 = tpu.vector_load_idx %arg18[%add3A_247, %broadcast_in_dim3A_798] : memref<130x64xf32, #tpu.memory_space<vmem>>[vector<16xi32>, vector<16xi32>], vector<16xf32>,
      %broadcast_in_dim3A_801 = arith.constant 109 : i32
      %broadcast_in_dim3A_802 = vector.broadcast %broadcast_in_dim3A_801 : i32 to vector<16xi32>
      tpu.vector_store_idx %arg14[%add3A_114, %broadcast_in_dim3A_802], %gather3A_800 : memref<256x257xf32, #tpu.memory_space<vmem>>[vector<16xi32>, vector<16xi32>], vector<16xf32>,
      %gather3A_803 = tpu.vector_load_idx %arg18[%add3A_250, %broadcast_in_dim3A_798] : memref<130x64xf32, #tpu.memory_space<vmem>>[vector<16xi32>, vector<16xi32>], vector<16xf32>,
      %broadcast_in_dim3A_804 = arith.constant 173 : i32
      %broadcast_in_dim3A_805 = vector.broadcast %broadcast_in_dim3A_804 : i32 to vector<16xi32>
      tpu.vector_store_idx %arg14[%add3A_114, %broadcast_in_dim3A_805], %gather3A_803 : memref<256x257xf32, #tpu.memory_space<vmem>>[vector<16xi32>, vector<16xi32>], vector<16xf32>,
      %gather3A_806 = tpu.vector_load_idx %arg18[%add3A_253, %broadcast_in_dim3A_798] : memref<130x64xf32, #tpu.memory_space<vmem>>[vector<16xi32>, vector<16xi32>], vector<16xf32>,
      %broadcast_in_dim3A_807 = arith.constant 238 : i32
      %broadcast_in_dim3A_808 = vector.broadcast %broadcast_in_dim3A_807 : i32 to vector<16xi32>
      tpu.vector_store_idx %arg14[%add3A_114, %broadcast_in_dim3A_808], %gather3A_806 : memref<256x257xf32, #tpu.memory_space<vmem>>[vector<16xi32>, vector<16xi32>], vector<16xf32>,
      %broadcast_in_dim3A_809 = arith.constant 46 : i32
      %broadcast_in_dim3A_810 = vector.broadcast %broadcast_in_dim3A_809 : i32 to vector<16xi32>
      %gather3A_811 = tpu.vector_load_idx %arg13[%add3A_120, %broadcast_in_dim3A_810] : memref<512x64xf32, #tpu.memory_space<vmem>>[vector<16xi32>, vector<16xi32>], vector<16xf32>,
      tpu.vector_store_idx %arg14[%add3A_114, %broadcast_in_dim3A_810], %gather3A_811 : memref<256x257xf32, #tpu.memory_space<vmem>>[vector<16xi32>, vector<16xi32>], vector<16xf32>,
      %gather3A_812 = tpu.vector_load_idx %arg18[%add3A_247, %broadcast_in_dim3A_810] : memref<130x64xf32, #tpu.memory_space<vmem>>[vector<16xi32>, vector<16xi32>], vector<16xf32>,
      %broadcast_in_dim3A_813 = arith.constant 110 : i32
      %broadcast_in_dim3A_814 = vector.broadcast %broadcast_in_dim3A_813 : i32 to vector<16xi32>
      tpu.vector_store_idx %arg14[%add3A_114, %broadcast_in_dim3A_814], %gather3A_812 : memref<256x257xf32, #tpu.memory_space<vmem>>[vector<16xi32>, vector<16xi32>], vector<16xf32>,
      %gather3A_815 = tpu.vector_load_idx %arg18[%add3A_250, %broadcast_in_dim3A_810] : memref<130x64xf32, #tpu.memory_space<vmem>>[vector<16xi32>, vector<16xi32>], vector<16xf32>,
      %broadcast_in_dim3A_816 = arith.constant 174 : i32
      %broadcast_in_dim3A_817 = vector.broadcast %broadcast_in_dim3A_816 : i32 to vector<16xi32>
      tpu.vector_store_idx %arg14[%add3A_114, %broadcast_in_dim3A_817], %gather3A_815 : memref<256x257xf32, #tpu.memory_space<vmem>>[vector<16xi32>, vector<16xi32>], vector<16xf32>,
      %gather3A_818 = tpu.vector_load_idx %arg18[%add3A_253, %broadcast_in_dim3A_810] : memref<130x64xf32, #tpu.memory_space<vmem>>[vector<16xi32>, vector<16xi32>], vector<16xf32>,
      %broadcast_in_dim3A_819 = arith.constant 239 : i32
      %broadcast_in_dim3A_820 = vector.broadcast %broadcast_in_dim3A_819 : i32 to vector<16xi32>
      tpu.vector_store_idx %arg14[%add3A_114, %broadcast_in_dim3A_820], %gather3A_818 : memref<256x257xf32, #tpu.memory_space<vmem>>[vector<16xi32>, vector<16xi32>], vector<16xf32>,
      %broadcast_in_dim3A_821 = arith.constant 47 : i32
      %broadcast_in_dim3A_822 = vector.broadcast %broadcast_in_dim3A_821 : i32 to vector<16xi32>
      %gather3A_823 = tpu.vector_load_idx %arg13[%add3A_120, %broadcast_in_dim3A_822] : memref<512x64xf32, #tpu.memory_space<vmem>>[vector<16xi32>, vector<16xi32>], vector<16xf32>,
      tpu.vector_store_idx %arg14[%add3A_114, %broadcast_in_dim3A_822], %gather3A_823 : memref<256x257xf32, #tpu.memory_space<vmem>>[vector<16xi32>, vector<16xi32>], vector<16xf32>,
      %gather3A_824 = tpu.vector_load_idx %arg18[%add3A_247, %broadcast_in_dim3A_822] : memref<130x64xf32, #tpu.memory_space<vmem>>[vector<16xi32>, vector<16xi32>], vector<16xf32>,
      %broadcast_in_dim3A_825 = arith.constant 111 : i32
      %broadcast_in_dim3A_826 = vector.broadcast %broadcast_in_dim3A_825 : i32 to vector<16xi32>
      tpu.vector_store_idx %arg14[%add3A_114, %broadcast_in_dim3A_826], %gather3A_824 : memref<256x257xf32, #tpu.memory_space<vmem>>[vector<16xi32>, vector<16xi32>], vector<16xf32>,
      %gather3A_827 = tpu.vector_load_idx %arg18[%add3A_250, %broadcast_in_dim3A_822] : memref<130x64xf32, #tpu.memory_space<vmem>>[vector<16xi32>, vector<16xi32>], vector<16xf32>,
      %broadcast_in_dim3A_828 = arith.constant 175 : i32
      %broadcast_in_dim3A_829 = vector.broadcast %broadcast_in_dim3A_828 : i32 to vector<16xi32>
      tpu.vector_store_idx %arg14[%add3A_114, %broadcast_in_dim3A_829], %gather3A_827 : memref<256x257xf32, #tpu.memory_space<vmem>>[vector<16xi32>, vector<16xi32>], vector<16xf32>,
      %gather3A_830 = tpu.vector_load_idx %arg18[%add3A_253, %broadcast_in_dim3A_822] : memref<130x64xf32, #tpu.memory_space<vmem>>[vector<16xi32>, vector<16xi32>], vector<16xf32>,
      %broadcast_in_dim3A_831 = arith.constant 240 : i32
      %broadcast_in_dim3A_832 = vector.broadcast %broadcast_in_dim3A_831 : i32 to vector<16xi32>
      tpu.vector_store_idx %arg14[%add3A_114, %broadcast_in_dim3A_832], %gather3A_830 : memref<256x257xf32, #tpu.memory_space<vmem>>[vector<16xi32>, vector<16xi32>], vector<16xf32>,
      %broadcast_in_dim3A_833 = arith.constant 48 : i32
      %broadcast_in_dim3A_834 = vector.broadcast %broadcast_in_dim3A_833 : i32 to vector<16xi32>
      %gather3A_835 = tpu.vector_load_idx %arg13[%add3A_120, %broadcast_in_dim3A_834] : memref<512x64xf32, #tpu.memory_space<vmem>>[vector<16xi32>, vector<16xi32>], vector<16xf32>,
      tpu.vector_store_idx %arg14[%add3A_114, %broadcast_in_dim3A_834], %gather3A_835 : memref<256x257xf32, #tpu.memory_space<vmem>>[vector<16xi32>, vector<16xi32>], vector<16xf32>,
      %gather3A_836 = tpu.vector_load_idx %arg18[%add3A_247, %broadcast_in_dim3A_834] : memref<130x64xf32, #tpu.memory_space<vmem>>[vector<16xi32>, vector<16xi32>], vector<16xf32>,
      %broadcast_in_dim3A_837 = arith.constant 112 : i32
      %broadcast_in_dim3A_838 = vector.broadcast %broadcast_in_dim3A_837 : i32 to vector<16xi32>
      tpu.vector_store_idx %arg14[%add3A_114, %broadcast_in_dim3A_838], %gather3A_836 : memref<256x257xf32, #tpu.memory_space<vmem>>[vector<16xi32>, vector<16xi32>], vector<16xf32>,
      %gather3A_839 = tpu.vector_load_idx %arg18[%add3A_250, %broadcast_in_dim3A_834] : memref<130x64xf32, #tpu.memory_space<vmem>>[vector<16xi32>, vector<16xi32>], vector<16xf32>,
      %broadcast_in_dim3A_840 = arith.constant 176 : i32
      %broadcast_in_dim3A_841 = vector.broadcast %broadcast_in_dim3A_840 : i32 to vector<16xi32>
      tpu.vector_store_idx %arg14[%add3A_114, %broadcast_in_dim3A_841], %gather3A_839 : memref<256x257xf32, #tpu.memory_space<vmem>>[vector<16xi32>, vector<16xi32>], vector<16xf32>,
      %gather3A_842 = tpu.vector_load_idx %arg18[%add3A_253, %broadcast_in_dim3A_834] : memref<130x64xf32, #tpu.memory_space<vmem>>[vector<16xi32>, vector<16xi32>], vector<16xf32>,
      %broadcast_in_dim3A_843 = arith.constant 241 : i32
      %broadcast_in_dim3A_844 = vector.broadcast %broadcast_in_dim3A_843 : i32 to vector<16xi32>
      tpu.vector_store_idx %arg14[%add3A_114, %broadcast_in_dim3A_844], %gather3A_842 : memref<256x257xf32, #tpu.memory_space<vmem>>[vector<16xi32>, vector<16xi32>], vector<16xf32>,
      %broadcast_in_dim3A_845 = arith.constant 49 : i32
      %broadcast_in_dim3A_846 = vector.broadcast %broadcast_in_dim3A_845 : i32 to vector<16xi32>
      %gather3A_847 = tpu.vector_load_idx %arg13[%add3A_120, %broadcast_in_dim3A_846] : memref<512x64xf32, #tpu.memory_space<vmem>>[vector<16xi32>, vector<16xi32>], vector<16xf32>,
      tpu.vector_store_idx %arg14[%add3A_114, %broadcast_in_dim3A_846], %gather3A_847 : memref<256x257xf32, #tpu.memory_space<vmem>>[vector<16xi32>, vector<16xi32>], vector<16xf32>,
      %gather3A_848 = tpu.vector_load_idx %arg18[%add3A_247, %broadcast_in_dim3A_846] : memref<130x64xf32, #tpu.memory_space<vmem>>[vector<16xi32>, vector<16xi32>], vector<16xf32>,
      %broadcast_in_dim3A_849 = arith.constant 113 : i32
      %broadcast_in_dim3A_850 = vector.broadcast %broadcast_in_dim3A_849 : i32 to vector<16xi32>
      tpu.vector_store_idx %arg14[%add3A_114, %broadcast_in_dim3A_850], %gather3A_848 : memref<256x257xf32, #tpu.memory_space<vmem>>[vector<16xi32>, vector<16xi32>], vector<16xf32>,
      %gather3A_851 = tpu.vector_load_idx %arg18[%add3A_250, %broadcast_in_dim3A_846] : memref<130x64xf32, #tpu.memory_space<vmem>>[vector<16xi32>, vector<16xi32>], vector<16xf32>,
      %broadcast_in_dim3A_852 = arith.constant 177 : i32
      %broadcast_in_dim3A_853 = vector.broadcast %broadcast_in_dim3A_852 : i32 to vector<16xi32>
      tpu.vector_store_idx %arg14[%add3A_114, %broadcast_in_dim3A_853], %gather3A_851 : memref<256x257xf32, #tpu.memory_space<vmem>>[vector<16xi32>, vector<16xi32>], vector<16xf32>,
      %gather3A_854 = tpu.vector_load_idx %arg18[%add3A_253, %broadcast_in_dim3A_846] : memref<130x64xf32, #tpu.memory_space<vmem>>[vector<16xi32>, vector<16xi32>], vector<16xf32>,
      %broadcast_in_dim3A_855 = arith.constant 242 : i32
      %broadcast_in_dim3A_856 = vector.broadcast %broadcast_in_dim3A_855 : i32 to vector<16xi32>
      tpu.vector_store_idx %arg14[%add3A_114, %broadcast_in_dim3A_856], %gather3A_854 : memref<256x257xf32, #tpu.memory_space<vmem>>[vector<16xi32>, vector<16xi32>], vector<16xf32>,
      %broadcast_in_dim3A_857 = arith.constant 50 : i32
      %broadcast_in_dim3A_858 = vector.broadcast %broadcast_in_dim3A_857 : i32 to vector<16xi32>
      %gather3A_859 = tpu.vector_load_idx %arg13[%add3A_120, %broadcast_in_dim3A_858] : memref<512x64xf32, #tpu.memory_space<vmem>>[vector<16xi32>, vector<16xi32>], vector<16xf32>,
      tpu.vector_store_idx %arg14[%add3A_114, %broadcast_in_dim3A_858], %gather3A_859 : memref<256x257xf32, #tpu.memory_space<vmem>>[vector<16xi32>, vector<16xi32>], vector<16xf32>,
      %gather3A_860 = tpu.vector_load_idx %arg18[%add3A_247, %broadcast_in_dim3A_858] : memref<130x64xf32, #tpu.memory_space<vmem>>[vector<16xi32>, vector<16xi32>], vector<16xf32>,
      %broadcast_in_dim3A_861 = arith.constant 114 : i32
      %broadcast_in_dim3A_862 = vector.broadcast %broadcast_in_dim3A_861 : i32 to vector<16xi32>
      tpu.vector_store_idx %arg14[%add3A_114, %broadcast_in_dim3A_862], %gather3A_860 : memref<256x257xf32, #tpu.memory_space<vmem>>[vector<16xi32>, vector<16xi32>], vector<16xf32>,
      %gather3A_863 = tpu.vector_load_idx %arg18[%add3A_250, %broadcast_in_dim3A_858] : memref<130x64xf32, #tpu.memory_space<vmem>>[vector<16xi32>, vector<16xi32>], vector<16xf32>,
      %broadcast_in_dim3A_864 = arith.constant 178 : i32
      %broadcast_in_dim3A_865 = vector.broadcast %broadcast_in_dim3A_864 : i32 to vector<16xi32>
      tpu.vector_store_idx %arg14[%add3A_114, %broadcast_in_dim3A_865], %gather3A_863 : memref<256x257xf32, #tpu.memory_space<vmem>>[vector<16xi32>, vector<16xi32>], vector<16xf32>,
      %gather3A_866 = tpu.vector_load_idx %arg18[%add3A_253, %broadcast_in_dim3A_858] : memref<130x64xf32, #tpu.memory_space<vmem>>[vector<16xi32>, vector<16xi32>], vector<16xf32>,
      %broadcast_in_dim3A_867 = arith.constant 243 : i32
      %broadcast_in_dim3A_868 = vector.broadcast %broadcast_in_dim3A_867 : i32 to vector<16xi32>
      tpu.vector_store_idx %arg14[%add3A_114, %broadcast_in_dim3A_868], %gather3A_866 : memref<256x257xf32, #tpu.memory_space<vmem>>[vector<16xi32>, vector<16xi32>], vector<16xf32>,
      %broadcast_in_dim3A_869 = arith.constant 51 : i32
      %broadcast_in_dim3A_870 = vector.broadcast %broadcast_in_dim3A_869 : i32 to vector<16xi32>
      %gather3A_871 = tpu.vector_load_idx %arg13[%add3A_120, %broadcast_in_dim3A_870] : memref<512x64xf32, #tpu.memory_space<vmem>>[vector<16xi32>, vector<16xi32>], vector<16xf32>,
      tpu.vector_store_idx %arg14[%add3A_114, %broadcast_in_dim3A_870], %gather3A_871 : memref<256x257xf32, #tpu.memory_space<vmem>>[vector<16xi32>, vector<16xi32>], vector<16xf32>,
      %gather3A_872 = tpu.vector_load_idx %arg18[%add3A_247, %broadcast_in_dim3A_870] : memref<130x64xf32, #tpu.memory_space<vmem>>[vector<16xi32>, vector<16xi32>], vector<16xf32>,
      %broadcast_in_dim3A_873 = arith.constant 115 : i32
      %broadcast_in_dim3A_874 = vector.broadcast %broadcast_in_dim3A_873 : i32 to vector<16xi32>
      tpu.vector_store_idx %arg14[%add3A_114, %broadcast_in_dim3A_874], %gather3A_872 : memref<256x257xf32, #tpu.memory_space<vmem>>[vector<16xi32>, vector<16xi32>], vector<16xf32>,
      %gather3A_875 = tpu.vector_load_idx %arg18[%add3A_250, %broadcast_in_dim3A_870] : memref<130x64xf32, #tpu.memory_space<vmem>>[vector<16xi32>, vector<16xi32>], vector<16xf32>,
      %broadcast_in_dim3A_876 = arith.constant 179 : i32
      %broadcast_in_dim3A_877 = vector.broadcast %broadcast_in_dim3A_876 : i32 to vector<16xi32>
      tpu.vector_store_idx %arg14[%add3A_114, %broadcast_in_dim3A_877], %gather3A_875 : memref<256x257xf32, #tpu.memory_space<vmem>>[vector<16xi32>, vector<16xi32>], vector<16xf32>,
      %gather3A_878 = tpu.vector_load_idx %arg18[%add3A_253, %broadcast_in_dim3A_870] : memref<130x64xf32, #tpu.memory_space<vmem>>[vector<16xi32>, vector<16xi32>], vector<16xf32>,
      %broadcast_in_dim3A_879 = arith.constant 244 : i32
      %broadcast_in_dim3A_880 = vector.broadcast %broadcast_in_dim3A_879 : i32 to vector<16xi32>
      tpu.vector_store_idx %arg14[%add3A_114, %broadcast_in_dim3A_880], %gather3A_878 : memref<256x257xf32, #tpu.memory_space<vmem>>[vector<16xi32>, vector<16xi32>], vector<16xf32>,
      %broadcast_in_dim3A_881 = arith.constant 52 : i32
      %broadcast_in_dim3A_882 = vector.broadcast %broadcast_in_dim3A_881 : i32 to vector<16xi32>
      %gather3A_883 = tpu.vector_load_idx %arg13[%add3A_120, %broadcast_in_dim3A_882] : memref<512x64xf32, #tpu.memory_space<vmem>>[vector<16xi32>, vector<16xi32>], vector<16xf32>,
      tpu.vector_store_idx %arg14[%add3A_114, %broadcast_in_dim3A_882], %gather3A_883 : memref<256x257xf32, #tpu.memory_space<vmem>>[vector<16xi32>, vector<16xi32>], vector<16xf32>,
      %gather3A_884 = tpu.vector_load_idx %arg18[%add3A_247, %broadcast_in_dim3A_882] : memref<130x64xf32, #tpu.memory_space<vmem>>[vector<16xi32>, vector<16xi32>], vector<16xf32>,
      %broadcast_in_dim3A_885 = arith.constant 116 : i32
      %broadcast_in_dim3A_886 = vector.broadcast %broadcast_in_dim3A_885 : i32 to vector<16xi32>
      tpu.vector_store_idx %arg14[%add3A_114, %broadcast_in_dim3A_886], %gather3A_884 : memref<256x257xf32, #tpu.memory_space<vmem>>[vector<16xi32>, vector<16xi32>], vector<16xf32>,
      %gather3A_887 = tpu.vector_load_idx %arg18[%add3A_250, %broadcast_in_dim3A_882] : memref<130x64xf32, #tpu.memory_space<vmem>>[vector<16xi32>, vector<16xi32>], vector<16xf32>,
      %broadcast_in_dim3A_888 = arith.constant 180 : i32
      %broadcast_in_dim3A_889 = vector.broadcast %broadcast_in_dim3A_888 : i32 to vector<16xi32>
      tpu.vector_store_idx %arg14[%add3A_114, %broadcast_in_dim3A_889], %gather3A_887 : memref<256x257xf32, #tpu.memory_space<vmem>>[vector<16xi32>, vector<16xi32>], vector<16xf32>,
      %gather3A_890 = tpu.vector_load_idx %arg18[%add3A_253, %broadcast_in_dim3A_882] : memref<130x64xf32, #tpu.memory_space<vmem>>[vector<16xi32>, vector<16xi32>], vector<16xf32>,
      %broadcast_in_dim3A_891 = arith.constant 245 : i32
      %broadcast_in_dim3A_892 = vector.broadcast %broadcast_in_dim3A_891 : i32 to vector<16xi32>
      tpu.vector_store_idx %arg14[%add3A_114, %broadcast_in_dim3A_892], %gather3A_890 : memref<256x257xf32, #tpu.memory_space<vmem>>[vector<16xi32>, vector<16xi32>], vector<16xf32>,
      %broadcast_in_dim3A_893 = arith.constant 53 : i32
      %broadcast_in_dim3A_894 = vector.broadcast %broadcast_in_dim3A_893 : i32 to vector<16xi32>
      %gather3A_895 = tpu.vector_load_idx %arg13[%add3A_120, %broadcast_in_dim3A_894] : memref<512x64xf32, #tpu.memory_space<vmem>>[vector<16xi32>, vector<16xi32>], vector<16xf32>,
      tpu.vector_store_idx %arg14[%add3A_114, %broadcast_in_dim3A_894], %gather3A_895 : memref<256x257xf32, #tpu.memory_space<vmem>>[vector<16xi32>, vector<16xi32>], vector<16xf32>,
      %gather3A_896 = tpu.vector_load_idx %arg18[%add3A_247, %broadcast_in_dim3A_894] : memref<130x64xf32, #tpu.memory_space<vmem>>[vector<16xi32>, vector<16xi32>], vector<16xf32>,
      %broadcast_in_dim3A_897 = arith.constant 117 : i32
      %broadcast_in_dim3A_898 = vector.broadcast %broadcast_in_dim3A_897 : i32 to vector<16xi32>
      tpu.vector_store_idx %arg14[%add3A_114, %broadcast_in_dim3A_898], %gather3A_896 : memref<256x257xf32, #tpu.memory_space<vmem>>[vector<16xi32>, vector<16xi32>], vector<16xf32>,
      %gather3A_899 = tpu.vector_load_idx %arg18[%add3A_250, %broadcast_in_dim3A_894] : memref<130x64xf32, #tpu.memory_space<vmem>>[vector<16xi32>, vector<16xi32>], vector<16xf32>,
      %broadcast_in_dim3A_900 = arith.constant 181 : i32
      %broadcast_in_dim3A_901 = vector.broadcast %broadcast_in_dim3A_900 : i32 to vector<16xi32>
      tpu.vector_store_idx %arg14[%add3A_114, %broadcast_in_dim3A_901], %gather3A_899 : memref<256x257xf32, #tpu.memory_space<vmem>>[vector<16xi32>, vector<16xi32>], vector<16xf32>,
      %gather3A_902 = tpu.vector_load_idx %arg18[%add3A_253, %broadcast_in_dim3A_894] : memref<130x64xf32, #tpu.memory_space<vmem>>[vector<16xi32>, vector<16xi32>], vector<16xf32>,
      %broadcast_in_dim3A_903 = arith.constant 246 : i32
      %broadcast_in_dim3A_904 = vector.broadcast %broadcast_in_dim3A_903 : i32 to vector<16xi32>
      tpu.vector_store_idx %arg14[%add3A_114, %broadcast_in_dim3A_904], %gather3A_902 : memref<256x257xf32, #tpu.memory_space<vmem>>[vector<16xi32>, vector<16xi32>], vector<16xf32>,
      %broadcast_in_dim3A_905 = arith.constant 54 : i32
      %broadcast_in_dim3A_906 = vector.broadcast %broadcast_in_dim3A_905 : i32 to vector<16xi32>
      %gather3A_907 = tpu.vector_load_idx %arg13[%add3A_120, %broadcast_in_dim3A_906] : memref<512x64xf32, #tpu.memory_space<vmem>>[vector<16xi32>, vector<16xi32>], vector<16xf32>,
      tpu.vector_store_idx %arg14[%add3A_114, %broadcast_in_dim3A_906], %gather3A_907 : memref<256x257xf32, #tpu.memory_space<vmem>>[vector<16xi32>, vector<16xi32>], vector<16xf32>,
      %gather3A_908 = tpu.vector_load_idx %arg18[%add3A_247, %broadcast_in_dim3A_906] : memref<130x64xf32, #tpu.memory_space<vmem>>[vector<16xi32>, vector<16xi32>], vector<16xf32>,
      %broadcast_in_dim3A_909 = arith.constant 118 : i32
      %broadcast_in_dim3A_910 = vector.broadcast %broadcast_in_dim3A_909 : i32 to vector<16xi32>
      tpu.vector_store_idx %arg14[%add3A_114, %broadcast_in_dim3A_910], %gather3A_908 : memref<256x257xf32, #tpu.memory_space<vmem>>[vector<16xi32>, vector<16xi32>], vector<16xf32>,
      %gather3A_911 = tpu.vector_load_idx %arg18[%add3A_250, %broadcast_in_dim3A_906] : memref<130x64xf32, #tpu.memory_space<vmem>>[vector<16xi32>, vector<16xi32>], vector<16xf32>,
      %broadcast_in_dim3A_912 = arith.constant 182 : i32
      %broadcast_in_dim3A_913 = vector.broadcast %broadcast_in_dim3A_912 : i32 to vector<16xi32>
      tpu.vector_store_idx %arg14[%add3A_114, %broadcast_in_dim3A_913], %gather3A_911 : memref<256x257xf32, #tpu.memory_space<vmem>>[vector<16xi32>, vector<16xi32>], vector<16xf32>,
      %gather3A_914 = tpu.vector_load_idx %arg18[%add3A_253, %broadcast_in_dim3A_906] : memref<130x64xf32, #tpu.memory_space<vmem>>[vector<16xi32>, vector<16xi32>], vector<16xf32>,
      %broadcast_in_dim3A_915 = arith.constant 247 : i32
      %broadcast_in_dim3A_916 = vector.broadcast %broadcast_in_dim3A_915 : i32 to vector<16xi32>
      tpu.vector_store_idx %arg14[%add3A_114, %broadcast_in_dim3A_916], %gather3A_914 : memref<256x257xf32, #tpu.memory_space<vmem>>[vector<16xi32>, vector<16xi32>], vector<16xf32>,
      %broadcast_in_dim3A_917 = arith.constant 55 : i32
      %broadcast_in_dim3A_918 = vector.broadcast %broadcast_in_dim3A_917 : i32 to vector<16xi32>
      %gather3A_919 = tpu.vector_load_idx %arg13[%add3A_120, %broadcast_in_dim3A_918] : memref<512x64xf32, #tpu.memory_space<vmem>>[vector<16xi32>, vector<16xi32>], vector<16xf32>,
      tpu.vector_store_idx %arg14[%add3A_114, %broadcast_in_dim3A_918], %gather3A_919 : memref<256x257xf32, #tpu.memory_space<vmem>>[vector<16xi32>, vector<16xi32>], vector<16xf32>,
      %gather3A_920 = tpu.vector_load_idx %arg18[%add3A_247, %broadcast_in_dim3A_918] : memref<130x64xf32, #tpu.memory_space<vmem>>[vector<16xi32>, vector<16xi32>], vector<16xf32>,
      %broadcast_in_dim3A_921 = arith.constant 119 : i32
      %broadcast_in_dim3A_922 = vector.broadcast %broadcast_in_dim3A_921 : i32 to vector<16xi32>
      tpu.vector_store_idx %arg14[%add3A_114, %broadcast_in_dim3A_922], %gather3A_920 : memref<256x257xf32, #tpu.memory_space<vmem>>[vector<16xi32>, vector<16xi32>], vector<16xf32>,
      %gather3A_923 = tpu.vector_load_idx %arg18[%add3A_250, %broadcast_in_dim3A_918] : memref<130x64xf32, #tpu.memory_space<vmem>>[vector<16xi32>, vector<16xi32>], vector<16xf32>,
      %broadcast_in_dim3A_924 = arith.constant 183 : i32
      %broadcast_in_dim3A_925 = vector.broadcast %broadcast_in_dim3A_924 : i32 to vector<16xi32>
      tpu.vector_store_idx %arg14[%add3A_114, %broadcast_in_dim3A_925], %gather3A_923 : memref<256x257xf32, #tpu.memory_space<vmem>>[vector<16xi32>, vector<16xi32>], vector<16xf32>,
      %gather3A_926 = tpu.vector_load_idx %arg18[%add3A_253, %broadcast_in_dim3A_918] : memref<130x64xf32, #tpu.memory_space<vmem>>[vector<16xi32>, vector<16xi32>], vector<16xf32>,
      %broadcast_in_dim3A_927 = arith.constant 248 : i32
      %broadcast_in_dim3A_928 = vector.broadcast %broadcast_in_dim3A_927 : i32 to vector<16xi32>
      tpu.vector_store_idx %arg14[%add3A_114, %broadcast_in_dim3A_928], %gather3A_926 : memref<256x257xf32, #tpu.memory_space<vmem>>[vector<16xi32>, vector<16xi32>], vector<16xf32>,
      %broadcast_in_dim3A_929 = arith.constant 56 : i32
      %broadcast_in_dim3A_930 = vector.broadcast %broadcast_in_dim3A_929 : i32 to vector<16xi32>
      %gather3A_931 = tpu.vector_load_idx %arg13[%add3A_120, %broadcast_in_dim3A_930] : memref<512x64xf32, #tpu.memory_space<vmem>>[vector<16xi32>, vector<16xi32>], vector<16xf32>,
      tpu.vector_store_idx %arg14[%add3A_114, %broadcast_in_dim3A_930], %gather3A_931 : memref<256x257xf32, #tpu.memory_space<vmem>>[vector<16xi32>, vector<16xi32>], vector<16xf32>,
      %gather3A_932 = tpu.vector_load_idx %arg18[%add3A_247, %broadcast_in_dim3A_930] : memref<130x64xf32, #tpu.memory_space<vmem>>[vector<16xi32>, vector<16xi32>], vector<16xf32>,
      %broadcast_in_dim3A_933 = arith.constant 120 : i32
      %broadcast_in_dim3A_934 = vector.broadcast %broadcast_in_dim3A_933 : i32 to vector<16xi32>
      tpu.vector_store_idx %arg14[%add3A_114, %broadcast_in_dim3A_934], %gather3A_932 : memref<256x257xf32, #tpu.memory_space<vmem>>[vector<16xi32>, vector<16xi32>], vector<16xf32>,
      %gather3A_935 = tpu.vector_load_idx %arg18[%add3A_250, %broadcast_in_dim3A_930] : memref<130x64xf32, #tpu.memory_space<vmem>>[vector<16xi32>, vector<16xi32>], vector<16xf32>,
      %broadcast_in_dim3A_936 = arith.constant 184 : i32
      %broadcast_in_dim3A_937 = vector.broadcast %broadcast_in_dim3A_936 : i32 to vector<16xi32>
      tpu.vector_store_idx %arg14[%add3A_114, %broadcast_in_dim3A_937], %gather3A_935 : memref<256x257xf32, #tpu.memory_space<vmem>>[vector<16xi32>, vector<16xi32>], vector<16xf32>,
      %gather3A_938 = tpu.vector_load_idx %arg18[%add3A_253, %broadcast_in_dim3A_930] : memref<130x64xf32, #tpu.memory_space<vmem>>[vector<16xi32>, vector<16xi32>], vector<16xf32>,
      %broadcast_in_dim3A_939 = arith.constant 249 : i32
      %broadcast_in_dim3A_940 = vector.broadcast %broadcast_in_dim3A_939 : i32 to vector<16xi32>
      tpu.vector_store_idx %arg14[%add3A_114, %broadcast_in_dim3A_940], %gather3A_938 : memref<256x257xf32, #tpu.memory_space<vmem>>[vector<16xi32>, vector<16xi32>], vector<16xf32>,
      %broadcast_in_dim3A_941 = arith.constant 57 : i32
      %broadcast_in_dim3A_942 = vector.broadcast %broadcast_in_dim3A_941 : i32 to vector<16xi32>
      %gather3A_943 = tpu.vector_load_idx %arg13[%add3A_120, %broadcast_in_dim3A_942] : memref<512x64xf32, #tpu.memory_space<vmem>>[vector<16xi32>, vector<16xi32>], vector<16xf32>,
      tpu.vector_store_idx %arg14[%add3A_114, %broadcast_in_dim3A_942], %gather3A_943 : memref<256x257xf32, #tpu.memory_space<vmem>>[vector<16xi32>, vector<16xi32>], vector<16xf32>,
      %gather3A_944 = tpu.vector_load_idx %arg18[%add3A_247, %broadcast_in_dim3A_942] : memref<130x64xf32, #tpu.memory_space<vmem>>[vector<16xi32>, vector<16xi32>], vector<16xf32>,
      %broadcast_in_dim3A_945 = arith.constant 121 : i32
      %broadcast_in_dim3A_946 = vector.broadcast %broadcast_in_dim3A_945 : i32 to vector<16xi32>
      tpu.vector_store_idx %arg14[%add3A_114, %broadcast_in_dim3A_946], %gather3A_944 : memref<256x257xf32, #tpu.memory_space<vmem>>[vector<16xi32>, vector<16xi32>], vector<16xf32>,
      %gather3A_947 = tpu.vector_load_idx %arg18[%add3A_250, %broadcast_in_dim3A_942] : memref<130x64xf32, #tpu.memory_space<vmem>>[vector<16xi32>, vector<16xi32>], vector<16xf32>,
      %broadcast_in_dim3A_948 = arith.constant 185 : i32
      %broadcast_in_dim3A_949 = vector.broadcast %broadcast_in_dim3A_948 : i32 to vector<16xi32>
      tpu.vector_store_idx %arg14[%add3A_114, %broadcast_in_dim3A_949], %gather3A_947 : memref<256x257xf32, #tpu.memory_space<vmem>>[vector<16xi32>, vector<16xi32>], vector<16xf32>,
      %gather3A_950 = tpu.vector_load_idx %arg18[%add3A_253, %broadcast_in_dim3A_942] : memref<130x64xf32, #tpu.memory_space<vmem>>[vector<16xi32>, vector<16xi32>], vector<16xf32>,
      %broadcast_in_dim3A_951 = arith.constant 250 : i32
      %broadcast_in_dim3A_952 = vector.broadcast %broadcast_in_dim3A_951 : i32 to vector<16xi32>
      tpu.vector_store_idx %arg14[%add3A_114, %broadcast_in_dim3A_952], %gather3A_950 : memref<256x257xf32, #tpu.memory_space<vmem>>[vector<16xi32>, vector<16xi32>], vector<16xf32>,
      %broadcast_in_dim3A_953 = arith.constant 58 : i32
      %broadcast_in_dim3A_954 = vector.broadcast %broadcast_in_dim3A_953 : i32 to vector<16xi32>
      %gather3A_955 = tpu.vector_load_idx %arg13[%add3A_120, %broadcast_in_dim3A_954] : memref<512x64xf32, #tpu.memory_space<vmem>>[vector<16xi32>, vector<16xi32>], vector<16xf32>,
      tpu.vector_store_idx %arg14[%add3A_114, %broadcast_in_dim3A_954], %gather3A_955 : memref<256x257xf32, #tpu.memory_space<vmem>>[vector<16xi32>, vector<16xi32>], vector<16xf32>,
      %gather3A_956 = tpu.vector_load_idx %arg18[%add3A_247, %broadcast_in_dim3A_954] : memref<130x64xf32, #tpu.memory_space<vmem>>[vector<16xi32>, vector<16xi32>], vector<16xf32>,
      %broadcast_in_dim3A_957 = arith.constant 122 : i32
      %broadcast_in_dim3A_958 = vector.broadcast %broadcast_in_dim3A_957 : i32 to vector<16xi32>
      tpu.vector_store_idx %arg14[%add3A_114, %broadcast_in_dim3A_958], %gather3A_956 : memref<256x257xf32, #tpu.memory_space<vmem>>[vector<16xi32>, vector<16xi32>], vector<16xf32>,
      %gather3A_959 = tpu.vector_load_idx %arg18[%add3A_250, %broadcast_in_dim3A_954] : memref<130x64xf32, #tpu.memory_space<vmem>>[vector<16xi32>, vector<16xi32>], vector<16xf32>,
      %broadcast_in_dim3A_960 = arith.constant 186 : i32
      %broadcast_in_dim3A_961 = vector.broadcast %broadcast_in_dim3A_960 : i32 to vector<16xi32>
      tpu.vector_store_idx %arg14[%add3A_114, %broadcast_in_dim3A_961], %gather3A_959 : memref<256x257xf32, #tpu.memory_space<vmem>>[vector<16xi32>, vector<16xi32>], vector<16xf32>,
      %gather3A_962 = tpu.vector_load_idx %arg18[%add3A_253, %broadcast_in_dim3A_954] : memref<130x64xf32, #tpu.memory_space<vmem>>[vector<16xi32>, vector<16xi32>], vector<16xf32>,
      %broadcast_in_dim3A_963 = arith.constant 251 : i32
      %broadcast_in_dim3A_964 = vector.broadcast %broadcast_in_dim3A_963 : i32 to vector<16xi32>
      tpu.vector_store_idx %arg14[%add3A_114, %broadcast_in_dim3A_964], %gather3A_962 : memref<256x257xf32, #tpu.memory_space<vmem>>[vector<16xi32>, vector<16xi32>], vector<16xf32>,
      %broadcast_in_dim3A_965 = arith.constant 59 : i32
      %broadcast_in_dim3A_966 = vector.broadcast %broadcast_in_dim3A_965 : i32 to vector<16xi32>
      %gather3A_967 = tpu.vector_load_idx %arg13[%add3A_120, %broadcast_in_dim3A_966] : memref<512x64xf32, #tpu.memory_space<vmem>>[vector<16xi32>, vector<16xi32>], vector<16xf32>,
      tpu.vector_store_idx %arg14[%add3A_114, %broadcast_in_dim3A_966], %gather3A_967 : memref<256x257xf32, #tpu.memory_space<vmem>>[vector<16xi32>, vector<16xi32>], vector<16xf32>,
      %gather3A_968 = tpu.vector_load_idx %arg18[%add3A_247, %broadcast_in_dim3A_966] : memref<130x64xf32, #tpu.memory_space<vmem>>[vector<16xi32>, vector<16xi32>], vector<16xf32>,
      %broadcast_in_dim3A_969 = arith.constant 123 : i32
      %broadcast_in_dim3A_970 = vector.broadcast %broadcast_in_dim3A_969 : i32 to vector<16xi32>
      tpu.vector_store_idx %arg14[%add3A_114, %broadcast_in_dim3A_970], %gather3A_968 : memref<256x257xf32, #tpu.memory_space<vmem>>[vector<16xi32>, vector<16xi32>], vector<16xf32>,
      %gather3A_971 = tpu.vector_load_idx %arg18[%add3A_250, %broadcast_in_dim3A_966] : memref<130x64xf32, #tpu.memory_space<vmem>>[vector<16xi32>, vector<16xi32>], vector<16xf32>,
      %broadcast_in_dim3A_972 = arith.constant 187 : i32
      %broadcast_in_dim3A_973 = vector.broadcast %broadcast_in_dim3A_972 : i32 to vector<16xi32>
      tpu.vector_store_idx %arg14[%add3A_114, %broadcast_in_dim3A_973], %gather3A_971 : memref<256x257xf32, #tpu.memory_space<vmem>>[vector<16xi32>, vector<16xi32>], vector<16xf32>,
      %gather3A_974 = tpu.vector_load_idx %arg18[%add3A_253, %broadcast_in_dim3A_966] : memref<130x64xf32, #tpu.memory_space<vmem>>[vector<16xi32>, vector<16xi32>], vector<16xf32>,
      %broadcast_in_dim3A_975 = arith.constant 252 : i32
      %broadcast_in_dim3A_976 = vector.broadcast %broadcast_in_dim3A_975 : i32 to vector<16xi32>
      tpu.vector_store_idx %arg14[%add3A_114, %broadcast_in_dim3A_976], %gather3A_974 : memref<256x257xf32, #tpu.memory_space<vmem>>[vector<16xi32>, vector<16xi32>], vector<16xf32>,
      %broadcast_in_dim3A_977 = arith.constant 60 : i32
      %broadcast_in_dim3A_978 = vector.broadcast %broadcast_in_dim3A_977 : i32 to vector<16xi32>
      %gather3A_979 = tpu.vector_load_idx %arg13[%add3A_120, %broadcast_in_dim3A_978] : memref<512x64xf32, #tpu.memory_space<vmem>>[vector<16xi32>, vector<16xi32>], vector<16xf32>,
      tpu.vector_store_idx %arg14[%add3A_114, %broadcast_in_dim3A_978], %gather3A_979 : memref<256x257xf32, #tpu.memory_space<vmem>>[vector<16xi32>, vector<16xi32>], vector<16xf32>,
      %gather3A_980 = tpu.vector_load_idx %arg18[%add3A_247, %broadcast_in_dim3A_978] : memref<130x64xf32, #tpu.memory_space<vmem>>[vector<16xi32>, vector<16xi32>], vector<16xf32>,
      %broadcast_in_dim3A_981 = arith.constant 124 : i32
      %broadcast_in_dim3A_982 = vector.broadcast %broadcast_in_dim3A_981 : i32 to vector<16xi32>
      tpu.vector_store_idx %arg14[%add3A_114, %broadcast_in_dim3A_982], %gather3A_980 : memref<256x257xf32, #tpu.memory_space<vmem>>[vector<16xi32>, vector<16xi32>], vector<16xf32>,
      %gather3A_983 = tpu.vector_load_idx %arg18[%add3A_250, %broadcast_in_dim3A_978] : memref<130x64xf32, #tpu.memory_space<vmem>>[vector<16xi32>, vector<16xi32>], vector<16xf32>,
      %broadcast_in_dim3A_984 = arith.constant 188 : i32
      %broadcast_in_dim3A_985 = vector.broadcast %broadcast_in_dim3A_984 : i32 to vector<16xi32>
      tpu.vector_store_idx %arg14[%add3A_114, %broadcast_in_dim3A_985], %gather3A_983 : memref<256x257xf32, #tpu.memory_space<vmem>>[vector<16xi32>, vector<16xi32>], vector<16xf32>,
      %gather3A_986 = tpu.vector_load_idx %arg18[%add3A_253, %broadcast_in_dim3A_978] : memref<130x64xf32, #tpu.memory_space<vmem>>[vector<16xi32>, vector<16xi32>], vector<16xf32>,
      %broadcast_in_dim3A_987 = arith.constant 253 : i32
      %broadcast_in_dim3A_988 = vector.broadcast %broadcast_in_dim3A_987 : i32 to vector<16xi32>
      tpu.vector_store_idx %arg14[%add3A_114, %broadcast_in_dim3A_988], %gather3A_986 : memref<256x257xf32, #tpu.memory_space<vmem>>[vector<16xi32>, vector<16xi32>], vector<16xf32>,
      %broadcast_in_dim3A_989 = arith.constant 61 : i32
      %broadcast_in_dim3A_990 = vector.broadcast %broadcast_in_dim3A_989 : i32 to vector<16xi32>
      %gather3A_991 = tpu.vector_load_idx %arg13[%add3A_120, %broadcast_in_dim3A_990] : memref<512x64xf32, #tpu.memory_space<vmem>>[vector<16xi32>, vector<16xi32>], vector<16xf32>,
      tpu.vector_store_idx %arg14[%add3A_114, %broadcast_in_dim3A_990], %gather3A_991 : memref<256x257xf32, #tpu.memory_space<vmem>>[vector<16xi32>, vector<16xi32>], vector<16xf32>,
      %gather3A_992 = tpu.vector_load_idx %arg18[%add3A_247, %broadcast_in_dim3A_990] : memref<130x64xf32, #tpu.memory_space<vmem>>[vector<16xi32>, vector<16xi32>], vector<16xf32>,
      %broadcast_in_dim3A_993 = arith.constant 125 : i32
      %broadcast_in_dim3A_994 = vector.broadcast %broadcast_in_dim3A_993 : i32 to vector<16xi32>
      tpu.vector_store_idx %arg14[%add3A_114, %broadcast_in_dim3A_994], %gather3A_992 : memref<256x257xf32, #tpu.memory_space<vmem>>[vector<16xi32>, vector<16xi32>], vector<16xf32>,
      %gather3A_995 = tpu.vector_load_idx %arg18[%add3A_250, %broadcast_in_dim3A_990] : memref<130x64xf32, #tpu.memory_space<vmem>>[vector<16xi32>, vector<16xi32>], vector<16xf32>,
      %broadcast_in_dim3A_996 = arith.constant 189 : i32
      %broadcast_in_dim3A_997 = vector.broadcast %broadcast_in_dim3A_996 : i32 to vector<16xi32>
      tpu.vector_store_idx %arg14[%add3A_114, %broadcast_in_dim3A_997], %gather3A_995 : memref<256x257xf32, #tpu.memory_space<vmem>>[vector<16xi32>, vector<16xi32>], vector<16xf32>,
      %gather3A_998 = tpu.vector_load_idx %arg18[%add3A_253, %broadcast_in_dim3A_990] : memref<130x64xf32, #tpu.memory_space<vmem>>[vector<16xi32>, vector<16xi32>], vector<16xf32>,
      %broadcast_in_dim3A_999 = arith.constant 254 : i32
      %broadcast_in_dim3A_1000 = vector.broadcast %broadcast_in_dim3A_999 : i32 to vector<16xi32>
      tpu.vector_store_idx %arg14[%add3A_114, %broadcast_in_dim3A_1000], %gather3A_998 : memref<256x257xf32, #tpu.memory_space<vmem>>[vector<16xi32>, vector<16xi32>], vector<16xf32>,
      %broadcast_in_dim3A_1001 = arith.constant 62 : i32
      %broadcast_in_dim3A_1002 = vector.broadcast %broadcast_in_dim3A_1001 : i32 to vector<16xi32>
      %gather3A_1003 = tpu.vector_load_idx %arg13[%add3A_120, %broadcast_in_dim3A_1002] : memref<512x64xf32, #tpu.memory_space<vmem>>[vector<16xi32>, vector<16xi32>], vector<16xf32>,
      tpu.vector_store_idx %arg14[%add3A_114, %broadcast_in_dim3A_1002], %gather3A_1003 : memref<256x257xf32, #tpu.memory_space<vmem>>[vector<16xi32>, vector<16xi32>], vector<16xf32>,
      %gather3A_1004 = tpu.vector_load_idx %arg18[%add3A_247, %broadcast_in_dim3A_1002] : memref<130x64xf32, #tpu.memory_space<vmem>>[vector<16xi32>, vector<16xi32>], vector<16xf32>,
      %broadcast_in_dim3A_1005 = arith.constant 126 : i32
      %broadcast_in_dim3A_1006 = vector.broadcast %broadcast_in_dim3A_1005 : i32 to vector<16xi32>
      tpu.vector_store_idx %arg14[%add3A_114, %broadcast_in_dim3A_1006], %gather3A_1004 : memref<256x257xf32, #tpu.memory_space<vmem>>[vector<16xi32>, vector<16xi32>], vector<16xf32>,
      %gather3A_1007 = tpu.vector_load_idx %arg18[%add3A_250, %broadcast_in_dim3A_1002] : memref<130x64xf32, #tpu.memory_space<vmem>>[vector<16xi32>, vector<16xi32>], vector<16xf32>,
      %broadcast_in_dim3A_1008 = arith.constant 190 : i32
      %broadcast_in_dim3A_1009 = vector.broadcast %broadcast_in_dim3A_1008 : i32 to vector<16xi32>
      tpu.vector_store_idx %arg14[%add3A_114, %broadcast_in_dim3A_1009], %gather3A_1007 : memref<256x257xf32, #tpu.memory_space<vmem>>[vector<16xi32>, vector<16xi32>], vector<16xf32>,
      %gather3A_1010 = tpu.vector_load_idx %arg18[%add3A_253, %broadcast_in_dim3A_1002] : memref<130x64xf32, #tpu.memory_space<vmem>>[vector<16xi32>, vector<16xi32>], vector<16xf32>,
      %broadcast_in_dim3A_1011 = arith.constant 255 : i32
      %broadcast_in_dim3A_1012 = vector.broadcast %broadcast_in_dim3A_1011 : i32 to vector<16xi32>
      tpu.vector_store_idx %arg14[%add3A_114, %broadcast_in_dim3A_1012], %gather3A_1010 : memref<256x257xf32, #tpu.memory_space<vmem>>[vector<16xi32>, vector<16xi32>], vector<16xf32>,
      %broadcast_in_dim3A_1013 = arith.constant 63 : i32
      %broadcast_in_dim3A_1014 = vector.broadcast %broadcast_in_dim3A_1013 : i32 to vector<16xi32>
      %gather3A_1015 = tpu.vector_load_idx %arg13[%add3A_120, %broadcast_in_dim3A_1014] : memref<512x64xf32, #tpu.memory_space<vmem>>[vector<16xi32>, vector<16xi32>], vector<16xf32>,
      tpu.vector_store_idx %arg14[%add3A_114, %broadcast_in_dim3A_1014], %gather3A_1015 : memref<256x257xf32, #tpu.memory_space<vmem>>[vector<16xi32>, vector<16xi32>], vector<16xf32>,
      %gather3A_1016 = tpu.vector_load_idx %arg18[%add3A_247, %broadcast_in_dim3A_1014] : memref<130x64xf32, #tpu.memory_space<vmem>>[vector<16xi32>, vector<16xi32>], vector<16xf32>,
      %broadcast_in_dim3A_1017 = arith.constant 127 : i32
      %broadcast_in_dim3A_1018 = vector.broadcast %broadcast_in_dim3A_1017 : i32 to vector<16xi32>
      tpu.vector_store_idx %arg14[%add3A_114, %broadcast_in_dim3A_1018], %gather3A_1016 : memref<256x257xf32, #tpu.memory_space<vmem>>[vector<16xi32>, vector<16xi32>], vector<16xf32>,
      %gather3A_1019 = tpu.vector_load_idx %arg18[%add3A_250, %broadcast_in_dim3A_1014] : memref<130x64xf32, #tpu.memory_space<vmem>>[vector<16xi32>, vector<16xi32>], vector<16xf32>,
      %broadcast_in_dim3A_1020 = arith.constant 191 : i32
      %broadcast_in_dim3A_1021 = vector.broadcast %broadcast_in_dim3A_1020 : i32 to vector<16xi32>
      tpu.vector_store_idx %arg14[%add3A_114, %broadcast_in_dim3A_1021], %gather3A_1019 : memref<256x257xf32, #tpu.memory_space<vmem>>[vector<16xi32>, vector<16xi32>], vector<16xf32>,
      %gather3A_1022 = tpu.vector_load_idx %arg18[%add3A_253, %broadcast_in_dim3A_1014] : memref<130x64xf32, #tpu.memory_space<vmem>>[vector<16xi32>, vector<16xi32>], vector<16xf32>,
      %broadcast_in_dim3A_1023 = arith.constant 256 : i32
      %broadcast_in_dim3A_1024 = vector.broadcast %broadcast_in_dim3A_1023 : i32 to vector<16xi32>
      tpu.vector_store_idx %arg14[%add3A_114, %broadcast_in_dim3A_1024], %gather3A_1022 : memref<256x257xf32, #tpu.memory_space<vmem>>[vector<16xi32>, vector<16xi32>], vector<16xf32>,
    }
    %scan3A_99 = arith.constant 16 : i32
    %add3A_100 = arith.constant 0 : i32
    %add3A_101 = arith.addi %mul3A_2, %add3A_100 : i32
    "tpu.region"() ({
      %run_scoped3A_110 = tpu.sem_alloc : memref<!tpu.dma_semaphore, #tpu.memory_space<semaphore_mem>>
      %dma_start3A_111 = arith.constant 0 : i32
      %dma_start3A_112 = tpu.memref_slice %arg11[%add3A_101, %dma_start3A_111] : memref<16384x257xf32, #tpu.memory_space<hbm>> -> memref<256x257xf32, #tpu.memory_space<hbm>>
      %dma_start3A_113 = arith.constant 0 : i32
      %dma_start3A_114 = tpu.memref_slice %arg11[%add3A_101, %dma_start3A_113] : memref<16384x257xf32, #tpu.memory_space<hbm>> -> memref<256x257xf32, #tpu.memory_space<hbm>>
      tpu.enqueue_dma source(%arg14 : memref<256x257xf32, #tpu.memory_space<vmem>>) target(%dma_start3A_114 : memref<256x257xf32, #tpu.memory_space<hbm>>) target_semaphore(%run_scoped3A_110 : memref<!tpu.dma_semaphore, #tpu.memory_space<semaphore_mem>>)
      %dma_wait3A_115 = arith.constant 0 : i32
      %dma_wait3A_116 = tpu.memref_slice %arg11[%add3A_101, %dma_wait3A_115] : memref<16384x257xf32, #tpu.memory_space<hbm>> -> memref<256x257xf32, #tpu.memory_space<hbm>>
      %dma_wait3A_117 = arith.constant 0 : i32
      %dma_wait3A_118 = tpu.memref_slice %arg11[%add3A_101, %dma_wait3A_117] : memref<16384x257xf32, #tpu.memory_space<hbm>> -> memref<256x257xf32, #tpu.memory_space<hbm>>
      tpu.wait_dma2 semaphore(%run_scoped3A_110 : memref<!tpu.dma_semaphore, #tpu.memory_space<semaphore_mem>>) src(%arg14 : memref<256x257xf32, #tpu.memory_space<vmem>>) dst(%dma_wait3A_118 : memref<256x257xf32, #tpu.memory_space<hbm>>)
      tpu.yield
    }) : () -> ()
    %scan3A_102 = arith.constant 0 : i32
    %scan3A_103 = arith.constant 0 : i32
    %scan3A_104 = arith.constant 16 : i32
    %scan3A_105 = arith.addi %scan3A_103, %scan3A_104 : i32
    %scan3A_106 = arith.constant 1 : i32
    scf.for %scan3A_110 = %scan3A_103 to %scan3A_105 step %scan3A_106  : i32 {
      %mul3A_111 = arith.constant 16 : i32
      %mul3A_112 = arith.muli %scan3A_110, %mul3A_111 : i32
      %add3A_113 = vector.broadcast %mul3A_112 : i32 to vector<16xi32>
      %add3A_114 = arith.addi %add3A_113, %iota3A : vector<16xi32>
      %mul3A_115 = arith.constant 16 : i32
      %mul3A_116 = arith.muli %scan3A_110, %mul3A_115 : i32
      %add3A_117 = arith.constant 256 : i32
      %add3A_118 = arith.addi %add3A_117, %mul3A_116 : i32
      %add3A_119 = vector.broadcast %add3A_118 : i32 to vector<16xi32>
      %add3A_120 = arith.addi %add3A_119, %iota3A : vector<16xi32>
      %mul3A_121 = arith.constant 16 : i32
      %mul3A_122 = arith.muli %scan3A_110, %mul3A_121 : i32
      %add3A_123 = arith.constant 256 : i32
      %add3A_124 = arith.addi %add3A_123, %mul3A_122 : i32
      %get3A_125 = arith.index_cast %add3A_124 : i32 to index
      %get3A_126 = tpu.vector_load %arg15[%get3A_125] {strides = array<i32>} : memref<512xi32, #tpu.memory_space<vmem>>, vector<16xi32>,
      %mul3A_127 = arith.constant 16 : i32
      %mul3A_128 = arith.muli %scan3A_110, %mul3A_127 : i32
      %add3A_129 = arith.constant 256 : i32
      %add3A_130 = arith.addi %add3A_129, %mul3A_128 : i32
      %get3A_131 = arith.index_cast %add3A_130 : i32 to index
      %get3A_132 = tpu.vector_load %arg16[%get3A_131] {strides = array<i32>} : memref<512xi32, #tpu.memory_space<vmem>>, vector<16xi32>,
      %mul3A_133 = arith.constant 16 : i32
      %mul3A_134 = arith.muli %scan3A_110, %mul3A_133 : i32
      %add3A_135 = arith.constant 256 : i32
      %add3A_136 = arith.addi %add3A_135, %mul3A_134 : i32
      %get3A_137 = arith.index_cast %add3A_136 : i32 to index
      %get3A_138 = tpu.vector_load %arg17[%get3A_137] {strides = array<i32>} : memref<512xf32, #tpu.memory_space<vmem>>, vector<16xf32>,
      %broadcast_in_dim3A = arith.constant 0 : i32
      %broadcast_in_dim3A_139 = vector.broadcast %broadcast_in_dim3A : i32 to vector<16xi32>
      %add3A_140 = arith.constant 64 : i32
      %add3A_141 = vector.broadcast %add3A_140 : i32 to vector<16xi32>
      %add3A_142 = arith.addi %broadcast_in_dim3A_139, %add3A_141 : vector<16xi32>
      %min3A = arith.constant 120 : i32
      %min3A_143 = vector.broadcast %min3A : i32 to vector<16xi32>
      %min3A_144 = arith.minsi %add3A_142, %min3A_143 : vector<16xi32>
      %sub3A = arith.constant 1 : i32
      %sub3A_145 = vector.broadcast %sub3A : i32 to vector<16xi32>
      %sub3A_146 = arith.subi %min3A_144, %sub3A_145 : vector<16xi32>
      %gather3A = tpu.vector_load_idx %arg19[%sub3A_146] : memref<128xf32, #tpu.memory_space<vmem>>[vector<16xi32>], vector<16xf32>,
      %le3A = arith.constant 120 : i32
      %le3A_147 = vector.broadcast %le3A : i32 to vector<16xi32>
      %le3A_148 = arith.cmpi sle, %add3A_142, %le3A_147 : vector<16xi32>
      %lt3A = arith.cmpf olt, %gather3A, %get3A_138 : vector<16xf32>
      %and3A = arith.andi %le3A_148, %lt3A : vector<16xi1>
      %select_n3A = arith.select %and3A, %add3A_142, %broadcast_in_dim3A_139 : vector<16xi1>, vector<16xi32>
      %add3A_149 = arith.constant 32 : i32
      %add3A_150 = vector.broadcast %add3A_149 : i32 to vector<16xi32>
      %add3A_151 = arith.addi %select_n3A, %add3A_150 : vector<16xi32>
      %min3A_152 = arith.constant 120 : i32
      %min3A_153 = vector.broadcast %min3A_152 : i32 to vector<16xi32>
      %min3A_154 = arith.minsi %add3A_151, %min3A_153 : vector<16xi32>
      %sub3A_155 = arith.constant 1 : i32
      %sub3A_156 = vector.broadcast %sub3A_155 : i32 to vector<16xi32>
      %sub3A_157 = arith.subi %min3A_154, %sub3A_156 : vector<16xi32>
      %gather3A_158 = tpu.vector_load_idx %arg19[%sub3A_157] : memref<128xf32, #tpu.memory_space<vmem>>[vector<16xi32>], vector<16xf32>,
      %le3A_159 = arith.constant 120 : i32
      %le3A_160 = vector.broadcast %le3A_159 : i32 to vector<16xi32>
      %le3A_161 = arith.cmpi sle, %add3A_151, %le3A_160 : vector<16xi32>
      %lt3A_162 = arith.cmpf olt, %gather3A_158, %get3A_138 : vector<16xf32>
      %and3A_163 = arith.andi %le3A_161, %lt3A_162 : vector<16xi1>
      %select_n3A_164 = arith.select %and3A_163, %add3A_151, %select_n3A : vector<16xi1>, vector<16xi32>
      %add3A_165 = arith.constant 16 : i32
      %add3A_166 = vector.broadcast %add3A_165 : i32 to vector<16xi32>
      %add3A_167 = arith.addi %select_n3A_164, %add3A_166 : vector<16xi32>
      %min3A_168 = arith.constant 120 : i32
      %min3A_169 = vector.broadcast %min3A_168 : i32 to vector<16xi32>
      %min3A_170 = arith.minsi %add3A_167, %min3A_169 : vector<16xi32>
      %sub3A_171 = arith.constant 1 : i32
      %sub3A_172 = vector.broadcast %sub3A_171 : i32 to vector<16xi32>
      %sub3A_173 = arith.subi %min3A_170, %sub3A_172 : vector<16xi32>
      %gather3A_174 = tpu.vector_load_idx %arg19[%sub3A_173] : memref<128xf32, #tpu.memory_space<vmem>>[vector<16xi32>], vector<16xf32>,
      %le3A_175 = arith.constant 120 : i32
      %le3A_176 = vector.broadcast %le3A_175 : i32 to vector<16xi32>
      %le3A_177 = arith.cmpi sle, %add3A_167, %le3A_176 : vector<16xi32>
      %lt3A_178 = arith.cmpf olt, %gather3A_174, %get3A_138 : vector<16xf32>
      %and3A_179 = arith.andi %le3A_177, %lt3A_178 : vector<16xi1>
      %select_n3A_180 = arith.select %and3A_179, %add3A_167, %select_n3A_164 : vector<16xi1>, vector<16xi32>
      %add3A_181 = arith.constant 8 : i32
      %add3A_182 = vector.broadcast %add3A_181 : i32 to vector<16xi32>
      %add3A_183 = arith.addi %select_n3A_180, %add3A_182 : vector<16xi32>
      %min3A_184 = arith.constant 120 : i32
      %min3A_185 = vector.broadcast %min3A_184 : i32 to vector<16xi32>
      %min3A_186 = arith.minsi %add3A_183, %min3A_185 : vector<16xi32>
      %sub3A_187 = arith.constant 1 : i32
      %sub3A_188 = vector.broadcast %sub3A_187 : i32 to vector<16xi32>
      %sub3A_189 = arith.subi %min3A_186, %sub3A_188 : vector<16xi32>
      %gather3A_190 = tpu.vector_load_idx %arg19[%sub3A_189] : memref<128xf32, #tpu.memory_space<vmem>>[vector<16xi32>], vector<16xf32>,
      %le3A_191 = arith.constant 120 : i32
      %le3A_192 = vector.broadcast %le3A_191 : i32 to vector<16xi32>
      %le3A_193 = arith.cmpi sle, %add3A_183, %le3A_192 : vector<16xi32>
      %lt3A_194 = arith.cmpf olt, %gather3A_190, %get3A_138 : vector<16xf32>
      %and3A_195 = arith.andi %le3A_193, %lt3A_194 : vector<16xi1>
      %select_n3A_196 = arith.select %and3A_195, %add3A_183, %select_n3A_180 : vector<16xi1>, vector<16xi32>
      %add3A_197 = arith.constant 4 : i32
      %add3A_198 = vector.broadcast %add3A_197 : i32 to vector<16xi32>
      %add3A_199 = arith.addi %select_n3A_196, %add3A_198 : vector<16xi32>
      %min3A_200 = arith.constant 120 : i32
      %min3A_201 = vector.broadcast %min3A_200 : i32 to vector<16xi32>
      %min3A_202 = arith.minsi %add3A_199, %min3A_201 : vector<16xi32>
      %sub3A_203 = arith.constant 1 : i32
      %sub3A_204 = vector.broadcast %sub3A_203 : i32 to vector<16xi32>
      %sub3A_205 = arith.subi %min3A_202, %sub3A_204 : vector<16xi32>
      %gather3A_206 = tpu.vector_load_idx %arg19[%sub3A_205] : memref<128xf32, #tpu.memory_space<vmem>>[vector<16xi32>], vector<16xf32>,
      %le3A_207 = arith.constant 120 : i32
      %le3A_208 = vector.broadcast %le3A_207 : i32 to vector<16xi32>
      %le3A_209 = arith.cmpi sle, %add3A_199, %le3A_208 : vector<16xi32>
      %lt3A_210 = arith.cmpf olt, %gather3A_206, %get3A_138 : vector<16xf32>
      %and3A_211 = arith.andi %le3A_209, %lt3A_210 : vector<16xi1>
      %select_n3A_212 = arith.select %and3A_211, %add3A_199, %select_n3A_196 : vector<16xi1>, vector<16xi32>
      %add3A_213 = arith.constant 2 : i32
      %add3A_214 = vector.broadcast %add3A_213 : i32 to vector<16xi32>
      %add3A_215 = arith.addi %select_n3A_212, %add3A_214 : vector<16xi32>
      %min3A_216 = arith.constant 120 : i32
      %min3A_217 = vector.broadcast %min3A_216 : i32 to vector<16xi32>
      %min3A_218 = arith.minsi %add3A_215, %min3A_217 : vector<16xi32>
      %sub3A_219 = arith.constant 1 : i32
      %sub3A_220 = vector.broadcast %sub3A_219 : i32 to vector<16xi32>
      %sub3A_221 = arith.subi %min3A_218, %sub3A_220 : vector<16xi32>
      %gather3A_222 = tpu.vector_load_idx %arg19[%sub3A_221] : memref<128xf32, #tpu.memory_space<vmem>>[vector<16xi32>], vector<16xf32>,
      %le3A_223 = arith.constant 120 : i32
      %le3A_224 = vector.broadcast %le3A_223 : i32 to vector<16xi32>
      %le3A_225 = arith.cmpi sle, %add3A_215, %le3A_224 : vector<16xi32>
      %lt3A_226 = arith.cmpf olt, %gather3A_222, %get3A_138 : vector<16xf32>
      %and3A_227 = arith.andi %le3A_225, %lt3A_226 : vector<16xi1>
      %select_n3A_228 = arith.select %and3A_227, %add3A_215, %select_n3A_212 : vector<16xi1>, vector<16xi32>
      %add3A_229 = arith.constant 1 : i32
      %add3A_230 = vector.broadcast %add3A_229 : i32 to vector<16xi32>
      %add3A_231 = arith.addi %select_n3A_228, %add3A_230 : vector<16xi32>
      %min3A_232 = arith.constant 120 : i32
      %min3A_233 = vector.broadcast %min3A_232 : i32 to vector<16xi32>
      %min3A_234 = arith.minsi %add3A_231, %min3A_233 : vector<16xi32>
      %sub3A_235 = arith.constant 1 : i32
      %sub3A_236 = vector.broadcast %sub3A_235 : i32 to vector<16xi32>
      %sub3A_237 = arith.subi %min3A_234, %sub3A_236 : vector<16xi32>
      %gather3A_238 = tpu.vector_load_idx %arg19[%sub3A_237] : memref<128xf32, #tpu.memory_space<vmem>>[vector<16xi32>], vector<16xf32>,
      %le3A_239 = arith.constant 120 : i32
      %le3A_240 = vector.broadcast %le3A_239 : i32 to vector<16xi32>
      %le3A_241 = arith.cmpi sle, %add3A_231, %le3A_240 : vector<16xi32>
      %lt3A_242 = arith.cmpf olt, %gather3A_238, %get3A_138 : vector<16xf32>
      %and3A_243 = arith.andi %le3A_241, %lt3A_242 : vector<16xi1>
      %select_n3A_244 = arith.select %and3A_243, %add3A_231, %select_n3A_228 : vector<16xi1>, vector<16xi32>
      %add3A_245 = arith.constant 0 : i32
      %add3A_246 = vector.broadcast %add3A_245 : i32 to vector<16xi32>
      %add3A_247 = arith.addi %get3A_126, %add3A_246 : vector<16xi32>
      %add3A_248 = arith.constant 5 : i32
      %add3A_249 = vector.broadcast %add3A_248 : i32 to vector<16xi32>
      %add3A_250 = arith.addi %get3A_132, %add3A_249 : vector<16xi32>
      %add3A_251 = arith.constant 9 : i32
      %add3A_252 = vector.broadcast %add3A_251 : i32 to vector<16xi32>
      %add3A_253 = arith.addi %select_n3A_244, %add3A_252 : vector<16xi32>
      %sub3A_254 = arith.subf %get3A_138, %get3A_53 : vector<16xf32>
      %div3A = arith.divf %sub3A_254, %get3A_55 : vector<16xf32>
      %broadcast_in_dim3A_255 = arith.constant 192 : i32
      %broadcast_in_dim3A_256 = vector.broadcast %broadcast_in_dim3A_255 : i32 to vector<16xi32>
      tpu.vector_store_idx %arg14[%add3A_114, %broadcast_in_dim3A_256], %div3A : memref<256x257xf32, #tpu.memory_space<vmem>>[vector<16xi32>, vector<16xi32>], vector<16xf32>,
      %broadcast_in_dim3A_257 = arith.constant 0 : i32
      %broadcast_in_dim3A_258 = vector.broadcast %broadcast_in_dim3A_257 : i32 to vector<16xi32>
      %gather3A_259 = tpu.vector_load_idx %arg13[%add3A_120, %broadcast_in_dim3A_258] : memref<512x64xf32, #tpu.memory_space<vmem>>[vector<16xi32>, vector<16xi32>], vector<16xf32>,
      tpu.vector_store_idx %arg14[%add3A_114, %broadcast_in_dim3A_258], %gather3A_259 : memref<256x257xf32, #tpu.memory_space<vmem>>[vector<16xi32>, vector<16xi32>], vector<16xf32>,
      %gather3A_260 = tpu.vector_load_idx %arg18[%add3A_247, %broadcast_in_dim3A_258] : memref<130x64xf32, #tpu.memory_space<vmem>>[vector<16xi32>, vector<16xi32>], vector<16xf32>,
      %broadcast_in_dim3A_261 = arith.constant 64 : i32
      %broadcast_in_dim3A_262 = vector.broadcast %broadcast_in_dim3A_261 : i32 to vector<16xi32>
      tpu.vector_store_idx %arg14[%add3A_114, %broadcast_in_dim3A_262], %gather3A_260 : memref<256x257xf32, #tpu.memory_space<vmem>>[vector<16xi32>, vector<16xi32>], vector<16xf32>,
      %gather3A_263 = tpu.vector_load_idx %arg18[%add3A_250, %broadcast_in_dim3A_258] : memref<130x64xf32, #tpu.memory_space<vmem>>[vector<16xi32>, vector<16xi32>], vector<16xf32>,
      %broadcast_in_dim3A_264 = arith.constant 128 : i32
      %broadcast_in_dim3A_265 = vector.broadcast %broadcast_in_dim3A_264 : i32 to vector<16xi32>
      tpu.vector_store_idx %arg14[%add3A_114, %broadcast_in_dim3A_265], %gather3A_263 : memref<256x257xf32, #tpu.memory_space<vmem>>[vector<16xi32>, vector<16xi32>], vector<16xf32>,
      %gather3A_266 = tpu.vector_load_idx %arg18[%add3A_253, %broadcast_in_dim3A_258] : memref<130x64xf32, #tpu.memory_space<vmem>>[vector<16xi32>, vector<16xi32>], vector<16xf32>,
      %broadcast_in_dim3A_267 = arith.constant 193 : i32
      %broadcast_in_dim3A_268 = vector.broadcast %broadcast_in_dim3A_267 : i32 to vector<16xi32>
      tpu.vector_store_idx %arg14[%add3A_114, %broadcast_in_dim3A_268], %gather3A_266 : memref<256x257xf32, #tpu.memory_space<vmem>>[vector<16xi32>, vector<16xi32>], vector<16xf32>,
      %broadcast_in_dim3A_269 = arith.constant 1 : i32
      %broadcast_in_dim3A_270 = vector.broadcast %broadcast_in_dim3A_269 : i32 to vector<16xi32>
      %gather3A_271 = tpu.vector_load_idx %arg13[%add3A_120, %broadcast_in_dim3A_270] : memref<512x64xf32, #tpu.memory_space<vmem>>[vector<16xi32>, vector<16xi32>], vector<16xf32>,
      tpu.vector_store_idx %arg14[%add3A_114, %broadcast_in_dim3A_270], %gather3A_271 : memref<256x257xf32, #tpu.memory_space<vmem>>[vector<16xi32>, vector<16xi32>], vector<16xf32>,
      %gather3A_272 = tpu.vector_load_idx %arg18[%add3A_247, %broadcast_in_dim3A_270] : memref<130x64xf32, #tpu.memory_space<vmem>>[vector<16xi32>, vector<16xi32>], vector<16xf32>,
      %broadcast_in_dim3A_273 = arith.constant 65 : i32
      %broadcast_in_dim3A_274 = vector.broadcast %broadcast_in_dim3A_273 : i32 to vector<16xi32>
      tpu.vector_store_idx %arg14[%add3A_114, %broadcast_in_dim3A_274], %gather3A_272 : memref<256x257xf32, #tpu.memory_space<vmem>>[vector<16xi32>, vector<16xi32>], vector<16xf32>,
      %gather3A_275 = tpu.vector_load_idx %arg18[%add3A_250, %broadcast_in_dim3A_270] : memref<130x64xf32, #tpu.memory_space<vmem>>[vector<16xi32>, vector<16xi32>], vector<16xf32>,
      %broadcast_in_dim3A_276 = arith.constant 129 : i32
      %broadcast_in_dim3A_277 = vector.broadcast %broadcast_in_dim3A_276 : i32 to vector<16xi32>
      tpu.vector_store_idx %arg14[%add3A_114, %broadcast_in_dim3A_277], %gather3A_275 : memref<256x257xf32, #tpu.memory_space<vmem>>[vector<16xi32>, vector<16xi32>], vector<16xf32>,
      %gather3A_278 = tpu.vector_load_idx %arg18[%add3A_253, %broadcast_in_dim3A_270] : memref<130x64xf32, #tpu.memory_space<vmem>>[vector<16xi32>, vector<16xi32>], vector<16xf32>,
      %broadcast_in_dim3A_279 = arith.constant 194 : i32
      %broadcast_in_dim3A_280 = vector.broadcast %broadcast_in_dim3A_279 : i32 to vector<16xi32>
      tpu.vector_store_idx %arg14[%add3A_114, %broadcast_in_dim3A_280], %gather3A_278 : memref<256x257xf32, #tpu.memory_space<vmem>>[vector<16xi32>, vector<16xi32>], vector<16xf32>,
      %broadcast_in_dim3A_281 = arith.constant 2 : i32
      %broadcast_in_dim3A_282 = vector.broadcast %broadcast_in_dim3A_281 : i32 to vector<16xi32>
      %gather3A_283 = tpu.vector_load_idx %arg13[%add3A_120, %broadcast_in_dim3A_282] : memref<512x64xf32, #tpu.memory_space<vmem>>[vector<16xi32>, vector<16xi32>], vector<16xf32>,
      tpu.vector_store_idx %arg14[%add3A_114, %broadcast_in_dim3A_282], %gather3A_283 : memref<256x257xf32, #tpu.memory_space<vmem>>[vector<16xi32>, vector<16xi32>], vector<16xf32>,
      %gather3A_284 = tpu.vector_load_idx %arg18[%add3A_247, %broadcast_in_dim3A_282] : memref<130x64xf32, #tpu.memory_space<vmem>>[vector<16xi32>, vector<16xi32>], vector<16xf32>,
      %broadcast_in_dim3A_285 = arith.constant 66 : i32
      %broadcast_in_dim3A_286 = vector.broadcast %broadcast_in_dim3A_285 : i32 to vector<16xi32>
      tpu.vector_store_idx %arg14[%add3A_114, %broadcast_in_dim3A_286], %gather3A_284 : memref<256x257xf32, #tpu.memory_space<vmem>>[vector<16xi32>, vector<16xi32>], vector<16xf32>,
      %gather3A_287 = tpu.vector_load_idx %arg18[%add3A_250, %broadcast_in_dim3A_282] : memref<130x64xf32, #tpu.memory_space<vmem>>[vector<16xi32>, vector<16xi32>], vector<16xf32>,
      %broadcast_in_dim3A_288 = arith.constant 130 : i32
      %broadcast_in_dim3A_289 = vector.broadcast %broadcast_in_dim3A_288 : i32 to vector<16xi32>
      tpu.vector_store_idx %arg14[%add3A_114, %broadcast_in_dim3A_289], %gather3A_287 : memref<256x257xf32, #tpu.memory_space<vmem>>[vector<16xi32>, vector<16xi32>], vector<16xf32>,
      %gather3A_290 = tpu.vector_load_idx %arg18[%add3A_253, %broadcast_in_dim3A_282] : memref<130x64xf32, #tpu.memory_space<vmem>>[vector<16xi32>, vector<16xi32>], vector<16xf32>,
      %broadcast_in_dim3A_291 = arith.constant 195 : i32
      %broadcast_in_dim3A_292 = vector.broadcast %broadcast_in_dim3A_291 : i32 to vector<16xi32>
      tpu.vector_store_idx %arg14[%add3A_114, %broadcast_in_dim3A_292], %gather3A_290 : memref<256x257xf32, #tpu.memory_space<vmem>>[vector<16xi32>, vector<16xi32>], vector<16xf32>,
      %broadcast_in_dim3A_293 = arith.constant 3 : i32
      %broadcast_in_dim3A_294 = vector.broadcast %broadcast_in_dim3A_293 : i32 to vector<16xi32>
      %gather3A_295 = tpu.vector_load_idx %arg13[%add3A_120, %broadcast_in_dim3A_294] : memref<512x64xf32, #tpu.memory_space<vmem>>[vector<16xi32>, vector<16xi32>], vector<16xf32>,
      tpu.vector_store_idx %arg14[%add3A_114, %broadcast_in_dim3A_294], %gather3A_295 : memref<256x257xf32, #tpu.memory_space<vmem>>[vector<16xi32>, vector<16xi32>], vector<16xf32>,
      %gather3A_296 = tpu.vector_load_idx %arg18[%add3A_247, %broadcast_in_dim3A_294] : memref<130x64xf32, #tpu.memory_space<vmem>>[vector<16xi32>, vector<16xi32>], vector<16xf32>,
      %broadcast_in_dim3A_297 = arith.constant 67 : i32
      %broadcast_in_dim3A_298 = vector.broadcast %broadcast_in_dim3A_297 : i32 to vector<16xi32>
      tpu.vector_store_idx %arg14[%add3A_114, %broadcast_in_dim3A_298], %gather3A_296 : memref<256x257xf32, #tpu.memory_space<vmem>>[vector<16xi32>, vector<16xi32>], vector<16xf32>,
      %gather3A_299 = tpu.vector_load_idx %arg18[%add3A_250, %broadcast_in_dim3A_294] : memref<130x64xf32, #tpu.memory_space<vmem>>[vector<16xi32>, vector<16xi32>], vector<16xf32>,
      %broadcast_in_dim3A_300 = arith.constant 131 : i32
      %broadcast_in_dim3A_301 = vector.broadcast %broadcast_in_dim3A_300 : i32 to vector<16xi32>
      tpu.vector_store_idx %arg14[%add3A_114, %broadcast_in_dim3A_301], %gather3A_299 : memref<256x257xf32, #tpu.memory_space<vmem>>[vector<16xi32>, vector<16xi32>], vector<16xf32>,
      %gather3A_302 = tpu.vector_load_idx %arg18[%add3A_253, %broadcast_in_dim3A_294] : memref<130x64xf32, #tpu.memory_space<vmem>>[vector<16xi32>, vector<16xi32>], vector<16xf32>,
      %broadcast_in_dim3A_303 = arith.constant 196 : i32
      %broadcast_in_dim3A_304 = vector.broadcast %broadcast_in_dim3A_303 : i32 to vector<16xi32>
      tpu.vector_store_idx %arg14[%add3A_114, %broadcast_in_dim3A_304], %gather3A_302 : memref<256x257xf32, #tpu.memory_space<vmem>>[vector<16xi32>, vector<16xi32>], vector<16xf32>,
      %broadcast_in_dim3A_305 = arith.constant 4 : i32
      %broadcast_in_dim3A_306 = vector.broadcast %broadcast_in_dim3A_305 : i32 to vector<16xi32>
      %gather3A_307 = tpu.vector_load_idx %arg13[%add3A_120, %broadcast_in_dim3A_306] : memref<512x64xf32, #tpu.memory_space<vmem>>[vector<16xi32>, vector<16xi32>], vector<16xf32>,
      tpu.vector_store_idx %arg14[%add3A_114, %broadcast_in_dim3A_306], %gather3A_307 : memref<256x257xf32, #tpu.memory_space<vmem>>[vector<16xi32>, vector<16xi32>], vector<16xf32>,
      %gather3A_308 = tpu.vector_load_idx %arg18[%add3A_247, %broadcast_in_dim3A_306] : memref<130x64xf32, #tpu.memory_space<vmem>>[vector<16xi32>, vector<16xi32>], vector<16xf32>,
      %broadcast_in_dim3A_309 = arith.constant 68 : i32
      %broadcast_in_dim3A_310 = vector.broadcast %broadcast_in_dim3A_309 : i32 to vector<16xi32>
      tpu.vector_store_idx %arg14[%add3A_114, %broadcast_in_dim3A_310], %gather3A_308 : memref<256x257xf32, #tpu.memory_space<vmem>>[vector<16xi32>, vector<16xi32>], vector<16xf32>,
      %gather3A_311 = tpu.vector_load_idx %arg18[%add3A_250, %broadcast_in_dim3A_306] : memref<130x64xf32, #tpu.memory_space<vmem>>[vector<16xi32>, vector<16xi32>], vector<16xf32>,
      %broadcast_in_dim3A_312 = arith.constant 132 : i32
      %broadcast_in_dim3A_313 = vector.broadcast %broadcast_in_dim3A_312 : i32 to vector<16xi32>
      tpu.vector_store_idx %arg14[%add3A_114, %broadcast_in_dim3A_313], %gather3A_311 : memref<256x257xf32, #tpu.memory_space<vmem>>[vector<16xi32>, vector<16xi32>], vector<16xf32>,
      %gather3A_314 = tpu.vector_load_idx %arg18[%add3A_253, %broadcast_in_dim3A_306] : memref<130x64xf32, #tpu.memory_space<vmem>>[vector<16xi32>, vector<16xi32>], vector<16xf32>,
      %broadcast_in_dim3A_315 = arith.constant 197 : i32
      %broadcast_in_dim3A_316 = vector.broadcast %broadcast_in_dim3A_315 : i32 to vector<16xi32>
      tpu.vector_store_idx %arg14[%add3A_114, %broadcast_in_dim3A_316], %gather3A_314 : memref<256x257xf32, #tpu.memory_space<vmem>>[vector<16xi32>, vector<16xi32>], vector<16xf32>,
      %broadcast_in_dim3A_317 = arith.constant 5 : i32
      %broadcast_in_dim3A_318 = vector.broadcast %broadcast_in_dim3A_317 : i32 to vector<16xi32>
      %gather3A_319 = tpu.vector_load_idx %arg13[%add3A_120, %broadcast_in_dim3A_318] : memref<512x64xf32, #tpu.memory_space<vmem>>[vector<16xi32>, vector<16xi32>], vector<16xf32>,
      tpu.vector_store_idx %arg14[%add3A_114, %broadcast_in_dim3A_318], %gather3A_319 : memref<256x257xf32, #tpu.memory_space<vmem>>[vector<16xi32>, vector<16xi32>], vector<16xf32>,
      %gather3A_320 = tpu.vector_load_idx %arg18[%add3A_247, %broadcast_in_dim3A_318] : memref<130x64xf32, #tpu.memory_space<vmem>>[vector<16xi32>, vector<16xi32>], vector<16xf32>,
      %broadcast_in_dim3A_321 = arith.constant 69 : i32
      %broadcast_in_dim3A_322 = vector.broadcast %broadcast_in_dim3A_321 : i32 to vector<16xi32>
      tpu.vector_store_idx %arg14[%add3A_114, %broadcast_in_dim3A_322], %gather3A_320 : memref<256x257xf32, #tpu.memory_space<vmem>>[vector<16xi32>, vector<16xi32>], vector<16xf32>,
      %gather3A_323 = tpu.vector_load_idx %arg18[%add3A_250, %broadcast_in_dim3A_318] : memref<130x64xf32, #tpu.memory_space<vmem>>[vector<16xi32>, vector<16xi32>], vector<16xf32>,
      %broadcast_in_dim3A_324 = arith.constant 133 : i32
      %broadcast_in_dim3A_325 = vector.broadcast %broadcast_in_dim3A_324 : i32 to vector<16xi32>
      tpu.vector_store_idx %arg14[%add3A_114, %broadcast_in_dim3A_325], %gather3A_323 : memref<256x257xf32, #tpu.memory_space<vmem>>[vector<16xi32>, vector<16xi32>], vector<16xf32>,
      %gather3A_326 = tpu.vector_load_idx %arg18[%add3A_253, %broadcast_in_dim3A_318] : memref<130x64xf32, #tpu.memory_space<vmem>>[vector<16xi32>, vector<16xi32>], vector<16xf32>,
      %broadcast_in_dim3A_327 = arith.constant 198 : i32
      %broadcast_in_dim3A_328 = vector.broadcast %broadcast_in_dim3A_327 : i32 to vector<16xi32>
      tpu.vector_store_idx %arg14[%add3A_114, %broadcast_in_dim3A_328], %gather3A_326 : memref<256x257xf32, #tpu.memory_space<vmem>>[vector<16xi32>, vector<16xi32>], vector<16xf32>,
      %broadcast_in_dim3A_329 = arith.constant 6 : i32
      %broadcast_in_dim3A_330 = vector.broadcast %broadcast_in_dim3A_329 : i32 to vector<16xi32>
      %gather3A_331 = tpu.vector_load_idx %arg13[%add3A_120, %broadcast_in_dim3A_330] : memref<512x64xf32, #tpu.memory_space<vmem>>[vector<16xi32>, vector<16xi32>], vector<16xf32>,
      tpu.vector_store_idx %arg14[%add3A_114, %broadcast_in_dim3A_330], %gather3A_331 : memref<256x257xf32, #tpu.memory_space<vmem>>[vector<16xi32>, vector<16xi32>], vector<16xf32>,
      %gather3A_332 = tpu.vector_load_idx %arg18[%add3A_247, %broadcast_in_dim3A_330] : memref<130x64xf32, #tpu.memory_space<vmem>>[vector<16xi32>, vector<16xi32>], vector<16xf32>,
      %broadcast_in_dim3A_333 = arith.constant 70 : i32
      %broadcast_in_dim3A_334 = vector.broadcast %broadcast_in_dim3A_333 : i32 to vector<16xi32>
      tpu.vector_store_idx %arg14[%add3A_114, %broadcast_in_dim3A_334], %gather3A_332 : memref<256x257xf32, #tpu.memory_space<vmem>>[vector<16xi32>, vector<16xi32>], vector<16xf32>,
      %gather3A_335 = tpu.vector_load_idx %arg18[%add3A_250, %broadcast_in_dim3A_330] : memref<130x64xf32, #tpu.memory_space<vmem>>[vector<16xi32>, vector<16xi32>], vector<16xf32>,
      %broadcast_in_dim3A_336 = arith.constant 134 : i32
      %broadcast_in_dim3A_337 = vector.broadcast %broadcast_in_dim3A_336 : i32 to vector<16xi32>
      tpu.vector_store_idx %arg14[%add3A_114, %broadcast_in_dim3A_337], %gather3A_335 : memref<256x257xf32, #tpu.memory_space<vmem>>[vector<16xi32>, vector<16xi32>], vector<16xf32>,
      %gather3A_338 = tpu.vector_load_idx %arg18[%add3A_253, %broadcast_in_dim3A_330] : memref<130x64xf32, #tpu.memory_space<vmem>>[vector<16xi32>, vector<16xi32>], vector<16xf32>,
      %broadcast_in_dim3A_339 = arith.constant 199 : i32
      %broadcast_in_dim3A_340 = vector.broadcast %broadcast_in_dim3A_339 : i32 to vector<16xi32>
      tpu.vector_store_idx %arg14[%add3A_114, %broadcast_in_dim3A_340], %gather3A_338 : memref<256x257xf32, #tpu.memory_space<vmem>>[vector<16xi32>, vector<16xi32>], vector<16xf32>,
      %broadcast_in_dim3A_341 = arith.constant 7 : i32
      %broadcast_in_dim3A_342 = vector.broadcast %broadcast_in_dim3A_341 : i32 to vector<16xi32>
      %gather3A_343 = tpu.vector_load_idx %arg13[%add3A_120, %broadcast_in_dim3A_342] : memref<512x64xf32, #tpu.memory_space<vmem>>[vector<16xi32>, vector<16xi32>], vector<16xf32>,
      tpu.vector_store_idx %arg14[%add3A_114, %broadcast_in_dim3A_342], %gather3A_343 : memref<256x257xf32, #tpu.memory_space<vmem>>[vector<16xi32>, vector<16xi32>], vector<16xf32>,
      %gather3A_344 = tpu.vector_load_idx %arg18[%add3A_247, %broadcast_in_dim3A_342] : memref<130x64xf32, #tpu.memory_space<vmem>>[vector<16xi32>, vector<16xi32>], vector<16xf32>,
      %broadcast_in_dim3A_345 = arith.constant 71 : i32
      %broadcast_in_dim3A_346 = vector.broadcast %broadcast_in_dim3A_345 : i32 to vector<16xi32>
      tpu.vector_store_idx %arg14[%add3A_114, %broadcast_in_dim3A_346], %gather3A_344 : memref<256x257xf32, #tpu.memory_space<vmem>>[vector<16xi32>, vector<16xi32>], vector<16xf32>,
      %gather3A_347 = tpu.vector_load_idx %arg18[%add3A_250, %broadcast_in_dim3A_342] : memref<130x64xf32, #tpu.memory_space<vmem>>[vector<16xi32>, vector<16xi32>], vector<16xf32>,
      %broadcast_in_dim3A_348 = arith.constant 135 : i32
      %broadcast_in_dim3A_349 = vector.broadcast %broadcast_in_dim3A_348 : i32 to vector<16xi32>
      tpu.vector_store_idx %arg14[%add3A_114, %broadcast_in_dim3A_349], %gather3A_347 : memref<256x257xf32, #tpu.memory_space<vmem>>[vector<16xi32>, vector<16xi32>], vector<16xf32>,
      %gather3A_350 = tpu.vector_load_idx %arg18[%add3A_253, %broadcast_in_dim3A_342] : memref<130x64xf32, #tpu.memory_space<vmem>>[vector<16xi32>, vector<16xi32>], vector<16xf32>,
      %broadcast_in_dim3A_351 = arith.constant 200 : i32
      %broadcast_in_dim3A_352 = vector.broadcast %broadcast_in_dim3A_351 : i32 to vector<16xi32>
      tpu.vector_store_idx %arg14[%add3A_114, %broadcast_in_dim3A_352], %gather3A_350 : memref<256x257xf32, #tpu.memory_space<vmem>>[vector<16xi32>, vector<16xi32>], vector<16xf32>,
      %broadcast_in_dim3A_353 = arith.constant 8 : i32
      %broadcast_in_dim3A_354 = vector.broadcast %broadcast_in_dim3A_353 : i32 to vector<16xi32>
      %gather3A_355 = tpu.vector_load_idx %arg13[%add3A_120, %broadcast_in_dim3A_354] : memref<512x64xf32, #tpu.memory_space<vmem>>[vector<16xi32>, vector<16xi32>], vector<16xf32>,
      tpu.vector_store_idx %arg14[%add3A_114, %broadcast_in_dim3A_354], %gather3A_355 : memref<256x257xf32, #tpu.memory_space<vmem>>[vector<16xi32>, vector<16xi32>], vector<16xf32>,
      %gather3A_356 = tpu.vector_load_idx %arg18[%add3A_247, %broadcast_in_dim3A_354] : memref<130x64xf32, #tpu.memory_space<vmem>>[vector<16xi32>, vector<16xi32>], vector<16xf32>,
      %broadcast_in_dim3A_357 = arith.constant 72 : i32
      %broadcast_in_dim3A_358 = vector.broadcast %broadcast_in_dim3A_357 : i32 to vector<16xi32>
      tpu.vector_store_idx %arg14[%add3A_114, %broadcast_in_dim3A_358], %gather3A_356 : memref<256x257xf32, #tpu.memory_space<vmem>>[vector<16xi32>, vector<16xi32>], vector<16xf32>,
      %gather3A_359 = tpu.vector_load_idx %arg18[%add3A_250, %broadcast_in_dim3A_354] : memref<130x64xf32, #tpu.memory_space<vmem>>[vector<16xi32>, vector<16xi32>], vector<16xf32>,
      %broadcast_in_dim3A_360 = arith.constant 136 : i32
      %broadcast_in_dim3A_361 = vector.broadcast %broadcast_in_dim3A_360 : i32 to vector<16xi32>
      tpu.vector_store_idx %arg14[%add3A_114, %broadcast_in_dim3A_361], %gather3A_359 : memref<256x257xf32, #tpu.memory_space<vmem>>[vector<16xi32>, vector<16xi32>], vector<16xf32>,
      %gather3A_362 = tpu.vector_load_idx %arg18[%add3A_253, %broadcast_in_dim3A_354] : memref<130x64xf32, #tpu.memory_space<vmem>>[vector<16xi32>, vector<16xi32>], vector<16xf32>,
      %broadcast_in_dim3A_363 = arith.constant 201 : i32
      %broadcast_in_dim3A_364 = vector.broadcast %broadcast_in_dim3A_363 : i32 to vector<16xi32>
      tpu.vector_store_idx %arg14[%add3A_114, %broadcast_in_dim3A_364], %gather3A_362 : memref<256x257xf32, #tpu.memory_space<vmem>>[vector<16xi32>, vector<16xi32>], vector<16xf32>,
      %broadcast_in_dim3A_365 = arith.constant 9 : i32
      %broadcast_in_dim3A_366 = vector.broadcast %broadcast_in_dim3A_365 : i32 to vector<16xi32>
      %gather3A_367 = tpu.vector_load_idx %arg13[%add3A_120, %broadcast_in_dim3A_366] : memref<512x64xf32, #tpu.memory_space<vmem>>[vector<16xi32>, vector<16xi32>], vector<16xf32>,
      tpu.vector_store_idx %arg14[%add3A_114, %broadcast_in_dim3A_366], %gather3A_367 : memref<256x257xf32, #tpu.memory_space<vmem>>[vector<16xi32>, vector<16xi32>], vector<16xf32>,
      %gather3A_368 = tpu.vector_load_idx %arg18[%add3A_247, %broadcast_in_dim3A_366] : memref<130x64xf32, #tpu.memory_space<vmem>>[vector<16xi32>, vector<16xi32>], vector<16xf32>,
      %broadcast_in_dim3A_369 = arith.constant 73 : i32
      %broadcast_in_dim3A_370 = vector.broadcast %broadcast_in_dim3A_369 : i32 to vector<16xi32>
      tpu.vector_store_idx %arg14[%add3A_114, %broadcast_in_dim3A_370], %gather3A_368 : memref<256x257xf32, #tpu.memory_space<vmem>>[vector<16xi32>, vector<16xi32>], vector<16xf32>,
      %gather3A_371 = tpu.vector_load_idx %arg18[%add3A_250, %broadcast_in_dim3A_366] : memref<130x64xf32, #tpu.memory_space<vmem>>[vector<16xi32>, vector<16xi32>], vector<16xf32>,
      %broadcast_in_dim3A_372 = arith.constant 137 : i32
      %broadcast_in_dim3A_373 = vector.broadcast %broadcast_in_dim3A_372 : i32 to vector<16xi32>
      tpu.vector_store_idx %arg14[%add3A_114, %broadcast_in_dim3A_373], %gather3A_371 : memref<256x257xf32, #tpu.memory_space<vmem>>[vector<16xi32>, vector<16xi32>], vector<16xf32>,
      %gather3A_374 = tpu.vector_load_idx %arg18[%add3A_253, %broadcast_in_dim3A_366] : memref<130x64xf32, #tpu.memory_space<vmem>>[vector<16xi32>, vector<16xi32>], vector<16xf32>,
      %broadcast_in_dim3A_375 = arith.constant 202 : i32
      %broadcast_in_dim3A_376 = vector.broadcast %broadcast_in_dim3A_375 : i32 to vector<16xi32>
      tpu.vector_store_idx %arg14[%add3A_114, %broadcast_in_dim3A_376], %gather3A_374 : memref<256x257xf32, #tpu.memory_space<vmem>>[vector<16xi32>, vector<16xi32>], vector<16xf32>,
      %broadcast_in_dim3A_377 = arith.constant 10 : i32
      %broadcast_in_dim3A_378 = vector.broadcast %broadcast_in_dim3A_377 : i32 to vector<16xi32>
      %gather3A_379 = tpu.vector_load_idx %arg13[%add3A_120, %broadcast_in_dim3A_378] : memref<512x64xf32, #tpu.memory_space<vmem>>[vector<16xi32>, vector<16xi32>], vector<16xf32>,
      tpu.vector_store_idx %arg14[%add3A_114, %broadcast_in_dim3A_378], %gather3A_379 : memref<256x257xf32, #tpu.memory_space<vmem>>[vector<16xi32>, vector<16xi32>], vector<16xf32>,
      %gather3A_380 = tpu.vector_load_idx %arg18[%add3A_247, %broadcast_in_dim3A_378] : memref<130x64xf32, #tpu.memory_space<vmem>>[vector<16xi32>, vector<16xi32>], vector<16xf32>,
      %broadcast_in_dim3A_381 = arith.constant 74 : i32
      %broadcast_in_dim3A_382 = vector.broadcast %broadcast_in_dim3A_381 : i32 to vector<16xi32>
      tpu.vector_store_idx %arg14[%add3A_114, %broadcast_in_dim3A_382], %gather3A_380 : memref<256x257xf32, #tpu.memory_space<vmem>>[vector<16xi32>, vector<16xi32>], vector<16xf32>,
      %gather3A_383 = tpu.vector_load_idx %arg18[%add3A_250, %broadcast_in_dim3A_378] : memref<130x64xf32, #tpu.memory_space<vmem>>[vector<16xi32>, vector<16xi32>], vector<16xf32>,
      %broadcast_in_dim3A_384 = arith.constant 138 : i32
      %broadcast_in_dim3A_385 = vector.broadcast %broadcast_in_dim3A_384 : i32 to vector<16xi32>
      tpu.vector_store_idx %arg14[%add3A_114, %broadcast_in_dim3A_385], %gather3A_383 : memref<256x257xf32, #tpu.memory_space<vmem>>[vector<16xi32>, vector<16xi32>], vector<16xf32>,
      %gather3A_386 = tpu.vector_load_idx %arg18[%add3A_253, %broadcast_in_dim3A_378] : memref<130x64xf32, #tpu.memory_space<vmem>>[vector<16xi32>, vector<16xi32>], vector<16xf32>,
      %broadcast_in_dim3A_387 = arith.constant 203 : i32
      %broadcast_in_dim3A_388 = vector.broadcast %broadcast_in_dim3A_387 : i32 to vector<16xi32>
      tpu.vector_store_idx %arg14[%add3A_114, %broadcast_in_dim3A_388], %gather3A_386 : memref<256x257xf32, #tpu.memory_space<vmem>>[vector<16xi32>, vector<16xi32>], vector<16xf32>,
      %broadcast_in_dim3A_389 = arith.constant 11 : i32
      %broadcast_in_dim3A_390 = vector.broadcast %broadcast_in_dim3A_389 : i32 to vector<16xi32>
      %gather3A_391 = tpu.vector_load_idx %arg13[%add3A_120, %broadcast_in_dim3A_390] : memref<512x64xf32, #tpu.memory_space<vmem>>[vector<16xi32>, vector<16xi32>], vector<16xf32>,
      tpu.vector_store_idx %arg14[%add3A_114, %broadcast_in_dim3A_390], %gather3A_391 : memref<256x257xf32, #tpu.memory_space<vmem>>[vector<16xi32>, vector<16xi32>], vector<16xf32>,
      %gather3A_392 = tpu.vector_load_idx %arg18[%add3A_247, %broadcast_in_dim3A_390] : memref<130x64xf32, #tpu.memory_space<vmem>>[vector<16xi32>, vector<16xi32>], vector<16xf32>,
      %broadcast_in_dim3A_393 = arith.constant 75 : i32
      %broadcast_in_dim3A_394 = vector.broadcast %broadcast_in_dim3A_393 : i32 to vector<16xi32>
      tpu.vector_store_idx %arg14[%add3A_114, %broadcast_in_dim3A_394], %gather3A_392 : memref<256x257xf32, #tpu.memory_space<vmem>>[vector<16xi32>, vector<16xi32>], vector<16xf32>,
      %gather3A_395 = tpu.vector_load_idx %arg18[%add3A_250, %broadcast_in_dim3A_390] : memref<130x64xf32, #tpu.memory_space<vmem>>[vector<16xi32>, vector<16xi32>], vector<16xf32>,
      %broadcast_in_dim3A_396 = arith.constant 139 : i32
      %broadcast_in_dim3A_397 = vector.broadcast %broadcast_in_dim3A_396 : i32 to vector<16xi32>
      tpu.vector_store_idx %arg14[%add3A_114, %broadcast_in_dim3A_397], %gather3A_395 : memref<256x257xf32, #tpu.memory_space<vmem>>[vector<16xi32>, vector<16xi32>], vector<16xf32>,
      %gather3A_398 = tpu.vector_load_idx %arg18[%add3A_253, %broadcast_in_dim3A_390] : memref<130x64xf32, #tpu.memory_space<vmem>>[vector<16xi32>, vector<16xi32>], vector<16xf32>,
      %broadcast_in_dim3A_399 = arith.constant 204 : i32
      %broadcast_in_dim3A_400 = vector.broadcast %broadcast_in_dim3A_399 : i32 to vector<16xi32>
      tpu.vector_store_idx %arg14[%add3A_114, %broadcast_in_dim3A_400], %gather3A_398 : memref<256x257xf32, #tpu.memory_space<vmem>>[vector<16xi32>, vector<16xi32>], vector<16xf32>,
      %broadcast_in_dim3A_401 = arith.constant 12 : i32
      %broadcast_in_dim3A_402 = vector.broadcast %broadcast_in_dim3A_401 : i32 to vector<16xi32>
      %gather3A_403 = tpu.vector_load_idx %arg13[%add3A_120, %broadcast_in_dim3A_402] : memref<512x64xf32, #tpu.memory_space<vmem>>[vector<16xi32>, vector<16xi32>], vector<16xf32>,
      tpu.vector_store_idx %arg14[%add3A_114, %broadcast_in_dim3A_402], %gather3A_403 : memref<256x257xf32, #tpu.memory_space<vmem>>[vector<16xi32>, vector<16xi32>], vector<16xf32>,
      %gather3A_404 = tpu.vector_load_idx %arg18[%add3A_247, %broadcast_in_dim3A_402] : memref<130x64xf32, #tpu.memory_space<vmem>>[vector<16xi32>, vector<16xi32>], vector<16xf32>,
      %broadcast_in_dim3A_405 = arith.constant 76 : i32
      %broadcast_in_dim3A_406 = vector.broadcast %broadcast_in_dim3A_405 : i32 to vector<16xi32>
      tpu.vector_store_idx %arg14[%add3A_114, %broadcast_in_dim3A_406], %gather3A_404 : memref<256x257xf32, #tpu.memory_space<vmem>>[vector<16xi32>, vector<16xi32>], vector<16xf32>,
      %gather3A_407 = tpu.vector_load_idx %arg18[%add3A_250, %broadcast_in_dim3A_402] : memref<130x64xf32, #tpu.memory_space<vmem>>[vector<16xi32>, vector<16xi32>], vector<16xf32>,
      %broadcast_in_dim3A_408 = arith.constant 140 : i32
      %broadcast_in_dim3A_409 = vector.broadcast %broadcast_in_dim3A_408 : i32 to vector<16xi32>
      tpu.vector_store_idx %arg14[%add3A_114, %broadcast_in_dim3A_409], %gather3A_407 : memref<256x257xf32, #tpu.memory_space<vmem>>[vector<16xi32>, vector<16xi32>], vector<16xf32>,
      %gather3A_410 = tpu.vector_load_idx %arg18[%add3A_253, %broadcast_in_dim3A_402] : memref<130x64xf32, #tpu.memory_space<vmem>>[vector<16xi32>, vector<16xi32>], vector<16xf32>,
      %broadcast_in_dim3A_411 = arith.constant 205 : i32
      %broadcast_in_dim3A_412 = vector.broadcast %broadcast_in_dim3A_411 : i32 to vector<16xi32>
      tpu.vector_store_idx %arg14[%add3A_114, %broadcast_in_dim3A_412], %gather3A_410 : memref<256x257xf32, #tpu.memory_space<vmem>>[vector<16xi32>, vector<16xi32>], vector<16xf32>,
      %broadcast_in_dim3A_413 = arith.constant 13 : i32
      %broadcast_in_dim3A_414 = vector.broadcast %broadcast_in_dim3A_413 : i32 to vector<16xi32>
      %gather3A_415 = tpu.vector_load_idx %arg13[%add3A_120, %broadcast_in_dim3A_414] : memref<512x64xf32, #tpu.memory_space<vmem>>[vector<16xi32>, vector<16xi32>], vector<16xf32>,
      tpu.vector_store_idx %arg14[%add3A_114, %broadcast_in_dim3A_414], %gather3A_415 : memref<256x257xf32, #tpu.memory_space<vmem>>[vector<16xi32>, vector<16xi32>], vector<16xf32>,
      %gather3A_416 = tpu.vector_load_idx %arg18[%add3A_247, %broadcast_in_dim3A_414] : memref<130x64xf32, #tpu.memory_space<vmem>>[vector<16xi32>, vector<16xi32>], vector<16xf32>,
      %broadcast_in_dim3A_417 = arith.constant 77 : i32
      %broadcast_in_dim3A_418 = vector.broadcast %broadcast_in_dim3A_417 : i32 to vector<16xi32>
      tpu.vector_store_idx %arg14[%add3A_114, %broadcast_in_dim3A_418], %gather3A_416 : memref<256x257xf32, #tpu.memory_space<vmem>>[vector<16xi32>, vector<16xi32>], vector<16xf32>,
      %gather3A_419 = tpu.vector_load_idx %arg18[%add3A_250, %broadcast_in_dim3A_414] : memref<130x64xf32, #tpu.memory_space<vmem>>[vector<16xi32>, vector<16xi32>], vector<16xf32>,
      %broadcast_in_dim3A_420 = arith.constant 141 : i32
      %broadcast_in_dim3A_421 = vector.broadcast %broadcast_in_dim3A_420 : i32 to vector<16xi32>
      tpu.vector_store_idx %arg14[%add3A_114, %broadcast_in_dim3A_421], %gather3A_419 : memref<256x257xf32, #tpu.memory_space<vmem>>[vector<16xi32>, vector<16xi32>], vector<16xf32>,
      %gather3A_422 = tpu.vector_load_idx %arg18[%add3A_253, %broadcast_in_dim3A_414] : memref<130x64xf32, #tpu.memory_space<vmem>>[vector<16xi32>, vector<16xi32>], vector<16xf32>,
      %broadcast_in_dim3A_423 = arith.constant 206 : i32
      %broadcast_in_dim3A_424 = vector.broadcast %broadcast_in_dim3A_423 : i32 to vector<16xi32>
      tpu.vector_store_idx %arg14[%add3A_114, %broadcast_in_dim3A_424], %gather3A_422 : memref<256x257xf32, #tpu.memory_space<vmem>>[vector<16xi32>, vector<16xi32>], vector<16xf32>,
      %broadcast_in_dim3A_425 = arith.constant 14 : i32
      %broadcast_in_dim3A_426 = vector.broadcast %broadcast_in_dim3A_425 : i32 to vector<16xi32>
      %gather3A_427 = tpu.vector_load_idx %arg13[%add3A_120, %broadcast_in_dim3A_426] : memref<512x64xf32, #tpu.memory_space<vmem>>[vector<16xi32>, vector<16xi32>], vector<16xf32>,
      tpu.vector_store_idx %arg14[%add3A_114, %broadcast_in_dim3A_426], %gather3A_427 : memref<256x257xf32, #tpu.memory_space<vmem>>[vector<16xi32>, vector<16xi32>], vector<16xf32>,
      %gather3A_428 = tpu.vector_load_idx %arg18[%add3A_247, %broadcast_in_dim3A_426] : memref<130x64xf32, #tpu.memory_space<vmem>>[vector<16xi32>, vector<16xi32>], vector<16xf32>,
      %broadcast_in_dim3A_429 = arith.constant 78 : i32
      %broadcast_in_dim3A_430 = vector.broadcast %broadcast_in_dim3A_429 : i32 to vector<16xi32>
      tpu.vector_store_idx %arg14[%add3A_114, %broadcast_in_dim3A_430], %gather3A_428 : memref<256x257xf32, #tpu.memory_space<vmem>>[vector<16xi32>, vector<16xi32>], vector<16xf32>,
      %gather3A_431 = tpu.vector_load_idx %arg18[%add3A_250, %broadcast_in_dim3A_426] : memref<130x64xf32, #tpu.memory_space<vmem>>[vector<16xi32>, vector<16xi32>], vector<16xf32>,
      %broadcast_in_dim3A_432 = arith.constant 142 : i32
      %broadcast_in_dim3A_433 = vector.broadcast %broadcast_in_dim3A_432 : i32 to vector<16xi32>
      tpu.vector_store_idx %arg14[%add3A_114, %broadcast_in_dim3A_433], %gather3A_431 : memref<256x257xf32, #tpu.memory_space<vmem>>[vector<16xi32>, vector<16xi32>], vector<16xf32>,
      %gather3A_434 = tpu.vector_load_idx %arg18[%add3A_253, %broadcast_in_dim3A_426] : memref<130x64xf32, #tpu.memory_space<vmem>>[vector<16xi32>, vector<16xi32>], vector<16xf32>,
      %broadcast_in_dim3A_435 = arith.constant 207 : i32
      %broadcast_in_dim3A_436 = vector.broadcast %broadcast_in_dim3A_435 : i32 to vector<16xi32>
      tpu.vector_store_idx %arg14[%add3A_114, %broadcast_in_dim3A_436], %gather3A_434 : memref<256x257xf32, #tpu.memory_space<vmem>>[vector<16xi32>, vector<16xi32>], vector<16xf32>,
      %broadcast_in_dim3A_437 = arith.constant 15 : i32
      %broadcast_in_dim3A_438 = vector.broadcast %broadcast_in_dim3A_437 : i32 to vector<16xi32>
      %gather3A_439 = tpu.vector_load_idx %arg13[%add3A_120, %broadcast_in_dim3A_438] : memref<512x64xf32, #tpu.memory_space<vmem>>[vector<16xi32>, vector<16xi32>], vector<16xf32>,
      tpu.vector_store_idx %arg14[%add3A_114, %broadcast_in_dim3A_438], %gather3A_439 : memref<256x257xf32, #tpu.memory_space<vmem>>[vector<16xi32>, vector<16xi32>], vector<16xf32>,
      %gather3A_440 = tpu.vector_load_idx %arg18[%add3A_247, %broadcast_in_dim3A_438] : memref<130x64xf32, #tpu.memory_space<vmem>>[vector<16xi32>, vector<16xi32>], vector<16xf32>,
      %broadcast_in_dim3A_441 = arith.constant 79 : i32
      %broadcast_in_dim3A_442 = vector.broadcast %broadcast_in_dim3A_441 : i32 to vector<16xi32>
      tpu.vector_store_idx %arg14[%add3A_114, %broadcast_in_dim3A_442], %gather3A_440 : memref<256x257xf32, #tpu.memory_space<vmem>>[vector<16xi32>, vector<16xi32>], vector<16xf32>,
      %gather3A_443 = tpu.vector_load_idx %arg18[%add3A_250, %broadcast_in_dim3A_438] : memref<130x64xf32, #tpu.memory_space<vmem>>[vector<16xi32>, vector<16xi32>], vector<16xf32>,
      %broadcast_in_dim3A_444 = arith.constant 143 : i32
      %broadcast_in_dim3A_445 = vector.broadcast %broadcast_in_dim3A_444 : i32 to vector<16xi32>
      tpu.vector_store_idx %arg14[%add3A_114, %broadcast_in_dim3A_445], %gather3A_443 : memref<256x257xf32, #tpu.memory_space<vmem>>[vector<16xi32>, vector<16xi32>], vector<16xf32>,
      %gather3A_446 = tpu.vector_load_idx %arg18[%add3A_253, %broadcast_in_dim3A_438] : memref<130x64xf32, #tpu.memory_space<vmem>>[vector<16xi32>, vector<16xi32>], vector<16xf32>,
      %broadcast_in_dim3A_447 = arith.constant 208 : i32
      %broadcast_in_dim3A_448 = vector.broadcast %broadcast_in_dim3A_447 : i32 to vector<16xi32>
      tpu.vector_store_idx %arg14[%add3A_114, %broadcast_in_dim3A_448], %gather3A_446 : memref<256x257xf32, #tpu.memory_space<vmem>>[vector<16xi32>, vector<16xi32>], vector<16xf32>,
      %broadcast_in_dim3A_449 = arith.constant 16 : i32
      %broadcast_in_dim3A_450 = vector.broadcast %broadcast_in_dim3A_449 : i32 to vector<16xi32>
      %gather3A_451 = tpu.vector_load_idx %arg13[%add3A_120, %broadcast_in_dim3A_450] : memref<512x64xf32, #tpu.memory_space<vmem>>[vector<16xi32>, vector<16xi32>], vector<16xf32>,
      tpu.vector_store_idx %arg14[%add3A_114, %broadcast_in_dim3A_450], %gather3A_451 : memref<256x257xf32, #tpu.memory_space<vmem>>[vector<16xi32>, vector<16xi32>], vector<16xf32>,
      %gather3A_452 = tpu.vector_load_idx %arg18[%add3A_247, %broadcast_in_dim3A_450] : memref<130x64xf32, #tpu.memory_space<vmem>>[vector<16xi32>, vector<16xi32>], vector<16xf32>,
      %broadcast_in_dim3A_453 = arith.constant 80 : i32
      %broadcast_in_dim3A_454 = vector.broadcast %broadcast_in_dim3A_453 : i32 to vector<16xi32>
      tpu.vector_store_idx %arg14[%add3A_114, %broadcast_in_dim3A_454], %gather3A_452 : memref<256x257xf32, #tpu.memory_space<vmem>>[vector<16xi32>, vector<16xi32>], vector<16xf32>,
      %gather3A_455 = tpu.vector_load_idx %arg18[%add3A_250, %broadcast_in_dim3A_450] : memref<130x64xf32, #tpu.memory_space<vmem>>[vector<16xi32>, vector<16xi32>], vector<16xf32>,
      %broadcast_in_dim3A_456 = arith.constant 144 : i32
      %broadcast_in_dim3A_457 = vector.broadcast %broadcast_in_dim3A_456 : i32 to vector<16xi32>
      tpu.vector_store_idx %arg14[%add3A_114, %broadcast_in_dim3A_457], %gather3A_455 : memref<256x257xf32, #tpu.memory_space<vmem>>[vector<16xi32>, vector<16xi32>], vector<16xf32>,
      %gather3A_458 = tpu.vector_load_idx %arg18[%add3A_253, %broadcast_in_dim3A_450] : memref<130x64xf32, #tpu.memory_space<vmem>>[vector<16xi32>, vector<16xi32>], vector<16xf32>,
      %broadcast_in_dim3A_459 = arith.constant 209 : i32
      %broadcast_in_dim3A_460 = vector.broadcast %broadcast_in_dim3A_459 : i32 to vector<16xi32>
      tpu.vector_store_idx %arg14[%add3A_114, %broadcast_in_dim3A_460], %gather3A_458 : memref<256x257xf32, #tpu.memory_space<vmem>>[vector<16xi32>, vector<16xi32>], vector<16xf32>,
      %broadcast_in_dim3A_461 = arith.constant 17 : i32
      %broadcast_in_dim3A_462 = vector.broadcast %broadcast_in_dim3A_461 : i32 to vector<16xi32>
      %gather3A_463 = tpu.vector_load_idx %arg13[%add3A_120, %broadcast_in_dim3A_462] : memref<512x64xf32, #tpu.memory_space<vmem>>[vector<16xi32>, vector<16xi32>], vector<16xf32>,
      tpu.vector_store_idx %arg14[%add3A_114, %broadcast_in_dim3A_462], %gather3A_463 : memref<256x257xf32, #tpu.memory_space<vmem>>[vector<16xi32>, vector<16xi32>], vector<16xf32>,
      %gather3A_464 = tpu.vector_load_idx %arg18[%add3A_247, %broadcast_in_dim3A_462] : memref<130x64xf32, #tpu.memory_space<vmem>>[vector<16xi32>, vector<16xi32>], vector<16xf32>,
      %broadcast_in_dim3A_465 = arith.constant 81 : i32
      %broadcast_in_dim3A_466 = vector.broadcast %broadcast_in_dim3A_465 : i32 to vector<16xi32>
      tpu.vector_store_idx %arg14[%add3A_114, %broadcast_in_dim3A_466], %gather3A_464 : memref<256x257xf32, #tpu.memory_space<vmem>>[vector<16xi32>, vector<16xi32>], vector<16xf32>,
      %gather3A_467 = tpu.vector_load_idx %arg18[%add3A_250, %broadcast_in_dim3A_462] : memref<130x64xf32, #tpu.memory_space<vmem>>[vector<16xi32>, vector<16xi32>], vector<16xf32>,
      %broadcast_in_dim3A_468 = arith.constant 145 : i32
      %broadcast_in_dim3A_469 = vector.broadcast %broadcast_in_dim3A_468 : i32 to vector<16xi32>
      tpu.vector_store_idx %arg14[%add3A_114, %broadcast_in_dim3A_469], %gather3A_467 : memref<256x257xf32, #tpu.memory_space<vmem>>[vector<16xi32>, vector<16xi32>], vector<16xf32>,
      %gather3A_470 = tpu.vector_load_idx %arg18[%add3A_253, %broadcast_in_dim3A_462] : memref<130x64xf32, #tpu.memory_space<vmem>>[vector<16xi32>, vector<16xi32>], vector<16xf32>,
      %broadcast_in_dim3A_471 = arith.constant 210 : i32
      %broadcast_in_dim3A_472 = vector.broadcast %broadcast_in_dim3A_471 : i32 to vector<16xi32>
      tpu.vector_store_idx %arg14[%add3A_114, %broadcast_in_dim3A_472], %gather3A_470 : memref<256x257xf32, #tpu.memory_space<vmem>>[vector<16xi32>, vector<16xi32>], vector<16xf32>,
      %broadcast_in_dim3A_473 = arith.constant 18 : i32
      %broadcast_in_dim3A_474 = vector.broadcast %broadcast_in_dim3A_473 : i32 to vector<16xi32>
      %gather3A_475 = tpu.vector_load_idx %arg13[%add3A_120, %broadcast_in_dim3A_474] : memref<512x64xf32, #tpu.memory_space<vmem>>[vector<16xi32>, vector<16xi32>], vector<16xf32>,
      tpu.vector_store_idx %arg14[%add3A_114, %broadcast_in_dim3A_474], %gather3A_475 : memref<256x257xf32, #tpu.memory_space<vmem>>[vector<16xi32>, vector<16xi32>], vector<16xf32>,
      %gather3A_476 = tpu.vector_load_idx %arg18[%add3A_247, %broadcast_in_dim3A_474] : memref<130x64xf32, #tpu.memory_space<vmem>>[vector<16xi32>, vector<16xi32>], vector<16xf32>,
      %broadcast_in_dim3A_477 = arith.constant 82 : i32
      %broadcast_in_dim3A_478 = vector.broadcast %broadcast_in_dim3A_477 : i32 to vector<16xi32>
      tpu.vector_store_idx %arg14[%add3A_114, %broadcast_in_dim3A_478], %gather3A_476 : memref<256x257xf32, #tpu.memory_space<vmem>>[vector<16xi32>, vector<16xi32>], vector<16xf32>,
      %gather3A_479 = tpu.vector_load_idx %arg18[%add3A_250, %broadcast_in_dim3A_474] : memref<130x64xf32, #tpu.memory_space<vmem>>[vector<16xi32>, vector<16xi32>], vector<16xf32>,
      %broadcast_in_dim3A_480 = arith.constant 146 : i32
      %broadcast_in_dim3A_481 = vector.broadcast %broadcast_in_dim3A_480 : i32 to vector<16xi32>
      tpu.vector_store_idx %arg14[%add3A_114, %broadcast_in_dim3A_481], %gather3A_479 : memref<256x257xf32, #tpu.memory_space<vmem>>[vector<16xi32>, vector<16xi32>], vector<16xf32>,
      %gather3A_482 = tpu.vector_load_idx %arg18[%add3A_253, %broadcast_in_dim3A_474] : memref<130x64xf32, #tpu.memory_space<vmem>>[vector<16xi32>, vector<16xi32>], vector<16xf32>,
      %broadcast_in_dim3A_483 = arith.constant 211 : i32
      %broadcast_in_dim3A_484 = vector.broadcast %broadcast_in_dim3A_483 : i32 to vector<16xi32>
      tpu.vector_store_idx %arg14[%add3A_114, %broadcast_in_dim3A_484], %gather3A_482 : memref<256x257xf32, #tpu.memory_space<vmem>>[vector<16xi32>, vector<16xi32>], vector<16xf32>,
      %broadcast_in_dim3A_485 = arith.constant 19 : i32
      %broadcast_in_dim3A_486 = vector.broadcast %broadcast_in_dim3A_485 : i32 to vector<16xi32>
      %gather3A_487 = tpu.vector_load_idx %arg13[%add3A_120, %broadcast_in_dim3A_486] : memref<512x64xf32, #tpu.memory_space<vmem>>[vector<16xi32>, vector<16xi32>], vector<16xf32>,
      tpu.vector_store_idx %arg14[%add3A_114, %broadcast_in_dim3A_486], %gather3A_487 : memref<256x257xf32, #tpu.memory_space<vmem>>[vector<16xi32>, vector<16xi32>], vector<16xf32>,
      %gather3A_488 = tpu.vector_load_idx %arg18[%add3A_247, %broadcast_in_dim3A_486] : memref<130x64xf32, #tpu.memory_space<vmem>>[vector<16xi32>, vector<16xi32>], vector<16xf32>,
      %broadcast_in_dim3A_489 = arith.constant 83 : i32
      %broadcast_in_dim3A_490 = vector.broadcast %broadcast_in_dim3A_489 : i32 to vector<16xi32>
      tpu.vector_store_idx %arg14[%add3A_114, %broadcast_in_dim3A_490], %gather3A_488 : memref<256x257xf32, #tpu.memory_space<vmem>>[vector<16xi32>, vector<16xi32>], vector<16xf32>,
      %gather3A_491 = tpu.vector_load_idx %arg18[%add3A_250, %broadcast_in_dim3A_486] : memref<130x64xf32, #tpu.memory_space<vmem>>[vector<16xi32>, vector<16xi32>], vector<16xf32>,
      %broadcast_in_dim3A_492 = arith.constant 147 : i32
      %broadcast_in_dim3A_493 = vector.broadcast %broadcast_in_dim3A_492 : i32 to vector<16xi32>
      tpu.vector_store_idx %arg14[%add3A_114, %broadcast_in_dim3A_493], %gather3A_491 : memref<256x257xf32, #tpu.memory_space<vmem>>[vector<16xi32>, vector<16xi32>], vector<16xf32>,
      %gather3A_494 = tpu.vector_load_idx %arg18[%add3A_253, %broadcast_in_dim3A_486] : memref<130x64xf32, #tpu.memory_space<vmem>>[vector<16xi32>, vector<16xi32>], vector<16xf32>,
      %broadcast_in_dim3A_495 = arith.constant 212 : i32
      %broadcast_in_dim3A_496 = vector.broadcast %broadcast_in_dim3A_495 : i32 to vector<16xi32>
      tpu.vector_store_idx %arg14[%add3A_114, %broadcast_in_dim3A_496], %gather3A_494 : memref<256x257xf32, #tpu.memory_space<vmem>>[vector<16xi32>, vector<16xi32>], vector<16xf32>,
      %broadcast_in_dim3A_497 = arith.constant 20 : i32
      %broadcast_in_dim3A_498 = vector.broadcast %broadcast_in_dim3A_497 : i32 to vector<16xi32>
      %gather3A_499 = tpu.vector_load_idx %arg13[%add3A_120, %broadcast_in_dim3A_498] : memref<512x64xf32, #tpu.memory_space<vmem>>[vector<16xi32>, vector<16xi32>], vector<16xf32>,
      tpu.vector_store_idx %arg14[%add3A_114, %broadcast_in_dim3A_498], %gather3A_499 : memref<256x257xf32, #tpu.memory_space<vmem>>[vector<16xi32>, vector<16xi32>], vector<16xf32>,
      %gather3A_500 = tpu.vector_load_idx %arg18[%add3A_247, %broadcast_in_dim3A_498] : memref<130x64xf32, #tpu.memory_space<vmem>>[vector<16xi32>, vector<16xi32>], vector<16xf32>,
      %broadcast_in_dim3A_501 = arith.constant 84 : i32
      %broadcast_in_dim3A_502 = vector.broadcast %broadcast_in_dim3A_501 : i32 to vector<16xi32>
      tpu.vector_store_idx %arg14[%add3A_114, %broadcast_in_dim3A_502], %gather3A_500 : memref<256x257xf32, #tpu.memory_space<vmem>>[vector<16xi32>, vector<16xi32>], vector<16xf32>,
      %gather3A_503 = tpu.vector_load_idx %arg18[%add3A_250, %broadcast_in_dim3A_498] : memref<130x64xf32, #tpu.memory_space<vmem>>[vector<16xi32>, vector<16xi32>], vector<16xf32>,
      %broadcast_in_dim3A_504 = arith.constant 148 : i32
      %broadcast_in_dim3A_505 = vector.broadcast %broadcast_in_dim3A_504 : i32 to vector<16xi32>
      tpu.vector_store_idx %arg14[%add3A_114, %broadcast_in_dim3A_505], %gather3A_503 : memref<256x257xf32, #tpu.memory_space<vmem>>[vector<16xi32>, vector<16xi32>], vector<16xf32>,
      %gather3A_506 = tpu.vector_load_idx %arg18[%add3A_253, %broadcast_in_dim3A_498] : memref<130x64xf32, #tpu.memory_space<vmem>>[vector<16xi32>, vector<16xi32>], vector<16xf32>,
      %broadcast_in_dim3A_507 = arith.constant 213 : i32
      %broadcast_in_dim3A_508 = vector.broadcast %broadcast_in_dim3A_507 : i32 to vector<16xi32>
      tpu.vector_store_idx %arg14[%add3A_114, %broadcast_in_dim3A_508], %gather3A_506 : memref<256x257xf32, #tpu.memory_space<vmem>>[vector<16xi32>, vector<16xi32>], vector<16xf32>,
      %broadcast_in_dim3A_509 = arith.constant 21 : i32
      %broadcast_in_dim3A_510 = vector.broadcast %broadcast_in_dim3A_509 : i32 to vector<16xi32>
      %gather3A_511 = tpu.vector_load_idx %arg13[%add3A_120, %broadcast_in_dim3A_510] : memref<512x64xf32, #tpu.memory_space<vmem>>[vector<16xi32>, vector<16xi32>], vector<16xf32>,
      tpu.vector_store_idx %arg14[%add3A_114, %broadcast_in_dim3A_510], %gather3A_511 : memref<256x257xf32, #tpu.memory_space<vmem>>[vector<16xi32>, vector<16xi32>], vector<16xf32>,
      %gather3A_512 = tpu.vector_load_idx %arg18[%add3A_247, %broadcast_in_dim3A_510] : memref<130x64xf32, #tpu.memory_space<vmem>>[vector<16xi32>, vector<16xi32>], vector<16xf32>,
      %broadcast_in_dim3A_513 = arith.constant 85 : i32
      %broadcast_in_dim3A_514 = vector.broadcast %broadcast_in_dim3A_513 : i32 to vector<16xi32>
      tpu.vector_store_idx %arg14[%add3A_114, %broadcast_in_dim3A_514], %gather3A_512 : memref<256x257xf32, #tpu.memory_space<vmem>>[vector<16xi32>, vector<16xi32>], vector<16xf32>,
      %gather3A_515 = tpu.vector_load_idx %arg18[%add3A_250, %broadcast_in_dim3A_510] : memref<130x64xf32, #tpu.memory_space<vmem>>[vector<16xi32>, vector<16xi32>], vector<16xf32>,
      %broadcast_in_dim3A_516 = arith.constant 149 : i32
      %broadcast_in_dim3A_517 = vector.broadcast %broadcast_in_dim3A_516 : i32 to vector<16xi32>
      tpu.vector_store_idx %arg14[%add3A_114, %broadcast_in_dim3A_517], %gather3A_515 : memref<256x257xf32, #tpu.memory_space<vmem>>[vector<16xi32>, vector<16xi32>], vector<16xf32>,
      %gather3A_518 = tpu.vector_load_idx %arg18[%add3A_253, %broadcast_in_dim3A_510] : memref<130x64xf32, #tpu.memory_space<vmem>>[vector<16xi32>, vector<16xi32>], vector<16xf32>,
      %broadcast_in_dim3A_519 = arith.constant 214 : i32
      %broadcast_in_dim3A_520 = vector.broadcast %broadcast_in_dim3A_519 : i32 to vector<16xi32>
      tpu.vector_store_idx %arg14[%add3A_114, %broadcast_in_dim3A_520], %gather3A_518 : memref<256x257xf32, #tpu.memory_space<vmem>>[vector<16xi32>, vector<16xi32>], vector<16xf32>,
      %broadcast_in_dim3A_521 = arith.constant 22 : i32
      %broadcast_in_dim3A_522 = vector.broadcast %broadcast_in_dim3A_521 : i32 to vector<16xi32>
      %gather3A_523 = tpu.vector_load_idx %arg13[%add3A_120, %broadcast_in_dim3A_522] : memref<512x64xf32, #tpu.memory_space<vmem>>[vector<16xi32>, vector<16xi32>], vector<16xf32>,
      tpu.vector_store_idx %arg14[%add3A_114, %broadcast_in_dim3A_522], %gather3A_523 : memref<256x257xf32, #tpu.memory_space<vmem>>[vector<16xi32>, vector<16xi32>], vector<16xf32>,
      %gather3A_524 = tpu.vector_load_idx %arg18[%add3A_247, %broadcast_in_dim3A_522] : memref<130x64xf32, #tpu.memory_space<vmem>>[vector<16xi32>, vector<16xi32>], vector<16xf32>,
      %broadcast_in_dim3A_525 = arith.constant 86 : i32
      %broadcast_in_dim3A_526 = vector.broadcast %broadcast_in_dim3A_525 : i32 to vector<16xi32>
      tpu.vector_store_idx %arg14[%add3A_114, %broadcast_in_dim3A_526], %gather3A_524 : memref<256x257xf32, #tpu.memory_space<vmem>>[vector<16xi32>, vector<16xi32>], vector<16xf32>,
      %gather3A_527 = tpu.vector_load_idx %arg18[%add3A_250, %broadcast_in_dim3A_522] : memref<130x64xf32, #tpu.memory_space<vmem>>[vector<16xi32>, vector<16xi32>], vector<16xf32>,
      %broadcast_in_dim3A_528 = arith.constant 150 : i32
      %broadcast_in_dim3A_529 = vector.broadcast %broadcast_in_dim3A_528 : i32 to vector<16xi32>
      tpu.vector_store_idx %arg14[%add3A_114, %broadcast_in_dim3A_529], %gather3A_527 : memref<256x257xf32, #tpu.memory_space<vmem>>[vector<16xi32>, vector<16xi32>], vector<16xf32>,
      %gather3A_530 = tpu.vector_load_idx %arg18[%add3A_253, %broadcast_in_dim3A_522] : memref<130x64xf32, #tpu.memory_space<vmem>>[vector<16xi32>, vector<16xi32>], vector<16xf32>,
      %broadcast_in_dim3A_531 = arith.constant 215 : i32
      %broadcast_in_dim3A_532 = vector.broadcast %broadcast_in_dim3A_531 : i32 to vector<16xi32>
      tpu.vector_store_idx %arg14[%add3A_114, %broadcast_in_dim3A_532], %gather3A_530 : memref<256x257xf32, #tpu.memory_space<vmem>>[vector<16xi32>, vector<16xi32>], vector<16xf32>,
      %broadcast_in_dim3A_533 = arith.constant 23 : i32
      %broadcast_in_dim3A_534 = vector.broadcast %broadcast_in_dim3A_533 : i32 to vector<16xi32>
      %gather3A_535 = tpu.vector_load_idx %arg13[%add3A_120, %broadcast_in_dim3A_534] : memref<512x64xf32, #tpu.memory_space<vmem>>[vector<16xi32>, vector<16xi32>], vector<16xf32>,
      tpu.vector_store_idx %arg14[%add3A_114, %broadcast_in_dim3A_534], %gather3A_535 : memref<256x257xf32, #tpu.memory_space<vmem>>[vector<16xi32>, vector<16xi32>], vector<16xf32>,
      %gather3A_536 = tpu.vector_load_idx %arg18[%add3A_247, %broadcast_in_dim3A_534] : memref<130x64xf32, #tpu.memory_space<vmem>>[vector<16xi32>, vector<16xi32>], vector<16xf32>,
      %broadcast_in_dim3A_537 = arith.constant 87 : i32
      %broadcast_in_dim3A_538 = vector.broadcast %broadcast_in_dim3A_537 : i32 to vector<16xi32>
      tpu.vector_store_idx %arg14[%add3A_114, %broadcast_in_dim3A_538], %gather3A_536 : memref<256x257xf32, #tpu.memory_space<vmem>>[vector<16xi32>, vector<16xi32>], vector<16xf32>,
      %gather3A_539 = tpu.vector_load_idx %arg18[%add3A_250, %broadcast_in_dim3A_534] : memref<130x64xf32, #tpu.memory_space<vmem>>[vector<16xi32>, vector<16xi32>], vector<16xf32>,
      %broadcast_in_dim3A_540 = arith.constant 151 : i32
      %broadcast_in_dim3A_541 = vector.broadcast %broadcast_in_dim3A_540 : i32 to vector<16xi32>
      tpu.vector_store_idx %arg14[%add3A_114, %broadcast_in_dim3A_541], %gather3A_539 : memref<256x257xf32, #tpu.memory_space<vmem>>[vector<16xi32>, vector<16xi32>], vector<16xf32>,
      %gather3A_542 = tpu.vector_load_idx %arg18[%add3A_253, %broadcast_in_dim3A_534] : memref<130x64xf32, #tpu.memory_space<vmem>>[vector<16xi32>, vector<16xi32>], vector<16xf32>,
      %broadcast_in_dim3A_543 = arith.constant 216 : i32
      %broadcast_in_dim3A_544 = vector.broadcast %broadcast_in_dim3A_543 : i32 to vector<16xi32>
      tpu.vector_store_idx %arg14[%add3A_114, %broadcast_in_dim3A_544], %gather3A_542 : memref<256x257xf32, #tpu.memory_space<vmem>>[vector<16xi32>, vector<16xi32>], vector<16xf32>,
      %broadcast_in_dim3A_545 = arith.constant 24 : i32
      %broadcast_in_dim3A_546 = vector.broadcast %broadcast_in_dim3A_545 : i32 to vector<16xi32>
      %gather3A_547 = tpu.vector_load_idx %arg13[%add3A_120, %broadcast_in_dim3A_546] : memref<512x64xf32, #tpu.memory_space<vmem>>[vector<16xi32>, vector<16xi32>], vector<16xf32>,
      tpu.vector_store_idx %arg14[%add3A_114, %broadcast_in_dim3A_546], %gather3A_547 : memref<256x257xf32, #tpu.memory_space<vmem>>[vector<16xi32>, vector<16xi32>], vector<16xf32>,
      %gather3A_548 = tpu.vector_load_idx %arg18[%add3A_247, %broadcast_in_dim3A_546] : memref<130x64xf32, #tpu.memory_space<vmem>>[vector<16xi32>, vector<16xi32>], vector<16xf32>,
      %broadcast_in_dim3A_549 = arith.constant 88 : i32
      %broadcast_in_dim3A_550 = vector.broadcast %broadcast_in_dim3A_549 : i32 to vector<16xi32>
      tpu.vector_store_idx %arg14[%add3A_114, %broadcast_in_dim3A_550], %gather3A_548 : memref<256x257xf32, #tpu.memory_space<vmem>>[vector<16xi32>, vector<16xi32>], vector<16xf32>,
      %gather3A_551 = tpu.vector_load_idx %arg18[%add3A_250, %broadcast_in_dim3A_546] : memref<130x64xf32, #tpu.memory_space<vmem>>[vector<16xi32>, vector<16xi32>], vector<16xf32>,
      %broadcast_in_dim3A_552 = arith.constant 152 : i32
      %broadcast_in_dim3A_553 = vector.broadcast %broadcast_in_dim3A_552 : i32 to vector<16xi32>
      tpu.vector_store_idx %arg14[%add3A_114, %broadcast_in_dim3A_553], %gather3A_551 : memref<256x257xf32, #tpu.memory_space<vmem>>[vector<16xi32>, vector<16xi32>], vector<16xf32>,
      %gather3A_554 = tpu.vector_load_idx %arg18[%add3A_253, %broadcast_in_dim3A_546] : memref<130x64xf32, #tpu.memory_space<vmem>>[vector<16xi32>, vector<16xi32>], vector<16xf32>,
      %broadcast_in_dim3A_555 = arith.constant 217 : i32
      %broadcast_in_dim3A_556 = vector.broadcast %broadcast_in_dim3A_555 : i32 to vector<16xi32>
      tpu.vector_store_idx %arg14[%add3A_114, %broadcast_in_dim3A_556], %gather3A_554 : memref<256x257xf32, #tpu.memory_space<vmem>>[vector<16xi32>, vector<16xi32>], vector<16xf32>,
      %broadcast_in_dim3A_557 = arith.constant 25 : i32
      %broadcast_in_dim3A_558 = vector.broadcast %broadcast_in_dim3A_557 : i32 to vector<16xi32>
      %gather3A_559 = tpu.vector_load_idx %arg13[%add3A_120, %broadcast_in_dim3A_558] : memref<512x64xf32, #tpu.memory_space<vmem>>[vector<16xi32>, vector<16xi32>], vector<16xf32>,
      tpu.vector_store_idx %arg14[%add3A_114, %broadcast_in_dim3A_558], %gather3A_559 : memref<256x257xf32, #tpu.memory_space<vmem>>[vector<16xi32>, vector<16xi32>], vector<16xf32>,
      %gather3A_560 = tpu.vector_load_idx %arg18[%add3A_247, %broadcast_in_dim3A_558] : memref<130x64xf32, #tpu.memory_space<vmem>>[vector<16xi32>, vector<16xi32>], vector<16xf32>,
      %broadcast_in_dim3A_561 = arith.constant 89 : i32
      %broadcast_in_dim3A_562 = vector.broadcast %broadcast_in_dim3A_561 : i32 to vector<16xi32>
      tpu.vector_store_idx %arg14[%add3A_114, %broadcast_in_dim3A_562], %gather3A_560 : memref<256x257xf32, #tpu.memory_space<vmem>>[vector<16xi32>, vector<16xi32>], vector<16xf32>,
      %gather3A_563 = tpu.vector_load_idx %arg18[%add3A_250, %broadcast_in_dim3A_558] : memref<130x64xf32, #tpu.memory_space<vmem>>[vector<16xi32>, vector<16xi32>], vector<16xf32>,
      %broadcast_in_dim3A_564 = arith.constant 153 : i32
      %broadcast_in_dim3A_565 = vector.broadcast %broadcast_in_dim3A_564 : i32 to vector<16xi32>
      tpu.vector_store_idx %arg14[%add3A_114, %broadcast_in_dim3A_565], %gather3A_563 : memref<256x257xf32, #tpu.memory_space<vmem>>[vector<16xi32>, vector<16xi32>], vector<16xf32>,
      %gather3A_566 = tpu.vector_load_idx %arg18[%add3A_253, %broadcast_in_dim3A_558] : memref<130x64xf32, #tpu.memory_space<vmem>>[vector<16xi32>, vector<16xi32>], vector<16xf32>,
      %broadcast_in_dim3A_567 = arith.constant 218 : i32
      %broadcast_in_dim3A_568 = vector.broadcast %broadcast_in_dim3A_567 : i32 to vector<16xi32>
      tpu.vector_store_idx %arg14[%add3A_114, %broadcast_in_dim3A_568], %gather3A_566 : memref<256x257xf32, #tpu.memory_space<vmem>>[vector<16xi32>, vector<16xi32>], vector<16xf32>,
      %broadcast_in_dim3A_569 = arith.constant 26 : i32
      %broadcast_in_dim3A_570 = vector.broadcast %broadcast_in_dim3A_569 : i32 to vector<16xi32>
      %gather3A_571 = tpu.vector_load_idx %arg13[%add3A_120, %broadcast_in_dim3A_570] : memref<512x64xf32, #tpu.memory_space<vmem>>[vector<16xi32>, vector<16xi32>], vector<16xf32>,
      tpu.vector_store_idx %arg14[%add3A_114, %broadcast_in_dim3A_570], %gather3A_571 : memref<256x257xf32, #tpu.memory_space<vmem>>[vector<16xi32>, vector<16xi32>], vector<16xf32>,
      %gather3A_572 = tpu.vector_load_idx %arg18[%add3A_247, %broadcast_in_dim3A_570] : memref<130x64xf32, #tpu.memory_space<vmem>>[vector<16xi32>, vector<16xi32>], vector<16xf32>,
      %broadcast_in_dim3A_573 = arith.constant 90 : i32
      %broadcast_in_dim3A_574 = vector.broadcast %broadcast_in_dim3A_573 : i32 to vector<16xi32>
      tpu.vector_store_idx %arg14[%add3A_114, %broadcast_in_dim3A_574], %gather3A_572 : memref<256x257xf32, #tpu.memory_space<vmem>>[vector<16xi32>, vector<16xi32>], vector<16xf32>,
      %gather3A_575 = tpu.vector_load_idx %arg18[%add3A_250, %broadcast_in_dim3A_570] : memref<130x64xf32, #tpu.memory_space<vmem>>[vector<16xi32>, vector<16xi32>], vector<16xf32>,
      %broadcast_in_dim3A_576 = arith.constant 154 : i32
      %broadcast_in_dim3A_577 = vector.broadcast %broadcast_in_dim3A_576 : i32 to vector<16xi32>
      tpu.vector_store_idx %arg14[%add3A_114, %broadcast_in_dim3A_577], %gather3A_575 : memref<256x257xf32, #tpu.memory_space<vmem>>[vector<16xi32>, vector<16xi32>], vector<16xf32>,
      %gather3A_578 = tpu.vector_load_idx %arg18[%add3A_253, %broadcast_in_dim3A_570] : memref<130x64xf32, #tpu.memory_space<vmem>>[vector<16xi32>, vector<16xi32>], vector<16xf32>,
      %broadcast_in_dim3A_579 = arith.constant 219 : i32
      %broadcast_in_dim3A_580 = vector.broadcast %broadcast_in_dim3A_579 : i32 to vector<16xi32>
      tpu.vector_store_idx %arg14[%add3A_114, %broadcast_in_dim3A_580], %gather3A_578 : memref<256x257xf32, #tpu.memory_space<vmem>>[vector<16xi32>, vector<16xi32>], vector<16xf32>,
      %broadcast_in_dim3A_581 = arith.constant 27 : i32
      %broadcast_in_dim3A_582 = vector.broadcast %broadcast_in_dim3A_581 : i32 to vector<16xi32>
      %gather3A_583 = tpu.vector_load_idx %arg13[%add3A_120, %broadcast_in_dim3A_582] : memref<512x64xf32, #tpu.memory_space<vmem>>[vector<16xi32>, vector<16xi32>], vector<16xf32>,
      tpu.vector_store_idx %arg14[%add3A_114, %broadcast_in_dim3A_582], %gather3A_583 : memref<256x257xf32, #tpu.memory_space<vmem>>[vector<16xi32>, vector<16xi32>], vector<16xf32>,
      %gather3A_584 = tpu.vector_load_idx %arg18[%add3A_247, %broadcast_in_dim3A_582] : memref<130x64xf32, #tpu.memory_space<vmem>>[vector<16xi32>, vector<16xi32>], vector<16xf32>,
      %broadcast_in_dim3A_585 = arith.constant 91 : i32
      %broadcast_in_dim3A_586 = vector.broadcast %broadcast_in_dim3A_585 : i32 to vector<16xi32>
      tpu.vector_store_idx %arg14[%add3A_114, %broadcast_in_dim3A_586], %gather3A_584 : memref<256x257xf32, #tpu.memory_space<vmem>>[vector<16xi32>, vector<16xi32>], vector<16xf32>,
      %gather3A_587 = tpu.vector_load_idx %arg18[%add3A_250, %broadcast_in_dim3A_582] : memref<130x64xf32, #tpu.memory_space<vmem>>[vector<16xi32>, vector<16xi32>], vector<16xf32>,
      %broadcast_in_dim3A_588 = arith.constant 155 : i32
      %broadcast_in_dim3A_589 = vector.broadcast %broadcast_in_dim3A_588 : i32 to vector<16xi32>
      tpu.vector_store_idx %arg14[%add3A_114, %broadcast_in_dim3A_589], %gather3A_587 : memref<256x257xf32, #tpu.memory_space<vmem>>[vector<16xi32>, vector<16xi32>], vector<16xf32>,
      %gather3A_590 = tpu.vector_load_idx %arg18[%add3A_253, %broadcast_in_dim3A_582] : memref<130x64xf32, #tpu.memory_space<vmem>>[vector<16xi32>, vector<16xi32>], vector<16xf32>,
      %broadcast_in_dim3A_591 = arith.constant 220 : i32
      %broadcast_in_dim3A_592 = vector.broadcast %broadcast_in_dim3A_591 : i32 to vector<16xi32>
      tpu.vector_store_idx %arg14[%add3A_114, %broadcast_in_dim3A_592], %gather3A_590 : memref<256x257xf32, #tpu.memory_space<vmem>>[vector<16xi32>, vector<16xi32>], vector<16xf32>,
      %broadcast_in_dim3A_593 = arith.constant 28 : i32
      %broadcast_in_dim3A_594 = vector.broadcast %broadcast_in_dim3A_593 : i32 to vector<16xi32>
      %gather3A_595 = tpu.vector_load_idx %arg13[%add3A_120, %broadcast_in_dim3A_594] : memref<512x64xf32, #tpu.memory_space<vmem>>[vector<16xi32>, vector<16xi32>], vector<16xf32>,
      tpu.vector_store_idx %arg14[%add3A_114, %broadcast_in_dim3A_594], %gather3A_595 : memref<256x257xf32, #tpu.memory_space<vmem>>[vector<16xi32>, vector<16xi32>], vector<16xf32>,
      %gather3A_596 = tpu.vector_load_idx %arg18[%add3A_247, %broadcast_in_dim3A_594] : memref<130x64xf32, #tpu.memory_space<vmem>>[vector<16xi32>, vector<16xi32>], vector<16xf32>,
      %broadcast_in_dim3A_597 = arith.constant 92 : i32
      %broadcast_in_dim3A_598 = vector.broadcast %broadcast_in_dim3A_597 : i32 to vector<16xi32>
      tpu.vector_store_idx %arg14[%add3A_114, %broadcast_in_dim3A_598], %gather3A_596 : memref<256x257xf32, #tpu.memory_space<vmem>>[vector<16xi32>, vector<16xi32>], vector<16xf32>,
      %gather3A_599 = tpu.vector_load_idx %arg18[%add3A_250, %broadcast_in_dim3A_594] : memref<130x64xf32, #tpu.memory_space<vmem>>[vector<16xi32>, vector<16xi32>], vector<16xf32>,
      %broadcast_in_dim3A_600 = arith.constant 156 : i32
      %broadcast_in_dim3A_601 = vector.broadcast %broadcast_in_dim3A_600 : i32 to vector<16xi32>
      tpu.vector_store_idx %arg14[%add3A_114, %broadcast_in_dim3A_601], %gather3A_599 : memref<256x257xf32, #tpu.memory_space<vmem>>[vector<16xi32>, vector<16xi32>], vector<16xf32>,
      %gather3A_602 = tpu.vector_load_idx %arg18[%add3A_253, %broadcast_in_dim3A_594] : memref<130x64xf32, #tpu.memory_space<vmem>>[vector<16xi32>, vector<16xi32>], vector<16xf32>,
      %broadcast_in_dim3A_603 = arith.constant 221 : i32
      %broadcast_in_dim3A_604 = vector.broadcast %broadcast_in_dim3A_603 : i32 to vector<16xi32>
      tpu.vector_store_idx %arg14[%add3A_114, %broadcast_in_dim3A_604], %gather3A_602 : memref<256x257xf32, #tpu.memory_space<vmem>>[vector<16xi32>, vector<16xi32>], vector<16xf32>,
      %broadcast_in_dim3A_605 = arith.constant 29 : i32
      %broadcast_in_dim3A_606 = vector.broadcast %broadcast_in_dim3A_605 : i32 to vector<16xi32>
      %gather3A_607 = tpu.vector_load_idx %arg13[%add3A_120, %broadcast_in_dim3A_606] : memref<512x64xf32, #tpu.memory_space<vmem>>[vector<16xi32>, vector<16xi32>], vector<16xf32>,
      tpu.vector_store_idx %arg14[%add3A_114, %broadcast_in_dim3A_606], %gather3A_607 : memref<256x257xf32, #tpu.memory_space<vmem>>[vector<16xi32>, vector<16xi32>], vector<16xf32>,
      %gather3A_608 = tpu.vector_load_idx %arg18[%add3A_247, %broadcast_in_dim3A_606] : memref<130x64xf32, #tpu.memory_space<vmem>>[vector<16xi32>, vector<16xi32>], vector<16xf32>,
      %broadcast_in_dim3A_609 = arith.constant 93 : i32
      %broadcast_in_dim3A_610 = vector.broadcast %broadcast_in_dim3A_609 : i32 to vector<16xi32>
      tpu.vector_store_idx %arg14[%add3A_114, %broadcast_in_dim3A_610], %gather3A_608 : memref<256x257xf32, #tpu.memory_space<vmem>>[vector<16xi32>, vector<16xi32>], vector<16xf32>,
      %gather3A_611 = tpu.vector_load_idx %arg18[%add3A_250, %broadcast_in_dim3A_606] : memref<130x64xf32, #tpu.memory_space<vmem>>[vector<16xi32>, vector<16xi32>], vector<16xf32>,
      %broadcast_in_dim3A_612 = arith.constant 157 : i32
      %broadcast_in_dim3A_613 = vector.broadcast %broadcast_in_dim3A_612 : i32 to vector<16xi32>
      tpu.vector_store_idx %arg14[%add3A_114, %broadcast_in_dim3A_613], %gather3A_611 : memref<256x257xf32, #tpu.memory_space<vmem>>[vector<16xi32>, vector<16xi32>], vector<16xf32>,
      %gather3A_614 = tpu.vector_load_idx %arg18[%add3A_253, %broadcast_in_dim3A_606] : memref<130x64xf32, #tpu.memory_space<vmem>>[vector<16xi32>, vector<16xi32>], vector<16xf32>,
      %broadcast_in_dim3A_615 = arith.constant 222 : i32
      %broadcast_in_dim3A_616 = vector.broadcast %broadcast_in_dim3A_615 : i32 to vector<16xi32>
      tpu.vector_store_idx %arg14[%add3A_114, %broadcast_in_dim3A_616], %gather3A_614 : memref<256x257xf32, #tpu.memory_space<vmem>>[vector<16xi32>, vector<16xi32>], vector<16xf32>,
      %broadcast_in_dim3A_617 = arith.constant 30 : i32
      %broadcast_in_dim3A_618 = vector.broadcast %broadcast_in_dim3A_617 : i32 to vector<16xi32>
      %gather3A_619 = tpu.vector_load_idx %arg13[%add3A_120, %broadcast_in_dim3A_618] : memref<512x64xf32, #tpu.memory_space<vmem>>[vector<16xi32>, vector<16xi32>], vector<16xf32>,
      tpu.vector_store_idx %arg14[%add3A_114, %broadcast_in_dim3A_618], %gather3A_619 : memref<256x257xf32, #tpu.memory_space<vmem>>[vector<16xi32>, vector<16xi32>], vector<16xf32>,
      %gather3A_620 = tpu.vector_load_idx %arg18[%add3A_247, %broadcast_in_dim3A_618] : memref<130x64xf32, #tpu.memory_space<vmem>>[vector<16xi32>, vector<16xi32>], vector<16xf32>,
      %broadcast_in_dim3A_621 = arith.constant 94 : i32
      %broadcast_in_dim3A_622 = vector.broadcast %broadcast_in_dim3A_621 : i32 to vector<16xi32>
      tpu.vector_store_idx %arg14[%add3A_114, %broadcast_in_dim3A_622], %gather3A_620 : memref<256x257xf32, #tpu.memory_space<vmem>>[vector<16xi32>, vector<16xi32>], vector<16xf32>,
      %gather3A_623 = tpu.vector_load_idx %arg18[%add3A_250, %broadcast_in_dim3A_618] : memref<130x64xf32, #tpu.memory_space<vmem>>[vector<16xi32>, vector<16xi32>], vector<16xf32>,
      %broadcast_in_dim3A_624 = arith.constant 158 : i32
      %broadcast_in_dim3A_625 = vector.broadcast %broadcast_in_dim3A_624 : i32 to vector<16xi32>
      tpu.vector_store_idx %arg14[%add3A_114, %broadcast_in_dim3A_625], %gather3A_623 : memref<256x257xf32, #tpu.memory_space<vmem>>[vector<16xi32>, vector<16xi32>], vector<16xf32>,
      %gather3A_626 = tpu.vector_load_idx %arg18[%add3A_253, %broadcast_in_dim3A_618] : memref<130x64xf32, #tpu.memory_space<vmem>>[vector<16xi32>, vector<16xi32>], vector<16xf32>,
      %broadcast_in_dim3A_627 = arith.constant 223 : i32
      %broadcast_in_dim3A_628 = vector.broadcast %broadcast_in_dim3A_627 : i32 to vector<16xi32>
      tpu.vector_store_idx %arg14[%add3A_114, %broadcast_in_dim3A_628], %gather3A_626 : memref<256x257xf32, #tpu.memory_space<vmem>>[vector<16xi32>, vector<16xi32>], vector<16xf32>,
      %broadcast_in_dim3A_629 = arith.constant 31 : i32
      %broadcast_in_dim3A_630 = vector.broadcast %broadcast_in_dim3A_629 : i32 to vector<16xi32>
      %gather3A_631 = tpu.vector_load_idx %arg13[%add3A_120, %broadcast_in_dim3A_630] : memref<512x64xf32, #tpu.memory_space<vmem>>[vector<16xi32>, vector<16xi32>], vector<16xf32>,
      tpu.vector_store_idx %arg14[%add3A_114, %broadcast_in_dim3A_630], %gather3A_631 : memref<256x257xf32, #tpu.memory_space<vmem>>[vector<16xi32>, vector<16xi32>], vector<16xf32>,
      %gather3A_632 = tpu.vector_load_idx %arg18[%add3A_247, %broadcast_in_dim3A_630] : memref<130x64xf32, #tpu.memory_space<vmem>>[vector<16xi32>, vector<16xi32>], vector<16xf32>,
      %broadcast_in_dim3A_633 = arith.constant 95 : i32
      %broadcast_in_dim3A_634 = vector.broadcast %broadcast_in_dim3A_633 : i32 to vector<16xi32>
      tpu.vector_store_idx %arg14[%add3A_114, %broadcast_in_dim3A_634], %gather3A_632 : memref<256x257xf32, #tpu.memory_space<vmem>>[vector<16xi32>, vector<16xi32>], vector<16xf32>,
      %gather3A_635 = tpu.vector_load_idx %arg18[%add3A_250, %broadcast_in_dim3A_630] : memref<130x64xf32, #tpu.memory_space<vmem>>[vector<16xi32>, vector<16xi32>], vector<16xf32>,
      %broadcast_in_dim3A_636 = arith.constant 159 : i32
      %broadcast_in_dim3A_637 = vector.broadcast %broadcast_in_dim3A_636 : i32 to vector<16xi32>
      tpu.vector_store_idx %arg14[%add3A_114, %broadcast_in_dim3A_637], %gather3A_635 : memref<256x257xf32, #tpu.memory_space<vmem>>[vector<16xi32>, vector<16xi32>], vector<16xf32>,
      %gather3A_638 = tpu.vector_load_idx %arg18[%add3A_253, %broadcast_in_dim3A_630] : memref<130x64xf32, #tpu.memory_space<vmem>>[vector<16xi32>, vector<16xi32>], vector<16xf32>,
      %broadcast_in_dim3A_639 = arith.constant 224 : i32
      %broadcast_in_dim3A_640 = vector.broadcast %broadcast_in_dim3A_639 : i32 to vector<16xi32>
      tpu.vector_store_idx %arg14[%add3A_114, %broadcast_in_dim3A_640], %gather3A_638 : memref<256x257xf32, #tpu.memory_space<vmem>>[vector<16xi32>, vector<16xi32>], vector<16xf32>,
      %broadcast_in_dim3A_641 = arith.constant 32 : i32
      %broadcast_in_dim3A_642 = vector.broadcast %broadcast_in_dim3A_641 : i32 to vector<16xi32>
      %gather3A_643 = tpu.vector_load_idx %arg13[%add3A_120, %broadcast_in_dim3A_642] : memref<512x64xf32, #tpu.memory_space<vmem>>[vector<16xi32>, vector<16xi32>], vector<16xf32>,
      tpu.vector_store_idx %arg14[%add3A_114, %broadcast_in_dim3A_642], %gather3A_643 : memref<256x257xf32, #tpu.memory_space<vmem>>[vector<16xi32>, vector<16xi32>], vector<16xf32>,
      %gather3A_644 = tpu.vector_load_idx %arg18[%add3A_247, %broadcast_in_dim3A_642] : memref<130x64xf32, #tpu.memory_space<vmem>>[vector<16xi32>, vector<16xi32>], vector<16xf32>,
      %broadcast_in_dim3A_645 = arith.constant 96 : i32
      %broadcast_in_dim3A_646 = vector.broadcast %broadcast_in_dim3A_645 : i32 to vector<16xi32>
      tpu.vector_store_idx %arg14[%add3A_114, %broadcast_in_dim3A_646], %gather3A_644 : memref<256x257xf32, #tpu.memory_space<vmem>>[vector<16xi32>, vector<16xi32>], vector<16xf32>,
      %gather3A_647 = tpu.vector_load_idx %arg18[%add3A_250, %broadcast_in_dim3A_642] : memref<130x64xf32, #tpu.memory_space<vmem>>[vector<16xi32>, vector<16xi32>], vector<16xf32>,
      %broadcast_in_dim3A_648 = arith.constant 160 : i32
      %broadcast_in_dim3A_649 = vector.broadcast %broadcast_in_dim3A_648 : i32 to vector<16xi32>
      tpu.vector_store_idx %arg14[%add3A_114, %broadcast_in_dim3A_649], %gather3A_647 : memref<256x257xf32, #tpu.memory_space<vmem>>[vector<16xi32>, vector<16xi32>], vector<16xf32>,
      %gather3A_650 = tpu.vector_load_idx %arg18[%add3A_253, %broadcast_in_dim3A_642] : memref<130x64xf32, #tpu.memory_space<vmem>>[vector<16xi32>, vector<16xi32>], vector<16xf32>,
      %broadcast_in_dim3A_651 = arith.constant 225 : i32
      %broadcast_in_dim3A_652 = vector.broadcast %broadcast_in_dim3A_651 : i32 to vector<16xi32>
      tpu.vector_store_idx %arg14[%add3A_114, %broadcast_in_dim3A_652], %gather3A_650 : memref<256x257xf32, #tpu.memory_space<vmem>>[vector<16xi32>, vector<16xi32>], vector<16xf32>,
      %broadcast_in_dim3A_653 = arith.constant 33 : i32
      %broadcast_in_dim3A_654 = vector.broadcast %broadcast_in_dim3A_653 : i32 to vector<16xi32>
      %gather3A_655 = tpu.vector_load_idx %arg13[%add3A_120, %broadcast_in_dim3A_654] : memref<512x64xf32, #tpu.memory_space<vmem>>[vector<16xi32>, vector<16xi32>], vector<16xf32>,
      tpu.vector_store_idx %arg14[%add3A_114, %broadcast_in_dim3A_654], %gather3A_655 : memref<256x257xf32, #tpu.memory_space<vmem>>[vector<16xi32>, vector<16xi32>], vector<16xf32>,
      %gather3A_656 = tpu.vector_load_idx %arg18[%add3A_247, %broadcast_in_dim3A_654] : memref<130x64xf32, #tpu.memory_space<vmem>>[vector<16xi32>, vector<16xi32>], vector<16xf32>,
      %broadcast_in_dim3A_657 = arith.constant 97 : i32
      %broadcast_in_dim3A_658 = vector.broadcast %broadcast_in_dim3A_657 : i32 to vector<16xi32>
      tpu.vector_store_idx %arg14[%add3A_114, %broadcast_in_dim3A_658], %gather3A_656 : memref<256x257xf32, #tpu.memory_space<vmem>>[vector<16xi32>, vector<16xi32>], vector<16xf32>,
      %gather3A_659 = tpu.vector_load_idx %arg18[%add3A_250, %broadcast_in_dim3A_654] : memref<130x64xf32, #tpu.memory_space<vmem>>[vector<16xi32>, vector<16xi32>], vector<16xf32>,
      %broadcast_in_dim3A_660 = arith.constant 161 : i32
      %broadcast_in_dim3A_661 = vector.broadcast %broadcast_in_dim3A_660 : i32 to vector<16xi32>
      tpu.vector_store_idx %arg14[%add3A_114, %broadcast_in_dim3A_661], %gather3A_659 : memref<256x257xf32, #tpu.memory_space<vmem>>[vector<16xi32>, vector<16xi32>], vector<16xf32>,
      %gather3A_662 = tpu.vector_load_idx %arg18[%add3A_253, %broadcast_in_dim3A_654] : memref<130x64xf32, #tpu.memory_space<vmem>>[vector<16xi32>, vector<16xi32>], vector<16xf32>,
      %broadcast_in_dim3A_663 = arith.constant 226 : i32
      %broadcast_in_dim3A_664 = vector.broadcast %broadcast_in_dim3A_663 : i32 to vector<16xi32>
      tpu.vector_store_idx %arg14[%add3A_114, %broadcast_in_dim3A_664], %gather3A_662 : memref<256x257xf32, #tpu.memory_space<vmem>>[vector<16xi32>, vector<16xi32>], vector<16xf32>,
      %broadcast_in_dim3A_665 = arith.constant 34 : i32
      %broadcast_in_dim3A_666 = vector.broadcast %broadcast_in_dim3A_665 : i32 to vector<16xi32>
      %gather3A_667 = tpu.vector_load_idx %arg13[%add3A_120, %broadcast_in_dim3A_666] : memref<512x64xf32, #tpu.memory_space<vmem>>[vector<16xi32>, vector<16xi32>], vector<16xf32>,
      tpu.vector_store_idx %arg14[%add3A_114, %broadcast_in_dim3A_666], %gather3A_667 : memref<256x257xf32, #tpu.memory_space<vmem>>[vector<16xi32>, vector<16xi32>], vector<16xf32>,
      %gather3A_668 = tpu.vector_load_idx %arg18[%add3A_247, %broadcast_in_dim3A_666] : memref<130x64xf32, #tpu.memory_space<vmem>>[vector<16xi32>, vector<16xi32>], vector<16xf32>,
      %broadcast_in_dim3A_669 = arith.constant 98 : i32
      %broadcast_in_dim3A_670 = vector.broadcast %broadcast_in_dim3A_669 : i32 to vector<16xi32>
      tpu.vector_store_idx %arg14[%add3A_114, %broadcast_in_dim3A_670], %gather3A_668 : memref<256x257xf32, #tpu.memory_space<vmem>>[vector<16xi32>, vector<16xi32>], vector<16xf32>,
      %gather3A_671 = tpu.vector_load_idx %arg18[%add3A_250, %broadcast_in_dim3A_666] : memref<130x64xf32, #tpu.memory_space<vmem>>[vector<16xi32>, vector<16xi32>], vector<16xf32>,
      %broadcast_in_dim3A_672 = arith.constant 162 : i32
      %broadcast_in_dim3A_673 = vector.broadcast %broadcast_in_dim3A_672 : i32 to vector<16xi32>
      tpu.vector_store_idx %arg14[%add3A_114, %broadcast_in_dim3A_673], %gather3A_671 : memref<256x257xf32, #tpu.memory_space<vmem>>[vector<16xi32>, vector<16xi32>], vector<16xf32>,
      %gather3A_674 = tpu.vector_load_idx %arg18[%add3A_253, %broadcast_in_dim3A_666] : memref<130x64xf32, #tpu.memory_space<vmem>>[vector<16xi32>, vector<16xi32>], vector<16xf32>,
      %broadcast_in_dim3A_675 = arith.constant 227 : i32
      %broadcast_in_dim3A_676 = vector.broadcast %broadcast_in_dim3A_675 : i32 to vector<16xi32>
      tpu.vector_store_idx %arg14[%add3A_114, %broadcast_in_dim3A_676], %gather3A_674 : memref<256x257xf32, #tpu.memory_space<vmem>>[vector<16xi32>, vector<16xi32>], vector<16xf32>,
      %broadcast_in_dim3A_677 = arith.constant 35 : i32
      %broadcast_in_dim3A_678 = vector.broadcast %broadcast_in_dim3A_677 : i32 to vector<16xi32>
      %gather3A_679 = tpu.vector_load_idx %arg13[%add3A_120, %broadcast_in_dim3A_678] : memref<512x64xf32, #tpu.memory_space<vmem>>[vector<16xi32>, vector<16xi32>], vector<16xf32>,
      tpu.vector_store_idx %arg14[%add3A_114, %broadcast_in_dim3A_678], %gather3A_679 : memref<256x257xf32, #tpu.memory_space<vmem>>[vector<16xi32>, vector<16xi32>], vector<16xf32>,
      %gather3A_680 = tpu.vector_load_idx %arg18[%add3A_247, %broadcast_in_dim3A_678] : memref<130x64xf32, #tpu.memory_space<vmem>>[vector<16xi32>, vector<16xi32>], vector<16xf32>,
      %broadcast_in_dim3A_681 = arith.constant 99 : i32
      %broadcast_in_dim3A_682 = vector.broadcast %broadcast_in_dim3A_681 : i32 to vector<16xi32>
      tpu.vector_store_idx %arg14[%add3A_114, %broadcast_in_dim3A_682], %gather3A_680 : memref<256x257xf32, #tpu.memory_space<vmem>>[vector<16xi32>, vector<16xi32>], vector<16xf32>,
      %gather3A_683 = tpu.vector_load_idx %arg18[%add3A_250, %broadcast_in_dim3A_678] : memref<130x64xf32, #tpu.memory_space<vmem>>[vector<16xi32>, vector<16xi32>], vector<16xf32>,
      %broadcast_in_dim3A_684 = arith.constant 163 : i32
      %broadcast_in_dim3A_685 = vector.broadcast %broadcast_in_dim3A_684 : i32 to vector<16xi32>
      tpu.vector_store_idx %arg14[%add3A_114, %broadcast_in_dim3A_685], %gather3A_683 : memref<256x257xf32, #tpu.memory_space<vmem>>[vector<16xi32>, vector<16xi32>], vector<16xf32>,
      %gather3A_686 = tpu.vector_load_idx %arg18[%add3A_253, %broadcast_in_dim3A_678] : memref<130x64xf32, #tpu.memory_space<vmem>>[vector<16xi32>, vector<16xi32>], vector<16xf32>,
      %broadcast_in_dim3A_687 = arith.constant 228 : i32
      %broadcast_in_dim3A_688 = vector.broadcast %broadcast_in_dim3A_687 : i32 to vector<16xi32>
      tpu.vector_store_idx %arg14[%add3A_114, %broadcast_in_dim3A_688], %gather3A_686 : memref<256x257xf32, #tpu.memory_space<vmem>>[vector<16xi32>, vector<16xi32>], vector<16xf32>,
      %broadcast_in_dim3A_689 = arith.constant 36 : i32
      %broadcast_in_dim3A_690 = vector.broadcast %broadcast_in_dim3A_689 : i32 to vector<16xi32>
      %gather3A_691 = tpu.vector_load_idx %arg13[%add3A_120, %broadcast_in_dim3A_690] : memref<512x64xf32, #tpu.memory_space<vmem>>[vector<16xi32>, vector<16xi32>], vector<16xf32>,
      tpu.vector_store_idx %arg14[%add3A_114, %broadcast_in_dim3A_690], %gather3A_691 : memref<256x257xf32, #tpu.memory_space<vmem>>[vector<16xi32>, vector<16xi32>], vector<16xf32>,
      %gather3A_692 = tpu.vector_load_idx %arg18[%add3A_247, %broadcast_in_dim3A_690] : memref<130x64xf32, #tpu.memory_space<vmem>>[vector<16xi32>, vector<16xi32>], vector<16xf32>,
      %broadcast_in_dim3A_693 = arith.constant 100 : i32
      %broadcast_in_dim3A_694 = vector.broadcast %broadcast_in_dim3A_693 : i32 to vector<16xi32>
      tpu.vector_store_idx %arg14[%add3A_114, %broadcast_in_dim3A_694], %gather3A_692 : memref<256x257xf32, #tpu.memory_space<vmem>>[vector<16xi32>, vector<16xi32>], vector<16xf32>,
      %gather3A_695 = tpu.vector_load_idx %arg18[%add3A_250, %broadcast_in_dim3A_690] : memref<130x64xf32, #tpu.memory_space<vmem>>[vector<16xi32>, vector<16xi32>], vector<16xf32>,
      %broadcast_in_dim3A_696 = arith.constant 164 : i32
      %broadcast_in_dim3A_697 = vector.broadcast %broadcast_in_dim3A_696 : i32 to vector<16xi32>
      tpu.vector_store_idx %arg14[%add3A_114, %broadcast_in_dim3A_697], %gather3A_695 : memref<256x257xf32, #tpu.memory_space<vmem>>[vector<16xi32>, vector<16xi32>], vector<16xf32>,
      %gather3A_698 = tpu.vector_load_idx %arg18[%add3A_253, %broadcast_in_dim3A_690] : memref<130x64xf32, #tpu.memory_space<vmem>>[vector<16xi32>, vector<16xi32>], vector<16xf32>,
      %broadcast_in_dim3A_699 = arith.constant 229 : i32
      %broadcast_in_dim3A_700 = vector.broadcast %broadcast_in_dim3A_699 : i32 to vector<16xi32>
      tpu.vector_store_idx %arg14[%add3A_114, %broadcast_in_dim3A_700], %gather3A_698 : memref<256x257xf32, #tpu.memory_space<vmem>>[vector<16xi32>, vector<16xi32>], vector<16xf32>,
      %broadcast_in_dim3A_701 = arith.constant 37 : i32
      %broadcast_in_dim3A_702 = vector.broadcast %broadcast_in_dim3A_701 : i32 to vector<16xi32>
      %gather3A_703 = tpu.vector_load_idx %arg13[%add3A_120, %broadcast_in_dim3A_702] : memref<512x64xf32, #tpu.memory_space<vmem>>[vector<16xi32>, vector<16xi32>], vector<16xf32>,
      tpu.vector_store_idx %arg14[%add3A_114, %broadcast_in_dim3A_702], %gather3A_703 : memref<256x257xf32, #tpu.memory_space<vmem>>[vector<16xi32>, vector<16xi32>], vector<16xf32>,
      %gather3A_704 = tpu.vector_load_idx %arg18[%add3A_247, %broadcast_in_dim3A_702] : memref<130x64xf32, #tpu.memory_space<vmem>>[vector<16xi32>, vector<16xi32>], vector<16xf32>,
      %broadcast_in_dim3A_705 = arith.constant 101 : i32
      %broadcast_in_dim3A_706 = vector.broadcast %broadcast_in_dim3A_705 : i32 to vector<16xi32>
      tpu.vector_store_idx %arg14[%add3A_114, %broadcast_in_dim3A_706], %gather3A_704 : memref<256x257xf32, #tpu.memory_space<vmem>>[vector<16xi32>, vector<16xi32>], vector<16xf32>,
      %gather3A_707 = tpu.vector_load_idx %arg18[%add3A_250, %broadcast_in_dim3A_702] : memref<130x64xf32, #tpu.memory_space<vmem>>[vector<16xi32>, vector<16xi32>], vector<16xf32>,
      %broadcast_in_dim3A_708 = arith.constant 165 : i32
      %broadcast_in_dim3A_709 = vector.broadcast %broadcast_in_dim3A_708 : i32 to vector<16xi32>
      tpu.vector_store_idx %arg14[%add3A_114, %broadcast_in_dim3A_709], %gather3A_707 : memref<256x257xf32, #tpu.memory_space<vmem>>[vector<16xi32>, vector<16xi32>], vector<16xf32>,
      %gather3A_710 = tpu.vector_load_idx %arg18[%add3A_253, %broadcast_in_dim3A_702] : memref<130x64xf32, #tpu.memory_space<vmem>>[vector<16xi32>, vector<16xi32>], vector<16xf32>,
      %broadcast_in_dim3A_711 = arith.constant 230 : i32
      %broadcast_in_dim3A_712 = vector.broadcast %broadcast_in_dim3A_711 : i32 to vector<16xi32>
      tpu.vector_store_idx %arg14[%add3A_114, %broadcast_in_dim3A_712], %gather3A_710 : memref<256x257xf32, #tpu.memory_space<vmem>>[vector<16xi32>, vector<16xi32>], vector<16xf32>,
      %broadcast_in_dim3A_713 = arith.constant 38 : i32
      %broadcast_in_dim3A_714 = vector.broadcast %broadcast_in_dim3A_713 : i32 to vector<16xi32>
      %gather3A_715 = tpu.vector_load_idx %arg13[%add3A_120, %broadcast_in_dim3A_714] : memref<512x64xf32, #tpu.memory_space<vmem>>[vector<16xi32>, vector<16xi32>], vector<16xf32>,
      tpu.vector_store_idx %arg14[%add3A_114, %broadcast_in_dim3A_714], %gather3A_715 : memref<256x257xf32, #tpu.memory_space<vmem>>[vector<16xi32>, vector<16xi32>], vector<16xf32>,
      %gather3A_716 = tpu.vector_load_idx %arg18[%add3A_247, %broadcast_in_dim3A_714] : memref<130x64xf32, #tpu.memory_space<vmem>>[vector<16xi32>, vector<16xi32>], vector<16xf32>,
      %broadcast_in_dim3A_717 = arith.constant 102 : i32
      %broadcast_in_dim3A_718 = vector.broadcast %broadcast_in_dim3A_717 : i32 to vector<16xi32>
      tpu.vector_store_idx %arg14[%add3A_114, %broadcast_in_dim3A_718], %gather3A_716 : memref<256x257xf32, #tpu.memory_space<vmem>>[vector<16xi32>, vector<16xi32>], vector<16xf32>,
      %gather3A_719 = tpu.vector_load_idx %arg18[%add3A_250, %broadcast_in_dim3A_714] : memref<130x64xf32, #tpu.memory_space<vmem>>[vector<16xi32>, vector<16xi32>], vector<16xf32>,
      %broadcast_in_dim3A_720 = arith.constant 166 : i32
      %broadcast_in_dim3A_721 = vector.broadcast %broadcast_in_dim3A_720 : i32 to vector<16xi32>
      tpu.vector_store_idx %arg14[%add3A_114, %broadcast_in_dim3A_721], %gather3A_719 : memref<256x257xf32, #tpu.memory_space<vmem>>[vector<16xi32>, vector<16xi32>], vector<16xf32>,
      %gather3A_722 = tpu.vector_load_idx %arg18[%add3A_253, %broadcast_in_dim3A_714] : memref<130x64xf32, #tpu.memory_space<vmem>>[vector<16xi32>, vector<16xi32>], vector<16xf32>,
      %broadcast_in_dim3A_723 = arith.constant 231 : i32
      %broadcast_in_dim3A_724 = vector.broadcast %broadcast_in_dim3A_723 : i32 to vector<16xi32>
      tpu.vector_store_idx %arg14[%add3A_114, %broadcast_in_dim3A_724], %gather3A_722 : memref<256x257xf32, #tpu.memory_space<vmem>>[vector<16xi32>, vector<16xi32>], vector<16xf32>,
      %broadcast_in_dim3A_725 = arith.constant 39 : i32
      %broadcast_in_dim3A_726 = vector.broadcast %broadcast_in_dim3A_725 : i32 to vector<16xi32>
      %gather3A_727 = tpu.vector_load_idx %arg13[%add3A_120, %broadcast_in_dim3A_726] : memref<512x64xf32, #tpu.memory_space<vmem>>[vector<16xi32>, vector<16xi32>], vector<16xf32>,
      tpu.vector_store_idx %arg14[%add3A_114, %broadcast_in_dim3A_726], %gather3A_727 : memref<256x257xf32, #tpu.memory_space<vmem>>[vector<16xi32>, vector<16xi32>], vector<16xf32>,
      %gather3A_728 = tpu.vector_load_idx %arg18[%add3A_247, %broadcast_in_dim3A_726] : memref<130x64xf32, #tpu.memory_space<vmem>>[vector<16xi32>, vector<16xi32>], vector<16xf32>,
      %broadcast_in_dim3A_729 = arith.constant 103 : i32
      %broadcast_in_dim3A_730 = vector.broadcast %broadcast_in_dim3A_729 : i32 to vector<16xi32>
      tpu.vector_store_idx %arg14[%add3A_114, %broadcast_in_dim3A_730], %gather3A_728 : memref<256x257xf32, #tpu.memory_space<vmem>>[vector<16xi32>, vector<16xi32>], vector<16xf32>,
      %gather3A_731 = tpu.vector_load_idx %arg18[%add3A_250, %broadcast_in_dim3A_726] : memref<130x64xf32, #tpu.memory_space<vmem>>[vector<16xi32>, vector<16xi32>], vector<16xf32>,
      %broadcast_in_dim3A_732 = arith.constant 167 : i32
      %broadcast_in_dim3A_733 = vector.broadcast %broadcast_in_dim3A_732 : i32 to vector<16xi32>
      tpu.vector_store_idx %arg14[%add3A_114, %broadcast_in_dim3A_733], %gather3A_731 : memref<256x257xf32, #tpu.memory_space<vmem>>[vector<16xi32>, vector<16xi32>], vector<16xf32>,
      %gather3A_734 = tpu.vector_load_idx %arg18[%add3A_253, %broadcast_in_dim3A_726] : memref<130x64xf32, #tpu.memory_space<vmem>>[vector<16xi32>, vector<16xi32>], vector<16xf32>,
      %broadcast_in_dim3A_735 = arith.constant 232 : i32
      %broadcast_in_dim3A_736 = vector.broadcast %broadcast_in_dim3A_735 : i32 to vector<16xi32>
      tpu.vector_store_idx %arg14[%add3A_114, %broadcast_in_dim3A_736], %gather3A_734 : memref<256x257xf32, #tpu.memory_space<vmem>>[vector<16xi32>, vector<16xi32>], vector<16xf32>,
      %broadcast_in_dim3A_737 = arith.constant 40 : i32
      %broadcast_in_dim3A_738 = vector.broadcast %broadcast_in_dim3A_737 : i32 to vector<16xi32>
      %gather3A_739 = tpu.vector_load_idx %arg13[%add3A_120, %broadcast_in_dim3A_738] : memref<512x64xf32, #tpu.memory_space<vmem>>[vector<16xi32>, vector<16xi32>], vector<16xf32>,
      tpu.vector_store_idx %arg14[%add3A_114, %broadcast_in_dim3A_738], %gather3A_739 : memref<256x257xf32, #tpu.memory_space<vmem>>[vector<16xi32>, vector<16xi32>], vector<16xf32>,
      %gather3A_740 = tpu.vector_load_idx %arg18[%add3A_247, %broadcast_in_dim3A_738] : memref<130x64xf32, #tpu.memory_space<vmem>>[vector<16xi32>, vector<16xi32>], vector<16xf32>,
      %broadcast_in_dim3A_741 = arith.constant 104 : i32
      %broadcast_in_dim3A_742 = vector.broadcast %broadcast_in_dim3A_741 : i32 to vector<16xi32>
      tpu.vector_store_idx %arg14[%add3A_114, %broadcast_in_dim3A_742], %gather3A_740 : memref<256x257xf32, #tpu.memory_space<vmem>>[vector<16xi32>, vector<16xi32>], vector<16xf32>,
      %gather3A_743 = tpu.vector_load_idx %arg18[%add3A_250, %broadcast_in_dim3A_738] : memref<130x64xf32, #tpu.memory_space<vmem>>[vector<16xi32>, vector<16xi32>], vector<16xf32>,
      %broadcast_in_dim3A_744 = arith.constant 168 : i32
      %broadcast_in_dim3A_745 = vector.broadcast %broadcast_in_dim3A_744 : i32 to vector<16xi32>
      tpu.vector_store_idx %arg14[%add3A_114, %broadcast_in_dim3A_745], %gather3A_743 : memref<256x257xf32, #tpu.memory_space<vmem>>[vector<16xi32>, vector<16xi32>], vector<16xf32>,
      %gather3A_746 = tpu.vector_load_idx %arg18[%add3A_253, %broadcast_in_dim3A_738] : memref<130x64xf32, #tpu.memory_space<vmem>>[vector<16xi32>, vector<16xi32>], vector<16xf32>,
      %broadcast_in_dim3A_747 = arith.constant 233 : i32
      %broadcast_in_dim3A_748 = vector.broadcast %broadcast_in_dim3A_747 : i32 to vector<16xi32>
      tpu.vector_store_idx %arg14[%add3A_114, %broadcast_in_dim3A_748], %gather3A_746 : memref<256x257xf32, #tpu.memory_space<vmem>>[vector<16xi32>, vector<16xi32>], vector<16xf32>,
      %broadcast_in_dim3A_749 = arith.constant 41 : i32
      %broadcast_in_dim3A_750 = vector.broadcast %broadcast_in_dim3A_749 : i32 to vector<16xi32>
      %gather3A_751 = tpu.vector_load_idx %arg13[%add3A_120, %broadcast_in_dim3A_750] : memref<512x64xf32, #tpu.memory_space<vmem>>[vector<16xi32>, vector<16xi32>], vector<16xf32>,
      tpu.vector_store_idx %arg14[%add3A_114, %broadcast_in_dim3A_750], %gather3A_751 : memref<256x257xf32, #tpu.memory_space<vmem>>[vector<16xi32>, vector<16xi32>], vector<16xf32>,
      %gather3A_752 = tpu.vector_load_idx %arg18[%add3A_247, %broadcast_in_dim3A_750] : memref<130x64xf32, #tpu.memory_space<vmem>>[vector<16xi32>, vector<16xi32>], vector<16xf32>,
      %broadcast_in_dim3A_753 = arith.constant 105 : i32
      %broadcast_in_dim3A_754 = vector.broadcast %broadcast_in_dim3A_753 : i32 to vector<16xi32>
      tpu.vector_store_idx %arg14[%add3A_114, %broadcast_in_dim3A_754], %gather3A_752 : memref<256x257xf32, #tpu.memory_space<vmem>>[vector<16xi32>, vector<16xi32>], vector<16xf32>,
      %gather3A_755 = tpu.vector_load_idx %arg18[%add3A_250, %broadcast_in_dim3A_750] : memref<130x64xf32, #tpu.memory_space<vmem>>[vector<16xi32>, vector<16xi32>], vector<16xf32>,
      %broadcast_in_dim3A_756 = arith.constant 169 : i32
      %broadcast_in_dim3A_757 = vector.broadcast %broadcast_in_dim3A_756 : i32 to vector<16xi32>
      tpu.vector_store_idx %arg14[%add3A_114, %broadcast_in_dim3A_757], %gather3A_755 : memref<256x257xf32, #tpu.memory_space<vmem>>[vector<16xi32>, vector<16xi32>], vector<16xf32>,
      %gather3A_758 = tpu.vector_load_idx %arg18[%add3A_253, %broadcast_in_dim3A_750] : memref<130x64xf32, #tpu.memory_space<vmem>>[vector<16xi32>, vector<16xi32>], vector<16xf32>,
      %broadcast_in_dim3A_759 = arith.constant 234 : i32
      %broadcast_in_dim3A_760 = vector.broadcast %broadcast_in_dim3A_759 : i32 to vector<16xi32>
      tpu.vector_store_idx %arg14[%add3A_114, %broadcast_in_dim3A_760], %gather3A_758 : memref<256x257xf32, #tpu.memory_space<vmem>>[vector<16xi32>, vector<16xi32>], vector<16xf32>,
      %broadcast_in_dim3A_761 = arith.constant 42 : i32
      %broadcast_in_dim3A_762 = vector.broadcast %broadcast_in_dim3A_761 : i32 to vector<16xi32>
      %gather3A_763 = tpu.vector_load_idx %arg13[%add3A_120, %broadcast_in_dim3A_762] : memref<512x64xf32, #tpu.memory_space<vmem>>[vector<16xi32>, vector<16xi32>], vector<16xf32>,
      tpu.vector_store_idx %arg14[%add3A_114, %broadcast_in_dim3A_762], %gather3A_763 : memref<256x257xf32, #tpu.memory_space<vmem>>[vector<16xi32>, vector<16xi32>], vector<16xf32>,
      %gather3A_764 = tpu.vector_load_idx %arg18[%add3A_247, %broadcast_in_dim3A_762] : memref<130x64xf32, #tpu.memory_space<vmem>>[vector<16xi32>, vector<16xi32>], vector<16xf32>,
      %broadcast_in_dim3A_765 = arith.constant 106 : i32
      %broadcast_in_dim3A_766 = vector.broadcast %broadcast_in_dim3A_765 : i32 to vector<16xi32>
      tpu.vector_store_idx %arg14[%add3A_114, %broadcast_in_dim3A_766], %gather3A_764 : memref<256x257xf32, #tpu.memory_space<vmem>>[vector<16xi32>, vector<16xi32>], vector<16xf32>,
      %gather3A_767 = tpu.vector_load_idx %arg18[%add3A_250, %broadcast_in_dim3A_762] : memref<130x64xf32, #tpu.memory_space<vmem>>[vector<16xi32>, vector<16xi32>], vector<16xf32>,
      %broadcast_in_dim3A_768 = arith.constant 170 : i32
      %broadcast_in_dim3A_769 = vector.broadcast %broadcast_in_dim3A_768 : i32 to vector<16xi32>
      tpu.vector_store_idx %arg14[%add3A_114, %broadcast_in_dim3A_769], %gather3A_767 : memref<256x257xf32, #tpu.memory_space<vmem>>[vector<16xi32>, vector<16xi32>], vector<16xf32>,
      %gather3A_770 = tpu.vector_load_idx %arg18[%add3A_253, %broadcast_in_dim3A_762] : memref<130x64xf32, #tpu.memory_space<vmem>>[vector<16xi32>, vector<16xi32>], vector<16xf32>,
      %broadcast_in_dim3A_771 = arith.constant 235 : i32
      %broadcast_in_dim3A_772 = vector.broadcast %broadcast_in_dim3A_771 : i32 to vector<16xi32>
      tpu.vector_store_idx %arg14[%add3A_114, %broadcast_in_dim3A_772], %gather3A_770 : memref<256x257xf32, #tpu.memory_space<vmem>>[vector<16xi32>, vector<16xi32>], vector<16xf32>,
      %broadcast_in_dim3A_773 = arith.constant 43 : i32
      %broadcast_in_dim3A_774 = vector.broadcast %broadcast_in_dim3A_773 : i32 to vector<16xi32>
      %gather3A_775 = tpu.vector_load_idx %arg13[%add3A_120, %broadcast_in_dim3A_774] : memref<512x64xf32, #tpu.memory_space<vmem>>[vector<16xi32>, vector<16xi32>], vector<16xf32>,
      tpu.vector_store_idx %arg14[%add3A_114, %broadcast_in_dim3A_774], %gather3A_775 : memref<256x257xf32, #tpu.memory_space<vmem>>[vector<16xi32>, vector<16xi32>], vector<16xf32>,
      %gather3A_776 = tpu.vector_load_idx %arg18[%add3A_247, %broadcast_in_dim3A_774] : memref<130x64xf32, #tpu.memory_space<vmem>>[vector<16xi32>, vector<16xi32>], vector<16xf32>,
      %broadcast_in_dim3A_777 = arith.constant 107 : i32
      %broadcast_in_dim3A_778 = vector.broadcast %broadcast_in_dim3A_777 : i32 to vector<16xi32>
      tpu.vector_store_idx %arg14[%add3A_114, %broadcast_in_dim3A_778], %gather3A_776 : memref<256x257xf32, #tpu.memory_space<vmem>>[vector<16xi32>, vector<16xi32>], vector<16xf32>,
      %gather3A_779 = tpu.vector_load_idx %arg18[%add3A_250, %broadcast_in_dim3A_774] : memref<130x64xf32, #tpu.memory_space<vmem>>[vector<16xi32>, vector<16xi32>], vector<16xf32>,
      %broadcast_in_dim3A_780 = arith.constant 171 : i32
      %broadcast_in_dim3A_781 = vector.broadcast %broadcast_in_dim3A_780 : i32 to vector<16xi32>
      tpu.vector_store_idx %arg14[%add3A_114, %broadcast_in_dim3A_781], %gather3A_779 : memref<256x257xf32, #tpu.memory_space<vmem>>[vector<16xi32>, vector<16xi32>], vector<16xf32>,
      %gather3A_782 = tpu.vector_load_idx %arg18[%add3A_253, %broadcast_in_dim3A_774] : memref<130x64xf32, #tpu.memory_space<vmem>>[vector<16xi32>, vector<16xi32>], vector<16xf32>,
      %broadcast_in_dim3A_783 = arith.constant 236 : i32
      %broadcast_in_dim3A_784 = vector.broadcast %broadcast_in_dim3A_783 : i32 to vector<16xi32>
      tpu.vector_store_idx %arg14[%add3A_114, %broadcast_in_dim3A_784], %gather3A_782 : memref<256x257xf32, #tpu.memory_space<vmem>>[vector<16xi32>, vector<16xi32>], vector<16xf32>,
      %broadcast_in_dim3A_785 = arith.constant 44 : i32
      %broadcast_in_dim3A_786 = vector.broadcast %broadcast_in_dim3A_785 : i32 to vector<16xi32>
      %gather3A_787 = tpu.vector_load_idx %arg13[%add3A_120, %broadcast_in_dim3A_786] : memref<512x64xf32, #tpu.memory_space<vmem>>[vector<16xi32>, vector<16xi32>], vector<16xf32>,
      tpu.vector_store_idx %arg14[%add3A_114, %broadcast_in_dim3A_786], %gather3A_787 : memref<256x257xf32, #tpu.memory_space<vmem>>[vector<16xi32>, vector<16xi32>], vector<16xf32>,
      %gather3A_788 = tpu.vector_load_idx %arg18[%add3A_247, %broadcast_in_dim3A_786] : memref<130x64xf32, #tpu.memory_space<vmem>>[vector<16xi32>, vector<16xi32>], vector<16xf32>,
      %broadcast_in_dim3A_789 = arith.constant 108 : i32
      %broadcast_in_dim3A_790 = vector.broadcast %broadcast_in_dim3A_789 : i32 to vector<16xi32>
      tpu.vector_store_idx %arg14[%add3A_114, %broadcast_in_dim3A_790], %gather3A_788 : memref<256x257xf32, #tpu.memory_space<vmem>>[vector<16xi32>, vector<16xi32>], vector<16xf32>,
      %gather3A_791 = tpu.vector_load_idx %arg18[%add3A_250, %broadcast_in_dim3A_786] : memref<130x64xf32, #tpu.memory_space<vmem>>[vector<16xi32>, vector<16xi32>], vector<16xf32>,
      %broadcast_in_dim3A_792 = arith.constant 172 : i32
      %broadcast_in_dim3A_793 = vector.broadcast %broadcast_in_dim3A_792 : i32 to vector<16xi32>
      tpu.vector_store_idx %arg14[%add3A_114, %broadcast_in_dim3A_793], %gather3A_791 : memref<256x257xf32, #tpu.memory_space<vmem>>[vector<16xi32>, vector<16xi32>], vector<16xf32>,
      %gather3A_794 = tpu.vector_load_idx %arg18[%add3A_253, %broadcast_in_dim3A_786] : memref<130x64xf32, #tpu.memory_space<vmem>>[vector<16xi32>, vector<16xi32>], vector<16xf32>,
      %broadcast_in_dim3A_795 = arith.constant 237 : i32
      %broadcast_in_dim3A_796 = vector.broadcast %broadcast_in_dim3A_795 : i32 to vector<16xi32>
      tpu.vector_store_idx %arg14[%add3A_114, %broadcast_in_dim3A_796], %gather3A_794 : memref<256x257xf32, #tpu.memory_space<vmem>>[vector<16xi32>, vector<16xi32>], vector<16xf32>,
      %broadcast_in_dim3A_797 = arith.constant 45 : i32
      %broadcast_in_dim3A_798 = vector.broadcast %broadcast_in_dim3A_797 : i32 to vector<16xi32>
      %gather3A_799 = tpu.vector_load_idx %arg13[%add3A_120, %broadcast_in_dim3A_798] : memref<512x64xf32, #tpu.memory_space<vmem>>[vector<16xi32>, vector<16xi32>], vector<16xf32>,
      tpu.vector_store_idx %arg14[%add3A_114, %broadcast_in_dim3A_798], %gather3A_799 : memref<256x257xf32, #tpu.memory_space<vmem>>[vector<16xi32>, vector<16xi32>], vector<16xf32>,
      %gather3A_800 = tpu.vector_load_idx %arg18[%add3A_247, %broadcast_in_dim3A_798] : memref<130x64xf32, #tpu.memory_space<vmem>>[vector<16xi32>, vector<16xi32>], vector<16xf32>,
      %broadcast_in_dim3A_801 = arith.constant 109 : i32
      %broadcast_in_dim3A_802 = vector.broadcast %broadcast_in_dim3A_801 : i32 to vector<16xi32>
      tpu.vector_store_idx %arg14[%add3A_114, %broadcast_in_dim3A_802], %gather3A_800 : memref<256x257xf32, #tpu.memory_space<vmem>>[vector<16xi32>, vector<16xi32>], vector<16xf32>,
      %gather3A_803 = tpu.vector_load_idx %arg18[%add3A_250, %broadcast_in_dim3A_798] : memref<130x64xf32, #tpu.memory_space<vmem>>[vector<16xi32>, vector<16xi32>], vector<16xf32>,
      %broadcast_in_dim3A_804 = arith.constant 173 : i32
      %broadcast_in_dim3A_805 = vector.broadcast %broadcast_in_dim3A_804 : i32 to vector<16xi32>
      tpu.vector_store_idx %arg14[%add3A_114, %broadcast_in_dim3A_805], %gather3A_803 : memref<256x257xf32, #tpu.memory_space<vmem>>[vector<16xi32>, vector<16xi32>], vector<16xf32>,
      %gather3A_806 = tpu.vector_load_idx %arg18[%add3A_253, %broadcast_in_dim3A_798] : memref<130x64xf32, #tpu.memory_space<vmem>>[vector<16xi32>, vector<16xi32>], vector<16xf32>,
      %broadcast_in_dim3A_807 = arith.constant 238 : i32
      %broadcast_in_dim3A_808 = vector.broadcast %broadcast_in_dim3A_807 : i32 to vector<16xi32>
      tpu.vector_store_idx %arg14[%add3A_114, %broadcast_in_dim3A_808], %gather3A_806 : memref<256x257xf32, #tpu.memory_space<vmem>>[vector<16xi32>, vector<16xi32>], vector<16xf32>,
      %broadcast_in_dim3A_809 = arith.constant 46 : i32
      %broadcast_in_dim3A_810 = vector.broadcast %broadcast_in_dim3A_809 : i32 to vector<16xi32>
      %gather3A_811 = tpu.vector_load_idx %arg13[%add3A_120, %broadcast_in_dim3A_810] : memref<512x64xf32, #tpu.memory_space<vmem>>[vector<16xi32>, vector<16xi32>], vector<16xf32>,
      tpu.vector_store_idx %arg14[%add3A_114, %broadcast_in_dim3A_810], %gather3A_811 : memref<256x257xf32, #tpu.memory_space<vmem>>[vector<16xi32>, vector<16xi32>], vector<16xf32>,
      %gather3A_812 = tpu.vector_load_idx %arg18[%add3A_247, %broadcast_in_dim3A_810] : memref<130x64xf32, #tpu.memory_space<vmem>>[vector<16xi32>, vector<16xi32>], vector<16xf32>,
      %broadcast_in_dim3A_813 = arith.constant 110 : i32
      %broadcast_in_dim3A_814 = vector.broadcast %broadcast_in_dim3A_813 : i32 to vector<16xi32>
      tpu.vector_store_idx %arg14[%add3A_114, %broadcast_in_dim3A_814], %gather3A_812 : memref<256x257xf32, #tpu.memory_space<vmem>>[vector<16xi32>, vector<16xi32>], vector<16xf32>,
      %gather3A_815 = tpu.vector_load_idx %arg18[%add3A_250, %broadcast_in_dim3A_810] : memref<130x64xf32, #tpu.memory_space<vmem>>[vector<16xi32>, vector<16xi32>], vector<16xf32>,
      %broadcast_in_dim3A_816 = arith.constant 174 : i32
      %broadcast_in_dim3A_817 = vector.broadcast %broadcast_in_dim3A_816 : i32 to vector<16xi32>
      tpu.vector_store_idx %arg14[%add3A_114, %broadcast_in_dim3A_817], %gather3A_815 : memref<256x257xf32, #tpu.memory_space<vmem>>[vector<16xi32>, vector<16xi32>], vector<16xf32>,
      %gather3A_818 = tpu.vector_load_idx %arg18[%add3A_253, %broadcast_in_dim3A_810] : memref<130x64xf32, #tpu.memory_space<vmem>>[vector<16xi32>, vector<16xi32>], vector<16xf32>,
      %broadcast_in_dim3A_819 = arith.constant 239 : i32
      %broadcast_in_dim3A_820 = vector.broadcast %broadcast_in_dim3A_819 : i32 to vector<16xi32>
      tpu.vector_store_idx %arg14[%add3A_114, %broadcast_in_dim3A_820], %gather3A_818 : memref<256x257xf32, #tpu.memory_space<vmem>>[vector<16xi32>, vector<16xi32>], vector<16xf32>,
      %broadcast_in_dim3A_821 = arith.constant 47 : i32
      %broadcast_in_dim3A_822 = vector.broadcast %broadcast_in_dim3A_821 : i32 to vector<16xi32>
      %gather3A_823 = tpu.vector_load_idx %arg13[%add3A_120, %broadcast_in_dim3A_822] : memref<512x64xf32, #tpu.memory_space<vmem>>[vector<16xi32>, vector<16xi32>], vector<16xf32>,
      tpu.vector_store_idx %arg14[%add3A_114, %broadcast_in_dim3A_822], %gather3A_823 : memref<256x257xf32, #tpu.memory_space<vmem>>[vector<16xi32>, vector<16xi32>], vector<16xf32>,
      %gather3A_824 = tpu.vector_load_idx %arg18[%add3A_247, %broadcast_in_dim3A_822] : memref<130x64xf32, #tpu.memory_space<vmem>>[vector<16xi32>, vector<16xi32>], vector<16xf32>,
      %broadcast_in_dim3A_825 = arith.constant 111 : i32
      %broadcast_in_dim3A_826 = vector.broadcast %broadcast_in_dim3A_825 : i32 to vector<16xi32>
      tpu.vector_store_idx %arg14[%add3A_114, %broadcast_in_dim3A_826], %gather3A_824 : memref<256x257xf32, #tpu.memory_space<vmem>>[vector<16xi32>, vector<16xi32>], vector<16xf32>,
      %gather3A_827 = tpu.vector_load_idx %arg18[%add3A_250, %broadcast_in_dim3A_822] : memref<130x64xf32, #tpu.memory_space<vmem>>[vector<16xi32>, vector<16xi32>], vector<16xf32>,
      %broadcast_in_dim3A_828 = arith.constant 175 : i32
      %broadcast_in_dim3A_829 = vector.broadcast %broadcast_in_dim3A_828 : i32 to vector<16xi32>
      tpu.vector_store_idx %arg14[%add3A_114, %broadcast_in_dim3A_829], %gather3A_827 : memref<256x257xf32, #tpu.memory_space<vmem>>[vector<16xi32>, vector<16xi32>], vector<16xf32>,
      %gather3A_830 = tpu.vector_load_idx %arg18[%add3A_253, %broadcast_in_dim3A_822] : memref<130x64xf32, #tpu.memory_space<vmem>>[vector<16xi32>, vector<16xi32>], vector<16xf32>,
      %broadcast_in_dim3A_831 = arith.constant 240 : i32
      %broadcast_in_dim3A_832 = vector.broadcast %broadcast_in_dim3A_831 : i32 to vector<16xi32>
      tpu.vector_store_idx %arg14[%add3A_114, %broadcast_in_dim3A_832], %gather3A_830 : memref<256x257xf32, #tpu.memory_space<vmem>>[vector<16xi32>, vector<16xi32>], vector<16xf32>,
      %broadcast_in_dim3A_833 = arith.constant 48 : i32
      %broadcast_in_dim3A_834 = vector.broadcast %broadcast_in_dim3A_833 : i32 to vector<16xi32>
      %gather3A_835 = tpu.vector_load_idx %arg13[%add3A_120, %broadcast_in_dim3A_834] : memref<512x64xf32, #tpu.memory_space<vmem>>[vector<16xi32>, vector<16xi32>], vector<16xf32>,
      tpu.vector_store_idx %arg14[%add3A_114, %broadcast_in_dim3A_834], %gather3A_835 : memref<256x257xf32, #tpu.memory_space<vmem>>[vector<16xi32>, vector<16xi32>], vector<16xf32>,
      %gather3A_836 = tpu.vector_load_idx %arg18[%add3A_247, %broadcast_in_dim3A_834] : memref<130x64xf32, #tpu.memory_space<vmem>>[vector<16xi32>, vector<16xi32>], vector<16xf32>,
      %broadcast_in_dim3A_837 = arith.constant 112 : i32
      %broadcast_in_dim3A_838 = vector.broadcast %broadcast_in_dim3A_837 : i32 to vector<16xi32>
      tpu.vector_store_idx %arg14[%add3A_114, %broadcast_in_dim3A_838], %gather3A_836 : memref<256x257xf32, #tpu.memory_space<vmem>>[vector<16xi32>, vector<16xi32>], vector<16xf32>,
      %gather3A_839 = tpu.vector_load_idx %arg18[%add3A_250, %broadcast_in_dim3A_834] : memref<130x64xf32, #tpu.memory_space<vmem>>[vector<16xi32>, vector<16xi32>], vector<16xf32>,
      %broadcast_in_dim3A_840 = arith.constant 176 : i32
      %broadcast_in_dim3A_841 = vector.broadcast %broadcast_in_dim3A_840 : i32 to vector<16xi32>
      tpu.vector_store_idx %arg14[%add3A_114, %broadcast_in_dim3A_841], %gather3A_839 : memref<256x257xf32, #tpu.memory_space<vmem>>[vector<16xi32>, vector<16xi32>], vector<16xf32>,
      %gather3A_842 = tpu.vector_load_idx %arg18[%add3A_253, %broadcast_in_dim3A_834] : memref<130x64xf32, #tpu.memory_space<vmem>>[vector<16xi32>, vector<16xi32>], vector<16xf32>,
      %broadcast_in_dim3A_843 = arith.constant 241 : i32
      %broadcast_in_dim3A_844 = vector.broadcast %broadcast_in_dim3A_843 : i32 to vector<16xi32>
      tpu.vector_store_idx %arg14[%add3A_114, %broadcast_in_dim3A_844], %gather3A_842 : memref<256x257xf32, #tpu.memory_space<vmem>>[vector<16xi32>, vector<16xi32>], vector<16xf32>,
      %broadcast_in_dim3A_845 = arith.constant 49 : i32
      %broadcast_in_dim3A_846 = vector.broadcast %broadcast_in_dim3A_845 : i32 to vector<16xi32>
      %gather3A_847 = tpu.vector_load_idx %arg13[%add3A_120, %broadcast_in_dim3A_846] : memref<512x64xf32, #tpu.memory_space<vmem>>[vector<16xi32>, vector<16xi32>], vector<16xf32>,
      tpu.vector_store_idx %arg14[%add3A_114, %broadcast_in_dim3A_846], %gather3A_847 : memref<256x257xf32, #tpu.memory_space<vmem>>[vector<16xi32>, vector<16xi32>], vector<16xf32>,
      %gather3A_848 = tpu.vector_load_idx %arg18[%add3A_247, %broadcast_in_dim3A_846] : memref<130x64xf32, #tpu.memory_space<vmem>>[vector<16xi32>, vector<16xi32>], vector<16xf32>,
      %broadcast_in_dim3A_849 = arith.constant 113 : i32
      %broadcast_in_dim3A_850 = vector.broadcast %broadcast_in_dim3A_849 : i32 to vector<16xi32>
      tpu.vector_store_idx %arg14[%add3A_114, %broadcast_in_dim3A_850], %gather3A_848 : memref<256x257xf32, #tpu.memory_space<vmem>>[vector<16xi32>, vector<16xi32>], vector<16xf32>,
      %gather3A_851 = tpu.vector_load_idx %arg18[%add3A_250, %broadcast_in_dim3A_846] : memref<130x64xf32, #tpu.memory_space<vmem>>[vector<16xi32>, vector<16xi32>], vector<16xf32>,
      %broadcast_in_dim3A_852 = arith.constant 177 : i32
      %broadcast_in_dim3A_853 = vector.broadcast %broadcast_in_dim3A_852 : i32 to vector<16xi32>
      tpu.vector_store_idx %arg14[%add3A_114, %broadcast_in_dim3A_853], %gather3A_851 : memref<256x257xf32, #tpu.memory_space<vmem>>[vector<16xi32>, vector<16xi32>], vector<16xf32>,
      %gather3A_854 = tpu.vector_load_idx %arg18[%add3A_253, %broadcast_in_dim3A_846] : memref<130x64xf32, #tpu.memory_space<vmem>>[vector<16xi32>, vector<16xi32>], vector<16xf32>,
      %broadcast_in_dim3A_855 = arith.constant 242 : i32
      %broadcast_in_dim3A_856 = vector.broadcast %broadcast_in_dim3A_855 : i32 to vector<16xi32>
      tpu.vector_store_idx %arg14[%add3A_114, %broadcast_in_dim3A_856], %gather3A_854 : memref<256x257xf32, #tpu.memory_space<vmem>>[vector<16xi32>, vector<16xi32>], vector<16xf32>,
      %broadcast_in_dim3A_857 = arith.constant 50 : i32
      %broadcast_in_dim3A_858 = vector.broadcast %broadcast_in_dim3A_857 : i32 to vector<16xi32>
      %gather3A_859 = tpu.vector_load_idx %arg13[%add3A_120, %broadcast_in_dim3A_858] : memref<512x64xf32, #tpu.memory_space<vmem>>[vector<16xi32>, vector<16xi32>], vector<16xf32>,
      tpu.vector_store_idx %arg14[%add3A_114, %broadcast_in_dim3A_858], %gather3A_859 : memref<256x257xf32, #tpu.memory_space<vmem>>[vector<16xi32>, vector<16xi32>], vector<16xf32>,
      %gather3A_860 = tpu.vector_load_idx %arg18[%add3A_247, %broadcast_in_dim3A_858] : memref<130x64xf32, #tpu.memory_space<vmem>>[vector<16xi32>, vector<16xi32>], vector<16xf32>,
      %broadcast_in_dim3A_861 = arith.constant 114 : i32
      %broadcast_in_dim3A_862 = vector.broadcast %broadcast_in_dim3A_861 : i32 to vector<16xi32>
      tpu.vector_store_idx %arg14[%add3A_114, %broadcast_in_dim3A_862], %gather3A_860 : memref<256x257xf32, #tpu.memory_space<vmem>>[vector<16xi32>, vector<16xi32>], vector<16xf32>,
      %gather3A_863 = tpu.vector_load_idx %arg18[%add3A_250, %broadcast_in_dim3A_858] : memref<130x64xf32, #tpu.memory_space<vmem>>[vector<16xi32>, vector<16xi32>], vector<16xf32>,
      %broadcast_in_dim3A_864 = arith.constant 178 : i32
      %broadcast_in_dim3A_865 = vector.broadcast %broadcast_in_dim3A_864 : i32 to vector<16xi32>
      tpu.vector_store_idx %arg14[%add3A_114, %broadcast_in_dim3A_865], %gather3A_863 : memref<256x257xf32, #tpu.memory_space<vmem>>[vector<16xi32>, vector<16xi32>], vector<16xf32>,
      %gather3A_866 = tpu.vector_load_idx %arg18[%add3A_253, %broadcast_in_dim3A_858] : memref<130x64xf32, #tpu.memory_space<vmem>>[vector<16xi32>, vector<16xi32>], vector<16xf32>,
      %broadcast_in_dim3A_867 = arith.constant 243 : i32
      %broadcast_in_dim3A_868 = vector.broadcast %broadcast_in_dim3A_867 : i32 to vector<16xi32>
      tpu.vector_store_idx %arg14[%add3A_114, %broadcast_in_dim3A_868], %gather3A_866 : memref<256x257xf32, #tpu.memory_space<vmem>>[vector<16xi32>, vector<16xi32>], vector<16xf32>,
      %broadcast_in_dim3A_869 = arith.constant 51 : i32
      %broadcast_in_dim3A_870 = vector.broadcast %broadcast_in_dim3A_869 : i32 to vector<16xi32>
      %gather3A_871 = tpu.vector_load_idx %arg13[%add3A_120, %broadcast_in_dim3A_870] : memref<512x64xf32, #tpu.memory_space<vmem>>[vector<16xi32>, vector<16xi32>], vector<16xf32>,
      tpu.vector_store_idx %arg14[%add3A_114, %broadcast_in_dim3A_870], %gather3A_871 : memref<256x257xf32, #tpu.memory_space<vmem>>[vector<16xi32>, vector<16xi32>], vector<16xf32>,
      %gather3A_872 = tpu.vector_load_idx %arg18[%add3A_247, %broadcast_in_dim3A_870] : memref<130x64xf32, #tpu.memory_space<vmem>>[vector<16xi32>, vector<16xi32>], vector<16xf32>,
      %broadcast_in_dim3A_873 = arith.constant 115 : i32
      %broadcast_in_dim3A_874 = vector.broadcast %broadcast_in_dim3A_873 : i32 to vector<16xi32>
      tpu.vector_store_idx %arg14[%add3A_114, %broadcast_in_dim3A_874], %gather3A_872 : memref<256x257xf32, #tpu.memory_space<vmem>>[vector<16xi32>, vector<16xi32>], vector<16xf32>,
      %gather3A_875 = tpu.vector_load_idx %arg18[%add3A_250, %broadcast_in_dim3A_870] : memref<130x64xf32, #tpu.memory_space<vmem>>[vector<16xi32>, vector<16xi32>], vector<16xf32>,
      %broadcast_in_dim3A_876 = arith.constant 179 : i32
      %broadcast_in_dim3A_877 = vector.broadcast %broadcast_in_dim3A_876 : i32 to vector<16xi32>
      tpu.vector_store_idx %arg14[%add3A_114, %broadcast_in_dim3A_877], %gather3A_875 : memref<256x257xf32, #tpu.memory_space<vmem>>[vector<16xi32>, vector<16xi32>], vector<16xf32>,
      %gather3A_878 = tpu.vector_load_idx %arg18[%add3A_253, %broadcast_in_dim3A_870] : memref<130x64xf32, #tpu.memory_space<vmem>>[vector<16xi32>, vector<16xi32>], vector<16xf32>,
      %broadcast_in_dim3A_879 = arith.constant 244 : i32
      %broadcast_in_dim3A_880 = vector.broadcast %broadcast_in_dim3A_879 : i32 to vector<16xi32>
      tpu.vector_store_idx %arg14[%add3A_114, %broadcast_in_dim3A_880], %gather3A_878 : memref<256x257xf32, #tpu.memory_space<vmem>>[vector<16xi32>, vector<16xi32>], vector<16xf32>,
      %broadcast_in_dim3A_881 = arith.constant 52 : i32
      %broadcast_in_dim3A_882 = vector.broadcast %broadcast_in_dim3A_881 : i32 to vector<16xi32>
      %gather3A_883 = tpu.vector_load_idx %arg13[%add3A_120, %broadcast_in_dim3A_882] : memref<512x64xf32, #tpu.memory_space<vmem>>[vector<16xi32>, vector<16xi32>], vector<16xf32>,
      tpu.vector_store_idx %arg14[%add3A_114, %broadcast_in_dim3A_882], %gather3A_883 : memref<256x257xf32, #tpu.memory_space<vmem>>[vector<16xi32>, vector<16xi32>], vector<16xf32>,
      %gather3A_884 = tpu.vector_load_idx %arg18[%add3A_247, %broadcast_in_dim3A_882] : memref<130x64xf32, #tpu.memory_space<vmem>>[vector<16xi32>, vector<16xi32>], vector<16xf32>,
      %broadcast_in_dim3A_885 = arith.constant 116 : i32
      %broadcast_in_dim3A_886 = vector.broadcast %broadcast_in_dim3A_885 : i32 to vector<16xi32>
      tpu.vector_store_idx %arg14[%add3A_114, %broadcast_in_dim3A_886], %gather3A_884 : memref<256x257xf32, #tpu.memory_space<vmem>>[vector<16xi32>, vector<16xi32>], vector<16xf32>,
      %gather3A_887 = tpu.vector_load_idx %arg18[%add3A_250, %broadcast_in_dim3A_882] : memref<130x64xf32, #tpu.memory_space<vmem>>[vector<16xi32>, vector<16xi32>], vector<16xf32>,
      %broadcast_in_dim3A_888 = arith.constant 180 : i32
      %broadcast_in_dim3A_889 = vector.broadcast %broadcast_in_dim3A_888 : i32 to vector<16xi32>
      tpu.vector_store_idx %arg14[%add3A_114, %broadcast_in_dim3A_889], %gather3A_887 : memref<256x257xf32, #tpu.memory_space<vmem>>[vector<16xi32>, vector<16xi32>], vector<16xf32>,
      %gather3A_890 = tpu.vector_load_idx %arg18[%add3A_253, %broadcast_in_dim3A_882] : memref<130x64xf32, #tpu.memory_space<vmem>>[vector<16xi32>, vector<16xi32>], vector<16xf32>,
      %broadcast_in_dim3A_891 = arith.constant 245 : i32
      %broadcast_in_dim3A_892 = vector.broadcast %broadcast_in_dim3A_891 : i32 to vector<16xi32>
      tpu.vector_store_idx %arg14[%add3A_114, %broadcast_in_dim3A_892], %gather3A_890 : memref<256x257xf32, #tpu.memory_space<vmem>>[vector<16xi32>, vector<16xi32>], vector<16xf32>,
      %broadcast_in_dim3A_893 = arith.constant 53 : i32
      %broadcast_in_dim3A_894 = vector.broadcast %broadcast_in_dim3A_893 : i32 to vector<16xi32>
      %gather3A_895 = tpu.vector_load_idx %arg13[%add3A_120, %broadcast_in_dim3A_894] : memref<512x64xf32, #tpu.memory_space<vmem>>[vector<16xi32>, vector<16xi32>], vector<16xf32>,
      tpu.vector_store_idx %arg14[%add3A_114, %broadcast_in_dim3A_894], %gather3A_895 : memref<256x257xf32, #tpu.memory_space<vmem>>[vector<16xi32>, vector<16xi32>], vector<16xf32>,
      %gather3A_896 = tpu.vector_load_idx %arg18[%add3A_247, %broadcast_in_dim3A_894] : memref<130x64xf32, #tpu.memory_space<vmem>>[vector<16xi32>, vector<16xi32>], vector<16xf32>,
      %broadcast_in_dim3A_897 = arith.constant 117 : i32
      %broadcast_in_dim3A_898 = vector.broadcast %broadcast_in_dim3A_897 : i32 to vector<16xi32>
      tpu.vector_store_idx %arg14[%add3A_114, %broadcast_in_dim3A_898], %gather3A_896 : memref<256x257xf32, #tpu.memory_space<vmem>>[vector<16xi32>, vector<16xi32>], vector<16xf32>,
      %gather3A_899 = tpu.vector_load_idx %arg18[%add3A_250, %broadcast_in_dim3A_894] : memref<130x64xf32, #tpu.memory_space<vmem>>[vector<16xi32>, vector<16xi32>], vector<16xf32>,
      %broadcast_in_dim3A_900 = arith.constant 181 : i32
      %broadcast_in_dim3A_901 = vector.broadcast %broadcast_in_dim3A_900 : i32 to vector<16xi32>
      tpu.vector_store_idx %arg14[%add3A_114, %broadcast_in_dim3A_901], %gather3A_899 : memref<256x257xf32, #tpu.memory_space<vmem>>[vector<16xi32>, vector<16xi32>], vector<16xf32>,
      %gather3A_902 = tpu.vector_load_idx %arg18[%add3A_253, %broadcast_in_dim3A_894] : memref<130x64xf32, #tpu.memory_space<vmem>>[vector<16xi32>, vector<16xi32>], vector<16xf32>,
      %broadcast_in_dim3A_903 = arith.constant 246 : i32
      %broadcast_in_dim3A_904 = vector.broadcast %broadcast_in_dim3A_903 : i32 to vector<16xi32>
      tpu.vector_store_idx %arg14[%add3A_114, %broadcast_in_dim3A_904], %gather3A_902 : memref<256x257xf32, #tpu.memory_space<vmem>>[vector<16xi32>, vector<16xi32>], vector<16xf32>,
      %broadcast_in_dim3A_905 = arith.constant 54 : i32
      %broadcast_in_dim3A_906 = vector.broadcast %broadcast_in_dim3A_905 : i32 to vector<16xi32>
      %gather3A_907 = tpu.vector_load_idx %arg13[%add3A_120, %broadcast_in_dim3A_906] : memref<512x64xf32, #tpu.memory_space<vmem>>[vector<16xi32>, vector<16xi32>], vector<16xf32>,
      tpu.vector_store_idx %arg14[%add3A_114, %broadcast_in_dim3A_906], %gather3A_907 : memref<256x257xf32, #tpu.memory_space<vmem>>[vector<16xi32>, vector<16xi32>], vector<16xf32>,
      %gather3A_908 = tpu.vector_load_idx %arg18[%add3A_247, %broadcast_in_dim3A_906] : memref<130x64xf32, #tpu.memory_space<vmem>>[vector<16xi32>, vector<16xi32>], vector<16xf32>,
      %broadcast_in_dim3A_909 = arith.constant 118 : i32
      %broadcast_in_dim3A_910 = vector.broadcast %broadcast_in_dim3A_909 : i32 to vector<16xi32>
      tpu.vector_store_idx %arg14[%add3A_114, %broadcast_in_dim3A_910], %gather3A_908 : memref<256x257xf32, #tpu.memory_space<vmem>>[vector<16xi32>, vector<16xi32>], vector<16xf32>,
      %gather3A_911 = tpu.vector_load_idx %arg18[%add3A_250, %broadcast_in_dim3A_906] : memref<130x64xf32, #tpu.memory_space<vmem>>[vector<16xi32>, vector<16xi32>], vector<16xf32>,
      %broadcast_in_dim3A_912 = arith.constant 182 : i32
      %broadcast_in_dim3A_913 = vector.broadcast %broadcast_in_dim3A_912 : i32 to vector<16xi32>
      tpu.vector_store_idx %arg14[%add3A_114, %broadcast_in_dim3A_913], %gather3A_911 : memref<256x257xf32, #tpu.memory_space<vmem>>[vector<16xi32>, vector<16xi32>], vector<16xf32>,
      %gather3A_914 = tpu.vector_load_idx %arg18[%add3A_253, %broadcast_in_dim3A_906] : memref<130x64xf32, #tpu.memory_space<vmem>>[vector<16xi32>, vector<16xi32>], vector<16xf32>,
      %broadcast_in_dim3A_915 = arith.constant 247 : i32
      %broadcast_in_dim3A_916 = vector.broadcast %broadcast_in_dim3A_915 : i32 to vector<16xi32>
      tpu.vector_store_idx %arg14[%add3A_114, %broadcast_in_dim3A_916], %gather3A_914 : memref<256x257xf32, #tpu.memory_space<vmem>>[vector<16xi32>, vector<16xi32>], vector<16xf32>,
      %broadcast_in_dim3A_917 = arith.constant 55 : i32
      %broadcast_in_dim3A_918 = vector.broadcast %broadcast_in_dim3A_917 : i32 to vector<16xi32>
      %gather3A_919 = tpu.vector_load_idx %arg13[%add3A_120, %broadcast_in_dim3A_918] : memref<512x64xf32, #tpu.memory_space<vmem>>[vector<16xi32>, vector<16xi32>], vector<16xf32>,
      tpu.vector_store_idx %arg14[%add3A_114, %broadcast_in_dim3A_918], %gather3A_919 : memref<256x257xf32, #tpu.memory_space<vmem>>[vector<16xi32>, vector<16xi32>], vector<16xf32>,
      %gather3A_920 = tpu.vector_load_idx %arg18[%add3A_247, %broadcast_in_dim3A_918] : memref<130x64xf32, #tpu.memory_space<vmem>>[vector<16xi32>, vector<16xi32>], vector<16xf32>,
      %broadcast_in_dim3A_921 = arith.constant 119 : i32
      %broadcast_in_dim3A_922 = vector.broadcast %broadcast_in_dim3A_921 : i32 to vector<16xi32>
      tpu.vector_store_idx %arg14[%add3A_114, %broadcast_in_dim3A_922], %gather3A_920 : memref<256x257xf32, #tpu.memory_space<vmem>>[vector<16xi32>, vector<16xi32>], vector<16xf32>,
      %gather3A_923 = tpu.vector_load_idx %arg18[%add3A_250, %broadcast_in_dim3A_918] : memref<130x64xf32, #tpu.memory_space<vmem>>[vector<16xi32>, vector<16xi32>], vector<16xf32>,
      %broadcast_in_dim3A_924 = arith.constant 183 : i32
      %broadcast_in_dim3A_925 = vector.broadcast %broadcast_in_dim3A_924 : i32 to vector<16xi32>
      tpu.vector_store_idx %arg14[%add3A_114, %broadcast_in_dim3A_925], %gather3A_923 : memref<256x257xf32, #tpu.memory_space<vmem>>[vector<16xi32>, vector<16xi32>], vector<16xf32>,
      %gather3A_926 = tpu.vector_load_idx %arg18[%add3A_253, %broadcast_in_dim3A_918] : memref<130x64xf32, #tpu.memory_space<vmem>>[vector<16xi32>, vector<16xi32>], vector<16xf32>,
      %broadcast_in_dim3A_927 = arith.constant 248 : i32
      %broadcast_in_dim3A_928 = vector.broadcast %broadcast_in_dim3A_927 : i32 to vector<16xi32>
      tpu.vector_store_idx %arg14[%add3A_114, %broadcast_in_dim3A_928], %gather3A_926 : memref<256x257xf32, #tpu.memory_space<vmem>>[vector<16xi32>, vector<16xi32>], vector<16xf32>,
      %broadcast_in_dim3A_929 = arith.constant 56 : i32
      %broadcast_in_dim3A_930 = vector.broadcast %broadcast_in_dim3A_929 : i32 to vector<16xi32>
      %gather3A_931 = tpu.vector_load_idx %arg13[%add3A_120, %broadcast_in_dim3A_930] : memref<512x64xf32, #tpu.memory_space<vmem>>[vector<16xi32>, vector<16xi32>], vector<16xf32>,
      tpu.vector_store_idx %arg14[%add3A_114, %broadcast_in_dim3A_930], %gather3A_931 : memref<256x257xf32, #tpu.memory_space<vmem>>[vector<16xi32>, vector<16xi32>], vector<16xf32>,
      %gather3A_932 = tpu.vector_load_idx %arg18[%add3A_247, %broadcast_in_dim3A_930] : memref<130x64xf32, #tpu.memory_space<vmem>>[vector<16xi32>, vector<16xi32>], vector<16xf32>,
      %broadcast_in_dim3A_933 = arith.constant 120 : i32
      %broadcast_in_dim3A_934 = vector.broadcast %broadcast_in_dim3A_933 : i32 to vector<16xi32>
      tpu.vector_store_idx %arg14[%add3A_114, %broadcast_in_dim3A_934], %gather3A_932 : memref<256x257xf32, #tpu.memory_space<vmem>>[vector<16xi32>, vector<16xi32>], vector<16xf32>,
      %gather3A_935 = tpu.vector_load_idx %arg18[%add3A_250, %broadcast_in_dim3A_930] : memref<130x64xf32, #tpu.memory_space<vmem>>[vector<16xi32>, vector<16xi32>], vector<16xf32>,
      %broadcast_in_dim3A_936 = arith.constant 184 : i32
      %broadcast_in_dim3A_937 = vector.broadcast %broadcast_in_dim3A_936 : i32 to vector<16xi32>
      tpu.vector_store_idx %arg14[%add3A_114, %broadcast_in_dim3A_937], %gather3A_935 : memref<256x257xf32, #tpu.memory_space<vmem>>[vector<16xi32>, vector<16xi32>], vector<16xf32>,
      %gather3A_938 = tpu.vector_load_idx %arg18[%add3A_253, %broadcast_in_dim3A_930] : memref<130x64xf32, #tpu.memory_space<vmem>>[vector<16xi32>, vector<16xi32>], vector<16xf32>,
      %broadcast_in_dim3A_939 = arith.constant 249 : i32
      %broadcast_in_dim3A_940 = vector.broadcast %broadcast_in_dim3A_939 : i32 to vector<16xi32>
      tpu.vector_store_idx %arg14[%add3A_114, %broadcast_in_dim3A_940], %gather3A_938 : memref<256x257xf32, #tpu.memory_space<vmem>>[vector<16xi32>, vector<16xi32>], vector<16xf32>,
      %broadcast_in_dim3A_941 = arith.constant 57 : i32
      %broadcast_in_dim3A_942 = vector.broadcast %broadcast_in_dim3A_941 : i32 to vector<16xi32>
      %gather3A_943 = tpu.vector_load_idx %arg13[%add3A_120, %broadcast_in_dim3A_942] : memref<512x64xf32, #tpu.memory_space<vmem>>[vector<16xi32>, vector<16xi32>], vector<16xf32>,
      tpu.vector_store_idx %arg14[%add3A_114, %broadcast_in_dim3A_942], %gather3A_943 : memref<256x257xf32, #tpu.memory_space<vmem>>[vector<16xi32>, vector<16xi32>], vector<16xf32>,
      %gather3A_944 = tpu.vector_load_idx %arg18[%add3A_247, %broadcast_in_dim3A_942] : memref<130x64xf32, #tpu.memory_space<vmem>>[vector<16xi32>, vector<16xi32>], vector<16xf32>,
      %broadcast_in_dim3A_945 = arith.constant 121 : i32
      %broadcast_in_dim3A_946 = vector.broadcast %broadcast_in_dim3A_945 : i32 to vector<16xi32>
      tpu.vector_store_idx %arg14[%add3A_114, %broadcast_in_dim3A_946], %gather3A_944 : memref<256x257xf32, #tpu.memory_space<vmem>>[vector<16xi32>, vector<16xi32>], vector<16xf32>,
      %gather3A_947 = tpu.vector_load_idx %arg18[%add3A_250, %broadcast_in_dim3A_942] : memref<130x64xf32, #tpu.memory_space<vmem>>[vector<16xi32>, vector<16xi32>], vector<16xf32>,
      %broadcast_in_dim3A_948 = arith.constant 185 : i32
      %broadcast_in_dim3A_949 = vector.broadcast %broadcast_in_dim3A_948 : i32 to vector<16xi32>
      tpu.vector_store_idx %arg14[%add3A_114, %broadcast_in_dim3A_949], %gather3A_947 : memref<256x257xf32, #tpu.memory_space<vmem>>[vector<16xi32>, vector<16xi32>], vector<16xf32>,
      %gather3A_950 = tpu.vector_load_idx %arg18[%add3A_253, %broadcast_in_dim3A_942] : memref<130x64xf32, #tpu.memory_space<vmem>>[vector<16xi32>, vector<16xi32>], vector<16xf32>,
      %broadcast_in_dim3A_951 = arith.constant 250 : i32
      %broadcast_in_dim3A_952 = vector.broadcast %broadcast_in_dim3A_951 : i32 to vector<16xi32>
      tpu.vector_store_idx %arg14[%add3A_114, %broadcast_in_dim3A_952], %gather3A_950 : memref<256x257xf32, #tpu.memory_space<vmem>>[vector<16xi32>, vector<16xi32>], vector<16xf32>,
      %broadcast_in_dim3A_953 = arith.constant 58 : i32
      %broadcast_in_dim3A_954 = vector.broadcast %broadcast_in_dim3A_953 : i32 to vector<16xi32>
      %gather3A_955 = tpu.vector_load_idx %arg13[%add3A_120, %broadcast_in_dim3A_954] : memref<512x64xf32, #tpu.memory_space<vmem>>[vector<16xi32>, vector<16xi32>], vector<16xf32>,
      tpu.vector_store_idx %arg14[%add3A_114, %broadcast_in_dim3A_954], %gather3A_955 : memref<256x257xf32, #tpu.memory_space<vmem>>[vector<16xi32>, vector<16xi32>], vector<16xf32>,
      %gather3A_956 = tpu.vector_load_idx %arg18[%add3A_247, %broadcast_in_dim3A_954] : memref<130x64xf32, #tpu.memory_space<vmem>>[vector<16xi32>, vector<16xi32>], vector<16xf32>,
      %broadcast_in_dim3A_957 = arith.constant 122 : i32
      %broadcast_in_dim3A_958 = vector.broadcast %broadcast_in_dim3A_957 : i32 to vector<16xi32>
      tpu.vector_store_idx %arg14[%add3A_114, %broadcast_in_dim3A_958], %gather3A_956 : memref<256x257xf32, #tpu.memory_space<vmem>>[vector<16xi32>, vector<16xi32>], vector<16xf32>,
      %gather3A_959 = tpu.vector_load_idx %arg18[%add3A_250, %broadcast_in_dim3A_954] : memref<130x64xf32, #tpu.memory_space<vmem>>[vector<16xi32>, vector<16xi32>], vector<16xf32>,
      %broadcast_in_dim3A_960 = arith.constant 186 : i32
      %broadcast_in_dim3A_961 = vector.broadcast %broadcast_in_dim3A_960 : i32 to vector<16xi32>
      tpu.vector_store_idx %arg14[%add3A_114, %broadcast_in_dim3A_961], %gather3A_959 : memref<256x257xf32, #tpu.memory_space<vmem>>[vector<16xi32>, vector<16xi32>], vector<16xf32>,
      %gather3A_962 = tpu.vector_load_idx %arg18[%add3A_253, %broadcast_in_dim3A_954] : memref<130x64xf32, #tpu.memory_space<vmem>>[vector<16xi32>, vector<16xi32>], vector<16xf32>,
      %broadcast_in_dim3A_963 = arith.constant 251 : i32
      %broadcast_in_dim3A_964 = vector.broadcast %broadcast_in_dim3A_963 : i32 to vector<16xi32>
      tpu.vector_store_idx %arg14[%add3A_114, %broadcast_in_dim3A_964], %gather3A_962 : memref<256x257xf32, #tpu.memory_space<vmem>>[vector<16xi32>, vector<16xi32>], vector<16xf32>,
      %broadcast_in_dim3A_965 = arith.constant 59 : i32
      %broadcast_in_dim3A_966 = vector.broadcast %broadcast_in_dim3A_965 : i32 to vector<16xi32>
      %gather3A_967 = tpu.vector_load_idx %arg13[%add3A_120, %broadcast_in_dim3A_966] : memref<512x64xf32, #tpu.memory_space<vmem>>[vector<16xi32>, vector<16xi32>], vector<16xf32>,
      tpu.vector_store_idx %arg14[%add3A_114, %broadcast_in_dim3A_966], %gather3A_967 : memref<256x257xf32, #tpu.memory_space<vmem>>[vector<16xi32>, vector<16xi32>], vector<16xf32>,
      %gather3A_968 = tpu.vector_load_idx %arg18[%add3A_247, %broadcast_in_dim3A_966] : memref<130x64xf32, #tpu.memory_space<vmem>>[vector<16xi32>, vector<16xi32>], vector<16xf32>,
      %broadcast_in_dim3A_969 = arith.constant 123 : i32
      %broadcast_in_dim3A_970 = vector.broadcast %broadcast_in_dim3A_969 : i32 to vector<16xi32>
      tpu.vector_store_idx %arg14[%add3A_114, %broadcast_in_dim3A_970], %gather3A_968 : memref<256x257xf32, #tpu.memory_space<vmem>>[vector<16xi32>, vector<16xi32>], vector<16xf32>,
      %gather3A_971 = tpu.vector_load_idx %arg18[%add3A_250, %broadcast_in_dim3A_966] : memref<130x64xf32, #tpu.memory_space<vmem>>[vector<16xi32>, vector<16xi32>], vector<16xf32>,
      %broadcast_in_dim3A_972 = arith.constant 187 : i32
      %broadcast_in_dim3A_973 = vector.broadcast %broadcast_in_dim3A_972 : i32 to vector<16xi32>
      tpu.vector_store_idx %arg14[%add3A_114, %broadcast_in_dim3A_973], %gather3A_971 : memref<256x257xf32, #tpu.memory_space<vmem>>[vector<16xi32>, vector<16xi32>], vector<16xf32>,
      %gather3A_974 = tpu.vector_load_idx %arg18[%add3A_253, %broadcast_in_dim3A_966] : memref<130x64xf32, #tpu.memory_space<vmem>>[vector<16xi32>, vector<16xi32>], vector<16xf32>,
      %broadcast_in_dim3A_975 = arith.constant 252 : i32
      %broadcast_in_dim3A_976 = vector.broadcast %broadcast_in_dim3A_975 : i32 to vector<16xi32>
      tpu.vector_store_idx %arg14[%add3A_114, %broadcast_in_dim3A_976], %gather3A_974 : memref<256x257xf32, #tpu.memory_space<vmem>>[vector<16xi32>, vector<16xi32>], vector<16xf32>,
      %broadcast_in_dim3A_977 = arith.constant 60 : i32
      %broadcast_in_dim3A_978 = vector.broadcast %broadcast_in_dim3A_977 : i32 to vector<16xi32>
      %gather3A_979 = tpu.vector_load_idx %arg13[%add3A_120, %broadcast_in_dim3A_978] : memref<512x64xf32, #tpu.memory_space<vmem>>[vector<16xi32>, vector<16xi32>], vector<16xf32>,
      tpu.vector_store_idx %arg14[%add3A_114, %broadcast_in_dim3A_978], %gather3A_979 : memref<256x257xf32, #tpu.memory_space<vmem>>[vector<16xi32>, vector<16xi32>], vector<16xf32>,
      %gather3A_980 = tpu.vector_load_idx %arg18[%add3A_247, %broadcast_in_dim3A_978] : memref<130x64xf32, #tpu.memory_space<vmem>>[vector<16xi32>, vector<16xi32>], vector<16xf32>,
      %broadcast_in_dim3A_981 = arith.constant 124 : i32
      %broadcast_in_dim3A_982 = vector.broadcast %broadcast_in_dim3A_981 : i32 to vector<16xi32>
      tpu.vector_store_idx %arg14[%add3A_114, %broadcast_in_dim3A_982], %gather3A_980 : memref<256x257xf32, #tpu.memory_space<vmem>>[vector<16xi32>, vector<16xi32>], vector<16xf32>,
      %gather3A_983 = tpu.vector_load_idx %arg18[%add3A_250, %broadcast_in_dim3A_978] : memref<130x64xf32, #tpu.memory_space<vmem>>[vector<16xi32>, vector<16xi32>], vector<16xf32>,
      %broadcast_in_dim3A_984 = arith.constant 188 : i32
      %broadcast_in_dim3A_985 = vector.broadcast %broadcast_in_dim3A_984 : i32 to vector<16xi32>
      tpu.vector_store_idx %arg14[%add3A_114, %broadcast_in_dim3A_985], %gather3A_983 : memref<256x257xf32, #tpu.memory_space<vmem>>[vector<16xi32>, vector<16xi32>], vector<16xf32>,
      %gather3A_986 = tpu.vector_load_idx %arg18[%add3A_253, %broadcast_in_dim3A_978] : memref<130x64xf32, #tpu.memory_space<vmem>>[vector<16xi32>, vector<16xi32>], vector<16xf32>,
      %broadcast_in_dim3A_987 = arith.constant 253 : i32
      %broadcast_in_dim3A_988 = vector.broadcast %broadcast_in_dim3A_987 : i32 to vector<16xi32>
      tpu.vector_store_idx %arg14[%add3A_114, %broadcast_in_dim3A_988], %gather3A_986 : memref<256x257xf32, #tpu.memory_space<vmem>>[vector<16xi32>, vector<16xi32>], vector<16xf32>,
      %broadcast_in_dim3A_989 = arith.constant 61 : i32
      %broadcast_in_dim3A_990 = vector.broadcast %broadcast_in_dim3A_989 : i32 to vector<16xi32>
      %gather3A_991 = tpu.vector_load_idx %arg13[%add3A_120, %broadcast_in_dim3A_990] : memref<512x64xf32, #tpu.memory_space<vmem>>[vector<16xi32>, vector<16xi32>], vector<16xf32>,
      tpu.vector_store_idx %arg14[%add3A_114, %broadcast_in_dim3A_990], %gather3A_991 : memref<256x257xf32, #tpu.memory_space<vmem>>[vector<16xi32>, vector<16xi32>], vector<16xf32>,
      %gather3A_992 = tpu.vector_load_idx %arg18[%add3A_247, %broadcast_in_dim3A_990] : memref<130x64xf32, #tpu.memory_space<vmem>>[vector<16xi32>, vector<16xi32>], vector<16xf32>,
      %broadcast_in_dim3A_993 = arith.constant 125 : i32
      %broadcast_in_dim3A_994 = vector.broadcast %broadcast_in_dim3A_993 : i32 to vector<16xi32>
      tpu.vector_store_idx %arg14[%add3A_114, %broadcast_in_dim3A_994], %gather3A_992 : memref<256x257xf32, #tpu.memory_space<vmem>>[vector<16xi32>, vector<16xi32>], vector<16xf32>,
      %gather3A_995 = tpu.vector_load_idx %arg18[%add3A_250, %broadcast_in_dim3A_990] : memref<130x64xf32, #tpu.memory_space<vmem>>[vector<16xi32>, vector<16xi32>], vector<16xf32>,
      %broadcast_in_dim3A_996 = arith.constant 189 : i32
      %broadcast_in_dim3A_997 = vector.broadcast %broadcast_in_dim3A_996 : i32 to vector<16xi32>
      tpu.vector_store_idx %arg14[%add3A_114, %broadcast_in_dim3A_997], %gather3A_995 : memref<256x257xf32, #tpu.memory_space<vmem>>[vector<16xi32>, vector<16xi32>], vector<16xf32>,
      %gather3A_998 = tpu.vector_load_idx %arg18[%add3A_253, %broadcast_in_dim3A_990] : memref<130x64xf32, #tpu.memory_space<vmem>>[vector<16xi32>, vector<16xi32>], vector<16xf32>,
      %broadcast_in_dim3A_999 = arith.constant 254 : i32
      %broadcast_in_dim3A_1000 = vector.broadcast %broadcast_in_dim3A_999 : i32 to vector<16xi32>
      tpu.vector_store_idx %arg14[%add3A_114, %broadcast_in_dim3A_1000], %gather3A_998 : memref<256x257xf32, #tpu.memory_space<vmem>>[vector<16xi32>, vector<16xi32>], vector<16xf32>,
      %broadcast_in_dim3A_1001 = arith.constant 62 : i32
      %broadcast_in_dim3A_1002 = vector.broadcast %broadcast_in_dim3A_1001 : i32 to vector<16xi32>
      %gather3A_1003 = tpu.vector_load_idx %arg13[%add3A_120, %broadcast_in_dim3A_1002] : memref<512x64xf32, #tpu.memory_space<vmem>>[vector<16xi32>, vector<16xi32>], vector<16xf32>,
      tpu.vector_store_idx %arg14[%add3A_114, %broadcast_in_dim3A_1002], %gather3A_1003 : memref<256x257xf32, #tpu.memory_space<vmem>>[vector<16xi32>, vector<16xi32>], vector<16xf32>,
      %gather3A_1004 = tpu.vector_load_idx %arg18[%add3A_247, %broadcast_in_dim3A_1002] : memref<130x64xf32, #tpu.memory_space<vmem>>[vector<16xi32>, vector<16xi32>], vector<16xf32>,
      %broadcast_in_dim3A_1005 = arith.constant 126 : i32
      %broadcast_in_dim3A_1006 = vector.broadcast %broadcast_in_dim3A_1005 : i32 to vector<16xi32>
      tpu.vector_store_idx %arg14[%add3A_114, %broadcast_in_dim3A_1006], %gather3A_1004 : memref<256x257xf32, #tpu.memory_space<vmem>>[vector<16xi32>, vector<16xi32>], vector<16xf32>,
      %gather3A_1007 = tpu.vector_load_idx %arg18[%add3A_250, %broadcast_in_dim3A_1002] : memref<130x64xf32, #tpu.memory_space<vmem>>[vector<16xi32>, vector<16xi32>], vector<16xf32>,
      %broadcast_in_dim3A_1008 = arith.constant 190 : i32
      %broadcast_in_dim3A_1009 = vector.broadcast %broadcast_in_dim3A_1008 : i32 to vector<16xi32>
      tpu.vector_store_idx %arg14[%add3A_114, %broadcast_in_dim3A_1009], %gather3A_1007 : memref<256x257xf32, #tpu.memory_space<vmem>>[vector<16xi32>, vector<16xi32>], vector<16xf32>,
      %gather3A_1010 = tpu.vector_load_idx %arg18[%add3A_253, %broadcast_in_dim3A_1002] : memref<130x64xf32, #tpu.memory_space<vmem>>[vector<16xi32>, vector<16xi32>], vector<16xf32>,
      %broadcast_in_dim3A_1011 = arith.constant 255 : i32
      %broadcast_in_dim3A_1012 = vector.broadcast %broadcast_in_dim3A_1011 : i32 to vector<16xi32>
      tpu.vector_store_idx %arg14[%add3A_114, %broadcast_in_dim3A_1012], %gather3A_1010 : memref<256x257xf32, #tpu.memory_space<vmem>>[vector<16xi32>, vector<16xi32>], vector<16xf32>,
      %broadcast_in_dim3A_1013 = arith.constant 63 : i32
      %broadcast_in_dim3A_1014 = vector.broadcast %broadcast_in_dim3A_1013 : i32 to vector<16xi32>
      %gather3A_1015 = tpu.vector_load_idx %arg13[%add3A_120, %broadcast_in_dim3A_1014] : memref<512x64xf32, #tpu.memory_space<vmem>>[vector<16xi32>, vector<16xi32>], vector<16xf32>,
      tpu.vector_store_idx %arg14[%add3A_114, %broadcast_in_dim3A_1014], %gather3A_1015 : memref<256x257xf32, #tpu.memory_space<vmem>>[vector<16xi32>, vector<16xi32>], vector<16xf32>,
      %gather3A_1016 = tpu.vector_load_idx %arg18[%add3A_247, %broadcast_in_dim3A_1014] : memref<130x64xf32, #tpu.memory_space<vmem>>[vector<16xi32>, vector<16xi32>], vector<16xf32>,
      %broadcast_in_dim3A_1017 = arith.constant 127 : i32
      %broadcast_in_dim3A_1018 = vector.broadcast %broadcast_in_dim3A_1017 : i32 to vector<16xi32>
      tpu.vector_store_idx %arg14[%add3A_114, %broadcast_in_dim3A_1018], %gather3A_1016 : memref<256x257xf32, #tpu.memory_space<vmem>>[vector<16xi32>, vector<16xi32>], vector<16xf32>,
      %gather3A_1019 = tpu.vector_load_idx %arg18[%add3A_250, %broadcast_in_dim3A_1014] : memref<130x64xf32, #tpu.memory_space<vmem>>[vector<16xi32>, vector<16xi32>], vector<16xf32>,
      %broadcast_in_dim3A_1020 = arith.constant 191 : i32
      %broadcast_in_dim3A_1021 = vector.broadcast %broadcast_in_dim3A_1020 : i32 to vector<16xi32>
      tpu.vector_store_idx %arg14[%add3A_114, %broadcast_in_dim3A_1021], %gather3A_1019 : memref<256x257xf32, #tpu.memory_space<vmem>>[vector<16xi32>, vector<16xi32>], vector<16xf32>,
      %gather3A_1022 = tpu.vector_load_idx %arg18[%add3A_253, %broadcast_in_dim3A_1014] : memref<130x64xf32, #tpu.memory_space<vmem>>[vector<16xi32>, vector<16xi32>], vector<16xf32>,
      %broadcast_in_dim3A_1023 = arith.constant 256 : i32
      %broadcast_in_dim3A_1024 = vector.broadcast %broadcast_in_dim3A_1023 : i32 to vector<16xi32>
      tpu.vector_store_idx %arg14[%add3A_114, %broadcast_in_dim3A_1024], %gather3A_1022 : memref<256x257xf32, #tpu.memory_space<vmem>>[vector<16xi32>, vector<16xi32>], vector<16xf32>,
    }
    %scan3A_107 = arith.constant 16 : i32
    %add3A_108 = arith.constant 256 : i32
    %add3A_109 = arith.addi %mul3A_2, %add3A_108 : i32
    "tpu.region"() ({
      %run_scoped3A_110 = tpu.sem_alloc : memref<!tpu.dma_semaphore, #tpu.memory_space<semaphore_mem>>
      %dma_start3A_111 = arith.constant 0 : i32
      %dma_start3A_112 = tpu.memref_slice %arg11[%add3A_109, %dma_start3A_111] : memref<16384x257xf32, #tpu.memory_space<hbm>> -> memref<256x257xf32, #tpu.memory_space<hbm>>
      %dma_start3A_113 = arith.constant 0 : i32
      %dma_start3A_114 = tpu.memref_slice %arg11[%add3A_109, %dma_start3A_113] : memref<16384x257xf32, #tpu.memory_space<hbm>> -> memref<256x257xf32, #tpu.memory_space<hbm>>
      tpu.enqueue_dma source(%arg14 : memref<256x257xf32, #tpu.memory_space<vmem>>) target(%dma_start3A_114 : memref<256x257xf32, #tpu.memory_space<hbm>>) target_semaphore(%run_scoped3A_110 : memref<!tpu.dma_semaphore, #tpu.memory_space<semaphore_mem>>)
      %dma_wait3A_115 = arith.constant 0 : i32
      %dma_wait3A_116 = tpu.memref_slice %arg11[%add3A_109, %dma_wait3A_115] : memref<16384x257xf32, #tpu.memory_space<hbm>> -> memref<256x257xf32, #tpu.memory_space<hbm>>
      %dma_wait3A_117 = arith.constant 0 : i32
      %dma_wait3A_118 = tpu.memref_slice %arg11[%add3A_109, %dma_wait3A_117] : memref<16384x257xf32, #tpu.memory_space<hbm>> -> memref<256x257xf32, #tpu.memory_space<hbm>>
      tpu.wait_dma2 semaphore(%run_scoped3A_110 : memref<!tpu.dma_semaphore, #tpu.memory_space<semaphore_mem>>) src(%arg14 : memref<256x257xf32, #tpu.memory_space<vmem>>) dst(%dma_wait3A_118 : memref<256x257xf32, #tpu.memory_space<hbm>>)
      tpu.yield
    }) : () -> ()
    return
  }
}

</mosaic_0001>

<sc_bundles>
// kernel: kernel.3.cloned.1.call-start
scs
__scs_entry_jumppad:
0x0: {  	(pc) =	sbr.rel $0x88, $3  }
0x1: {  	(tag) =	ssettag $0x0;
	lr =	simm.s32 $0x1  }
0x2: {  	[smem:$0x3F96] =	sst lr;
	_ =	strace $0xD0000000  }
0x3: {  	_ = 	snop  }
0x4: {  	_ = 	snop  }
0x5: {  	_ = 	snop  }
0x6: {  	_ = 	snop  }
0x7: {  	_ = 	snop  }
__scs_overlays_trampoline_lowered:
0x8: {  	[smem:$0x3FA5] =	sst s0  }
0x9: {  	[smem:$0x3FA6] =	sst s1  }
0xa: {  	[smem:$0x3FA7] =	sst s2  }
0xb: {  	[smem:$0x3FA8] =	sst s3  }
0xc: {  	[smem:$0x3FA9] =	sst s4  }
0xd: {  	[smem:$0x3FAA] =	sst s5  }
0xe: {  	[smem:$0x3FAB] =	sst s6  }
0xf: {  	[smem:$0x3FAC] =	sst s7  }
0x10: {  	[smem:$0x3FAD] =	sst s8  }
0x11: {  	[smem:$0x3FAE] =	sst s9;
	s0 =	simm.s32 @!p0 $0x0  }
0x12: {  	s1 =	sld [smem:$0x3F94];
	s0 =	simm.s32 @p0 $0x1  }
0x13: {  	[smem:$0x3FAF] =	sst s0;
	s0 =	simm.s32 @!p1 $0x0  }
0x14: {  	s2 =	sld [smem:$0x3F93];
	s0 =	simm.s32 @p1 $0x1  }
0x15: {  	[smem:$0x3FB0] =	sst s0;
	s0 =	simm.s32 @!p2 $0x0  }
0x16: {  	s3 =	sld [smem:$0x3FDB];
	s0 =	simm.s32 @p2 $0x1  }
0x17: {  	s4 =	simm.s32 $0x1BF5;
	[smem:$0x3FB2] =	sst s0  }
0x18: {  	s0 =	sld [smem:$0x3F95];
	_ =	swait.ge [sflag:s4], $0x0  }
0x19: {  	s7 =	sld [smem:$0x3F96]  }
0x1a: {  	s8 =	sadd.s32 $0xFFFFE003, lr  }
0x1b: {  	s9 =	sadd.s32 $0xFFFFFEF7, lr;
	s5 =	simm.s32 $0xFFFFFFFF;
	p2 =	slt.u32 s8, $0xFFFFF086  }
0x1c: {  	p1 =	slt.u32 s9, $0xF7A;
	s5 =	simm.s32 @!p2 $0x0  }
0x1d: {  	s5 =	simm.s32 @p1 $0x1;
	p0 =	seq.s32 s7, s2  }
0x1e: {  	s7 =	smul.u32 @!p0 $0xF7A, s2;
	p2 =	seq.s32 @!p0 s5, $0x0  }
0x1f: {  	s9 =	smul.u32 $0xF7A, s1;
	s8 =	simm.s32 @!p0 $0x1BF5;
	p2 =	por !p2, p0  }
0x20: {  	[sflag:s8] =	ssyncset.s32 @!p0 $0xFFFFF086;
	s6 =	sadd.s32 @!p0 s3, s7;
	s7 =	simm.s32 @!p0 $0x108  }
0x21: {  	s3 =	sadd.s32 s3, s9;
	s6 =	sadd.s32 @!p0 $0x88, s6;
	s7 =	simm.s32 @p2 $0x1082  }
0x22: {  	[simem:s7], [sflag:s8] =	dma.local @!p0 [hbm:s6], $0xF7A  }
0x23: {  	s9 =	sor.u32 $0xD0000000, s2;
	s6 =	simm.s32 $0x108;
	_ =	swait.ge @!p0 [sflag:s8], $0x0  }
0x24: {  	s3 =	sadd.s32 $0x88, s3;
	s6 =	simm.s32 @!p1 $0x1082;
	[sflag:s4] =	ssyncset.s32 $0xFFFFF086  }
0x25: {  	[simem:s6], [sflag:s4] =	dma.local [hbm:s3], $0xF7A  }
0x26: {  	[smem:$0x3F96] =	sst s1;
	(tag) =	ssettag s2;
	_ =	strace s9  }
0x27: {  	s1 =	sld [smem:$0x3FA6]  }
0x28: {  	s2 =	sld [smem:$0x3FA7]  }
0x29: {  	s4 =	sld [smem:$0x3FA9]  }
0x2a: {  	p0 =	seq.s32 s5, $0x0;
	s5 =	sld [smem:$0x3FAA]  }
0x2b: {  	s6 =	sld [smem:$0x3FAB]  }
0x2c: {  	s7 =	sld [smem:$0x3FAC]  }
0x2d: {  	s3 =	simm.s32 $0x108;
	s8 =	sld [smem:$0x3FAD]  }
0x2e: {  	s3 =	simm.s32 @!p0 $0x1082;
	s9 =	sld [smem:$0x3FAE]  }
0x2f: {  	lr =	sadd.s32 s0, s3;
	s0 =	sld [smem:$0x3FA5]  }
0x30: {  	s3 =	sld [smem:$0x3FA8]  }
0x31: {  	[smem:$0x3FB1] =	sst s10  }
0x32: {  	s10 =	sld [smem:$0x3FAF];
	_ =	sdelay $0x3  }
0x33: {  	p0 =	seq.s32 s10, $0x1;
	s10 =	sld [smem:$0x3FB1];
	_ =	sdelay $0x3  }
0x34: {  	[smem:$0x3FB1] =	sst s10  }
0x35: {  	s10 =	sld [smem:$0x3FB0];
	_ =	sdelay $0x3  }
0x36: {  	p1 =	seq.s32 s10, $0x1;
	s10 =	sld [smem:$0x3FB1];
	_ =	sdelay $0x3  }
0x37: {  	[smem:$0x3FB1] =	sst s10  }
0x38: {  	s10 =	sld [smem:$0x3FB2]  }
0x39: {  	_ = 	snop;
	(pc) =	sbr.ind lr, $3  }
0x3a: {  	_ = 	snop  }
0x3b: {  	_ = 	snop  }
0x3c: {  	p2 =	seq.s32 s10, $0x1;
	s10 =	sld [smem:$0x3FB1]  }
0x3d: {  	_ =	shalt  }
0x3e: {  	_ =	shalt  }
0x3f: {  	_ =	shalt  }
0x40: {  	_ =	shalt  }
0x41: {  	_ =	shalt  }
0x42: {  	_ =	shalt  }
0x43: {  	_ =	shalt  }
0x44: {  	_ =	shalt  }
0x45: {  	_ =	shalt  }
0x46: {  	_ =	shalt  }
0x47: {  	_ =	shalt  }
0x48: {  	_ =	shalt  }
0x49: {  	_ =	shalt  }
0x4a: {  	_ =	shalt  }
0x4b: {  	_ =	shalt  }
0x4c: {  	_ =	shalt  }
0x4d: {  	_ =	shalt  }
0x4e: {  	_ =	shalt  }
0x4f: {  	_ =	shalt  }
0x50: {  	_ =	shalt  }
0x51: {  	_ =	shalt  }
0x52: {  	_ =	shalt  }
0x53: {  	_ =	shalt  }
0x54: {  	_ =	shalt  }
0x55: {  	_ =	shalt  }
0x56: {  	_ =	shalt  }
0x57: {  	_ =	shalt  }
0x58: {  	_ =	shalt  }
0x59: {  	_ =	shalt  }
0x5a: {  	_ =	shalt  }
0x5b: {  	_ =	shalt  }
0x5c: {  	_ =	shalt  }
0x5d: {  	_ =	shalt  }
0x5e: {  	_ =	shalt  }
0x5f: {  	_ =	shalt  }
0x60: {  	_ =	shalt  }
0x61: {  	_ =	shalt  }
0x62: {  	_ =	shalt  }
0x63: {  	_ =	shalt  }
0x64: {  	_ =	shalt  }
0x65: {  	_ =	shalt  }
0x66: {  	_ =	shalt  }
0x67: {  	_ =	shalt  }
0x68: {  	_ =	shalt  }
0x69: {  	_ =	shalt  }
0x6a: {  	_ =	shalt  }
0x6b: {  	_ =	shalt  }
0x6c: {  	_ =	shalt  }
0x6d: {  	_ =	shalt  }
0x6e: {  	_ =	shalt  }
0x6f: {  	_ =	shalt  }
0x70: {  	_ =	shalt  }
0x71: {  	_ =	shalt  }
0x72: {  	_ =	shalt  }
0x73: {  	_ =	shalt  }
0x74: {  	_ =	shalt  }
0x75: {  	_ =	shalt  }
0x76: {  	_ =	shalt  }
0x77: {  	_ =	shalt  }
0x78: {  	_ =	shalt  }
0x79: {  	_ =	shalt  }
0x7a: {  	_ =	shalt  }
0x7b: {  	_ =	shalt  }
0x7c: {  	_ =	shalt  }
0x7d: {  	_ =	shalt  }
0x7e: {  	_ =	shalt  }
0x7f: {  	_ =	shalt  }
0x80: {  	_ =	shalt  }
0x81: {  	_ =	shalt  }
0x82: {  	_ =	shalt  }
0x83: {  	_ =	shalt  }
0x84: {  	_ =	shalt  }
0x85: {  	_ =	shalt  }
0x86: {  	_ =	shalt  }
0x87: {  	_ =	shalt  }
.Lfunc_end0:
.L_simem_size_0:
called_computation_lowered:
.L_overlay_start_0:
0x88: {  	s2 =	sld [smem:$0x3FD9]  }
0x89: {  	s3 =	sld [smem:$0x3FFE];
	_ =	sdelay $0x1  }
0x8a: {  	s1 =	srdreg.scid  }
0x8b: {  	s0 =	sand.u32 $0x1, s1  }
0x8c: {  	s17 =	sshll.u32 s0, $0xA;
	s2 =	sadd.s32 s3, s2  }
0x8d: {  	s2 =	sadd.s32 s2, s17  }
0x8e: {  	[smem:$0x3FBD] =	sst s2  }
0x8f: {  	_ = 	snop  }
0x90: {  	s2 =	sld [smem:$0x3FC9]  }
0x91: {  	s18 =	sld [smem:$0x3FC8]  }
0x92: {  	s4 =	sld [smem:$0x3FC7]  }
0x93: {  	s5 =	sld [smem:$0x3FC6]  }
0x94: {  	s6 =	sld [smem:$0x3FD0];
	(tm) =	ssettm $0x1  }
0x95: {  	s7 =	sld [smem:$0x3FFB];
	_ =	sdelay $0x3  }
0x96: {  	_ =	strace s7  }
0x97: {  	s7 =	sld [smem:$0x3FFC];
	_ =	sdelay $0x3  }
0x98: {  	_ =	strace s7  }
0x99: {  	s7 =	sld [smem:$0x3FFD];
	_ =	sdelay $0x3  }
0x9a: {  	_ =	strace s7  }
0x9b: {  	_ =	strace $0x8FFFFFFF  }
0x9c: {  	s19 =	sld [smem:$0x3FDB];
	_ =	sdelay $0x1  }
0x9d: {  	s8 =	simm.s32 $_scs_section_size  }
0x9e: {  	s9 =	simm.s32 $_size__tile_overlayer_lowered;
	s10 =	simm.s32 $_tile_overlayer_lowered  }
0x9f: {  	s22 =	simm.s32 $0x1BFF;
	s21 =	sshll.u32 s10, $0x1;
	s7 =	sadd.s32 s8, s19  }
0xa0: {  	s11 =	simm.s32 $0x0;
	s20 =	sshll.u32 s9, $0x1;
	s9 =	sadd.s32 s21, s7  }
0xa1: {  	[timem:s11], [sflag:s22] =	dma.local [hbm:s9], s20  }
0xa2: {  	_ =	swait.ge [sflag:s22], s20  }
0xa3: {  	s8 =	ssub.s32 $0x0, s20;
	[sflag:s22] =	ssyncset.done $0x0  }
0xa4: {  	[sflag:s22] =	ssyncadd.s32 s8;
	_ =	sdelay $0x1  }
0xa5: {  	s23 =	simm.s32 $0x1B8B  }
0xa6: {  	_ =	swait.ge [sflag:s23], $0x1  }
0xa7: {  	[sflag:s23] =	ssyncset.done $0x0  }
0xa8: {  	s25 =	simm.s32 $0x1B8E;
	s24 =	sld [smem:$0x3FFE];
	[sflag:s23] =	ssyncadd.s32 $0xFFFFFFFF  }
0xa9: {  	s26 =	simm.s32 $execute0_lowered;
	[smem:$0x3FD2] =	sst s25  }
0xaa: {  	s9 =	sshll.u32 s26, $0x1;
	_ =	strace $0x80000046;
	[dreg:$0x1] =	wrdreg $0xFFFFFFFF  }
0xab: {  	s28 =	simm.s32 $_size_execute0_lowered;
	s7 =	sadd.s32 s7, s9;
	[dreg:$0x0] =	wrdreg $0x0  }
0xac: {  	s9 =	sshll.u32 s28, $0x1;
	[dreg:$0x2] =	wrdreg s7  }
0xad: {  	[dreg:$0x3] =	wrdreg s9  }
0xae: {  	[dreg:$0x4] =	wrdreg $0xC0  }
0xaf: {  	_ =	task [dreg:s11], $0x5FFFF  }
0xb0: {  	[dreg:$0x1] =	wrdreg $0xFFFFFFFF  }
0xb1: {  	[dreg:$0x0] =	wrdreg $0x60  }
0xb2: {  	[dreg:$0x2] =	wrdreg s2  }
0xb3: {  	[dreg:$0x3] =	wrdreg s18  }
0xb4: {  	[dreg:$0x4] =	wrdreg s4  }
0xb5: {  	[dreg:$0x5] =	wrdreg s5  }
0xb6: {  	[dreg:$0x6] =	wrdreg s24  }
0xb7: {  	[dreg:$0x7] =	wrdreg s6  }
0xb8: {  	[dreg:$0x8] =	wrdreg $0x9  }
0xb9: {  	_ =	task.clear_ibuf [dreg:s11], $0x9FFFF;
	_ =	strace $0x90000046  }
0xba: {  	s29 =	simm.s32 $0x9;
	_ =	strace $0x80000048  }
0xbb: {  	_ =	swait.ge [sflag:s29], $0x1  }
0xbc: {  	[sflag:s29] =	ssyncadd.s32 $0xFFFFFFFF  }
0xbd: {  	_ =	strace $0x90000048  }
0xbe: {  	_ =	sfence  }
0xbf: {  	s30 =	sld [smem:$0x0];
	_ =	sdelay $0x2  }
0xc0: {  	s31 =	sshll.u32 s1, $0xD;
	s1 =	sshrl.u32 s1, $0x2  }
0xc1: {  	s3 =	sand.u32 $0x4000, s31;
	s1 =	sadd.s32 s1, s30  }
0xc2: {  	s0 =	sor.u32 s3, s0;
	s1 =	sshll.u32 s1, $0x11  }
0xc3: {  	s0 =	sor.u32 s1, s0  }
0xc4: {  	s0 =	sadd.s32 $0x8F2B, s0  }
0xc5: {  	[sflag:s0] =	ssyncadd.remote.s32 $0x1  }
0xc6: {  	_ =	sfence.sel $0xFFFF  }
0xc7: {  	[dreg:$0x0] =	wrdreg $0xFFFFFFFF;
	(pc) =	sbr.abs _section_cstart, $3  }
0xc8: {  	[dreg:$0x1] =	wrdreg $0xFFFFFFFF  }
0xc9: {  	_ =	task.clear_ibuf [dreg:s11], $0x2FFFF;
	_ =	strace $0x9FFFFFFF  }
0xca: {  	(tm) =	ssettm $0x7FFFFFFF  }
0xcb: {  	_ =	shalt  }
tec
execute0_lowered:
.L_overlay_start_1:
0x0: {  	(tag) =	ssettag $0x1  }
0x1: {  	s3 =	rddreg [dreg:$0x0]  }
0x2: {  	s12 =	rddreg [dreg:$0x1]  }
0x3: {  	s13 =	rddreg [dreg:$0x2];
	v0 =	vlaneseq.u32  }
0x4: {  	s14 =	rddreg [dreg:$0x3];
	v1 =	vmul.u32 $0x108, v0  }
0x5: {  	s7 =	rddreg [dreg:$0x4];
	v2 =	vimm.s32 $0x3F;
	v3 =	vimm.s32 $0x0  }
0x6: {  	s0 =	rddreg [dreg:$0x5];
	v5 =	vmul.u32 $0x40, v0;
	v4 =	vadd.s32 $0xC0, v1;
	v6 =	vadd.s32 $0x40, v1  }
0x7: {  	s1 =	simm.s32 $0x0;
	s5 =	srdreg.scid;
	s6 =	stileid.u32;
	v7 =	vadd.s32 $0x80, v1;
	v8 =	vadd.s32 $0xC1, v1;
	v9 =	vor.u32 $0x1, v1  }
0x8: {  	s19 =	simm.s32 $0x80;
	s20 =	simm.s32 $0x100;
	s21 =	simm.s32 $0x180;
	v10 =	vadd.s32 $0x41, v1;
	v11 =	vadd.s32 $0x81, v1;
	v12 =	vadd.s32 $0xC2, v1  }
0x9: {  	s22 =	simm.s32 $0x200;
	s26 =	simm.s32 $0x19000;
	s28 =	simm.s32 $0x1B080;
	v13 =	vor.u32 $0x2, v1;
	v14 =	vadd.s32 $0x42, v1;
	v15 =	vadd.s32 $0x82, v1  }
0xa: {  	s31 =	simm.s32 $0x1;
	[smem:$0x7FF] =	sst s1;
	s2 =	sadd.s32 $0xF43000, s7;
	v16 =	vadd.s32 $0xC3, v1;
	v17 =	vor.u32 $0x3, v1;
	v18 =	vadd.s32 $0x43, v1  }
0xb: {  	s4 =	sadd.s32 $0xC00, s7;
	s8 =	sand.u32 $0x1, s5;
	s5 =	sadd.s32 $0x1200, s7;
	v19 =	vadd.s32 $0x83, v1;
	v20 =	vadd.s32 $0xC4, v1;
	v21 =	vor.u32 $0x4, v1  }
0xc: {  	s9 =	sshll.u32 s6, $0xA;
	s6 =	sadd.s32 $0x1600, s7;
	s10 =	sshll.u32 s8, $0x9;
	v22 =	vadd.s32 $0x44, v1;
	v23 =	vadd.s32 $0x84, v1;
	v24 =	vadd.s32 $0xC5, v1  }
0xd: {  	s7 =	sadd.s32 $0x1400, s7;
	s8 =	ssub.s32 $0x2, s8;
	s10 =	sor.u32 s10, s9;
	v25 =	vor.u32 $0x5, v1;
	v26 =	vadd.s32 $0x45, v1;
	v27 =	vadd.s32 $0x85, v1  }
0xe: {  	_ =	strace $0x80000047;
	s29 =	sshrl.u32 s8, $0x1;
	v28 =	vadd.s32 $0xC6, v1;
	v29 =	vor.u32 $0x6, v1;
	v30 =	vadd.s32 $0x46, v1;
	s15 =	sshrl.u32 s10, $0x3  }
0xf: {  	v31 =	vadd.s32 $0x86, v1;
	v32 =	vadd.s32 $0xC7, v1;
	v33 =	vor.u32 $0x7, v1;
	s17 =	ssub.s32 s8, s29;
	s16 =	sor.u32 $0x100, s10;
	s18 =	smul.u32 $0x21, s10  }
0x10: {  	v34 =	vadd.s32 $0x47, v1;
	v35 =	vadd.s32 $0x87, v1;
	v36 =	vadd.s32 $0xC8, v1;
	s8 =	sadd.s32 s3, s15;
	s11 =	sshrl.u32 s16, $0x3;
	s30 =	smul.u32 $0x21, s16  }
0x11: {  	v37 =	vadd.s32 $0x8, v1;
	v38 =	vadd.s32 $0x48, v1;
	v39 =	vadd.s32 $0x88, v1;
	s12 =	sadd.s32 s12, s15;
	s13 =	sadd.s32 s13, s15;
	s14 =	sadd.s32 s14, s15  }
0x12: {  	v40 =	vadd.s32 $0xC9, v1;
	v41 =	vadd.s32 $0x9, v1;
	v42 =	vadd.s32 $0x49, v1;
	s17 =	smax.u32 s17, $0x1;
	s9 =	sadd.s32 $0x10, s8;
	s10 =	sadd.s32 s3, s11  }
0x13: {  	v43 =	vadd.s32 $0x89, v1;
	v44 =	vadd.s32 $0xCA, v1;
	v45 =	vadd.s32 $0xA, v1;
	s11 =	sadd.s32 $0x30, s8;
	s15 =	sadd.s32 s0, s18;
	s18 =	simm.s32 $0x2  }
0x14: {  	v46 =	vadd.s32 $0x4A, v1;
	v47 =	vadd.s32 $0x8A, v1;
	v48 =	vadd.s32 $0xCB, v1;
	s3 =	simm.s32 $0x0;
	s16 =	sadd.s32 s0, s30;
	s0 =	simm.s32 $0x8200  }
.LBB2_1:
0x15: {  	[tilespmem:s1], [sflag:$0x2] =	stream.linear.gather [hbm4b:s8+s1], $0x80, $0x38;
	[tilespmem:$0x1B120] =	vst v63  }
0x16: {  	_ =	swait.ge [sflag:s18], $0x80  }
0x17: {  	[sflag:s18] =	ssyncset.done $0x0  }
0x18: {  	[sflag:s18] =	ssyncadd.s32 $0xFFFFFF80  }
0x19: {  	[tilespmem:s19], [sflag:$0x2] =	stream.linear.gather [hbm4b:s9+s1], $0x80, $0x38;
	[tilespmem:$0x1B120] =	vst v63  }
0x1a: {  	_ =	swait.ge [sflag:s18], $0x80  }
0x1b: {  	[sflag:s18] =	ssyncset.done $0x0  }
0x1c: {  	[sflag:s18] =	ssyncadd.s32 $0xFFFFFF80  }
0x1d: {  	[tilespmem:s20], [sflag:$0x2] =	stream.linear.gather [hbm4b:s10+s1], $0x80, $0x38;
	[tilespmem:$0x1B120] =	vst v63  }
0x1e: {  	_ =	swait.ge [sflag:s18], $0x80  }
0x1f: {  	[sflag:s18] =	ssyncset.done $0x0  }
0x20: {  	[sflag:s18] =	ssyncadd.s32 $0xFFFFFF80  }
0x21: {  	[tilespmem:s21], [sflag:$0x2] =	stream.linear.gather [hbm4b:s11+s1], $0x80, $0x38;
	[tilespmem:$0x1B120] =	vst v63  }
0x22: {  	_ =	swait.ge [sflag:s18], $0x80  }
0x23: {  	[sflag:s18] =	ssyncset.done $0x0  }
0x24: {  	[sflag:s18] =	ssyncadd.s32 $0xFFFFFF80  }
0x25: {  	[tilespmem:s22], [sflag:$0x1] =	stream.indirect.gather [hbm4b:s2+s19], $0x40, s1, s19, $0xb8;
	[tilespmem:$0x1B120] =	vst v63  }
0x26: {  	s23 =	simm.s32 $0x2200  }
0x27: {  	[tilespmem:s23], [sflag:$0x1] =	stream.indirect.gather [hbm4b:s2+s19], $0x40, s19, s19, $0xb8;
	[tilespmem:$0x1B120] =	vst v63  }
0x28: {  	s25 =	simm.s32 $0x4200  }
0x29: {  	[tilespmem:s25], [sflag:$0x1] =	stream.indirect.gather [hbm4b:s2+s19], $0x40, s20, s19, $0xb8;
	[tilespmem:$0x1B120] =	vst v63  }
0x2a: {  	s30 =	simm.s32 $0x6200  }
0x2b: {  	[tilespmem:s30], [sflag:$0x1] =	stream.indirect.gather [hbm4b:s2+s19], $0x40, s21, s19, $0xb8;
	[tilespmem:$0x1B120] =	vst v63  }
0x2c: {  	s23 =	simm.s32 $0x18A00  }
0x2d: {  	[tilespmem:s23], [sflag:$0x2] =	stream.linear.gather [hbm4b:s12+s1], $0x200, $0x38;
	[tilespmem:$0x1B120] =	vst v63  }
0x2e: {  	_ =	swait.ge [sflag:s18], $0x200  }
0x2f: {  	[sflag:s18] =	ssyncset.done $0x0  }
0x30: {  	s24 =	simm.s32 $0x18C00;
	[sflag:s18] =	ssyncadd.s32 $0xFFFFFE00  }
0x31: {  	[tilespmem:s24], [sflag:$0x2] =	stream.linear.gather [hbm4b:s13+s1], $0x200, $0x38;
	[tilespmem:$0x1B120] =	vst v63  }
0x32: {  	_ =	swait.ge [sflag:s18], $0x200  }
0x33: {  	[sflag:s18] =	ssyncset.done $0x0  }
0x34: {  	s25 =	simm.s32 $0x18E00;
	[sflag:s18] =	ssyncadd.s32 $0xFFFFFE00  }
0x35: {  	[tilespmem:s25], [sflag:$0x2] =	stream.linear.gather [hbm4b:s14+s1], $0x200, $0x38;
	[tilespmem:$0x1B120] =	vst v63  }
0x36: {  	_ =	swait.ge [sflag:s18], $0x200  }
0x37: {  	[sflag:s18] =	ssyncset.done $0x0  }
0x38: {  	[sflag:s18] =	ssyncadd.s32 $0xFFFFFE00  }
0x39: {  	[tilespmem:s26], [sflag:$0x2] =	stream.linear.gather [hbm4b:s4+s1], $0x2080, $0x38;
	[tilespmem:$0x1B120] =	vst v63  }
0x3a: {  	_ =	swait.ge [sflag:s18], $0x2080  }
0x3b: {  	[sflag:s18] =	ssyncset.done $0x0  }
0x3c: {  	[sflag:s18] =	ssyncadd.s32 $0xFFFFDF80  }
0x3d: {  	[tilespmem:s28], [sflag:$0x2] =	stream.linear.gather [hbm4b:s5+s1], $0x80, $0x38;
	[tilespmem:$0x1B120] =	vst v63  }
0x3e: {  	_ =	swait.ge [sflag:s18], $0x80  }
0x3f: {  	[sflag:s18] =	ssyncset.done $0x0  }
0x40: {  	s29 =	simm.s32 $0x1B100;
	[sflag:s18] =	ssyncadd.s32 $0xFFFFFF80  }
0x41: {  	[tilespmem:s29], [sflag:$0x2] =	stream.linear.gather [hbm4b:s6+s1], $0x10, $0x38;
	[tilespmem:$0x1B120] =	vst v63  }
0x42: {  	_ =	swait.ge [sflag:s18], $0x10  }
0x43: {  	[sflag:s18] =	ssyncset.done $0x0  }
0x44: {  	s29 =	simm.s32 $0x1B110;
	[sflag:s18] =	ssyncadd.s32 $0xFFFFFFF0  }
0x45: {  	[tilespmem:s29], [sflag:$0x2] =	stream.linear.gather [hbm4b:s7+s1], $0x10, $0x38;
	[tilespmem:$0x1B120] =	vst v63  }
0x46: {  	_ =	swait.ge [sflag:s18], $0x10  }
0x47: {  	[sflag:s18] =	ssyncset.done $0x0  }
0x48: {  	[sflag:s18] =	ssyncadd.s32 $0xFFFFFFF0  }
0x49: {  	v49 =	vld [tilespmem:$0x1B100]  }
0x4a: {  	v50 =	vld [tilespmem:$0x1B110];
	_ =	swait.ge [sflag:s31], $0x2000  }
0x4b: {  	[sflag:s31] =	ssyncset.done $0x0  }
0x4c: {  	[sflag:s31] =	ssyncadd.s32 $0xFFFFE000  }
0x4d: {  	_ =	swait.ge [sflag:s31], $0x2000  }
0x4e: {  	[sflag:s31] =	ssyncset.done $0x0  }
0x4f: {  	[sflag:s31] =	ssyncadd.s32 $0xFFFFE000  }
0x50: {  	_ =	swait.ge [sflag:s31], $0x2000  }
0x51: {  	[sflag:s31] =	ssyncset.done $0x0  }
0x52: {  	[sflag:s31] =	ssyncadd.s32 $0xFFFFE000  }
0x53: {  	_ =	swait.ge [sflag:s31], $0x2000  }
0x54: {  	(erf) = vrcp.f32 v50;
	_ =	sdelay $0x7  }
0x55: {  	[sflag:s31] =	ssyncset.done $0x0  }
0x56: {  	s29 =	simm.s32 $0x0;
	[sflag:s31] =	ssyncadd.s32 $0xFFFFE000;
	v50 =	vpop (erf)  }
.LBB2_2:
0x57: {  	v55 =	vld [tilespmem:s25+$0x0]  }
0x58: {  	v51 =	vld.idx.msk [tilespmem:v2+s28+$0x0], $0xffff;
	_ =	sdelay $0x4  }
0x59: {  	vm0 =	vlt.f32 v51, v55  }
0x5a: {  	v51 =	vsel vm0, $0x40, v3  }
0x5b: {  	v52 =	vor.u32 $0x1F, v51;
	_ =	sdelay $0x4  }
0x5c: {  	v52 =	vld.idx.msk [tilespmem:v52+s28+$0x0], $0xffff;
	_ =	sdelay $0x4  }
0x5d: {  	v53 =	vor.u32 $0x20, v51;
	vm10 =	vlt.f32 v52, v55  }
0x5e: {  	v51 =	vsel vm10, v53, v51  }
0x5f: {  	v56 =	vor.u32 $0xF, v51;
	_ =	sdelay $0x4  }
0x60: {  	v52 =	vld.idx.msk [tilespmem:v56+s28+$0x0], $0xffff;
	_ =	sdelay $0x4  }
0x61: {  	v53 =	vor.u32 $0x10, v51;
	vm11 =	vlt.f32 v52, v55  }
0x62: {  	v51 =	vsel vm11, v53, v51  }
0x63: {  	v57 =	vor.u32 $0x7, v51;
	_ =	sdelay $0x4  }
0x64: {  	v52 =	vld.idx.msk [tilespmem:v57+s28+$0x0], $0xffff;
	_ =	sdelay $0x4  }
0x65: {  	v53 =	vor.u32 $0x8, v51;
	vm12 =	vlt.f32 v52, v55  }
0x66: {  	v51 =	vsel vm12, v53, v51  }
0x67: {  	v58 =	vadd.s32 $0x4, v51  }
0x68: {  	v59 =	vmin.u32 v58, $0x78  }
0x69: {  	v53 =	vadd.s32 $0xFFFFFFFF, v59;
	_ =	sdelay $0x4  }
0x6a: {  	v53 =	vld.idx.msk [tilespmem:v53+s28+$0x0], $0xffff;
	_ =	sdelay $0x4  }
0x6b: {  	vm0 =	vlt.u32 v51, $0x75;
	vm1 =	vlt.f32 v53, v55  }
0x6c: {  	vm0 =	vmand vm1, vm0  }
0x6d: {  	v51 =	vsel vm0, v58, v51  }
0x6e: {  	v52 =	vadd.s32 $0x2, v51  }
0x6f: {  	v60 =	vmin.u32 v52, $0x78  }
0x70: {  	v53 =	vadd.s32 $0xFFFFFFFF, v60;
	_ =	sdelay $0x4  }
0x71: {  	v53 =	vld.idx.msk [tilespmem:v53+s28+$0x0], $0xffff;
	_ =	sdelay $0x4  }
0x72: {  	vm0 =	vlt.u32 v51, $0x77;
	vm13 =	vlt.f32 v53, v55  }
0x73: {  	vm0 =	vmand vm13, vm0  }
0x74: {  	v61 =	vor.u32 s29, v0;
	v56 =	vsel vm0, v52, v51  }
0x75: {  	v51 =	vmul.u32 $0x108, v61;
	v57 =	vadd.s32 $0x1, v56  }
0x76: {  	v62 =	vmin.u32 v57, $0x78  }
0x77: {  	v54 =	vadd.s32 $0xC0, v51;
	v53 =	vadd.s32 $0xFFFFFFFF, v62  }
0x78: {  	v58 =	vsub.f32 v55, v49;
	v52 =	vshll.u32 v61, $0x6  }
0x79: {  	v59 =	vld [tilespmem:s23+$0x0]  }
0x7a: {  	v58 =	vmul.f32 v58, v50  }
0x7b: {  	v60 =	vld [tilespmem:s24+$0x0]  }
0x7c: {  	v61 =	vld.idx.msk [tilespmem:v53+s28+$0x0], $0xffff;
	[tilespmem:v54+s0+$0x0] =	vst.idx.msk $0xffff, v58  }
0x7d: {  	v54 =	vld.idx.msk [tilespmem:v52+s22+$0x0], $0xffff  }
0x7e: {  	v53 =	vshll.u32 v59, $0x6;
	_ =	sdelay $0x3  }
0x7f: {  	[tilespmem:v51+s0+$0x0] =	vst.idx.msk $0xffff, v54  }
0x80: {  	v59 =	vadd.s32 $0x40, v51;
	v54 =	vshll.u32 v60, $0x6;
	v58 =	vld.idx.msk [tilespmem:v53+s26+$0x0], $0xffff  }
0x81: {  	v60 =	vadd.s32 $0x140, v54;
	_ =	sdelay $0x1  }
0x82: {  	vm15 =	vlt.u32 v56, $0x78;
	vm14 =	vlt.f32 v61, v55  }
0x83: {  	vm0 =	vmand vm14, vm15  }
0x84: {  	v63 =	vsel vm0, v57, v56;
	[tilespmem:v59+s0+$0x0] =	vst.idx.msk $0xffff, v58  }
0x85: {  	v61 =	vadd.s32 $0x80, v51;
	v55 =	vshll.u32 v63, $0x6;
	v60 =	vld.idx.msk [tilespmem:v60+s26+$0x0], $0xffff  }
0x86: {  	v62 =	vadd.s32 $0x240, v55;
	_ =	sdelay $0x3  }
0x87: {  	[tilespmem:v61+s0+$0x0] =	vst.idx.msk $0xffff, v60  }
0x88: {  	v63 =	vadd.s32 $0xC1, v51;
	v56 =	vld.idx.msk [tilespmem:v62+s26+$0x0], $0xffff  }
0x89: {  	v60 =	vor.u32 $0x1, v52;
	_ =	sdelay $0x3  }
0x8a: {  	[tilespmem:v63+s0+$0x0] =	vst.idx.msk $0xffff, v56  }
0x8b: {  	v61 =	vor.u32 $0x1, v51;
	v56 =	vld.idx.msk [tilespmem:v60+s22+$0x0], $0xffff  }
0x8c: {  	v62 =	vor.u32 $0x1, v53;
	_ =	sdelay $0x3  }
0x8d: {  	[tilespmem:v61+s0+$0x0] =	vst.idx.msk $0xffff, v56  }
0x8e: {  	v63 =	vadd.s32 $0x41, v51;
	v56 =	vld.idx.msk [tilespmem:v62+s26+$0x0], $0xffff  }
0x8f: {  	v60 =	vadd.s32 $0x141, v54;
	_ =	sdelay $0x3  }
0x90: {  	[tilespmem:v63+s0+$0x0] =	vst.idx.msk $0xffff, v56  }
0x91: {  	v61 =	vadd.s32 $0x81, v51;
	v56 =	vld.idx.msk [tilespmem:v60+s26+$0x0], $0xffff  }
0x92: {  	v62 =	vadd.s32 $0x241, v55;
	_ =	sdelay $0x3  }
0x93: {  	[tilespmem:v61+s0+$0x0] =	vst.idx.msk $0xffff, v56  }
0x94: {  	v63 =	vadd.s32 $0xC2, v51;
	v56 =	vld.idx.msk [tilespmem:v62+s26+$0x0], $0xffff  }
0x95: {  	v60 =	vor.u32 $0x2, v52;
	_ =	sdelay $0x3  }
0x96: {  	[tilespmem:v63+s0+$0x0] =	vst.idx.msk $0xffff, v56  }
0x97: {  	v61 =	vor.u32 $0x2, v51;
	v56 =	vld.idx.msk [tilespmem:v60+s22+$0x0], $0xffff  }
0x98: {  	v62 =	vor.u32 $0x2, v53;
	_ =	sdelay $0x3  }
0x99: {  	[tilespmem:v61+s0+$0x0] =	vst.idx.msk $0xffff, v56  }
0x9a: {  	v63 =	vadd.s32 $0x42, v51;
	v56 =	vld.idx.msk [tilespmem:v62+s26+$0x0], $0xffff  }
0x9b: {  	v60 =	vadd.s32 $0x142, v54;
	_ =	sdelay $0x3  }
0x9c: {  	[tilespmem:v63+s0+$0x0] =	vst.idx.msk $0xffff, v56  }
0x9d: {  	v61 =	vadd.s32 $0x82, v51;
	v56 =	vld.idx.msk [tilespmem:v60+s26+$0x0], $0xffff  }
0x9e: {  	v62 =	vadd.s32 $0x242, v55;
	_ =	sdelay $0x3  }
0x9f: {  	[tilespmem:v61+s0+$0x0] =	vst.idx.msk $0xffff, v56  }
0xa0: {  	v63 =	vadd.s32 $0xC3, v51;
	v56 =	vld.idx.msk [tilespmem:v62+s26+$0x0], $0xffff  }
0xa1: {  	v60 =	vor.u32 $0x3, v52;
	_ =	sdelay $0x3  }
0xa2: {  	[tilespmem:v63+s0+$0x0] =	vst.idx.msk $0xffff, v56  }
0xa3: {  	v61 =	vor.u32 $0x3, v51;
	v56 =	vld.idx.msk [tilespmem:v60+s22+$0x0], $0xffff  }
0xa4: {  	v62 =	vor.u32 $0x3, v53;
	_ =	sdelay $0x3  }
0xa5: {  	[tilespmem:v61+s0+$0x0] =	vst.idx.msk $0xffff, v56  }
0xa6: {  	v63 =	vadd.s32 $0x43, v51;
	v56 =	vld.idx.msk [tilespmem:v62+s26+$0x0], $0xffff  }
0xa7: {  	v60 =	vadd.s32 $0x143, v54;
	_ =	sdelay $0x3  }
0xa8: {  	[tilespmem:v63+s0+$0x0] =	vst.idx.msk $0xffff, v56  }
0xa9: {  	v61 =	vadd.s32 $0x83, v51;
	v56 =	vld.idx.msk [tilespmem:v60+s26+$0x0], $0xffff  }
0xaa: {  	v62 =	vadd.s32 $0x243, v55;
	_ =	sdelay $0x3  }
0xab: {  	[tilespmem:v61+s0+$0x0] =	vst.idx.msk $0xffff, v56  }
0xac: {  	v63 =	vadd.s32 $0xC4, v51;
	v56 =	vld.idx.msk [tilespmem:v62+s26+$0x0], $0xffff  }
0xad: {  	v60 =	vor.u32 $0x4, v52;
	_ =	sdelay $0x3  }
0xae: {  	[tilespmem:v63+s0+$0x0] =	vst.idx.msk $0xffff, v56  }
0xaf: {  	v61 =	vor.u32 $0x4, v51;
	v56 =	vld.idx.msk [tilespmem:v60+s22+$0x0], $0xffff  }
0xb0: {  	v62 =	vor.u32 $0x4, v53;
	_ =	sdelay $0x3  }
0xb1: {  	[tilespmem:v61+s0+$0x0] =	vst.idx.msk $0xffff, v56  }
0xb2: {  	v63 =	vadd.s32 $0x44, v51;
	v56 =	vld.idx.msk [tilespmem:v62+s26+$0x0], $0xffff  }
0xb3: {  	v60 =	vadd.s32 $0x144, v54;
	_ =	sdelay $0x3  }
0xb4: {  	[tilespmem:v63+s0+$0x0] =	vst.idx.msk $0xffff, v56  }
0xb5: {  	v61 =	vadd.s32 $0x84, v51;
	v56 =	vld.idx.msk [tilespmem:v60+s26+$0x0], $0xffff  }
0xb6: {  	v62 =	vadd.s32 $0x244, v55;
	_ =	sdelay $0x3  }
0xb7: {  	[tilespmem:v61+s0+$0x0] =	vst.idx.msk $0xffff, v56  }
0xb8: {  	v63 =	vadd.s32 $0xC5, v51;
	v56 =	vld.idx.msk [tilespmem:v62+s26+$0x0], $0xffff  }
0xb9: {  	v60 =	vor.u32 $0x5, v52;
	_ =	sdelay $0x3  }
0xba: {  	[tilespmem:v63+s0+$0x0] =	vst.idx.msk $0xffff, v56  }
0xbb: {  	v61 =	vor.u32 $0x5, v51;
	v56 =	vld.idx.msk [tilespmem:v60+s22+$0x0], $0xffff  }
0xbc: {  	v62 =	vor.u32 $0x5, v53;
	_ =	sdelay $0x3  }
0xbd: {  	[tilespmem:v61+s0+$0x0] =	vst.idx.msk $0xffff, v56  }
0xbe: {  	v63 =	vadd.s32 $0x45, v51;
	v56 =	vld.idx.msk [tilespmem:v62+s26+$0x0], $0xffff  }
0xbf: {  	v60 =	vadd.s32 $0x145, v54;
	_ =	sdelay $0x3  }
0xc0: {  	[tilespmem:v63+s0+$0x0] =	vst.idx.msk $0xffff, v56  }
0xc1: {  	v61 =	vadd.s32 $0x85, v51;
	v56 =	vld.idx.msk [tilespmem:v60+s26+$0x0], $0xffff  }
0xc2: {  	v62 =	vadd.s32 $0x245, v55;
	_ =	sdelay $0x3  }
0xc3: {  	[tilespmem:v61+s0+$0x0] =	vst.idx.msk $0xffff, v56  }
0xc4: {  	v63 =	vadd.s32 $0xC6, v51;
	v56 =	vld.idx.msk [tilespmem:v62+s26+$0x0], $0xffff  }
0xc5: {  	v60 =	vor.u32 $0x6, v52;
	_ =	sdelay $0x3  }
0xc6: {  	[tilespmem:v63+s0+$0x0] =	vst.idx.msk $0xffff, v56  }
0xc7: {  	v61 =	vor.u32 $0x6, v51;
	v56 =	vld.idx.msk [tilespmem:v60+s22+$0x0], $0xffff  }
0xc8: {  	v62 =	vor.u32 $0x6, v53;
	_ =	sdelay $0x3  }
0xc9: {  	[tilespmem:v61+s0+$0x0] =	vst.idx.msk $0xffff, v56  }
0xca: {  	v63 =	vadd.s32 $0x46, v51;
	v56 =	vld.idx.msk [tilespmem:v62+s26+$0x0], $0xffff  }
0xcb: {  	v60 =	vadd.s32 $0x146, v54;
	_ =	sdelay $0x3  }
0xcc: {  	[tilespmem:v63+s0+$0x0] =	vst.idx.msk $0xffff, v56  }
0xcd: {  	v61 =	vadd.s32 $0x86, v51;
	v56 =	vld.idx.msk [tilespmem:v60+s26+$0x0], $0xffff  }
0xce: {  	v62 =	vadd.s32 $0x246, v55;
	_ =	sdelay $0x3  }
0xcf: {  	[tilespmem:v61+s0+$0x0] =	vst.idx.msk $0xffff, v56  }
0xd0: {  	v63 =	vadd.s32 $0xC7, v51;
	v56 =	vld.idx.msk [tilespmem:v62+s26+$0x0], $0xffff  }
0xd1: {  	v60 =	vor.u32 $0x7, v52;
	_ =	sdelay $0x3  }
0xd2: {  	[tilespmem:v63+s0+$0x0] =	vst.idx.msk $0xffff, v56  }
0xd3: {  	v61 =	vor.u32 $0x7, v51;
	v56 =	vld.idx.msk [tilespmem:v60+s22+$0x0], $0xffff  }
0xd4: {  	v62 =	vor.u32 $0x7, v53;
	_ =	sdelay $0x3  }
0xd5: {  	[tilespmem:v61+s0+$0x0] =	vst.idx.msk $0xffff, v56  }
0xd6: {  	v63 =	vadd.s32 $0x47, v51;
	v56 =	vld.idx.msk [tilespmem:v62+s26+$0x0], $0xffff  }
0xd7: {  	v60 =	vadd.s32 $0x147, v54;
	_ =	sdelay $0x3  }
0xd8: {  	[tilespmem:v63+s0+$0x0] =	vst.idx.msk $0xffff, v56  }
0xd9: {  	v61 =	vadd.s32 $0x87, v51;
	v56 =	vld.idx.msk [tilespmem:v60+s26+$0x0], $0xffff  }
0xda: {  	v62 =	vadd.s32 $0x247, v55;
	_ =	sdelay $0x3  }
0xdb: {  	[tilespmem:v61+s0+$0x0] =	vst.idx.msk $0xffff, v56  }
0xdc: {  	v63 =	vadd.s32 $0xC8, v51;
	v56 =	vld.idx.msk [tilespmem:v62+s26+$0x0], $0xffff  }
0xdd: {  	v60 =	vor.u32 $0x8, v52;
	_ =	sdelay $0x3  }
0xde: {  	[tilespmem:v63+s0+$0x0] =	vst.idx.msk $0xffff, v56  }
0xdf: {  	v61 =	vadd.s32 $0x8, v51;
	v56 =	vld.idx.msk [tilespmem:v60+s22+$0x0], $0xffff  }
0xe0: {  	v62 =	vor.u32 $0x8, v53;
	_ =	sdelay $0x3  }
0xe1: {  	[tilespmem:v61+s0+$0x0] =	vst.idx.msk $0xffff, v56  }
0xe2: {  	v63 =	vadd.s32 $0x48, v51;
	v56 =	vld.idx.msk [tilespmem:v62+s26+$0x0], $0xffff  }
0xe3: {  	v60 =	vadd.s32 $0x148, v54;
	_ =	sdelay $0x3  }
0xe4: {  	[tilespmem:v63+s0+$0x0] =	vst.idx.msk $0xffff, v56  }
0xe5: {  	v61 =	vadd.s32 $0x88, v51;
	v56 =	vld.idx.msk [tilespmem:v60+s26+$0x0], $0xffff  }
0xe6: {  	v62 =	vadd.s32 $0x248, v55;
	_ =	sdelay $0x3  }
0xe7: {  	[tilespmem:v61+s0+$0x0] =	vst.idx.msk $0xffff, v56  }
0xe8: {  	v63 =	vadd.s32 $0xC9, v51;
	v56 =	vld.idx.msk [tilespmem:v62+s26+$0x0], $0xffff  }
0xe9: {  	v60 =	vor.u32 $0x9, v52;
	_ =	sdelay $0x3  }
0xea: {  	[tilespmem:v63+s0+$0x0] =	vst.idx.msk $0xffff, v56  }
0xeb: {  	v61 =	vadd.s32 $0x9, v51;
	v56 =	vld.idx.msk [tilespmem:v60+s22+$0x0], $0xffff  }
0xec: {  	v62 =	vor.u32 $0x9, v53;
	_ =	sdelay $0x3  }
0xed: {  	[tilespmem:v61+s0+$0x0] =	vst.idx.msk $0xffff, v56  }
0xee: {  	v63 =	vadd.s32 $0x49, v51;
	v56 =	vld.idx.msk [tilespmem:v62+s26+$0x0], $0xffff  }
0xef: {  	v60 =	vadd.s32 $0x149, v54;
	_ =	sdelay $0x3  }
0xf0: {  	[tilespmem:v63+s0+$0x0] =	vst.idx.msk $0xffff, v56  }
0xf1: {  	v61 =	vadd.s32 $0x89, v51;
	v56 =	vld.idx.msk [tilespmem:v60+s26+$0x0], $0xffff  }
0xf2: {  	v62 =	vadd.s32 $0x249, v55;
	_ =	sdelay $0x3  }
0xf3: {  	[tilespmem:v61+s0+$0x0] =	vst.idx.msk $0xffff, v56  }
0xf4: {  	v63 =	vadd.s32 $0xCA, v51;
	v56 =	vld.idx.msk [tilespmem:v62+s26+$0x0], $0xffff  }
0xf5: {  	v60 =	vor.u32 $0xA, v52;
	_ =	sdelay $0x3  }
0xf6: {  	[tilespmem:v63+s0+$0x0] =	vst.idx.msk $0xffff, v56  }
0xf7: {  	v61 =	vadd.s32 $0xA, v51;
	v56 =	vld.idx.msk [tilespmem:v60+s22+$0x0], $0xffff  }
0xf8: {  	v62 =	vor.u32 $0xA, v53;
	_ =	sdelay $0x3  }
0xf9: {  	[tilespmem:v61+s0+$0x0] =	vst.idx.msk $0xffff, v56  }
0xfa: {  	v63 =	vadd.s32 $0x4A, v51;
	v56 =	vld.idx.msk [tilespmem:v62+s26+$0x0], $0xffff  }
0xfb: {  	v60 =	vadd.s32 $0x14A, v54;
	_ =	sdelay $0x3  }
0xfc: {  	[tilespmem:v63+s0+$0x0] =	vst.idx.msk $0xffff, v56  }
0xfd: {  	v61 =	vadd.s32 $0x8A, v51;
	v56 =	vld.idx.msk [tilespmem:v60+s26+$0x0], $0xffff  }
0xfe: {  	v62 =	vadd.s32 $0x24A, v55;
	_ =	sdelay $0x3  }
0xff: {  	[tilespmem:v61+s0+$0x0] =	vst.idx.msk $0xffff, v56  }
0x100: {  	v63 =	vadd.s32 $0xCB, v51;
	v56 =	vld.idx.msk [tilespmem:v62+s26+$0x0], $0xffff  }
0x101: {  	v60 =	vor.u32 $0xB, v52;
	_ =	sdelay $0x3  }
0x102: {  	[tilespmem:v63+s0+$0x0] =	vst.idx.msk $0xffff, v56  }
0x103: {  	v61 =	vadd.s32 $0xB, v51;
	v56 =	vld.idx.msk [tilespmem:v60+s22+$0x0], $0xffff  }
0x104: {  	v62 =	vor.u32 $0xB, v53;
	_ =	sdelay $0x3  }
0x105: {  	[tilespmem:v61+s0+$0x0] =	vst.idx.msk $0xffff, v56  }
0x106: {  	v63 =	vadd.s32 $0x4B, v51;
	v56 =	vld.idx.msk [tilespmem:v62+s26+$0x0], $0xffff  }
0x107: {  	v60 =	vadd.s32 $0x14B, v54;
	_ =	sdelay $0x3  }
0x108: {  	[tilespmem:v63+s0+$0x0] =	vst.idx.msk $0xffff, v56  }
0x109: {  	v61 =	vadd.s32 $0x8B, v51;
	v56 =	vld.idx.msk [tilespmem:v60+s26+$0x0], $0xffff  }
0x10a: {  	v62 =	vadd.s32 $0x24B, v55;
	_ =	sdelay $0x3  }
0x10b: {  	[tilespmem:v61+s0+$0x0] =	vst.idx.msk $0xffff, v56  }
0x10c: {  	v63 =	vadd.s32 $0xCC, v51;
	v56 =	vld.idx.msk [tilespmem:v62+s26+$0x0], $0xffff  }
0x10d: {  	v60 =	vor.u32 $0xC, v52;
	_ =	sdelay $0x3  }
0x10e: {  	[tilespmem:v63+s0+$0x0] =	vst.idx.msk $0xffff, v56  }
0x10f: {  	v61 =	vadd.s32 $0xC, v51;
	v56 =	vld.idx.msk [tilespmem:v60+s22+$0x0], $0xffff  }
0x110: {  	v62 =	vor.u32 $0xC, v53;
	_ =	sdelay $0x3  }
0x111: {  	[tilespmem:v61+s0+$0x0] =	vst.idx.msk $0xffff, v56  }
0x112: {  	v63 =	vadd.s32 $0x4C, v51;
	v56 =	vld.idx.msk [tilespmem:v62+s26+$0x0], $0xffff  }
0x113: {  	v60 =	vadd.s32 $0x14C, v54;
	_ =	sdelay $0x3  }
0x114: {  	[tilespmem:v63+s0+$0x0] =	vst.idx.msk $0xffff, v56  }
0x115: {  	v61 =	vadd.s32 $0x8C, v51;
	v56 =	vld.idx.msk [tilespmem:v60+s26+$0x0], $0xffff  }
0x116: {  	v62 =	vadd.s32 $0x24C, v55;
	_ =	sdelay $0x3  }
0x117: {  	[tilespmem:v61+s0+$0x0] =	vst.idx.msk $0xffff, v56  }
0x118: {  	v63 =	vadd.s32 $0xCD, v51;
	v56 =	vld.idx.msk [tilespmem:v62+s26+$0x0], $0xffff  }
0x119: {  	v60 =	vor.u32 $0xD, v52;
	_ =	sdelay $0x3  }
0x11a: {  	[tilespmem:v63+s0+$0x0] =	vst.idx.msk $0xffff, v56  }
0x11b: {  	v61 =	vadd.s32 $0xD, v51;
	v56 =	vld.idx.msk [tilespmem:v60+s22+$0x0], $0xffff  }
0x11c: {  	v62 =	vor.u32 $0xD, v53;
	_ =	sdelay $0x3  }
0x11d: {  	[tilespmem:v61+s0+$0x0] =	vst.idx.msk $0xffff, v56  }
0x11e: {  	v63 =	vadd.s32 $0x4D, v51;
	v56 =	vld.idx.msk [tilespmem:v62+s26+$0x0], $0xffff  }
0x11f: {  	v60 =	vadd.s32 $0x14D, v54;
	_ =	sdelay $0x3  }
0x120: {  	[tilespmem:v63+s0+$0x0] =	vst.idx.msk $0xffff, v56  }
0x121: {  	v61 =	vadd.s32 $0x8D, v51;
	v56 =	vld.idx.msk [tilespmem:v60+s26+$0x0], $0xffff  }
0x122: {  	v62 =	vadd.s32 $0x24D, v55;
	_ =	sdelay $0x3  }
0x123: {  	[tilespmem:v61+s0+$0x0] =	vst.idx.msk $0xffff, v56  }
0x124: {  	v63 =	vadd.s32 $0xCE, v51;
	v56 =	vld.idx.msk [tilespmem:v62+s26+$0x0], $0xffff  }
0x125: {  	v60 =	vor.u32 $0xE, v52;
	_ =	sdelay $0x3  }
0x126: {  	[tilespmem:v63+s0+$0x0] =	vst.idx.msk $0xffff, v56  }
0x127: {  	v61 =	vadd.s32 $0xE, v51;
	v56 =	vld.idx.msk [tilespmem:v60+s22+$0x0], $0xffff  }
0x128: {  	v62 =	vor.u32 $0xE, v53;
	_ =	sdelay $0x3  }
0x129: {  	[tilespmem:v61+s0+$0x0] =	vst.idx.msk $0xffff, v56  }
0x12a: {  	v63 =	vadd.s32 $0x4E, v51;
	v56 =	vld.idx.msk [tilespmem:v62+s26+$0x0], $0xffff  }
0x12b: {  	v60 =	vadd.s32 $0x14E, v54;
	_ =	sdelay $0x3  }
0x12c: {  	[tilespmem:v63+s0+$0x0] =	vst.idx.msk $0xffff, v56  }
0x12d: {  	v61 =	vadd.s32 $0x8E, v51;
	v56 =	vld.idx.msk [tilespmem:v60+s26+$0x0], $0xffff  }
0x12e: {  	v62 =	vadd.s32 $0x24E, v55;
	_ =	sdelay $0x3  }
0x12f: {  	[tilespmem:v61+s0+$0x0] =	vst.idx.msk $0xffff, v56  }
0x130: {  	v63 =	vadd.s32 $0xCF, v51;
	v56 =	vld.idx.msk [tilespmem:v62+s26+$0x0], $0xffff  }
0x131: {  	v60 =	vor.u32 $0xF, v52;
	_ =	sdelay $0x3  }
0x132: {  	[tilespmem:v63+s0+$0x0] =	vst.idx.msk $0xffff, v56  }
0x133: {  	v61 =	vadd.s32 $0xF, v51;
	v56 =	vld.idx.msk [tilespmem:v60+s22+$0x0], $0xffff  }
0x134: {  	v62 =	vor.u32 $0xF, v53;
	_ =	sdelay $0x3  }
0x135: {  	[tilespmem:v61+s0+$0x0] =	vst.idx.msk $0xffff, v56  }
0x136: {  	v63 =	vadd.s32 $0x4F, v51;
	v56 =	vld.idx.msk [tilespmem:v62+s26+$0x0], $0xffff  }
0x137: {  	v60 =	vadd.s32 $0x14F, v54;
	_ =	sdelay $0x3  }
0x138: {  	[tilespmem:v63+s0+$0x0] =	vst.idx.msk $0xffff, v56  }
0x139: {  	v61 =	vadd.s32 $0x8F, v51;
	v56 =	vld.idx.msk [tilespmem:v60+s26+$0x0], $0xffff  }
0x13a: {  	v62 =	vadd.s32 $0x24F, v55;
	_ =	sdelay $0x3  }
0x13b: {  	[tilespmem:v61+s0+$0x0] =	vst.idx.msk $0xffff, v56  }
0x13c: {  	v63 =	vadd.s32 $0xD0, v51;
	v56 =	vld.idx.msk [tilespmem:v62+s26+$0x0], $0xffff  }
0x13d: {  	v60 =	vor.u32 $0x10, v52;
	_ =	sdelay $0x3  }
0x13e: {  	[tilespmem:v63+s0+$0x0] =	vst.idx.msk $0xffff, v56  }
0x13f: {  	v61 =	vadd.s32 $0x10, v51;
	v56 =	vld.idx.msk [tilespmem:v60+s22+$0x0], $0xffff  }
0x140: {  	v62 =	vor.u32 $0x10, v53;
	_ =	sdelay $0x3  }
0x141: {  	[tilespmem:v61+s0+$0x0] =	vst.idx.msk $0xffff, v56  }
0x142: {  	v63 =	vadd.s32 $0x50, v51;
	v56 =	vld.idx.msk [tilespmem:v62+s26+$0x0], $0xffff  }
0x143: {  	v60 =	vadd.s32 $0x150, v54;
	_ =	sdelay $0x3  }
0x144: {  	[tilespmem:v63+s0+$0x0] =	vst.idx.msk $0xffff, v56  }
0x145: {  	v61 =	vadd.s32 $0x90, v51;
	v56 =	vld.idx.msk [tilespmem:v60+s26+$0x0], $0xffff  }
0x146: {  	v62 =	vadd.s32 $0x250, v55;
	_ =	sdelay $0x3  }
0x147: {  	[tilespmem:v61+s0+$0x0] =	vst.idx.msk $0xffff, v56  }
0x148: {  	v63 =	vadd.s32 $0xD1, v51;
	v56 =	vld.idx.msk [tilespmem:v62+s26+$0x0], $0xffff  }
0x149: {  	v60 =	vor.u32 $0x11, v52;
	_ =	sdelay $0x3  }
0x14a: {  	[tilespmem:v63+s0+$0x0] =	vst.idx.msk $0xffff, v56  }
0x14b: {  	v61 =	vadd.s32 $0x11, v51;
	v56 =	vld.idx.msk [tilespmem:v60+s22+$0x0], $0xffff  }
0x14c: {  	v62 =	vor.u32 $0x11, v53;
	_ =	sdelay $0x3  }
0x14d: {  	[tilespmem:v61+s0+$0x0] =	vst.idx.msk $0xffff, v56  }
0x14e: {  	v63 =	vadd.s32 $0x51, v51;
	v56 =	vld.idx.msk [tilespmem:v62+s26+$0x0], $0xffff  }
0x14f: {  	v60 =	vadd.s32 $0x151, v54;
	_ =	sdelay $0x3  }
0x150: {  	[tilespmem:v63+s0+$0x0] =	vst.idx.msk $0xffff, v56  }
0x151: {  	v61 =	vadd.s32 $0x91, v51;
	v56 =	vld.idx.msk [tilespmem:v60+s26+$0x0], $0xffff  }
0x152: {  	v62 =	vadd.s32 $0x251, v55;
	_ =	sdelay $0x3  }
0x153: {  	[tilespmem:v61+s0+$0x0] =	vst.idx.msk $0xffff, v56  }
0x154: {  	v63 =	vadd.s32 $0xD2, v51;
	v56 =	vld.idx.msk [tilespmem:v62+s26+$0x0], $0xffff  }
0x155: {  	v60 =	vor.u32 $0x12, v52;
	_ =	sdelay $0x3  }
0x156: {  	[tilespmem:v63+s0+$0x0] =	vst.idx.msk $0xffff, v56  }
0x157: {  	v61 =	vadd.s32 $0x12, v51;
	v56 =	vld.idx.msk [tilespmem:v60+s22+$0x0], $0xffff  }
0x158: {  	v62 =	vor.u32 $0x12, v53;
	_ =	sdelay $0x3  }
0x159: {  	[tilespmem:v61+s0+$0x0] =	vst.idx.msk $0xffff, v56  }
0x15a: {  	v63 =	vadd.s32 $0x52, v51;
	v56 =	vld.idx.msk [tilespmem:v62+s26+$0x0], $0xffff  }
0x15b: {  	v60 =	vadd.s32 $0x152, v54;
	_ =	sdelay $0x3  }
0x15c: {  	[tilespmem:v63+s0+$0x0] =	vst.idx.msk $0xffff, v56  }
0x15d: {  	v61 =	vadd.s32 $0x92, v51;
	v56 =	vld.idx.msk [tilespmem:v60+s26+$0x0], $0xffff  }
0x15e: {  	v62 =	vadd.s32 $0x252, v55;
	_ =	sdelay $0x3  }
0x15f: {  	[tilespmem:v61+s0+$0x0] =	vst.idx.msk $0xffff, v56  }
0x160: {  	v63 =	vadd.s32 $0xD3, v51;
	v56 =	vld.idx.msk [tilespmem:v62+s26+$0x0], $0xffff  }
0x161: {  	v60 =	vor.u32 $0x13, v52;
	_ =	sdelay $0x3  }
0x162: {  	[tilespmem:v63+s0+$0x0] =	vst.idx.msk $0xffff, v56  }
0x163: {  	v61 =	vadd.s32 $0x13, v51;
	v56 =	vld.idx.msk [tilespmem:v60+s22+$0x0], $0xffff  }
0x164: {  	v62 =	vor.u32 $0x13, v53;
	_ =	sdelay $0x3  }
0x165: {  	[tilespmem:v61+s0+$0x0] =	vst.idx.msk $0xffff, v56  }
0x166: {  	v63 =	vadd.s32 $0x53, v51;
	v56 =	vld.idx.msk [tilespmem:v62+s26+$0x0], $0xffff  }
0x167: {  	v60 =	vadd.s32 $0x153, v54;
	_ =	sdelay $0x3  }
0x168: {  	[tilespmem:v63+s0+$0x0] =	vst.idx.msk $0xffff, v56  }
0x169: {  	v61 =	vadd.s32 $0x93, v51;
	v56 =	vld.idx.msk [tilespmem:v60+s26+$0x0], $0xffff  }
0x16a: {  	v62 =	vadd.s32 $0x253, v55;
	_ =	sdelay $0x3  }
0x16b: {  	[tilespmem:v61+s0+$0x0] =	vst.idx.msk $0xffff, v56  }
0x16c: {  	v63 =	vadd.s32 $0xD4, v51;
	v56 =	vld.idx.msk [tilespmem:v62+s26+$0x0], $0xffff  }
0x16d: {  	v60 =	vor.u32 $0x14, v52;
	_ =	sdelay $0x3  }
0x16e: {  	[tilespmem:v63+s0+$0x0] =	vst.idx.msk $0xffff, v56  }
0x16f: {  	v61 =	vadd.s32 $0x14, v51;
	v56 =	vld.idx.msk [tilespmem:v60+s22+$0x0], $0xffff  }
0x170: {  	v62 =	vor.u32 $0x14, v53;
	_ =	sdelay $0x3  }
0x171: {  	[tilespmem:v61+s0+$0x0] =	vst.idx.msk $0xffff, v56  }
0x172: {  	v63 =	vadd.s32 $0x54, v51;
	v56 =	vld.idx.msk [tilespmem:v62+s26+$0x0], $0xffff  }
0x173: {  	v60 =	vadd.s32 $0x154, v54;
	_ =	sdelay $0x3  }
0x174: {  	[tilespmem:v63+s0+$0x0] =	vst.idx.msk $0xffff, v56  }
0x175: {  	v61 =	vadd.s32 $0x94, v51;
	v56 =	vld.idx.msk [tilespmem:v60+s26+$0x0], $0xffff  }
0x176: {  	v62 =	vadd.s32 $0x254, v55;
	_ =	sdelay $0x3  }
0x177: {  	[tilespmem:v61+s0+$0x0] =	vst.idx.msk $0xffff, v56  }
0x178: {  	v63 =	vadd.s32 $0xD5, v51;
	v56 =	vld.idx.msk [tilespmem:v62+s26+$0x0], $0xffff  }
0x179: {  	v60 =	vor.u32 $0x15, v52;
	_ =	sdelay $0x3  }
0x17a: {  	[tilespmem:v63+s0+$0x0] =	vst.idx.msk $0xffff, v56  }
0x17b: {  	v61 =	vadd.s32 $0x15, v51;
	v56 =	vld.idx.msk [tilespmem:v60+s22+$0x0], $0xffff  }
0x17c: {  	v62 =	vor.u32 $0x15, v53;
	_ =	sdelay $0x3  }
0x17d: {  	[tilespmem:v61+s0+$0x0] =	vst.idx.msk $0xffff, v56  }
0x17e: {  	v63 =	vadd.s32 $0x55, v51;
	v56 =	vld.idx.msk [tilespmem:v62+s26+$0x0], $0xffff  }
0x17f: {  	v60 =	vadd.s32 $0x155, v54;
	_ =	sdelay $0x3  }
0x180: {  	[tilespmem:v63+s0+$0x0] =	vst.idx.msk $0xffff, v56  }
0x181: {  	v61 =	vadd.s32 $0x95, v51;
	v56 =	vld.idx.msk [tilespmem:v60+s26+$0x0], $0xffff  }
0x182: {  	v62 =	vadd.s32 $0x255, v55;
	_ =	sdelay $0x3  }
0x183: {  	[tilespmem:v61+s0+$0x0] =	vst.idx.msk $0xffff, v56  }
0x184: {  	v63 =	vadd.s32 $0xD6, v51;
	v56 =	vld.idx.msk [tilespmem:v62+s26+$0x0], $0xffff  }
0x185: {  	v60 =	vor.u32 $0x16, v52;
	_ =	sdelay $0x3  }
0x186: {  	[tilespmem:v63+s0+$0x0] =	vst.idx.msk $0xffff, v56  }
0x187: {  	v61 =	vadd.s32 $0x16, v51;
	v56 =	vld.idx.msk [tilespmem:v60+s22+$0x0], $0xffff  }
0x188: {  	v62 =	vor.u32 $0x16, v53;
	_ =	sdelay $0x3  }
0x189: {  	[tilespmem:v61+s0+$0x0] =	vst.idx.msk $0xffff, v56  }
0x18a: {  	v63 =	vadd.s32 $0x56, v51;
	v56 =	vld.idx.msk [tilespmem:v62+s26+$0x0], $0xffff  }
0x18b: {  	v60 =	vadd.s32 $0x156, v54;
	_ =	sdelay $0x3  }
0x18c: {  	[tilespmem:v63+s0+$0x0] =	vst.idx.msk $0xffff, v56  }
0x18d: {  	v61 =	vadd.s32 $0x96, v51;
	v56 =	vld.idx.msk [tilespmem:v60+s26+$0x0], $0xffff  }
0x18e: {  	v62 =	vadd.s32 $0x256, v55;
	_ =	sdelay $0x3  }
0x18f: {  	[tilespmem:v61+s0+$0x0] =	vst.idx.msk $0xffff, v56  }
0x190: {  	v63 =	vadd.s32 $0xD7, v51;
	v56 =	vld.idx.msk [tilespmem:v62+s26+$0x0], $0xffff  }
0x191: {  	v60 =	vor.u32 $0x17, v52;
	_ =	sdelay $0x3  }
0x192: {  	[tilespmem:v63+s0+$0x0] =	vst.idx.msk $0xffff, v56  }
0x193: {  	v61 =	vadd.s32 $0x17, v51;
	v56 =	vld.idx.msk [tilespmem:v60+s22+$0x0], $0xffff  }
0x194: {  	v62 =	vor.u32 $0x17, v53;
	_ =	sdelay $0x3  }
0x195: {  	[tilespmem:v61+s0+$0x0] =	vst.idx.msk $0xffff, v56  }
0x196: {  	v63 =	vadd.s32 $0x57, v51;
	v56 =	vld.idx.msk [tilespmem:v62+s26+$0x0], $0xffff  }
0x197: {  	v60 =	vadd.s32 $0x157, v54;
	_ =	sdelay $0x3  }
0x198: {  	[tilespmem:v63+s0+$0x0] =	vst.idx.msk $0xffff, v56  }
0x199: {  	v61 =	vadd.s32 $0x97, v51;
	v56 =	vld.idx.msk [tilespmem:v60+s26+$0x0], $0xffff  }
0x19a: {  	v62 =	vadd.s32 $0x257, v55;
	_ =	sdelay $0x3  }
0x19b: {  	[tilespmem:v61+s0+$0x0] =	vst.idx.msk $0xffff, v56  }
0x19c: {  	v63 =	vadd.s32 $0xD8, v51;
	v56 =	vld.idx.msk [tilespmem:v62+s26+$0x0], $0xffff  }
0x19d: {  	v60 =	vor.u32 $0x18, v52;
	_ =	sdelay $0x3  }
0x19e: {  	[tilespmem:v63+s0+$0x0] =	vst.idx.msk $0xffff, v56  }
0x19f: {  	v61 =	vadd.s32 $0x18, v51;
	v56 =	vld.idx.msk [tilespmem:v60+s22+$0x0], $0xffff  }
0x1a0: {  	v62 =	vor.u32 $0x18, v53;
	_ =	sdelay $0x3  }
0x1a1: {  	[tilespmem:v61+s0+$0x0] =	vst.idx.msk $0xffff, v56  }
0x1a2: {  	v63 =	vadd.s32 $0x58, v51;
	v56 =	vld.idx.msk [tilespmem:v62+s26+$0x0], $0xffff  }
0x1a3: {  	v60 =	vadd.s32 $0x158, v54;
	_ =	sdelay $0x3  }
0x1a4: {  	[tilespmem:v63+s0+$0x0] =	vst.idx.msk $0xffff, v56  }
0x1a5: {  	v61 =	vadd.s32 $0x98, v51;
	v56 =	vld.idx.msk [tilespmem:v60+s26+$0x0], $0xffff  }
0x1a6: {  	v62 =	vadd.s32 $0x258, v55;
	_ =	sdelay $0x3  }
0x1a7: {  	[tilespmem:v61+s0+$0x0] =	vst.idx.msk $0xffff, v56  }
0x1a8: {  	v63 =	vadd.s32 $0xD9, v51;
	v56 =	vld.idx.msk [tilespmem:v62+s26+$0x0], $0xffff  }
0x1a9: {  	v60 =	vor.u32 $0x19, v52;
	_ =	sdelay $0x3  }
0x1aa: {  	[tilespmem:v63+s0+$0x0] =	vst.idx.msk $0xffff, v56  }
0x1ab: {  	v61 =	vadd.s32 $0x19, v51;
	v56 =	vld.idx.msk [tilespmem:v60+s22+$0x0], $0xffff  }
0x1ac: {  	v62 =	vor.u32 $0x19, v53;
	_ =	sdelay $0x3  }
0x1ad: {  	[tilespmem:v61+s0+$0x0] =	vst.idx.msk $0xffff, v56  }
0x1ae: {  	v63 =	vadd.s32 $0x59, v51;
	v56 =	vld.idx.msk [tilespmem:v62+s26+$0x0], $0xffff  }
0x1af: {  	v60 =	vadd.s32 $0x159, v54;
	_ =	sdelay $0x3  }
0x1b0: {  	[tilespmem:v63+s0+$0x0] =	vst.idx.msk $0xffff, v56  }
0x1b1: {  	v61 =	vadd.s32 $0x99, v51;
	v56 =	vld.idx.msk [tilespmem:v60+s26+$0x0], $0xffff  }
0x1b2: {  	v62 =	vadd.s32 $0x259, v55;
	_ =	sdelay $0x3  }
0x1b3: {  	[tilespmem:v61+s0+$0x0] =	vst.idx.msk $0xffff, v56  }
0x1b4: {  	v63 =	vadd.s32 $0xDA, v51;
	v56 =	vld.idx.msk [tilespmem:v62+s26+$0x0], $0xffff  }
0x1b5: {  	v60 =	vor.u32 $0x1A, v52;
	_ =	sdelay $0x3  }
0x1b6: {  	[tilespmem:v63+s0+$0x0] =	vst.idx.msk $0xffff, v56  }
0x1b7: {  	v61 =	vadd.s32 $0x1A, v51;
	v56 =	vld.idx.msk [tilespmem:v60+s22+$0x0], $0xffff  }
0x1b8: {  	v62 =	vor.u32 $0x1A, v53;
	_ =	sdelay $0x3  }
0x1b9: {  	[tilespmem:v61+s0+$0x0] =	vst.idx.msk $0xffff, v56  }
0x1ba: {  	v63 =	vadd.s32 $0x5A, v51;
	v56 =	vld.idx.msk [tilespmem:v62+s26+$0x0], $0xffff  }
0x1bb: {  	v60 =	vadd.s32 $0x15A, v54;
	_ =	sdelay $0x3  }
0x1bc: {  	[tilespmem:v63+s0+$0x0] =	vst.idx.msk $0xffff, v56  }
0x1bd: {  	v61 =	vadd.s32 $0x9A, v51;
	v56 =	vld.idx.msk [tilespmem:v60+s26+$0x0], $0xffff  }
0x1be: {  	v62 =	vadd.s32 $0x25A, v55;
	_ =	sdelay $0x3  }
0x1bf: {  	[tilespmem:v61+s0+$0x0] =	vst.idx.msk $0xffff, v56  }
0x1c0: {  	v63 =	vadd.s32 $0xDB, v51;
	v56 =	vld.idx.msk [tilespmem:v62+s26+$0x0], $0xffff  }
0x1c1: {  	v60 =	vor.u32 $0x1B, v52;
	_ =	sdelay $0x3  }
0x1c2: {  	[tilespmem:v63+s0+$0x0] =	vst.idx.msk $0xffff, v56  }
0x1c3: {  	v61 =	vadd.s32 $0x1B, v51;
	v56 =	vld.idx.msk [tilespmem:v60+s22+$0x0], $0xffff  }
0x1c4: {  	v62 =	vor.u32 $0x1B, v53;
	_ =	sdelay $0x3  }
0x1c5: {  	[tilespmem:v61+s0+$0x0] =	vst.idx.msk $0xffff, v56  }
0x1c6: {  	v63 =	vadd.s32 $0x5B, v51;
	v56 =	vld.idx.msk [tilespmem:v62+s26+$0x0], $0xffff  }
0x1c7: {  	v60 =	vadd.s32 $0x15B, v54;
	_ =	sdelay $0x3  }
0x1c8: {  	[tilespmem:v63+s0+$0x0] =	vst.idx.msk $0xffff, v56  }
0x1c9: {  	v61 =	vadd.s32 $0x9B, v51;
	v56 =	vld.idx.msk [tilespmem:v60+s26+$0x0], $0xffff  }
0x1ca: {  	v62 =	vadd.s32 $0x25B, v55;
	_ =	sdelay $0x3  }
0x1cb: {  	[tilespmem:v61+s0+$0x0] =	vst.idx.msk $0xffff, v56  }
0x1cc: {  	v63 =	vadd.s32 $0xDC, v51;
	v56 =	vld.idx.msk [tilespmem:v62+s26+$0x0], $0xffff  }
0x1cd: {  	v60 =	vor.u32 $0x1C, v52;
	_ =	sdelay $0x3  }
0x1ce: {  	[tilespmem:v63+s0+$0x0] =	vst.idx.msk $0xffff, v56  }
0x1cf: {  	v61 =	vadd.s32 $0x1C, v51;
	v56 =	vld.idx.msk [tilespmem:v60+s22+$0x0], $0xffff  }
0x1d0: {  	v62 =	vor.u32 $0x1C, v53;
	_ =	sdelay $0x3  }
0x1d1: {  	[tilespmem:v61+s0+$0x0] =	vst.idx.msk $0xffff, v56  }
0x1d2: {  	v63 =	vadd.s32 $0x5C, v51;
	v56 =	vld.idx.msk [tilespmem:v62+s26+$0x0], $0xffff  }
0x1d3: {  	v60 =	vadd.s32 $0x15C, v54;
	_ =	sdelay $0x3  }
0x1d4: {  	[tilespmem:v63+s0+$0x0] =	vst.idx.msk $0xffff, v56  }
0x1d5: {  	v61 =	vadd.s32 $0x9C, v51;
	v56 =	vld.idx.msk [tilespmem:v60+s26+$0x0], $0xffff  }
0x1d6: {  	v62 =	vadd.s32 $0x25C, v55;
	_ =	sdelay $0x3  }
0x1d7: {  	[tilespmem:v61+s0+$0x0] =	vst.idx.msk $0xffff, v56  }
0x1d8: {  	v63 =	vadd.s32 $0xDD, v51;
	v56 =	vld.idx.msk [tilespmem:v62+s26+$0x0], $0xffff  }
0x1d9: {  	v60 =	vor.u32 $0x1D, v52;
	_ =	sdelay $0x3  }
0x1da: {  	[tilespmem:v63+s0+$0x0] =	vst.idx.msk $0xffff, v56  }
0x1db: {  	v61 =	vadd.s32 $0x1D, v51;
	v56 =	vld.idx.msk [tilespmem:v60+s22+$0x0], $0xffff  }
0x1dc: {  	v62 =	vor.u32 $0x1D, v53;
	_ =	sdelay $0x3  }
0x1dd: {  	[tilespmem:v61+s0+$0x0] =	vst.idx.msk $0xffff, v56  }
0x1de: {  	v63 =	vadd.s32 $0x5D, v51;
	v56 =	vld.idx.msk [tilespmem:v62+s26+$0x0], $0xffff  }
0x1df: {  	v60 =	vadd.s32 $0x15D, v54;
	_ =	sdelay $0x3  }
0x1e0: {  	[tilespmem:v63+s0+$0x0] =	vst.idx.msk $0xffff, v56  }
0x1e1: {  	v61 =	vadd.s32 $0x9D, v51;
	v56 =	vld.idx.msk [tilespmem:v60+s26+$0x0], $0xffff  }
0x1e2: {  	v62 =	vadd.s32 $0x25D, v55;
	_ =	sdelay $0x3  }
0x1e3: {  	[tilespmem:v61+s0+$0x0] =	vst.idx.msk $0xffff, v56  }
0x1e4: {  	v63 =	vadd.s32 $0xDE, v51;
	v56 =	vld.idx.msk [tilespmem:v62+s26+$0x0], $0xffff  }
0x1e5: {  	v60 =	vor.u32 $0x1E, v52;
	_ =	sdelay $0x3  }
0x1e6: {  	[tilespmem:v63+s0+$0x0] =	vst.idx.msk $0xffff, v56  }
0x1e7: {  	v61 =	vadd.s32 $0x1E, v51;
	v56 =	vld.idx.msk [tilespmem:v60+s22+$0x0], $0xffff  }
0x1e8: {  	v62 =	vor.u32 $0x1E, v53;
	_ =	sdelay $0x3  }
0x1e9: {  	[tilespmem:v61+s0+$0x0] =	vst.idx.msk $0xffff, v56  }
0x1ea: {  	v63 =	vadd.s32 $0x5E, v51;
	v56 =	vld.idx.msk [tilespmem:v62+s26+$0x0], $0xffff  }
0x1eb: {  	v60 =	vadd.s32 $0x15E, v54;
	_ =	sdelay $0x3  }
0x1ec: {  	[tilespmem:v63+s0+$0x0] =	vst.idx.msk $0xffff, v56  }
0x1ed: {  	v61 =	vadd.s32 $0x9E, v51;
	v56 =	vld.idx.msk [tilespmem:v60+s26+$0x0], $0xffff  }
0x1ee: {  	v62 =	vadd.s32 $0x25E, v55;
	_ =	sdelay $0x3  }
0x1ef: {  	[tilespmem:v61+s0+$0x0] =	vst.idx.msk $0xffff, v56  }
0x1f0: {  	v63 =	vadd.s32 $0xDF, v51;
	v56 =	vld.idx.msk [tilespmem:v62+s26+$0x0], $0xffff  }
0x1f1: {  	v60 =	vor.u32 $0x1F, v52;
	_ =	sdelay $0x3  }
0x1f2: {  	[tilespmem:v63+s0+$0x0] =	vst.idx.msk $0xffff, v56  }
0x1f3: {  	v61 =	vadd.s32 $0x1F, v51;
	v56 =	vld.idx.msk [tilespmem:v60+s22+$0x0], $0xffff  }
0x1f4: {  	v62 =	vor.u32 $0x1F, v53;
	_ =	sdelay $0x3  }
0x1f5: {  	[tilespmem:v61+s0+$0x0] =	vst.idx.msk $0xffff, v56  }
0x1f6: {  	v63 =	vadd.s32 $0x5F, v51;
	v56 =	vld.idx.msk [tilespmem:v62+s26+$0x0], $0xffff  }
0x1f7: {  	v60 =	vadd.s32 $0x15F, v54;
	_ =	sdelay $0x3  }
0x1f8: {  	[tilespmem:v63+s0+$0x0] =	vst.idx.msk $0xffff, v56  }
0x1f9: {  	v61 =	vadd.s32 $0x9F, v51;
	v56 =	vld.idx.msk [tilespmem:v60+s26+$0x0], $0xffff  }
0x1fa: {  	v62 =	vadd.s32 $0x25F, v55;
	_ =	sdelay $0x3  }
0x1fb: {  	[tilespmem:v61+s0+$0x0] =	vst.idx.msk $0xffff, v56  }
0x1fc: {  	v63 =	vadd.s32 $0xE0, v51;
	v56 =	vld.idx.msk [tilespmem:v62+s26+$0x0], $0xffff  }
0x1fd: {  	v60 =	vor.u32 $0x20, v52;
	_ =	sdelay $0x3  }
0x1fe: {  	[tilespmem:v63+s0+$0x0] =	vst.idx.msk $0xffff, v56  }
0x1ff: {  	v61 =	vadd.s32 $0x20, v51;
	v56 =	vld.idx.msk [tilespmem:v60+s22+$0x0], $0xffff  }
0x200: {  	v62 =	vor.u32 $0x20, v53;
	_ =	sdelay $0x3  }
0x201: {  	[tilespmem:v61+s0+$0x0] =	vst.idx.msk $0xffff, v56  }
0x202: {  	v63 =	vadd.s32 $0x60, v51;
	v56 =	vld.idx.msk [tilespmem:v62+s26+$0x0], $0xffff  }
0x203: {  	v60 =	vadd.s32 $0x160, v54;
	_ =	sdelay $0x3  }
0x204: {  	[tilespmem:v63+s0+$0x0] =	vst.idx.msk $0xffff, v56  }
0x205: {  	v61 =	vadd.s32 $0xA0, v51;
	v56 =	vld.idx.msk [tilespmem:v60+s26+$0x0], $0xffff  }
0x206: {  	v62 =	vadd.s32 $0x260, v55;
	_ =	sdelay $0x3  }
0x207: {  	[tilespmem:v61+s0+$0x0] =	vst.idx.msk $0xffff, v56  }
0x208: {  	v63 =	vadd.s32 $0xE1, v51;
	v56 =	vld.idx.msk [tilespmem:v62+s26+$0x0], $0xffff  }
0x209: {  	v60 =	vor.u32 $0x21, v52;
	_ =	sdelay $0x3  }
0x20a: {  	[tilespmem:v63+s0+$0x0] =	vst.idx.msk $0xffff, v56  }
0x20b: {  	v61 =	vadd.s32 $0x21, v51;
	v56 =	vld.idx.msk [tilespmem:v60+s22+$0x0], $0xffff  }
0x20c: {  	v62 =	vor.u32 $0x21, v53;
	_ =	sdelay $0x3  }
0x20d: {  	[tilespmem:v61+s0+$0x0] =	vst.idx.msk $0xffff, v56  }
0x20e: {  	v63 =	vadd.s32 $0x61, v51;
	v56 =	vld.idx.msk [tilespmem:v62+s26+$0x0], $0xffff  }
0x20f: {  	v60 =	vadd.s32 $0x161, v54;
	_ =	sdelay $0x3  }
0x210: {  	[tilespmem:v63+s0+$0x0] =	vst.idx.msk $0xffff, v56  }
0x211: {  	v61 =	vadd.s32 $0xA1, v51;
	v56 =	vld.idx.msk [tilespmem:v60+s26+$0x0], $0xffff  }
0x212: {  	v62 =	vadd.s32 $0x261, v55;
	_ =	sdelay $0x3  }
0x213: {  	[tilespmem:v61+s0+$0x0] =	vst.idx.msk $0xffff, v56  }
0x214: {  	v63 =	vadd.s32 $0xE2, v51;
	v56 =	vld.idx.msk [tilespmem:v62+s26+$0x0], $0xffff  }
0x215: {  	v60 =	vor.u32 $0x22, v52;
	_ =	sdelay $0x3  }
0x216: {  	[tilespmem:v63+s0+$0x0] =	vst.idx.msk $0xffff, v56  }
0x217: {  	v61 =	vadd.s32 $0x22, v51;
	v56 =	vld.idx.msk [tilespmem:v60+s22+$0x0], $0xffff  }
0x218: {  	v62 =	vor.u32 $0x22, v53;
	_ =	sdelay $0x3  }
0x219: {  	[tilespmem:v61+s0+$0x0] =	vst.idx.msk $0xffff, v56  }
0x21a: {  	v63 =	vadd.s32 $0x62, v51;
	v56 =	vld.idx.msk [tilespmem:v62+s26+$0x0], $0xffff  }
0x21b: {  	v60 =	vadd.s32 $0x162, v54;
	_ =	sdelay $0x3  }
0x21c: {  	[tilespmem:v63+s0+$0x0] =	vst.idx.msk $0xffff, v56  }
0x21d: {  	v61 =	vadd.s32 $0xA2, v51;
	v56 =	vld.idx.msk [tilespmem:v60+s26+$0x0], $0xffff  }
0x21e: {  	v62 =	vadd.s32 $0x262, v55;
	_ =	sdelay $0x3  }
0x21f: {  	[tilespmem:v61+s0+$0x0] =	vst.idx.msk $0xffff, v56  }
0x220: {  	v63 =	vadd.s32 $0xE3, v51;
	v56 =	vld.idx.msk [tilespmem:v62+s26+$0x0], $0xffff  }
0x221: {  	v60 =	vor.u32 $0x23, v52;
	_ =	sdelay $0x3  }
0x222: {  	[tilespmem:v63+s0+$0x0] =	vst.idx.msk $0xffff, v56  }
0x223: {  	v61 =	vadd.s32 $0x23, v51;
	v56 =	vld.idx.msk [tilespmem:v60+s22+$0x0], $0xffff  }
0x224: {  	v62 =	vor.u32 $0x23, v53;
	_ =	sdelay $0x3  }
0x225: {  	[tilespmem:v61+s0+$0x0] =	vst.idx.msk $0xffff, v56  }
0x226: {  	v63 =	vadd.s32 $0x63, v51;
	v56 =	vld.idx.msk [tilespmem:v62+s26+$0x0], $0xffff  }
0x227: {  	v60 =	vadd.s32 $0x163, v54;
	_ =	sdelay $0x3  }
0x228: {  	[tilespmem:v63+s0+$0x0] =	vst.idx.msk $0xffff, v56  }
0x229: {  	v61 =	vadd.s32 $0xA3, v51;
	v56 =	vld.idx.msk [tilespmem:v60+s26+$0x0], $0xffff  }
0x22a: {  	v62 =	vadd.s32 $0x263, v55;
	_ =	sdelay $0x3  }
0x22b: {  	[tilespmem:v61+s0+$0x0] =	vst.idx.msk $0xffff, v56  }
0x22c: {  	v63 =	vadd.s32 $0xE4, v51;
	v56 =	vld.idx.msk [tilespmem:v62+s26+$0x0], $0xffff  }
0x22d: {  	v60 =	vor.u32 $0x24, v52;
	_ =	sdelay $0x3  }
0x22e: {  	[tilespmem:v63+s0+$0x0] =	vst.idx.msk $0xffff, v56  }
0x22f: {  	v61 =	vadd.s32 $0x24, v51;
	v56 =	vld.idx.msk [tilespmem:v60+s22+$0x0], $0xffff  }
0x230: {  	v62 =	vor.u32 $0x24, v53;
	_ =	sdelay $0x3  }
0x231: {  	[tilespmem:v61+s0+$0x0] =	vst.idx.msk $0xffff, v56  }
0x232: {  	v63 =	vadd.s32 $0x64, v51;
	v56 =	vld.idx.msk [tilespmem:v62+s26+$0x0], $0xffff  }
0x233: {  	v60 =	vadd.s32 $0x164, v54;
	_ =	sdelay $0x3  }
0x234: {  	[tilespmem:v63+s0+$0x0] =	vst.idx.msk $0xffff, v56  }
0x235: {  	v61 =	vadd.s32 $0xA4, v51;
	v56 =	vld.idx.msk [tilespmem:v60+s26+$0x0], $0xffff  }
0x236: {  	v62 =	vadd.s32 $0x264, v55;
	_ =	sdelay $0x3  }
0x237: {  	[tilespmem:v61+s0+$0x0] =	vst.idx.msk $0xffff, v56  }
0x238: {  	v63 =	vadd.s32 $0xE5, v51;
	v56 =	vld.idx.msk [tilespmem:v62+s26+$0x0], $0xffff  }
0x239: {  	v60 =	vor.u32 $0x25, v52;
	_ =	sdelay $0x3  }
0x23a: {  	[tilespmem:v63+s0+$0x0] =	vst.idx.msk $0xffff, v56  }
0x23b: {  	v61 =	vadd.s32 $0x25, v51;
	v56 =	vld.idx.msk [tilespmem:v60+s22+$0x0], $0xffff  }
0x23c: {  	v62 =	vor.u32 $0x25, v53;
	_ =	sdelay $0x3  }
0x23d: {  	[tilespmem:v61+s0+$0x0] =	vst.idx.msk $0xffff, v56  }
0x23e: {  	v63 =	vadd.s32 $0x65, v51;
	v56 =	vld.idx.msk [tilespmem:v62+s26+$0x0], $0xffff  }
0x23f: {  	v60 =	vadd.s32 $0x165, v54;
	_ =	sdelay $0x3  }
0x240: {  	[tilespmem:v63+s0+$0x0] =	vst.idx.msk $0xffff, v56  }
0x241: {  	v61 =	vadd.s32 $0xA5, v51;
	v56 =	vld.idx.msk [tilespmem:v60+s26+$0x0], $0xffff  }
0x242: {  	v62 =	vadd.s32 $0x265, v55;
	_ =	sdelay $0x3  }
0x243: {  	[tilespmem:v61+s0+$0x0] =	vst.idx.msk $0xffff, v56  }
0x244: {  	v63 =	vadd.s32 $0xE6, v51;
	v56 =	vld.idx.msk [tilespmem:v62+s26+$0x0], $0xffff  }
0x245: {  	v60 =	vor.u32 $0x26, v52;
	_ =	sdelay $0x3  }
0x246: {  	[tilespmem:v63+s0+$0x0] =	vst.idx.msk $0xffff, v56  }
0x247: {  	v61 =	vadd.s32 $0x26, v51;
	v56 =	vld.idx.msk [tilespmem:v60+s22+$0x0], $0xffff  }
0x248: {  	v62 =	vor.u32 $0x26, v53;
	_ =	sdelay $0x3  }
0x249: {  	[tilespmem:v61+s0+$0x0] =	vst.idx.msk $0xffff, v56  }
0x24a: {  	v63 =	vadd.s32 $0x66, v51;
	v56 =	vld.idx.msk [tilespmem:v62+s26+$0x0], $0xffff  }
0x24b: {  	v60 =	vadd.s32 $0x166, v54;
	_ =	sdelay $0x3  }
0x24c: {  	[tilespmem:v63+s0+$0x0] =	vst.idx.msk $0xffff, v56  }
0x24d: {  	v61 =	vadd.s32 $0xA6, v51;
	v56 =	vld.idx.msk [tilespmem:v60+s26+$0x0], $0xffff  }
0x24e: {  	v62 =	vadd.s32 $0x266, v55;
	_ =	sdelay $0x3  }
0x24f: {  	[tilespmem:v61+s0+$0x0] =	vst.idx.msk $0xffff, v56  }
0x250: {  	v63 =	vadd.s32 $0xE7, v51;
	v56 =	vld.idx.msk [tilespmem:v62+s26+$0x0], $0xffff  }
0x251: {  	v60 =	vor.u32 $0x27, v52;
	_ =	sdelay $0x3  }
0x252: {  	[tilespmem:v63+s0+$0x0] =	vst.idx.msk $0xffff, v56  }
0x253: {  	v61 =	vadd.s32 $0x27, v51;
	v56 =	vld.idx.msk [tilespmem:v60+s22+$0x0], $0xffff  }
0x254: {  	v62 =	vor.u32 $0x27, v53;
	_ =	sdelay $0x3  }
0x255: {  	[tilespmem:v61+s0+$0x0] =	vst.idx.msk $0xffff, v56  }
0x256: {  	v63 =	vadd.s32 $0x67, v51;
	v56 =	vld.idx.msk [tilespmem:v62+s26+$0x0], $0xffff  }
0x257: {  	v60 =	vadd.s32 $0x167, v54;
	_ =	sdelay $0x3  }
0x258: {  	[tilespmem:v63+s0+$0x0] =	vst.idx.msk $0xffff, v56  }
0x259: {  	v61 =	vadd.s32 $0xA7, v51;
	v56 =	vld.idx.msk [tilespmem:v60+s26+$0x0], $0xffff  }
0x25a: {  	v62 =	vadd.s32 $0x267, v55;
	_ =	sdelay $0x3  }
0x25b: {  	[tilespmem:v61+s0+$0x0] =	vst.idx.msk $0xffff, v56  }
0x25c: {  	v63 =	vadd.s32 $0xE8, v51;
	v56 =	vld.idx.msk [tilespmem:v62+s26+$0x0], $0xffff  }
0x25d: {  	v60 =	vor.u32 $0x28, v52;
	_ =	sdelay $0x3  }
0x25e: {  	[tilespmem:v63+s0+$0x0] =	vst.idx.msk $0xffff, v56  }
0x25f: {  	v61 =	vadd.s32 $0x28, v51;
	v56 =	vld.idx.msk [tilespmem:v60+s22+$0x0], $0xffff  }
0x260: {  	v62 =	vor.u32 $0x28, v53;
	_ =	sdelay $0x3  }
0x261: {  	[tilespmem:v61+s0+$0x0] =	vst.idx.msk $0xffff, v56  }
0x262: {  	v63 =	vadd.s32 $0x68, v51;
	v56 =	vld.idx.msk [tilespmem:v62+s26+$0x0], $0xffff  }
0x263: {  	v60 =	vadd.s32 $0x168, v54;
	_ =	sdelay $0x3  }
0x264: {  	[tilespmem:v63+s0+$0x0] =	vst.idx.msk $0xffff, v56  }
0x265: {  	v61 =	vadd.s32 $0xA8, v51;
	v56 =	vld.idx.msk [tilespmem:v60+s26+$0x0], $0xffff  }
0x266: {  	v62 =	vadd.s32 $0x268, v55;
	_ =	sdelay $0x3  }
0x267: {  	[tilespmem:v61+s0+$0x0] =	vst.idx.msk $0xffff, v56  }
0x268: {  	v63 =	vadd.s32 $0xE9, v51;
	v56 =	vld.idx.msk [tilespmem:v62+s26+$0x0], $0xffff  }
0x269: {  	v60 =	vor.u32 $0x29, v52;
	_ =	sdelay $0x3  }
0x26a: {  	[tilespmem:v63+s0+$0x0] =	vst.idx.msk $0xffff, v56  }
0x26b: {  	v61 =	vadd.s32 $0x29, v51;
	v56 =	vld.idx.msk [tilespmem:v60+s22+$0x0], $0xffff  }
0x26c: {  	v62 =	vor.u32 $0x29, v53;
	_ =	sdelay $0x3  }
0x26d: {  	[tilespmem:v61+s0+$0x0] =	vst.idx.msk $0xffff, v56  }
0x26e: {  	v63 =	vadd.s32 $0x69, v51;
	v56 =	vld.idx.msk [tilespmem:v62+s26+$0x0], $0xffff  }
0x26f: {  	v60 =	vadd.s32 $0x169, v54;
	_ =	sdelay $0x3  }
0x270: {  	[tilespmem:v63+s0+$0x0] =	vst.idx.msk $0xffff, v56  }
0x271: {  	v61 =	vadd.s32 $0xA9, v51;
	v56 =	vld.idx.msk [tilespmem:v60+s26+$0x0], $0xffff  }
0x272: {  	v62 =	vadd.s32 $0x269, v55;
	_ =	sdelay $0x3  }
0x273: {  	[tilespmem:v61+s0+$0x0] =	vst.idx.msk $0xffff, v56  }
0x274: {  	v63 =	vadd.s32 $0xEA, v51;
	v56 =	vld.idx.msk [tilespmem:v62+s26+$0x0], $0xffff  }
0x275: {  	v60 =	vor.u32 $0x2A, v52;
	_ =	sdelay $0x3  }
0x276: {  	[tilespmem:v63+s0+$0x0] =	vst.idx.msk $0xffff, v56  }
0x277: {  	v61 =	vadd.s32 $0x2A, v51;
	v56 =	vld.idx.msk [tilespmem:v60+s22+$0x0], $0xffff  }
0x278: {  	v62 =	vor.u32 $0x2A, v53;
	_ =	sdelay $0x3  }
0x279: {  	[tilespmem:v61+s0+$0x0] =	vst.idx.msk $0xffff, v56  }
0x27a: {  	v63 =	vadd.s32 $0x6A, v51;
	v56 =	vld.idx.msk [tilespmem:v62+s26+$0x0], $0xffff  }
0x27b: {  	v60 =	vadd.s32 $0x16A, v54;
	_ =	sdelay $0x3  }
0x27c: {  	[tilespmem:v63+s0+$0x0] =	vst.idx.msk $0xffff, v56  }
0x27d: {  	v61 =	vadd.s32 $0xAA, v51;
	v56 =	vld.idx.msk [tilespmem:v60+s26+$0x0], $0xffff  }
0x27e: {  	v62 =	vadd.s32 $0x26A, v55;
	_ =	sdelay $0x3  }
0x27f: {  	[tilespmem:v61+s0+$0x0] =	vst.idx.msk $0xffff, v56  }
0x280: {  	v63 =	vadd.s32 $0xEB, v51;
	v56 =	vld.idx.msk [tilespmem:v62+s26+$0x0], $0xffff  }
0x281: {  	v60 =	vor.u32 $0x2B, v52;
	_ =	sdelay $0x3  }
0x282: {  	[tilespmem:v63+s0+$0x0] =	vst.idx.msk $0xffff, v56  }
0x283: {  	v61 =	vadd.s32 $0x2B, v51;
	v56 =	vld.idx.msk [tilespmem:v60+s22+$0x0], $0xffff  }
0x284: {  	v62 =	vor.u32 $0x2B, v53;
	_ =	sdelay $0x3  }
0x285: {  	[tilespmem:v61+s0+$0x0] =	vst.idx.msk $0xffff, v56  }
0x286: {  	v63 =	vadd.s32 $0x6B, v51;
	v56 =	vld.idx.msk [tilespmem:v62+s26+$0x0], $0xffff  }
0x287: {  	v60 =	vadd.s32 $0x16B, v54;
	_ =	sdelay $0x3  }
0x288: {  	[tilespmem:v63+s0+$0x0] =	vst.idx.msk $0xffff, v56  }
0x289: {  	v61 =	vadd.s32 $0xAB, v51;
	v56 =	vld.idx.msk [tilespmem:v60+s26+$0x0], $0xffff  }
0x28a: {  	v62 =	vadd.s32 $0x26B, v55;
	_ =	sdelay $0x3  }
0x28b: {  	[tilespmem:v61+s0+$0x0] =	vst.idx.msk $0xffff, v56  }
0x28c: {  	v63 =	vadd.s32 $0xEC, v51;
	v56 =	vld.idx.msk [tilespmem:v62+s26+$0x0], $0xffff  }
0x28d: {  	v60 =	vor.u32 $0x2C, v52;
	_ =	sdelay $0x3  }
0x28e: {  	[tilespmem:v63+s0+$0x0] =	vst.idx.msk $0xffff, v56  }
0x28f: {  	v61 =	vadd.s32 $0x2C, v51;
	v56 =	vld.idx.msk [tilespmem:v60+s22+$0x0], $0xffff  }
0x290: {  	v62 =	vor.u32 $0x2C, v53;
	_ =	sdelay $0x3  }
0x291: {  	[tilespmem:v61+s0+$0x0] =	vst.idx.msk $0xffff, v56  }
0x292: {  	v63 =	vadd.s32 $0x6C, v51;
	v56 =	vld.idx.msk [tilespmem:v62+s26+$0x0], $0xffff  }
0x293: {  	v60 =	vadd.s32 $0x16C, v54;
	_ =	sdelay $0x3  }
0x294: {  	[tilespmem:v63+s0+$0x0] =	vst.idx.msk $0xffff, v56  }
0x295: {  	v61 =	vadd.s32 $0xAC, v51;
	v56 =	vld.idx.msk [tilespmem:v60+s26+$0x0], $0xffff  }
0x296: {  	v62 =	vadd.s32 $0x26C, v55;
	_ =	sdelay $0x3  }
0x297: {  	[tilespmem:v61+s0+$0x0] =	vst.idx.msk $0xffff, v56  }
0x298: {  	v63 =	vadd.s32 $0xED, v51;
	v56 =	vld.idx.msk [tilespmem:v62+s26+$0x0], $0xffff  }
0x299: {  	v60 =	vor.u32 $0x2D, v52;
	_ =	sdelay $0x3  }
0x29a: {  	[tilespmem:v63+s0+$0x0] =	vst.idx.msk $0xffff, v56  }
0x29b: {  	v61 =	vadd.s32 $0x2D, v51;
	v56 =	vld.idx.msk [tilespmem:v60+s22+$0x0], $0xffff  }
0x29c: {  	v62 =	vor.u32 $0x2D, v53;
	_ =	sdelay $0x3  }
0x29d: {  	[tilespmem:v61+s0+$0x0] =	vst.idx.msk $0xffff, v56  }
0x29e: {  	v63 =	vadd.s32 $0x6D, v51;
	v56 =	vld.idx.msk [tilespmem:v62+s26+$0x0], $0xffff  }
0x29f: {  	v60 =	vadd.s32 $0x16D, v54;
	_ =	sdelay $0x3  }
0x2a0: {  	[tilespmem:v63+s0+$0x0] =	vst.idx.msk $0xffff, v56  }
0x2a1: {  	v61 =	vadd.s32 $0xAD, v51;
	v56 =	vld.idx.msk [tilespmem:v60+s26+$0x0], $0xffff  }
0x2a2: {  	v62 =	vadd.s32 $0x26D, v55;
	_ =	sdelay $0x3  }
0x2a3: {  	[tilespmem:v61+s0+$0x0] =	vst.idx.msk $0xffff, v56  }
0x2a4: {  	v63 =	vadd.s32 $0xEE, v51;
	v56 =	vld.idx.msk [tilespmem:v62+s26+$0x0], $0xffff  }
0x2a5: {  	v60 =	vor.u32 $0x2E, v52;
	_ =	sdelay $0x3  }
0x2a6: {  	[tilespmem:v63+s0+$0x0] =	vst.idx.msk $0xffff, v56  }
0x2a7: {  	v61 =	vadd.s32 $0x2E, v51;
	v56 =	vld.idx.msk [tilespmem:v60+s22+$0x0], $0xffff  }
0x2a8: {  	v62 =	vor.u32 $0x2E, v53;
	_ =	sdelay $0x3  }
0x2a9: {  	[tilespmem:v61+s0+$0x0] =	vst.idx.msk $0xffff, v56  }
0x2aa: {  	v63 =	vadd.s32 $0x6E, v51;
	v56 =	vld.idx.msk [tilespmem:v62+s26+$0x0], $0xffff  }
0x2ab: {  	v60 =	vadd.s32 $0x16E, v54;
	_ =	sdelay $0x3  }
0x2ac: {  	[tilespmem:v63+s0+$0x0] =	vst.idx.msk $0xffff, v56  }
0x2ad: {  	v61 =	vadd.s32 $0xAE, v51;
	v56 =	vld.idx.msk [tilespmem:v60+s26+$0x0], $0xffff  }
0x2ae: {  	v62 =	vadd.s32 $0x26E, v55;
	_ =	sdelay $0x3  }
0x2af: {  	[tilespmem:v61+s0+$0x0] =	vst.idx.msk $0xffff, v56  }
0x2b0: {  	v63 =	vadd.s32 $0xEF, v51;
	v56 =	vld.idx.msk [tilespmem:v62+s26+$0x0], $0xffff  }
0x2b1: {  	v60 =	vor.u32 $0x2F, v52;
	_ =	sdelay $0x3  }
0x2b2: {  	[tilespmem:v63+s0+$0x0] =	vst.idx.msk $0xffff, v56  }
0x2b3: {  	v61 =	vadd.s32 $0x2F, v51;
	v56 =	vld.idx.msk [tilespmem:v60+s22+$0x0], $0xffff  }
0x2b4: {  	v62 =	vor.u32 $0x2F, v53;
	_ =	sdelay $0x3  }
0x2b5: {  	[tilespmem:v61+s0+$0x0] =	vst.idx.msk $0xffff, v56  }
0x2b6: {  	v63 =	vadd.s32 $0x6F, v51;
	v56 =	vld.idx.msk [tilespmem:v62+s26+$0x0], $0xffff  }
0x2b7: {  	v60 =	vadd.s32 $0x16F, v54;
	_ =	sdelay $0x3  }
0x2b8: {  	[tilespmem:v63+s0+$0x0] =	vst.idx.msk $0xffff, v56  }
0x2b9: {  	v61 =	vadd.s32 $0xAF, v51;
	v56 =	vld.idx.msk [tilespmem:v60+s26+$0x0], $0xffff  }
0x2ba: {  	v62 =	vadd.s32 $0x26F, v55;
	_ =	sdelay $0x3  }
0x2bb: {  	[tilespmem:v61+s0+$0x0] =	vst.idx.msk $0xffff, v56  }
0x2bc: {  	v63 =	vadd.s32 $0xF0, v51;
	v56 =	vld.idx.msk [tilespmem:v62+s26+$0x0], $0xffff  }
0x2bd: {  	v60 =	vor.u32 $0x30, v52;
	_ =	sdelay $0x3  }
0x2be: {  	[tilespmem:v63+s0+$0x0] =	vst.idx.msk $0xffff, v56  }
0x2bf: {  	v61 =	vadd.s32 $0x30, v51;
	v56 =	vld.idx.msk [tilespmem:v60+s22+$0x0], $0xffff  }
0x2c0: {  	v62 =	vor.u32 $0x30, v53;
	_ =	sdelay $0x3  }
0x2c1: {  	[tilespmem:v61+s0+$0x0] =	vst.idx.msk $0xffff, v56  }
0x2c2: {  	v63 =	vadd.s32 $0x70, v51;
	v56 =	vld.idx.msk [tilespmem:v62+s26+$0x0], $0xffff  }
0x2c3: {  	v60 =	vadd.s32 $0x170, v54;
	_ =	sdelay $0x3  }
0x2c4: {  	[tilespmem:v63+s0+$0x0] =	vst.idx.msk $0xffff, v56  }
0x2c5: {  	v61 =	vadd.s32 $0xB0, v51;
	v56 =	vld.idx.msk [tilespmem:v60+s26+$0x0], $0xffff  }
0x2c6: {  	v62 =	vadd.s32 $0x270, v55;
	_ =	sdelay $0x3  }
0x2c7: {  	[tilespmem:v61+s0+$0x0] =	vst.idx.msk $0xffff, v56  }
0x2c8: {  	v63 =	vadd.s32 $0xF1, v51;
	v56 =	vld.idx.msk [tilespmem:v62+s26+$0x0], $0xffff  }
0x2c9: {  	v60 =	vor.u32 $0x31, v52;
	_ =	sdelay $0x3  }
0x2ca: {  	[tilespmem:v63+s0+$0x0] =	vst.idx.msk $0xffff, v56  }
0x2cb: {  	v61 =	vadd.s32 $0x31, v51;
	v56 =	vld.idx.msk [tilespmem:v60+s22+$0x0], $0xffff  }
0x2cc: {  	v62 =	vor.u32 $0x31, v53;
	_ =	sdelay $0x3  }
0x2cd: {  	[tilespmem:v61+s0+$0x0] =	vst.idx.msk $0xffff, v56  }
0x2ce: {  	v63 =	vadd.s32 $0x71, v51;
	v56 =	vld.idx.msk [tilespmem:v62+s26+$0x0], $0xffff  }
0x2cf: {  	v60 =	vadd.s32 $0x171, v54;
	_ =	sdelay $0x3  }
0x2d0: {  	[tilespmem:v63+s0+$0x0] =	vst.idx.msk $0xffff, v56  }
0x2d1: {  	v61 =	vadd.s32 $0xB1, v51;
	v56 =	vld.idx.msk [tilespmem:v60+s26+$0x0], $0xffff  }
0x2d2: {  	v62 =	vadd.s32 $0x271, v55;
	_ =	sdelay $0x3  }
0x2d3: {  	[tilespmem:v61+s0+$0x0] =	vst.idx.msk $0xffff, v56  }
0x2d4: {  	v63 =	vadd.s32 $0xF2, v51;
	v56 =	vld.idx.msk [tilespmem:v62+s26+$0x0], $0xffff  }
0x2d5: {  	v60 =	vor.u32 $0x32, v52;
	_ =	sdelay $0x3  }
0x2d6: {  	[tilespmem:v63+s0+$0x0] =	vst.idx.msk $0xffff, v56  }
0x2d7: {  	v61 =	vadd.s32 $0x32, v51;
	v56 =	vld.idx.msk [tilespmem:v60+s22+$0x0], $0xffff  }
0x2d8: {  	v62 =	vor.u32 $0x32, v53;
	_ =	sdelay $0x3  }
0x2d9: {  	[tilespmem:v61+s0+$0x0] =	vst.idx.msk $0xffff, v56  }
0x2da: {  	v63 =	vadd.s32 $0x72, v51;
	v56 =	vld.idx.msk [tilespmem:v62+s26+$0x0], $0xffff  }
0x2db: {  	v60 =	vadd.s32 $0x172, v54;
	_ =	sdelay $0x3  }
0x2dc: {  	[tilespmem:v63+s0+$0x0] =	vst.idx.msk $0xffff, v56  }
0x2dd: {  	v61 =	vadd.s32 $0xB2, v51;
	v56 =	vld.idx.msk [tilespmem:v60+s26+$0x0], $0xffff  }
0x2de: {  	v62 =	vadd.s32 $0x272, v55;
	_ =	sdelay $0x3  }
0x2df: {  	[tilespmem:v61+s0+$0x0] =	vst.idx.msk $0xffff, v56  }
0x2e0: {  	v63 =	vadd.s32 $0xF3, v51;
	v56 =	vld.idx.msk [tilespmem:v62+s26+$0x0], $0xffff  }
0x2e1: {  	v60 =	vor.u32 $0x33, v52;
	_ =	sdelay $0x3  }
0x2e2: {  	[tilespmem:v63+s0+$0x0] =	vst.idx.msk $0xffff, v56  }
0x2e3: {  	v61 =	vadd.s32 $0x33, v51;
	v56 =	vld.idx.msk [tilespmem:v60+s22+$0x0], $0xffff  }
0x2e4: {  	v62 =	vor.u32 $0x33, v53;
	_ =	sdelay $0x3  }
0x2e5: {  	[tilespmem:v61+s0+$0x0] =	vst.idx.msk $0xffff, v56  }
0x2e6: {  	v63 =	vadd.s32 $0x73, v51;
	v56 =	vld.idx.msk [tilespmem:v62+s26+$0x0], $0xffff  }
0x2e7: {  	v60 =	vadd.s32 $0x173, v54;
	_ =	sdelay $0x3  }
0x2e8: {  	[tilespmem:v63+s0+$0x0] =	vst.idx.msk $0xffff, v56  }
0x2e9: {  	v61 =	vadd.s32 $0xB3, v51;
	v56 =	vld.idx.msk [tilespmem:v60+s26+$0x0], $0xffff  }
0x2ea: {  	v62 =	vadd.s32 $0x273, v55;
	_ =	sdelay $0x3  }
0x2eb: {  	[tilespmem:v61+s0+$0x0] =	vst.idx.msk $0xffff, v56  }
0x2ec: {  	v63 =	vadd.s32 $0xF4, v51;
	v56 =	vld.idx.msk [tilespmem:v62+s26+$0x0], $0xffff  }
0x2ed: {  	v60 =	vor.u32 $0x34, v52;
	_ =	sdelay $0x3  }
0x2ee: {  	[tilespmem:v63+s0+$0x0] =	vst.idx.msk $0xffff, v56  }
0x2ef: {  	v61 =	vadd.s32 $0x34, v51;
	v56 =	vld.idx.msk [tilespmem:v60+s22+$0x0], $0xffff  }
0x2f0: {  	v62 =	vor.u32 $0x34, v53;
	_ =	sdelay $0x3  }
0x2f1: {  	[tilespmem:v61+s0+$0x0] =	vst.idx.msk $0xffff, v56  }
0x2f2: {  	v63 =	vadd.s32 $0x74, v51;
	v56 =	vld.idx.msk [tilespmem:v62+s26+$0x0], $0xffff  }
0x2f3: {  	v60 =	vadd.s32 $0x174, v54;
	_ =	sdelay $0x3  }
0x2f4: {  	[tilespmem:v63+s0+$0x0] =	vst.idx.msk $0xffff, v56  }
0x2f5: {  	v61 =	vadd.s32 $0xB4, v51;
	v56 =	vld.idx.msk [tilespmem:v60+s26+$0x0], $0xffff  }
0x2f6: {  	v62 =	vadd.s32 $0x274, v55;
	_ =	sdelay $0x3  }
0x2f7: {  	[tilespmem:v61+s0+$0x0] =	vst.idx.msk $0xffff, v56  }
0x2f8: {  	v63 =	vadd.s32 $0xF5, v51;
	v56 =	vld.idx.msk [tilespmem:v62+s26+$0x0], $0xffff  }
0x2f9: {  	v60 =	vor.u32 $0x35, v52;
	_ =	sdelay $0x3  }
0x2fa: {  	[tilespmem:v63+s0+$0x0] =	vst.idx.msk $0xffff, v56  }
0x2fb: {  	v61 =	vadd.s32 $0x35, v51;
	v56 =	vld.idx.msk [tilespmem:v60+s22+$0x0], $0xffff  }
0x2fc: {  	v62 =	vor.u32 $0x35, v53;
	_ =	sdelay $0x3  }
0x2fd: {  	[tilespmem:v61+s0+$0x0] =	vst.idx.msk $0xffff, v56  }
0x2fe: {  	v63 =	vadd.s32 $0x75, v51;
	v56 =	vld.idx.msk [tilespmem:v62+s26+$0x0], $0xffff  }
0x2ff: {  	v60 =	vadd.s32 $0x175, v54;
	_ =	sdelay $0x3  }
0x300: {  	[tilespmem:v63+s0+$0x0] =	vst.idx.msk $0xffff, v56  }
0x301: {  	v61 =	vadd.s32 $0xB5, v51;
	v56 =	vld.idx.msk [tilespmem:v60+s26+$0x0], $0xffff  }
0x302: {  	v62 =	vadd.s32 $0x275, v55;
	_ =	sdelay $0x3  }
0x303: {  	[tilespmem:v61+s0+$0x0] =	vst.idx.msk $0xffff, v56  }
0x304: {  	v63 =	vadd.s32 $0xF6, v51;
	v56 =	vld.idx.msk [tilespmem:v62+s26+$0x0], $0xffff  }
0x305: {  	v60 =	vor.u32 $0x36, v52;
	_ =	sdelay $0x3  }
0x306: {  	[tilespmem:v63+s0+$0x0] =	vst.idx.msk $0xffff, v56  }
0x307: {  	v61 =	vadd.s32 $0x36, v51;
	v56 =	vld.idx.msk [tilespmem:v60+s22+$0x0], $0xffff  }
0x308: {  	v62 =	vor.u32 $0x36, v53;
	_ =	sdelay $0x3  }
0x309: {  	[tilespmem:v61+s0+$0x0] =	vst.idx.msk $0xffff, v56  }
0x30a: {  	v63 =	vadd.s32 $0x76, v51;
	v56 =	vld.idx.msk [tilespmem:v62+s26+$0x0], $0xffff  }
0x30b: {  	v60 =	vadd.s32 $0x176, v54;
	_ =	sdelay $0x3  }
0x30c: {  	[tilespmem:v63+s0+$0x0] =	vst.idx.msk $0xffff, v56  }
0x30d: {  	v61 =	vadd.s32 $0xB6, v51;
	v56 =	vld.idx.msk [tilespmem:v60+s26+$0x0], $0xffff  }
0x30e: {  	v62 =	vadd.s32 $0x276, v55;
	_ =	sdelay $0x3  }
0x30f: {  	[tilespmem:v61+s0+$0x0] =	vst.idx.msk $0xffff, v56  }
0x310: {  	v63 =	vadd.s32 $0xF7, v51;
	v56 =	vld.idx.msk [tilespmem:v62+s26+$0x0], $0xffff  }
0x311: {  	v60 =	vor.u32 $0x37, v52;
	_ =	sdelay $0x3  }
0x312: {  	[tilespmem:v63+s0+$0x0] =	vst.idx.msk $0xffff, v56  }
0x313: {  	v61 =	vadd.s32 $0x37, v51;
	v56 =	vld.idx.msk [tilespmem:v60+s22+$0x0], $0xffff  }
0x314: {  	v62 =	vor.u32 $0x37, v53;
	_ =	sdelay $0x3  }
0x315: {  	[tilespmem:v61+s0+$0x0] =	vst.idx.msk $0xffff, v56  }
0x316: {  	v63 =	vadd.s32 $0x77, v51;
	v56 =	vld.idx.msk [tilespmem:v62+s26+$0x0], $0xffff  }
0x317: {  	v60 =	vadd.s32 $0x177, v54;
	_ =	sdelay $0x3  }
0x318: {  	[tilespmem:v63+s0+$0x0] =	vst.idx.msk $0xffff, v56  }
0x319: {  	v61 =	vadd.s32 $0xB7, v51;
	v56 =	vld.idx.msk [tilespmem:v60+s26+$0x0], $0xffff  }
0x31a: {  	v62 =	vadd.s32 $0x277, v55;
	_ =	sdelay $0x3  }
0x31b: {  	[tilespmem:v61+s0+$0x0] =	vst.idx.msk $0xffff, v56  }
0x31c: {  	v63 =	vadd.s32 $0xF8, v51;
	v56 =	vld.idx.msk [tilespmem:v62+s26+$0x0], $0xffff  }
0x31d: {  	v60 =	vor.u32 $0x38, v52;
	_ =	sdelay $0x3  }
0x31e: {  	[tilespmem:v63+s0+$0x0] =	vst.idx.msk $0xffff, v56  }
0x31f: {  	v61 =	vadd.s32 $0x38, v51;
	v56 =	vld.idx.msk [tilespmem:v60+s22+$0x0], $0xffff  }
0x320: {  	v62 =	vor.u32 $0x38, v53;
	_ =	sdelay $0x3  }
0x321: {  	[tilespmem:v61+s0+$0x0] =	vst.idx.msk $0xffff, v56  }
0x322: {  	v63 =	vadd.s32 $0x78, v51;
	v56 =	vld.idx.msk [tilespmem:v62+s26+$0x0], $0xffff  }
0x323: {  	v60 =	vadd.s32 $0x178, v54;
	_ =	sdelay $0x3  }
0x324: {  	[tilespmem:v63+s0+$0x0] =	vst.idx.msk $0xffff, v56  }
0x325: {  	v61 =	vadd.s32 $0xB8, v51;
	v56 =	vld.idx.msk [tilespmem:v60+s26+$0x0], $0xffff  }
0x326: {  	v62 =	vadd.s32 $0x278, v55;
	_ =	sdelay $0x3  }
0x327: {  	[tilespmem:v61+s0+$0x0] =	vst.idx.msk $0xffff, v56  }
0x328: {  	v63 =	vadd.s32 $0xF9, v51;
	v56 =	vld.idx.msk [tilespmem:v62+s26+$0x0], $0xffff  }
0x329: {  	v60 =	vor.u32 $0x39, v52;
	_ =	sdelay $0x3  }
0x32a: {  	[tilespmem:v63+s0+$0x0] =	vst.idx.msk $0xffff, v56  }
0x32b: {  	v61 =	vadd.s32 $0x39, v51;
	v56 =	vld.idx.msk [tilespmem:v60+s22+$0x0], $0xffff  }
0x32c: {  	v62 =	vor.u32 $0x39, v53;
	_ =	sdelay $0x3  }
0x32d: {  	[tilespmem:v61+s0+$0x0] =	vst.idx.msk $0xffff, v56  }
0x32e: {  	v63 =	vadd.s32 $0x79, v51;
	v56 =	vld.idx.msk [tilespmem:v62+s26+$0x0], $0xffff  }
0x32f: {  	v60 =	vadd.s32 $0x179, v54;
	_ =	sdelay $0x3  }
0x330: {  	[tilespmem:v63+s0+$0x0] =	vst.idx.msk $0xffff, v56  }
0x331: {  	v61 =	vadd.s32 $0xB9, v51;
	v56 =	vld.idx.msk [tilespmem:v60+s26+$0x0], $0xffff  }
0x332: {  	v62 =	vadd.s32 $0x279, v55;
	_ =	sdelay $0x3  }
0x333: {  	[tilespmem:v61+s0+$0x0] =	vst.idx.msk $0xffff, v56  }
0x334: {  	v63 =	vadd.s32 $0xFA, v51;
	v56 =	vld.idx.msk [tilespmem:v62+s26+$0x0], $0xffff  }
0x335: {  	v60 =	vor.u32 $0x3A, v52;
	_ =	sdelay $0x3  }
0x336: {  	[tilespmem:v63+s0+$0x0] =	vst.idx.msk $0xffff, v56  }
0x337: {  	v61 =	vadd.s32 $0x3A, v51;
	v56 =	vld.idx.msk [tilespmem:v60+s22+$0x0], $0xffff  }
0x338: {  	v62 =	vor.u32 $0x3A, v53;
	_ =	sdelay $0x3  }
0x339: {  	[tilespmem:v61+s0+$0x0] =	vst.idx.msk $0xffff, v56  }
0x33a: {  	v63 =	vadd.s32 $0x7A, v51;
	v56 =	vld.idx.msk [tilespmem:v62+s26+$0x0], $0xffff  }
0x33b: {  	v60 =	vadd.s32 $0x17A, v54;
	_ =	sdelay $0x3  }
0x33c: {  	[tilespmem:v63+s0+$0x0] =	vst.idx.msk $0xffff, v56  }
0x33d: {  	v61 =	vadd.s32 $0xBA, v51;
	v56 =	vld.idx.msk [tilespmem:v60+s26+$0x0], $0xffff  }
0x33e: {  	v62 =	vadd.s32 $0x27A, v55;
	_ =	sdelay $0x3  }
0x33f: {  	[tilespmem:v61+s0+$0x0] =	vst.idx.msk $0xffff, v56  }
0x340: {  	v63 =	vadd.s32 $0xFB, v51;
	v56 =	vld.idx.msk [tilespmem:v62+s26+$0x0], $0xffff  }
0x341: {  	v60 =	vor.u32 $0x3B, v52;
	_ =	sdelay $0x3  }
0x342: {  	[tilespmem:v63+s0+$0x0] =	vst.idx.msk $0xffff, v56  }
0x343: {  	v61 =	vadd.s32 $0x3B, v51;
	v56 =	vld.idx.msk [tilespmem:v60+s22+$0x0], $0xffff  }
0x344: {  	v62 =	vor.u32 $0x3B, v53;
	_ =	sdelay $0x3  }
0x345: {  	[tilespmem:v61+s0+$0x0] =	vst.idx.msk $0xffff, v56  }
0x346: {  	v63 =	vadd.s32 $0x7B, v51;
	v56 =	vld.idx.msk [tilespmem:v62+s26+$0x0], $0xffff  }
0x347: {  	v60 =	vadd.s32 $0x17B, v54;
	_ =	sdelay $0x3  }
0x348: {  	[tilespmem:v63+s0+$0x0] =	vst.idx.msk $0xffff, v56  }
0x349: {  	v61 =	vadd.s32 $0xBB, v51;
	v56 =	vld.idx.msk [tilespmem:v60+s26+$0x0], $0xffff  }
0x34a: {  	v62 =	vadd.s32 $0x27B, v55;
	_ =	sdelay $0x3  }
0x34b: {  	[tilespmem:v61+s0+$0x0] =	vst.idx.msk $0xffff, v56  }
0x34c: {  	v63 =	vadd.s32 $0xFC, v51;
	v56 =	vld.idx.msk [tilespmem:v62+s26+$0x0], $0xffff  }
0x34d: {  	v60 =	vor.u32 $0x3C, v52;
	_ =	sdelay $0x3  }
0x34e: {  	[tilespmem:v63+s0+$0x0] =	vst.idx.msk $0xffff, v56  }
0x34f: {  	v61 =	vadd.s32 $0x3C, v51;
	v56 =	vld.idx.msk [tilespmem:v60+s22+$0x0], $0xffff  }
0x350: {  	v62 =	vor.u32 $0x3C, v53;
	_ =	sdelay $0x3  }
0x351: {  	[tilespmem:v61+s0+$0x0] =	vst.idx.msk $0xffff, v56  }
0x352: {  	v63 =	vadd.s32 $0x7C, v51;
	v56 =	vld.idx.msk [tilespmem:v62+s26+$0x0], $0xffff  }
0x353: {  	v60 =	vadd.s32 $0x17C, v54;
	_ =	sdelay $0x3  }
0x354: {  	[tilespmem:v63+s0+$0x0] =	vst.idx.msk $0xffff, v56  }
0x355: {  	v61 =	vadd.s32 $0xBC, v51;
	v56 =	vld.idx.msk [tilespmem:v60+s26+$0x0], $0xffff  }
0x356: {  	v62 =	vadd.s32 $0x27C, v55;
	_ =	sdelay $0x3  }
0x357: {  	[tilespmem:v61+s0+$0x0] =	vst.idx.msk $0xffff, v56  }
0x358: {  	v63 =	vadd.s32 $0xFD, v51;
	v56 =	vld.idx.msk [tilespmem:v62+s26+$0x0], $0xffff  }
0x359: {  	v60 =	vor.u32 $0x3D, v52;
	_ =	sdelay $0x3  }
0x35a: {  	[tilespmem:v63+s0+$0x0] =	vst.idx.msk $0xffff, v56  }
0x35b: {  	v61 =	vadd.s32 $0x3D, v51;
	v56 =	vld.idx.msk [tilespmem:v60+s22+$0x0], $0xffff  }
0x35c: {  	v62 =	vor.u32 $0x3D, v53;
	_ =	sdelay $0x3  }
0x35d: {  	[tilespmem:v61+s0+$0x0] =	vst.idx.msk $0xffff, v56  }
0x35e: {  	v63 =	vadd.s32 $0x7D, v51;
	v56 =	vld.idx.msk [tilespmem:v62+s26+$0x0], $0xffff  }
0x35f: {  	v60 =	vadd.s32 $0x17D, v54;
	_ =	sdelay $0x3  }
0x360: {  	[tilespmem:v63+s0+$0x0] =	vst.idx.msk $0xffff, v56  }
0x361: {  	v61 =	vadd.s32 $0xBD, v51;
	v56 =	vld.idx.msk [tilespmem:v60+s26+$0x0], $0xffff  }
0x362: {  	v62 =	vadd.s32 $0x27D, v55;
	_ =	sdelay $0x3  }
0x363: {  	[tilespmem:v61+s0+$0x0] =	vst.idx.msk $0xffff, v56  }
0x364: {  	v63 =	vadd.s32 $0xFE, v51;
	v56 =	vld.idx.msk [tilespmem:v62+s26+$0x0], $0xffff  }
0x365: {  	v60 =	vor.u32 $0x3E, v52;
	_ =	sdelay $0x3  }
0x366: {  	[tilespmem:v63+s0+$0x0] =	vst.idx.msk $0xffff, v56  }
0x367: {  	v61 =	vadd.s32 $0x3E, v51;
	v56 =	vld.idx.msk [tilespmem:v60+s22+$0x0], $0xffff  }
0x368: {  	v62 =	vor.u32 $0x3E, v53;
	_ =	sdelay $0x3  }
0x369: {  	[tilespmem:v61+s0+$0x0] =	vst.idx.msk $0xffff, v56  }
0x36a: {  	v63 =	vadd.s32 $0x7E, v51;
	v56 =	vld.idx.msk [tilespmem:v62+s26+$0x0], $0xffff  }
0x36b: {  	v60 =	vadd.s32 $0x17E, v54;
	_ =	sdelay $0x3  }
0x36c: {  	[tilespmem:v63+s0+$0x0] =	vst.idx.msk $0xffff, v56  }
0x36d: {  	v61 =	vadd.s32 $0xBE, v51;
	v56 =	vld.idx.msk [tilespmem:v60+s26+$0x0], $0xffff  }
0x36e: {  	v62 =	vadd.s32 $0x27E, v55;
	_ =	sdelay $0x3  }
0x36f: {  	[tilespmem:v61+s0+$0x0] =	vst.idx.msk $0xffff, v56  }
0x370: {  	v63 =	vadd.s32 $0xFF, v51;
	v56 =	vld.idx.msk [tilespmem:v62+s26+$0x0], $0xffff  }
0x371: {  	v52 =	vor.u32 $0x3F, v52;
	_ =	sdelay $0x3  }
0x372: {  	[tilespmem:v63+s0+$0x0] =	vst.idx.msk $0xffff, v56  }
0x373: {  	v60 =	vadd.s32 $0x3F, v51;
	v52 =	vld.idx.msk [tilespmem:v52+s22+$0x0], $0xffff  }
0x374: {  	v53 =	vor.u32 $0x3F, v53;
	_ =	sdelay $0x3  }
0x375: {  	[tilespmem:v60+s0+$0x0] =	vst.idx.msk $0xffff, v52  }
0x376: {  	v61 =	vadd.s32 $0x7F, v51;
	v52 =	vld.idx.msk [tilespmem:v53+s26+$0x0], $0xffff  }
0x377: {  	v54 =	vadd.s32 $0x17F, v54;
	_ =	sdelay $0x3  }
0x378: {  	[tilespmem:v61+s0+$0x0] =	vst.idx.msk $0xffff, v52  }
0x379: {  	v62 =	vadd.s32 $0xBF, v51;
	v52 =	vld.idx.msk [tilespmem:v54+s26+$0x0], $0xffff  }
0x37a: {  	v63 =	vadd.s32 $0x27F, v55;
	_ =	sdelay $0x3  }
0x37b: {  	[tilespmem:v62+s0+$0x0] =	vst.idx.msk $0xffff, v52  }
0x37c: {  	p0 =	sne.s32 s29, $0xF0;
	v51 =	vadd.s32 $0x100, v51;
	v52 =	vld.idx.msk [tilespmem:v63+s26+$0x0], $0xffff  }
.Ltmp0:
0x37d: {  	_ = 	snop;
	(pc) =	sbr.rel @p0 .LBB2_2-.Ltmp0, $3  }
0x37e: {  	_ =	sdelay $0x1  }
0x37f: {  	s25 =	sadd.s32 $0x10, s25  }
0x380: {  	s29 =	sadd.s32 $0x10, s29;
	s23 =	sadd.s32 $0x10, s23;
	s24 =	sadd.s32 $0x10, s24;
	[tilespmem:v51+s0+$0x0] =	vst.idx.msk $0xffff, v52  }
0x381: {  	s23 =	simm.s32 $0x0  }
0x382: {  	[hbm4b:s15+s23] =	stream.linear.scatter [tilespmem:s0], [sflag:$0x2], $0x10800, $0x38;
	[tilespmem:$0x1B120] =	vst v63  }
0x383: {  	_ =	swait.ge [sflag:s18], $0x10800  }
0x384: {  	s24 =	simm.s32 $0x18F00;
	[sflag:s18] =	ssyncset.done $0x0  }
0x385: {  	s25 =	simm.s32 $0x18D00;
	s29 =	simm.s32 $0x18B00;
	[sflag:s18] =	ssyncadd.s32 $0xFFFEF800  }
.LBB2_4:
0x386: {  	v55 =	vld [tilespmem:s24+$0x0]  }
0x387: {  	v51 =	vld.idx.msk [tilespmem:v2+s28+$0x0], $0xffff;
	_ =	sdelay $0x4  }
0x388: {  	vm0 =	vlt.f32 v51, v55  }
0x389: {  	v51 =	vsel vm0, $0x40, v3  }
0x38a: {  	v52 =	vor.u32 $0x1F, v51;
	_ =	sdelay $0x4  }
0x38b: {  	v52 =	vld.idx.msk [tilespmem:v52+s28+$0x0], $0xffff;
	_ =	sdelay $0x4  }
0x38c: {  	v53 =	vor.u32 $0x20, v51;
	vm10 =	vlt.f32 v52, v55  }
0x38d: {  	v51 =	vsel vm10, v53, v51  }
0x38e: {  	v57 =	vor.u32 $0xF, v51;
	_ =	sdelay $0x4  }
0x38f: {  	v52 =	vld.idx.msk [tilespmem:v57+s28+$0x0], $0xffff;
	_ =	sdelay $0x4  }
0x390: {  	v53 =	vor.u32 $0x10, v51;
	vm11 =	vlt.f32 v52, v55  }
0x391: {  	v51 =	vsel vm11, v53, v51  }
0x392: {  	v58 =	vor.u32 $0x7, v51;
	_ =	sdelay $0x4  }
0x393: {  	v52 =	vld.idx.msk [tilespmem:v58+s28+$0x0], $0xffff;
	_ =	sdelay $0x4  }
0x394: {  	v53 =	vor.u32 $0x8, v51;
	vm12 =	vlt.f32 v52, v55  }
0x395: {  	v51 =	vsel vm12, v53, v51  }
0x396: {  	v59 =	vadd.s32 $0x4, v51  }
0x397: {  	v60 =	vmin.u32 v59, $0x78  }
0x398: {  	v53 =	vadd.s32 $0xFFFFFFFF, v60;
	_ =	sdelay $0x4  }
0x399: {  	v53 =	vld.idx.msk [tilespmem:v53+s28+$0x0], $0xffff;
	_ =	sdelay $0x4  }
0x39a: {  	vm0 =	vlt.u32 v51, $0x75;
	vm1 =	vlt.f32 v53, v55  }
0x39b: {  	vm0 =	vmand vm1, vm0  }
0x39c: {  	v51 =	vsel vm0, v59, v51  }
0x39d: {  	v52 =	vadd.s32 $0x2, v51  }
0x39e: {  	v61 =	vmin.u32 v52, $0x78  }
0x39f: {  	v53 =	vadd.s32 $0xFFFFFFFF, v61;
	_ =	sdelay $0x4  }
0x3a0: {  	v53 =	vld.idx.msk [tilespmem:v53+s28+$0x0], $0xffff;
	_ =	sdelay $0x4  }
0x3a1: {  	v62 =	vmov s23;
	vm0 =	vlt.u32 v51, $0x77;
	vm13 =	vlt.f32 v53, v55  }
0x3a2: {  	v63 =	vmul.u32 $0x108, v62;
	vm0 =	vmand vm13, vm0  }
0x3a3: {  	v56 =	vsel vm0, v52, v51  }
0x3a4: {  	s30 =	sadd.s32 $0x100, s23;
	v51 =	vbroadcast v63, $0x0;
	v57 =	vadd.s32 $0x1, v56  }
0x3a5: {  	v61 =	vmov s30;
	v60 =	vmin.u32 v57, $0x78  }
0x3a6: {  	v62 =	vshll.u32 v61, $0x6;
	v53 =	vadd.s32 v4, v51;
	v54 =	vadd.s32 $0xFFFFFFFF, v60  }
0x3a7: {  	v58 =	vsub.f32 v55, v49;
	v52 =	vor.u32 v5, v62  }
0x3a8: {  	v59 =	vld [tilespmem:s29+$0x0]  }
0x3a9: {  	v58 =	vmul.f32 v58, v50  }
0x3aa: {  	v60 =	vld [tilespmem:s25+$0x0]  }
0x3ab: {  	v61 =	vld.idx.msk [tilespmem:v54+s28+$0x0], $0xffff;
	[tilespmem:v53+s0+$0x0] =	vst.idx.msk $0xffff, v58  }
0x3ac: {  	v63 =	vadd.s32 v1, v51;
	v58 =	vld.idx.msk [tilespmem:v52+s22+$0x0], $0xffff  }
0x3ad: {  	v54 =	vshll.u32 v59, $0x6;
	_ =	sdelay $0x3  }
0x3ae: {  	[tilespmem:v63+s0+$0x0] =	vst.idx.msk $0xffff, v58  }
0x3af: {  	v59 =	vadd.s32 v6, v51;
	v53 =	vshll.u32 v60, $0x6;
	v58 =	vld.idx.msk [tilespmem:v54+s26+$0x0], $0xffff  }
0x3b0: {  	v60 =	vadd.s32 $0x140, v53;
	_ =	sdelay $0x1  }
0x3b1: {  	vm15 =	vlt.u32 v56, $0x78;
	vm14 =	vlt.f32 v61, v55  }
0x3b2: {  	vm0 =	vmand vm14, vm15  }
0x3b3: {  	v62 =	vsel vm0, v57, v56;
	[tilespmem:v59+s0+$0x0] =	vst.idx.msk $0xffff, v58  }
0x3b4: {  	v55 =	vshll.u32 v62, $0x6;
	v63 =	vld.idx.msk [tilespmem:v60+s26+$0x0], $0xffff;
	v60 =	vadd.s32 v7, v51  }
0x3b5: {  	v61 =	vadd.s32 $0x240, v55;
	_ =	sdelay $0x3  }
0x3b6: {  	[tilespmem:v60+s0+$0x0] =	vst.idx.msk $0xffff, v63  }
0x3b7: {  	v62 =	vadd.s32 v8, v51;
	v56 =	vld.idx.msk [tilespmem:v61+s26+$0x0], $0xffff  }
0x3b8: {  	v63 =	vor.u32 $0x1, v52;
	_ =	sdelay $0x3  }
0x3b9: {  	[tilespmem:v62+s0+$0x0] =	vst.idx.msk $0xffff, v56  }
0x3ba: {  	v60 =	vadd.s32 v9, v51;
	v56 =	vld.idx.msk [tilespmem:v63+s22+$0x0], $0xffff  }
0x3bb: {  	v61 =	vor.u32 $0x1, v54;
	_ =	sdelay $0x3  }
0x3bc: {  	[tilespmem:v60+s0+$0x0] =	vst.idx.msk $0xffff, v56  }
0x3bd: {  	v62 =	vadd.s32 v10, v51;
	v56 =	vld.idx.msk [tilespmem:v61+s26+$0x0], $0xffff  }
0x3be: {  	v63 =	vadd.s32 $0x141, v53;
	_ =	sdelay $0x3  }
0x3bf: {  	[tilespmem:v62+s0+$0x0] =	vst.idx.msk $0xffff, v56  }
0x3c0: {  	v60 =	vadd.s32 v11, v51;
	v56 =	vld.idx.msk [tilespmem:v63+s26+$0x0], $0xffff  }
0x3c1: {  	v61 =	vadd.s32 $0x241, v55;
	_ =	sdelay $0x3  }
0x3c2: {  	[tilespmem:v60+s0+$0x0] =	vst.idx.msk $0xffff, v56  }
0x3c3: {  	v62 =	vadd.s32 v12, v51;
	v56 =	vld.idx.msk [tilespmem:v61+s26+$0x0], $0xffff  }
0x3c4: {  	v63 =	vor.u32 $0x2, v52;
	_ =	sdelay $0x3  }
0x3c5: {  	[tilespmem:v62+s0+$0x0] =	vst.idx.msk $0xffff, v56  }
0x3c6: {  	v60 =	vadd.s32 v13, v51;
	v56 =	vld.idx.msk [tilespmem:v63+s22+$0x0], $0xffff  }
0x3c7: {  	v61 =	vor.u32 $0x2, v54;
	_ =	sdelay $0x3  }
0x3c8: {  	[tilespmem:v60+s0+$0x0] =	vst.idx.msk $0xffff, v56  }
0x3c9: {  	v62 =	vadd.s32 v14, v51;
	v56 =	vld.idx.msk [tilespmem:v61+s26+$0x0], $0xffff  }
0x3ca: {  	v63 =	vadd.s32 $0x142, v53;
	_ =	sdelay $0x3  }
0x3cb: {  	[tilespmem:v62+s0+$0x0] =	vst.idx.msk $0xffff, v56  }
0x3cc: {  	v60 =	vadd.s32 v15, v51;
	v56 =	vld.idx.msk [tilespmem:v63+s26+$0x0], $0xffff  }
0x3cd: {  	v61 =	vadd.s32 $0x242, v55;
	_ =	sdelay $0x3  }
0x3ce: {  	[tilespmem:v60+s0+$0x0] =	vst.idx.msk $0xffff, v56  }
0x3cf: {  	v62 =	vadd.s32 v16, v51;
	v56 =	vld.idx.msk [tilespmem:v61+s26+$0x0], $0xffff  }
0x3d0: {  	v63 =	vor.u32 $0x3, v52;
	_ =	sdelay $0x3  }
0x3d1: {  	[tilespmem:v62+s0+$0x0] =	vst.idx.msk $0xffff, v56  }
0x3d2: {  	v60 =	vadd.s32 v17, v51;
	v56 =	vld.idx.msk [tilespmem:v63+s22+$0x0], $0xffff  }
0x3d3: {  	v61 =	vor.u32 $0x3, v54;
	_ =	sdelay $0x3  }
0x3d4: {  	[tilespmem:v60+s0+$0x0] =	vst.idx.msk $0xffff, v56  }
0x3d5: {  	v62 =	vadd.s32 v18, v51;
	v56 =	vld.idx.msk [tilespmem:v61+s26+$0x0], $0xffff  }
0x3d6: {  	v63 =	vadd.s32 $0x143, v53;
	_ =	sdelay $0x3  }
0x3d7: {  	[tilespmem:v62+s0+$0x0] =	vst.idx.msk $0xffff, v56  }
0x3d8: {  	v60 =	vadd.s32 v19, v51;
	v56 =	vld.idx.msk [tilespmem:v63+s26+$0x0], $0xffff  }
0x3d9: {  	v61 =	vadd.s32 $0x243, v55;
	_ =	sdelay $0x3  }
0x3da: {  	[tilespmem:v60+s0+$0x0] =	vst.idx.msk $0xffff, v56  }
0x3db: {  	v62 =	vadd.s32 v20, v51;
	v56 =	vld.idx.msk [tilespmem:v61+s26+$0x0], $0xffff  }
0x3dc: {  	v63 =	vor.u32 $0x4, v52;
	_ =	sdelay $0x3  }
0x3dd: {  	[tilespmem:v62+s0+$0x0] =	vst.idx.msk $0xffff, v56  }
0x3de: {  	v60 =	vadd.s32 v21, v51;
	v56 =	vld.idx.msk [tilespmem:v63+s22+$0x0], $0xffff  }
0x3df: {  	v61 =	vor.u32 $0x4, v54;
	_ =	sdelay $0x3  }
0x3e0: {  	[tilespmem:v60+s0+$0x0] =	vst.idx.msk $0xffff, v56  }
0x3e1: {  	v62 =	vadd.s32 v22, v51;
	v56 =	vld.idx.msk [tilespmem:v61+s26+$0x0], $0xffff  }
0x3e2: {  	v63 =	vadd.s32 $0x144, v53;
	_ =	sdelay $0x3  }
0x3e3: {  	[tilespmem:v62+s0+$0x0] =	vst.idx.msk $0xffff, v56  }
0x3e4: {  	v60 =	vadd.s32 v23, v51;
	v56 =	vld.idx.msk [tilespmem:v63+s26+$0x0], $0xffff  }
0x3e5: {  	v61 =	vadd.s32 $0x244, v55;
	_ =	sdelay $0x3  }
0x3e6: {  	[tilespmem:v60+s0+$0x0] =	vst.idx.msk $0xffff, v56  }
0x3e7: {  	v62 =	vadd.s32 v24, v51;
	v56 =	vld.idx.msk [tilespmem:v61+s26+$0x0], $0xffff  }
0x3e8: {  	v63 =	vor.u32 $0x5, v52;
	_ =	sdelay $0x3  }
0x3e9: {  	[tilespmem:v62+s0+$0x0] =	vst.idx.msk $0xffff, v56  }
0x3ea: {  	v60 =	vadd.s32 v25, v51;
	v56 =	vld.idx.msk [tilespmem:v63+s22+$0x0], $0xffff  }
0x3eb: {  	v61 =	vor.u32 $0x5, v54;
	_ =	sdelay $0x3  }
0x3ec: {  	[tilespmem:v60+s0+$0x0] =	vst.idx.msk $0xffff, v56  }
0x3ed: {  	v62 =	vadd.s32 v26, v51;
	v56 =	vld.idx.msk [tilespmem:v61+s26+$0x0], $0xffff  }
0x3ee: {  	v63 =	vadd.s32 $0x145, v53;
	_ =	sdelay $0x3  }
0x3ef: {  	[tilespmem:v62+s0+$0x0] =	vst.idx.msk $0xffff, v56  }
0x3f0: {  	v60 =	vadd.s32 v27, v51;
	v56 =	vld.idx.msk [tilespmem:v63+s26+$0x0], $0xffff  }
0x3f1: {  	v61 =	vadd.s32 $0x245, v55;
	_ =	sdelay $0x3  }
0x3f2: {  	[tilespmem:v60+s0+$0x0] =	vst.idx.msk $0xffff, v56  }
0x3f3: {  	v62 =	vadd.s32 v28, v51;
	v56 =	vld.idx.msk [tilespmem:v61+s26+$0x0], $0xffff  }
0x3f4: {  	v63 =	vor.u32 $0x6, v52;
	_ =	sdelay $0x3  }
0x3f5: {  	[tilespmem:v62+s0+$0x0] =	vst.idx.msk $0xffff, v56  }
0x3f6: {  	v60 =	vadd.s32 v29, v51;
	v56 =	vld.idx.msk [tilespmem:v63+s22+$0x0], $0xffff  }
0x3f7: {  	v61 =	vor.u32 $0x6, v54;
	_ =	sdelay $0x3  }
0x3f8: {  	[tilespmem:v60+s0+$0x0] =	vst.idx.msk $0xffff, v56  }
0x3f9: {  	v62 =	vadd.s32 v30, v51;
	v56 =	vld.idx.msk [tilespmem:v61+s26+$0x0], $0xffff  }
0x3fa: {  	v63 =	vadd.s32 $0x146, v53;
	_ =	sdelay $0x3  }
0x3fb: {  	[tilespmem:v62+s0+$0x0] =	vst.idx.msk $0xffff, v56  }
0x3fc: {  	v60 =	vadd.s32 v31, v51;
	v56 =	vld.idx.msk [tilespmem:v63+s26+$0x0], $0xffff  }
0x3fd: {  	v61 =	vadd.s32 $0x246, v55;
	_ =	sdelay $0x3  }
0x3fe: {  	[tilespmem:v60+s0+$0x0] =	vst.idx.msk $0xffff, v56  }
0x3ff: {  	v62 =	vadd.s32 v32, v51;
	v56 =	vld.idx.msk [tilespmem:v61+s26+$0x0], $0xffff  }
0x400: {  	v63 =	vor.u32 $0x7, v52;
	_ =	sdelay $0x3  }
0x401: {  	[tilespmem:v62+s0+$0x0] =	vst.idx.msk $0xffff, v56  }
0x402: {  	v60 =	vadd.s32 v33, v51;
	v56 =	vld.idx.msk [tilespmem:v63+s22+$0x0], $0xffff  }
0x403: {  	v61 =	vor.u32 $0x7, v54;
	_ =	sdelay $0x3  }
0x404: {  	[tilespmem:v60+s0+$0x0] =	vst.idx.msk $0xffff, v56  }
0x405: {  	v62 =	vadd.s32 v34, v51;
	v56 =	vld.idx.msk [tilespmem:v61+s26+$0x0], $0xffff  }
0x406: {  	v63 =	vadd.s32 $0x147, v53;
	_ =	sdelay $0x3  }
0x407: {  	[tilespmem:v62+s0+$0x0] =	vst.idx.msk $0xffff, v56  }
0x408: {  	v60 =	vadd.s32 v35, v51;
	v56 =	vld.idx.msk [tilespmem:v63+s26+$0x0], $0xffff  }
0x409: {  	v61 =	vadd.s32 $0x247, v55;
	_ =	sdelay $0x3  }
0x40a: {  	[tilespmem:v60+s0+$0x0] =	vst.idx.msk $0xffff, v56  }
0x40b: {  	v62 =	vadd.s32 v36, v51;
	v56 =	vld.idx.msk [tilespmem:v61+s26+$0x0], $0xffff  }
0x40c: {  	v63 =	vor.u32 $0x8, v52;
	_ =	sdelay $0x3  }
0x40d: {  	[tilespmem:v62+s0+$0x0] =	vst.idx.msk $0xffff, v56  }
0x40e: {  	v60 =	vadd.s32 v37, v51;
	v56 =	vld.idx.msk [tilespmem:v63+s22+$0x0], $0xffff  }
0x40f: {  	v61 =	vor.u32 $0x8, v54;
	_ =	sdelay $0x3  }
0x410: {  	[tilespmem:v60+s0+$0x0] =	vst.idx.msk $0xffff, v56  }
0x411: {  	v62 =	vadd.s32 v38, v51;
	v56 =	vld.idx.msk [tilespmem:v61+s26+$0x0], $0xffff  }
0x412: {  	v63 =	vadd.s32 $0x148, v53;
	_ =	sdelay $0x3  }
0x413: {  	[tilespmem:v62+s0+$0x0] =	vst.idx.msk $0xffff, v56  }
0x414: {  	v60 =	vadd.s32 v39, v51;
	v56 =	vld.idx.msk [tilespmem:v63+s26+$0x0], $0xffff  }
0x415: {  	v61 =	vadd.s32 $0x248, v55;
	_ =	sdelay $0x3  }
0x416: {  	[tilespmem:v60+s0+$0x0] =	vst.idx.msk $0xffff, v56  }
0x417: {  	v62 =	vadd.s32 v40, v51;
	v56 =	vld.idx.msk [tilespmem:v61+s26+$0x0], $0xffff  }
0x418: {  	v63 =	vor.u32 $0x9, v52;
	_ =	sdelay $0x3  }
0x419: {  	[tilespmem:v62+s0+$0x0] =	vst.idx.msk $0xffff, v56  }
0x41a: {  	v60 =	vadd.s32 v41, v51;
	v56 =	vld.idx.msk [tilespmem:v63+s22+$0x0], $0xffff  }
0x41b: {  	v61 =	vor.u32 $0x9, v54;
	_ =	sdelay $0x3  }
0x41c: {  	[tilespmem:v60+s0+$0x0] =	vst.idx.msk $0xffff, v56  }
0x41d: {  	v62 =	vadd.s32 v42, v51;
	v56 =	vld.idx.msk [tilespmem:v61+s26+$0x0], $0xffff  }
0x41e: {  	v63 =	vadd.s32 $0x149, v53;
	_ =	sdelay $0x3  }
0x41f: {  	[tilespmem:v62+s0+$0x0] =	vst.idx.msk $0xffff, v56  }
0x420: {  	v60 =	vadd.s32 v43, v51;
	v56 =	vld.idx.msk [tilespmem:v63+s26+$0x0], $0xffff  }
0x421: {  	v61 =	vadd.s32 $0x249, v55;
	_ =	sdelay $0x3  }
0x422: {  	[tilespmem:v60+s0+$0x0] =	vst.idx.msk $0xffff, v56  }
0x423: {  	v62 =	vadd.s32 v44, v51;
	v56 =	vld.idx.msk [tilespmem:v61+s26+$0x0], $0xffff  }
0x424: {  	v63 =	vor.u32 $0xA, v52;
	_ =	sdelay $0x3  }
0x425: {  	[tilespmem:v62+s0+$0x0] =	vst.idx.msk $0xffff, v56  }
0x426: {  	v60 =	vadd.s32 v45, v51;
	v56 =	vld.idx.msk [tilespmem:v63+s22+$0x0], $0xffff  }
0x427: {  	v61 =	vor.u32 $0xA, v54;
	_ =	sdelay $0x3  }
0x428: {  	[tilespmem:v60+s0+$0x0] =	vst.idx.msk $0xffff, v56  }
0x429: {  	v62 =	vadd.s32 v46, v51;
	v56 =	vld.idx.msk [tilespmem:v61+s26+$0x0], $0xffff  }
0x42a: {  	v63 =	vadd.s32 $0x14A, v53;
	_ =	sdelay $0x3  }
0x42b: {  	[tilespmem:v62+s0+$0x0] =	vst.idx.msk $0xffff, v56  }
0x42c: {  	v60 =	vadd.s32 v47, v51;
	v56 =	vld.idx.msk [tilespmem:v63+s26+$0x0], $0xffff  }
0x42d: {  	v61 =	vadd.s32 $0x24A, v55;
	_ =	sdelay $0x3  }
0x42e: {  	[tilespmem:v60+s0+$0x0] =	vst.idx.msk $0xffff, v56  }
0x42f: {  	v62 =	vadd.s32 v48, v51;
	v56 =	vld.idx.msk [tilespmem:v61+s26+$0x0], $0xffff  }
0x430: {  	v63 =	vor.u32 $0xB, v52;
	_ =	sdelay $0x3  }
0x431: {  	v60 =	vadd.s32 $0xB, v1;
	[tilespmem:v62+s0+$0x0] =	vst.idx.msk $0xffff, v56  }
0x432: {  	v56 =	vadd.s32 v60, v51;
	v57 =	vld.idx.msk [tilespmem:v63+s22+$0x0], $0xffff  }
0x433: {  	v61 =	vor.u32 $0xB, v54;
	_ =	sdelay $0x3  }
0x434: {  	v62 =	vadd.s32 $0x4B, v1;
	[tilespmem:v56+s0+$0x0] =	vst.idx.msk $0xffff, v57  }
0x435: {  	v56 =	vadd.s32 v62, v51;
	v57 =	vld.idx.msk [tilespmem:v61+s26+$0x0], $0xffff  }
0x436: {  	v63 =	vadd.s32 $0x14B, v53;
	_ =	sdelay $0x3  }
0x437: {  	v60 =	vadd.s32 $0x8B, v1;
	[tilespmem:v56+s0+$0x0] =	vst.idx.msk $0xffff, v57  }
0x438: {  	v56 =	vadd.s32 v60, v51;
	v57 =	vld.idx.msk [tilespmem:v63+s26+$0x0], $0xffff  }
0x439: {  	v61 =	vadd.s32 $0x24B, v55;
	_ =	sdelay $0x3  }
0x43a: {  	v62 =	vadd.s32 $0xCC, v1;
	[tilespmem:v56+s0+$0x0] =	vst.idx.msk $0xffff, v57  }
0x43b: {  	v56 =	vadd.s32 v62, v51;
	v57 =	vld.idx.msk [tilespmem:v61+s26+$0x0], $0xffff  }
0x43c: {  	v63 =	vor.u32 $0xC, v52;
	_ =	sdelay $0x3  }
0x43d: {  	v60 =	vadd.s32 $0xC, v1;
	[tilespmem:v56+s0+$0x0] =	vst.idx.msk $0xffff, v57  }
0x43e: {  	v56 =	vadd.s32 v60, v51;
	v57 =	vld.idx.msk [tilespmem:v63+s22+$0x0], $0xffff  }
0x43f: {  	v61 =	vor.u32 $0xC, v54;
	_ =	sdelay $0x3  }
0x440: {  	v62 =	vadd.s32 $0x4C, v1;
	[tilespmem:v56+s0+$0x0] =	vst.idx.msk $0xffff, v57  }
0x441: {  	v56 =	vadd.s32 v62, v51;
	v57 =	vld.idx.msk [tilespmem:v61+s26+$0x0], $0xffff  }
0x442: {  	v63 =	vadd.s32 $0x14C, v53;
	_ =	sdelay $0x3  }
0x443: {  	v60 =	vadd.s32 $0x8C, v1;
	[tilespmem:v56+s0+$0x0] =	vst.idx.msk $0xffff, v57  }
0x444: {  	v56 =	vadd.s32 v60, v51;
	v57 =	vld.idx.msk [tilespmem:v63+s26+$0x0], $0xffff  }
0x445: {  	v61 =	vadd.s32 $0x24C, v55;
	_ =	sdelay $0x3  }
0x446: {  	v62 =	vadd.s32 $0xCD, v1;
	[tilespmem:v56+s0+$0x0] =	vst.idx.msk $0xffff, v57  }
0x447: {  	v56 =	vadd.s32 v62, v51;
	v57 =	vld.idx.msk [tilespmem:v61+s26+$0x0], $0xffff  }
0x448: {  	v63 =	vor.u32 $0xD, v52;
	_ =	sdelay $0x3  }
0x449: {  	v60 =	vadd.s32 $0xD, v1;
	[tilespmem:v56+s0+$0x0] =	vst.idx.msk $0xffff, v57  }
0x44a: {  	v56 =	vadd.s32 v60, v51;
	v57 =	vld.idx.msk [tilespmem:v63+s22+$0x0], $0xffff  }
0x44b: {  	v61 =	vor.u32 $0xD, v54;
	_ =	sdelay $0x3  }
0x44c: {  	v62 =	vadd.s32 $0x4D, v1;
	[tilespmem:v56+s0+$0x0] =	vst.idx.msk $0xffff, v57  }
0x44d: {  	v56 =	vadd.s32 v62, v51;
	v57 =	vld.idx.msk [tilespmem:v61+s26+$0x0], $0xffff  }
0x44e: {  	v63 =	vadd.s32 $0x14D, v53;
	_ =	sdelay $0x3  }
0x44f: {  	v60 =	vadd.s32 $0x8D, v1;
	[tilespmem:v56+s0+$0x0] =	vst.idx.msk $0xffff, v57  }
0x450: {  	v56 =	vadd.s32 v60, v51;
	v57 =	vld.idx.msk [tilespmem:v63+s26+$0x0], $0xffff  }
0x451: {  	v61 =	vadd.s32 $0x24D, v55;
	_ =	sdelay $0x3  }
0x452: {  	v62 =	vadd.s32 $0xCE, v1;
	[tilespmem:v56+s0+$0x0] =	vst.idx.msk $0xffff, v57  }
0x453: {  	v56 =	vadd.s32 v62, v51;
	v57 =	vld.idx.msk [tilespmem:v61+s26+$0x0], $0xffff  }
0x454: {  	v63 =	vor.u32 $0xE, v52;
	_ =	sdelay $0x3  }
0x455: {  	v60 =	vadd.s32 $0xE, v1;
	[tilespmem:v56+s0+$0x0] =	vst.idx.msk $0xffff, v57  }
0x456: {  	v56 =	vadd.s32 v60, v51;
	v57 =	vld.idx.msk [tilespmem:v63+s22+$0x0], $0xffff  }
0x457: {  	v61 =	vor.u32 $0xE, v54;
	_ =	sdelay $0x3  }
0x458: {  	v62 =	vadd.s32 $0x4E, v1;
	[tilespmem:v56+s0+$0x0] =	vst.idx.msk $0xffff, v57  }
0x459: {  	v56 =	vadd.s32 v62, v51;
	v57 =	vld.idx.msk [tilespmem:v61+s26+$0x0], $0xffff  }
0x45a: {  	v63 =	vadd.s32 $0x14E, v53;
	_ =	sdelay $0x3  }
0x45b: {  	v60 =	vadd.s32 $0x8E, v1;
	[tilespmem:v56+s0+$0x0] =	vst.idx.msk $0xffff, v57  }
0x45c: {  	v56 =	vadd.s32 v60, v51;
	v57 =	vld.idx.msk [tilespmem:v63+s26+$0x0], $0xffff  }
0x45d: {  	v61 =	vadd.s32 $0x24E, v55;
	_ =	sdelay $0x3  }
0x45e: {  	v62 =	vadd.s32 $0xCF, v1;
	[tilespmem:v56+s0+$0x0] =	vst.idx.msk $0xffff, v57  }
0x45f: {  	v56 =	vadd.s32 v62, v51;
	v57 =	vld.idx.msk [tilespmem:v61+s26+$0x0], $0xffff  }
0x460: {  	v63 =	vor.u32 $0xF, v52;
	_ =	sdelay $0x3  }
0x461: {  	v60 =	vadd.s32 $0xF, v1;
	[tilespmem:v56+s0+$0x0] =	vst.idx.msk $0xffff, v57  }
0x462: {  	v56 =	vadd.s32 v60, v51;
	v57 =	vld.idx.msk [tilespmem:v63+s22+$0x0], $0xffff  }
0x463: {  	v61 =	vor.u32 $0xF, v54;
	_ =	sdelay $0x3  }
0x464: {  	v62 =	vadd.s32 $0x4F, v1;
	[tilespmem:v56+s0+$0x0] =	vst.idx.msk $0xffff, v57  }
0x465: {  	v56 =	vadd.s32 v62, v51;
	v57 =	vld.idx.msk [tilespmem:v61+s26+$0x0], $0xffff  }
0x466: {  	v63 =	vadd.s32 $0x14F, v53;
	_ =	sdelay $0x3  }
0x467: {  	v60 =	vadd.s32 $0x8F, v1;
	[tilespmem:v56+s0+$0x0] =	vst.idx.msk $0xffff, v57  }
0x468: {  	v56 =	vadd.s32 v60, v51;
	v57 =	vld.idx.msk [tilespmem:v63+s26+$0x0], $0xffff  }
0x469: {  	v61 =	vadd.s32 $0x24F, v55;
	_ =	sdelay $0x3  }
0x46a: {  	v62 =	vadd.s32 $0xD0, v1;
	[tilespmem:v56+s0+$0x0] =	vst.idx.msk $0xffff, v57  }
0x46b: {  	v56 =	vadd.s32 v62, v51;
	v57 =	vld.idx.msk [tilespmem:v61+s26+$0x0], $0xffff  }
0x46c: {  	v63 =	vor.u32 $0x10, v52;
	_ =	sdelay $0x3  }
0x46d: {  	v60 =	vadd.s32 $0x10, v1;
	[tilespmem:v56+s0+$0x0] =	vst.idx.msk $0xffff, v57  }
0x46e: {  	v56 =	vadd.s32 v60, v51;
	v57 =	vld.idx.msk [tilespmem:v63+s22+$0x0], $0xffff  }
0x46f: {  	v61 =	vor.u32 $0x10, v54;
	_ =	sdelay $0x3  }
0x470: {  	v62 =	vadd.s32 $0x50, v1;
	[tilespmem:v56+s0+$0x0] =	vst.idx.msk $0xffff, v57  }
0x471: {  	v56 =	vadd.s32 v62, v51;
	v57 =	vld.idx.msk [tilespmem:v61+s26+$0x0], $0xffff  }
0x472: {  	v63 =	vadd.s32 $0x150, v53;
	_ =	sdelay $0x3  }
0x473: {  	v60 =	vadd.s32 $0x90, v1;
	[tilespmem:v56+s0+$0x0] =	vst.idx.msk $0xffff, v57  }
0x474: {  	v56 =	vadd.s32 v60, v51;
	v57 =	vld.idx.msk [tilespmem:v63+s26+$0x0], $0xffff  }
0x475: {  	v61 =	vadd.s32 $0x250, v55;
	_ =	sdelay $0x3  }
0x476: {  	v62 =	vadd.s32 $0xD1, v1;
	[tilespmem:v56+s0+$0x0] =	vst.idx.msk $0xffff, v57  }
0x477: {  	v56 =	vadd.s32 v62, v51;
	v57 =	vld.idx.msk [tilespmem:v61+s26+$0x0], $0xffff  }
0x478: {  	v63 =	vor.u32 $0x11, v52;
	_ =	sdelay $0x3  }
0x479: {  	v60 =	vadd.s32 $0x11, v1;
	[tilespmem:v56+s0+$0x0] =	vst.idx.msk $0xffff, v57  }
0x47a: {  	v56 =	vadd.s32 v60, v51;
	v57 =	vld.idx.msk [tilespmem:v63+s22+$0x0], $0xffff  }
0x47b: {  	v61 =	vor.u32 $0x11, v54;
	_ =	sdelay $0x3  }
0x47c: {  	v62 =	vadd.s32 $0x51, v1;
	[tilespmem:v56+s0+$0x0] =	vst.idx.msk $0xffff, v57  }
0x47d: {  	v56 =	vadd.s32 v62, v51;
	v57 =	vld.idx.msk [tilespmem:v61+s26+$0x0], $0xffff  }
0x47e: {  	v63 =	vadd.s32 $0x151, v53;
	_ =	sdelay $0x3  }
0x47f: {  	v60 =	vadd.s32 $0x91, v1;
	[tilespmem:v56+s0+$0x0] =	vst.idx.msk $0xffff, v57  }
0x480: {  	v56 =	vadd.s32 v60, v51;
	v57 =	vld.idx.msk [tilespmem:v63+s26+$0x0], $0xffff  }
0x481: {  	v61 =	vadd.s32 $0x251, v55;
	_ =	sdelay $0x3  }
0x482: {  	v62 =	vadd.s32 $0xD2, v1;
	[tilespmem:v56+s0+$0x0] =	vst.idx.msk $0xffff, v57  }
0x483: {  	v56 =	vadd.s32 v62, v51;
	v57 =	vld.idx.msk [tilespmem:v61+s26+$0x0], $0xffff  }
0x484: {  	v63 =	vor.u32 $0x12, v52;
	_ =	sdelay $0x3  }
0x485: {  	v60 =	vadd.s32 $0x12, v1;
	[tilespmem:v56+s0+$0x0] =	vst.idx.msk $0xffff, v57  }
0x486: {  	v56 =	vadd.s32 v60, v51;
	v57 =	vld.idx.msk [tilespmem:v63+s22+$0x0], $0xffff  }
0x487: {  	v61 =	vor.u32 $0x12, v54;
	_ =	sdelay $0x3  }
0x488: {  	v62 =	vadd.s32 $0x52, v1;
	[tilespmem:v56+s0+$0x0] =	vst.idx.msk $0xffff, v57  }
0x489: {  	v56 =	vadd.s32 v62, v51;
	v57 =	vld.idx.msk [tilespmem:v61+s26+$0x0], $0xffff  }
0x48a: {  	v63 =	vadd.s32 $0x152, v53;
	_ =	sdelay $0x3  }
0x48b: {  	v60 =	vadd.s32 $0x92, v1;
	[tilespmem:v56+s0+$0x0] =	vst.idx.msk $0xffff, v57  }
0x48c: {  	v56 =	vadd.s32 v60, v51;
	v57 =	vld.idx.msk [tilespmem:v63+s26+$0x0], $0xffff  }
0x48d: {  	v61 =	vadd.s32 $0x252, v55;
	_ =	sdelay $0x3  }
0x48e: {  	v62 =	vadd.s32 $0xD3, v1;
	[tilespmem:v56+s0+$0x0] =	vst.idx.msk $0xffff, v57  }
0x48f: {  	v56 =	vadd.s32 v62, v51;
	v57 =	vld.idx.msk [tilespmem:v61+s26+$0x0], $0xffff  }
0x490: {  	v63 =	vor.u32 $0x13, v52;
	_ =	sdelay $0x3  }
0x491: {  	v60 =	vadd.s32 $0x13, v1;
	[tilespmem:v56+s0+$0x0] =	vst.idx.msk $0xffff, v57  }
0x492: {  	v56 =	vadd.s32 v60, v51;
	v57 =	vld.idx.msk [tilespmem:v63+s22+$0x0], $0xffff  }
0x493: {  	v61 =	vor.u32 $0x13, v54;
	_ =	sdelay $0x3  }
0x494: {  	v62 =	vadd.s32 $0x53, v1;
	[tilespmem:v56+s0+$0x0] =	vst.idx.msk $0xffff, v57  }
0x495: {  	v56 =	vadd.s32 v62, v51;
	v57 =	vld.idx.msk [tilespmem:v61+s26+$0x0], $0xffff  }
0x496: {  	v63 =	vadd.s32 $0x153, v53;
	_ =	sdelay $0x3  }
0x497: {  	v60 =	vadd.s32 $0x93, v1;
	[tilespmem:v56+s0+$0x0] =	vst.idx.msk $0xffff, v57  }
0x498: {  	v56 =	vadd.s32 v60, v51;
	v57 =	vld.idx.msk [tilespmem:v63+s26+$0x0], $0xffff  }
0x499: {  	v61 =	vadd.s32 $0x253, v55;
	_ =	sdelay $0x3  }
0x49a: {  	v62 =	vadd.s32 $0xD4, v1;
	[tilespmem:v56+s0+$0x0] =	vst.idx.msk $0xffff, v57  }
0x49b: {  	v56 =	vadd.s32 v62, v51;
	v57 =	vld.idx.msk [tilespmem:v61+s26+$0x0], $0xffff  }
0x49c: {  	v63 =	vor.u32 $0x14, v52;
	_ =	sdelay $0x3  }
0x49d: {  	v60 =	vadd.s32 $0x14, v1;
	[tilespmem:v56+s0+$0x0] =	vst.idx.msk $0xffff, v57  }
0x49e: {  	v56 =	vadd.s32 v60, v51;
	v57 =	vld.idx.msk [tilespmem:v63+s22+$0x0], $0xffff  }
0x49f: {  	v61 =	vor.u32 $0x14, v54;
	_ =	sdelay $0x3  }
0x4a0: {  	v62 =	vadd.s32 $0x54, v1;
	[tilespmem:v56+s0+$0x0] =	vst.idx.msk $0xffff, v57  }
0x4a1: {  	v56 =	vadd.s32 v62, v51;
	v57 =	vld.idx.msk [tilespmem:v61+s26+$0x0], $0xffff  }
0x4a2: {  	v63 =	vadd.s32 $0x154, v53;
	_ =	sdelay $0x3  }
0x4a3: {  	v60 =	vadd.s32 $0x94, v1;
	[tilespmem:v56+s0+$0x0] =	vst.idx.msk $0xffff, v57  }
0x4a4: {  	v56 =	vadd.s32 v60, v51;
	v57 =	vld.idx.msk [tilespmem:v63+s26+$0x0], $0xffff  }
0x4a5: {  	v61 =	vadd.s32 $0x254, v55;
	_ =	sdelay $0x3  }
0x4a6: {  	v62 =	vadd.s32 $0xD5, v1;
	[tilespmem:v56+s0+$0x0] =	vst.idx.msk $0xffff, v57  }
0x4a7: {  	v56 =	vadd.s32 v62, v51;
	v57 =	vld.idx.msk [tilespmem:v61+s26+$0x0], $0xffff  }
0x4a8: {  	v63 =	vor.u32 $0x15, v52;
	_ =	sdelay $0x3  }
0x4a9: {  	v60 =	vadd.s32 $0x15, v1;
	[tilespmem:v56+s0+$0x0] =	vst.idx.msk $0xffff, v57  }
0x4aa: {  	v56 =	vadd.s32 v60, v51;
	v57 =	vld.idx.msk [tilespmem:v63+s22+$0x0], $0xffff  }
0x4ab: {  	v61 =	vor.u32 $0x15, v54;
	_ =	sdelay $0x3  }
0x4ac: {  	v62 =	vadd.s32 $0x55, v1;
	[tilespmem:v56+s0+$0x0] =	vst.idx.msk $0xffff, v57  }
0x4ad: {  	v56 =	vadd.s32 v62, v51;
	v57 =	vld.idx.msk [tilespmem:v61+s26+$0x0], $0xffff  }
0x4ae: {  	v63 =	vadd.s32 $0x155, v53;
	_ =	sdelay $0x3  }
0x4af: {  	v60 =	vadd.s32 $0x95, v1;
	[tilespmem:v56+s0+$0x0] =	vst.idx.msk $0xffff, v57  }
0x4b0: {  	v56 =	vadd.s32 v60, v51;
	v57 =	vld.idx.msk [tilespmem:v63+s26+$0x0], $0xffff  }
0x4b1: {  	v61 =	vadd.s32 $0x255, v55;
	_ =	sdelay $0x3  }
0x4b2: {  	v62 =	vadd.s32 $0xD6, v1;
	[tilespmem:v56+s0+$0x0] =	vst.idx.msk $0xffff, v57  }
0x4b3: {  	v56 =	vadd.s32 v62, v51;
	v57 =	vld.idx.msk [tilespmem:v61+s26+$0x0], $0xffff  }
0x4b4: {  	v63 =	vor.u32 $0x16, v52;
	_ =	sdelay $0x3  }
0x4b5: {  	v60 =	vadd.s32 $0x16, v1;
	[tilespmem:v56+s0+$0x0] =	vst.idx.msk $0xffff, v57  }
0x4b6: {  	v56 =	vadd.s32 v60, v51;
	v57 =	vld.idx.msk [tilespmem:v63+s22+$0x0], $0xffff  }
0x4b7: {  	v61 =	vor.u32 $0x16, v54;
	_ =	sdelay $0x3  }
0x4b8: {  	v62 =	vadd.s32 $0x56, v1;
	[tilespmem:v56+s0+$0x0] =	vst.idx.msk $0xffff, v57  }
0x4b9: {  	v56 =	vadd.s32 v62, v51;
	v57 =	vld.idx.msk [tilespmem:v61+s26+$0x0], $0xffff  }
0x4ba: {  	v63 =	vadd.s32 $0x156, v53;
	_ =	sdelay $0x3  }
0x4bb: {  	v60 =	vadd.s32 $0x96, v1;
	[tilespmem:v56+s0+$0x0] =	vst.idx.msk $0xffff, v57  }
0x4bc: {  	v56 =	vadd.s32 v60, v51;
	v57 =	vld.idx.msk [tilespmem:v63+s26+$0x0], $0xffff  }
0x4bd: {  	v61 =	vadd.s32 $0x256, v55;
	_ =	sdelay $0x3  }
0x4be: {  	v62 =	vadd.s32 $0xD7, v1;
	[tilespmem:v56+s0+$0x0] =	vst.idx.msk $0xffff, v57  }
0x4bf: {  	v56 =	vadd.s32 v62, v51;
	v57 =	vld.idx.msk [tilespmem:v61+s26+$0x0], $0xffff  }
0x4c0: {  	v63 =	vor.u32 $0x17, v52;
	_ =	sdelay $0x3  }
0x4c1: {  	v60 =	vadd.s32 $0x17, v1;
	[tilespmem:v56+s0+$0x0] =	vst.idx.msk $0xffff, v57  }
0x4c2: {  	v56 =	vadd.s32 v60, v51;
	v57 =	vld.idx.msk [tilespmem:v63+s22+$0x0], $0xffff  }
0x4c3: {  	v61 =	vor.u32 $0x17, v54;
	_ =	sdelay $0x3  }
0x4c4: {  	v62 =	vadd.s32 $0x57, v1;
	[tilespmem:v56+s0+$0x0] =	vst.idx.msk $0xffff, v57  }
0x4c5: {  	v56 =	vadd.s32 v62, v51;
	v57 =	vld.idx.msk [tilespmem:v61+s26+$0x0], $0xffff  }
0x4c6: {  	v63 =	vadd.s32 $0x157, v53;
	_ =	sdelay $0x3  }
0x4c7: {  	v60 =	vadd.s32 $0x97, v1;
	[tilespmem:v56+s0+$0x0] =	vst.idx.msk $0xffff, v57  }
0x4c8: {  	v56 =	vadd.s32 v60, v51;
	v57 =	vld.idx.msk [tilespmem:v63+s26+$0x0], $0xffff  }
0x4c9: {  	v61 =	vadd.s32 $0x257, v55;
	_ =	sdelay $0x3  }
0x4ca: {  	v62 =	vadd.s32 $0xD8, v1;
	[tilespmem:v56+s0+$0x0] =	vst.idx.msk $0xffff, v57  }
0x4cb: {  	v56 =	vadd.s32 v62, v51;
	v57 =	vld.idx.msk [tilespmem:v61+s26+$0x0], $0xffff  }
0x4cc: {  	v63 =	vor.u32 $0x18, v52;
	_ =	sdelay $0x3  }
0x4cd: {  	v60 =	vadd.s32 $0x18, v1;
	[tilespmem:v56+s0+$0x0] =	vst.idx.msk $0xffff, v57  }
0x4ce: {  	v56 =	vadd.s32 v60, v51;
	v57 =	vld.idx.msk [tilespmem:v63+s22+$0x0], $0xffff  }
0x4cf: {  	v61 =	vor.u32 $0x18, v54;
	_ =	sdelay $0x3  }
0x4d0: {  	v62 =	vadd.s32 $0x58, v1;
	[tilespmem:v56+s0+$0x0] =	vst.idx.msk $0xffff, v57  }
0x4d1: {  	v56 =	vadd.s32 v62, v51;
	v57 =	vld.idx.msk [tilespmem:v61+s26+$0x0], $0xffff  }
0x4d2: {  	v63 =	vadd.s32 $0x158, v53;
	_ =	sdelay $0x3  }
0x4d3: {  	v60 =	vadd.s32 $0x98, v1;
	[tilespmem:v56+s0+$0x0] =	vst.idx.msk $0xffff, v57  }
0x4d4: {  	v56 =	vadd.s32 v60, v51;
	v57 =	vld.idx.msk [tilespmem:v63+s26+$0x0], $0xffff  }
0x4d5: {  	v61 =	vadd.s32 $0x258, v55;
	_ =	sdelay $0x3  }
0x4d6: {  	v62 =	vadd.s32 $0xD9, v1;
	[tilespmem:v56+s0+$0x0] =	vst.idx.msk $0xffff, v57  }
0x4d7: {  	v56 =	vadd.s32 v62, v51;
	v57 =	vld.idx.msk [tilespmem:v61+s26+$0x0], $0xffff  }
0x4d8: {  	v63 =	vor.u32 $0x19, v52;
	_ =	sdelay $0x3  }
0x4d9: {  	v60 =	vadd.s32 $0x19, v1;
	[tilespmem:v56+s0+$0x0] =	vst.idx.msk $0xffff, v57  }
0x4da: {  	v56 =	vadd.s32 v60, v51;
	v57 =	vld.idx.msk [tilespmem:v63+s22+$0x0], $0xffff  }
0x4db: {  	v61 =	vor.u32 $0x19, v54;
	_ =	sdelay $0x3  }
0x4dc: {  	v62 =	vadd.s32 $0x59, v1;
	[tilespmem:v56+s0+$0x0] =	vst.idx.msk $0xffff, v57  }
0x4dd: {  	v56 =	vadd.s32 v62, v51;
	v57 =	vld.idx.msk [tilespmem:v61+s26+$0x0], $0xffff  }
0x4de: {  	v63 =	vadd.s32 $0x159, v53;
	_ =	sdelay $0x3  }
0x4df: {  	v60 =	vadd.s32 $0x99, v1;
	[tilespmem:v56+s0+$0x0] =	vst.idx.msk $0xffff, v57  }
0x4e0: {  	v56 =	vadd.s32 v60, v51;
	v57 =	vld.idx.msk [tilespmem:v63+s26+$0x0], $0xffff  }
0x4e1: {  	v61 =	vadd.s32 $0x259, v55;
	_ =	sdelay $0x3  }
0x4e2: {  	v62 =	vadd.s32 $0xDA, v1;
	[tilespmem:v56+s0+$0x0] =	vst.idx.msk $0xffff, v57  }
0x4e3: {  	v56 =	vadd.s32 v62, v51;
	v57 =	vld.idx.msk [tilespmem:v61+s26+$0x0], $0xffff  }
0x4e4: {  	v63 =	vor.u32 $0x1A, v52;
	_ =	sdelay $0x3  }
0x4e5: {  	v60 =	vadd.s32 $0x1A, v1;
	[tilespmem:v56+s0+$0x0] =	vst.idx.msk $0xffff, v57  }
0x4e6: {  	v56 =	vadd.s32 v60, v51;
	v57 =	vld.idx.msk [tilespmem:v63+s22+$0x0], $0xffff  }
0x4e7: {  	v61 =	vor.u32 $0x1A, v54;
	_ =	sdelay $0x3  }
0x4e8: {  	v62 =	vadd.s32 $0x5A, v1;
	[tilespmem:v56+s0+$0x0] =	vst.idx.msk $0xffff, v57  }
0x4e9: {  	v56 =	vadd.s32 v62, v51;
	v57 =	vld.idx.msk [tilespmem:v61+s26+$0x0], $0xffff  }
0x4ea: {  	v63 =	vadd.s32 $0x15A, v53;
	_ =	sdelay $0x3  }
0x4eb: {  	v60 =	vadd.s32 $0x9A, v1;
	[tilespmem:v56+s0+$0x0] =	vst.idx.msk $0xffff, v57  }
0x4ec: {  	v56 =	vadd.s32 v60, v51;
	v57 =	vld.idx.msk [tilespmem:v63+s26+$0x0], $0xffff  }
0x4ed: {  	v61 =	vadd.s32 $0x25A, v55;
	_ =	sdelay $0x3  }
0x4ee: {  	v62 =	vadd.s32 $0xDB, v1;
	[tilespmem:v56+s0+$0x0] =	vst.idx.msk $0xffff, v57  }
0x4ef: {  	v56 =	vadd.s32 v62, v51;
	v57 =	vld.idx.msk [tilespmem:v61+s26+$0x0], $0xffff  }
0x4f0: {  	v63 =	vor.u32 $0x1B, v52;
	_ =	sdelay $0x3  }
0x4f1: {  	v60 =	vadd.s32 $0x1B, v1;
	[tilespmem:v56+s0+$0x0] =	vst.idx.msk $0xffff, v57  }
0x4f2: {  	v56 =	vadd.s32 v60, v51;
	v57 =	vld.idx.msk [tilespmem:v63+s22+$0x0], $0xffff  }
0x4f3: {  	v61 =	vor.u32 $0x1B, v54;
	_ =	sdelay $0x3  }
0x4f4: {  	v62 =	vadd.s32 $0x5B, v1;
	[tilespmem:v56+s0+$0x0] =	vst.idx.msk $0xffff, v57  }
0x4f5: {  	v56 =	vadd.s32 v62, v51;
	v57 =	vld.idx.msk [tilespmem:v61+s26+$0x0], $0xffff  }
0x4f6: {  	v63 =	vadd.s32 $0x15B, v53;
	_ =	sdelay $0x3  }
0x4f7: {  	v60 =	vadd.s32 $0x9B, v1;
	[tilespmem:v56+s0+$0x0] =	vst.idx.msk $0xffff, v57  }
0x4f8: {  	v56 =	vadd.s32 v60, v51;
	v57 =	vld.idx.msk [tilespmem:v63+s26+$0x0], $0xffff  }
0x4f9: {  	v61 =	vadd.s32 $0x25B, v55;
	_ =	sdelay $0x3  }
0x4fa: {  	v62 =	vadd.s32 $0xDC, v1;
	[tilespmem:v56+s0+$0x0] =	vst.idx.msk $0xffff, v57  }
0x4fb: {  	v56 =	vadd.s32 v62, v51;
	v57 =	vld.idx.msk [tilespmem:v61+s26+$0x0], $0xffff  }
0x4fc: {  	v63 =	vor.u32 $0x1C, v52;
	_ =	sdelay $0x3  }
0x4fd: {  	v60 =	vadd.s32 $0x1C, v1;
	[tilespmem:v56+s0+$0x0] =	vst.idx.msk $0xffff, v57  }
0x4fe: {  	v56 =	vadd.s32 v60, v51;
	v57 =	vld.idx.msk [tilespmem:v63+s22+$0x0], $0xffff  }
0x4ff: {  	v61 =	vor.u32 $0x1C, v54;
	_ =	sdelay $0x3  }
0x500: {  	v62 =	vadd.s32 $0x5C, v1;
	[tilespmem:v56+s0+$0x0] =	vst.idx.msk $0xffff, v57  }
0x501: {  	v56 =	vadd.s32 v62, v51;
	v57 =	vld.idx.msk [tilespmem:v61+s26+$0x0], $0xffff  }
0x502: {  	v63 =	vadd.s32 $0x15C, v53;
	_ =	sdelay $0x3  }
0x503: {  	v60 =	vadd.s32 $0x9C, v1;
	[tilespmem:v56+s0+$0x0] =	vst.idx.msk $0xffff, v57  }
0x504: {  	v56 =	vadd.s32 v60, v51;
	v57 =	vld.idx.msk [tilespmem:v63+s26+$0x0], $0xffff  }
0x505: {  	v61 =	vadd.s32 $0x25C, v55;
	_ =	sdelay $0x3  }
0x506: {  	v62 =	vadd.s32 $0xDD, v1;
	[tilespmem:v56+s0+$0x0] =	vst.idx.msk $0xffff, v57  }
0x507: {  	v56 =	vadd.s32 v62, v51;
	v57 =	vld.idx.msk [tilespmem:v61+s26+$0x0], $0xffff  }
0x508: {  	v63 =	vor.u32 $0x1D, v52;
	_ =	sdelay $0x3  }
0x509: {  	v60 =	vadd.s32 $0x1D, v1;
	[tilespmem:v56+s0+$0x0] =	vst.idx.msk $0xffff, v57  }
0x50a: {  	v56 =	vadd.s32 v60, v51;
	v57 =	vld.idx.msk [tilespmem:v63+s22+$0x0], $0xffff  }
0x50b: {  	v61 =	vor.u32 $0x1D, v54;
	_ =	sdelay $0x3  }
0x50c: {  	v62 =	vadd.s32 $0x5D, v1;
	[tilespmem:v56+s0+$0x0] =	vst.idx.msk $0xffff, v57  }
0x50d: {  	v56 =	vadd.s32 v62, v51;
	v57 =	vld.idx.msk [tilespmem:v61+s26+$0x0], $0xffff  }
0x50e: {  	v63 =	vadd.s32 $0x15D, v53;
	_ =	sdelay $0x3  }
0x50f: {  	v60 =	vadd.s32 $0x9D, v1;
	[tilespmem:v56+s0+$0x0] =	vst.idx.msk $0xffff, v57  }
0x510: {  	v56 =	vadd.s32 v60, v51;
	v57 =	vld.idx.msk [tilespmem:v63+s26+$0x0], $0xffff  }
0x511: {  	v61 =	vadd.s32 $0x25D, v55;
	_ =	sdelay $0x3  }
0x512: {  	v62 =	vadd.s32 $0xDE, v1;
	[tilespmem:v56+s0+$0x0] =	vst.idx.msk $0xffff, v57  }
0x513: {  	v56 =	vadd.s32 v62, v51;
	v57 =	vld.idx.msk [tilespmem:v61+s26+$0x0], $0xffff  }
0x514: {  	v63 =	vor.u32 $0x1E, v52;
	_ =	sdelay $0x3  }
0x515: {  	v60 =	vadd.s32 $0x1E, v1;
	[tilespmem:v56+s0+$0x0] =	vst.idx.msk $0xffff, v57  }
0x516: {  	v56 =	vadd.s32 v60, v51;
	v57 =	vld.idx.msk [tilespmem:v63+s22+$0x0], $0xffff  }
0x517: {  	v61 =	vor.u32 $0x1E, v54;
	_ =	sdelay $0x3  }
0x518: {  	v62 =	vadd.s32 $0x5E, v1;
	[tilespmem:v56+s0+$0x0] =	vst.idx.msk $0xffff, v57  }
0x519: {  	v56 =	vadd.s32 v62, v51;
	v57 =	vld.idx.msk [tilespmem:v61+s26+$0x0], $0xffff  }
0x51a: {  	v63 =	vadd.s32 $0x15E, v53;
	_ =	sdelay $0x3  }
0x51b: {  	v60 =	vadd.s32 $0x9E, v1;
	[tilespmem:v56+s0+$0x0] =	vst.idx.msk $0xffff, v57  }
0x51c: {  	v56 =	vadd.s32 v60, v51;
	v57 =	vld.idx.msk [tilespmem:v63+s26+$0x0], $0xffff  }
0x51d: {  	v61 =	vadd.s32 $0x25E, v55;
	_ =	sdelay $0x3  }
0x51e: {  	v62 =	vadd.s32 $0xDF, v1;
	[tilespmem:v56+s0+$0x0] =	vst.idx.msk $0xffff, v57  }
0x51f: {  	v56 =	vadd.s32 v62, v51;
	v57 =	vld.idx.msk [tilespmem:v61+s26+$0x0], $0xffff  }
0x520: {  	v63 =	vor.u32 $0x1F, v52;
	_ =	sdelay $0x3  }
0x521: {  	v60 =	vadd.s32 $0x1F, v1;
	[tilespmem:v56+s0+$0x0] =	vst.idx.msk $0xffff, v57  }
0x522: {  	v56 =	vadd.s32 v60, v51;
	v57 =	vld.idx.msk [tilespmem:v63+s22+$0x0], $0xffff  }
0x523: {  	v61 =	vor.u32 $0x1F, v54;
	_ =	sdelay $0x3  }
0x524: {  	v62 =	vadd.s32 $0x5F, v1;
	[tilespmem:v56+s0+$0x0] =	vst.idx.msk $0xffff, v57  }
0x525: {  	v56 =	vadd.s32 v62, v51;
	v57 =	vld.idx.msk [tilespmem:v61+s26+$0x0], $0xffff  }
0x526: {  	v63 =	vadd.s32 $0x15F, v53;
	_ =	sdelay $0x3  }
0x527: {  	v60 =	vadd.s32 $0x9F, v1;
	[tilespmem:v56+s0+$0x0] =	vst.idx.msk $0xffff, v57  }
0x528: {  	v56 =	vadd.s32 v60, v51;
	v57 =	vld.idx.msk [tilespmem:v63+s26+$0x0], $0xffff  }
0x529: {  	v61 =	vadd.s32 $0x25F, v55;
	_ =	sdelay $0x3  }
0x52a: {  	v62 =	vadd.s32 $0xE0, v1;
	[tilespmem:v56+s0+$0x0] =	vst.idx.msk $0xffff, v57  }
0x52b: {  	v56 =	vadd.s32 v62, v51;
	v57 =	vld.idx.msk [tilespmem:v61+s26+$0x0], $0xffff  }
0x52c: {  	v63 =	vor.u32 $0x20, v52;
	_ =	sdelay $0x3  }
0x52d: {  	v60 =	vadd.s32 $0x20, v1;
	[tilespmem:v56+s0+$0x0] =	vst.idx.msk $0xffff, v57  }
0x52e: {  	v56 =	vadd.s32 v60, v51;
	v57 =	vld.idx.msk [tilespmem:v63+s22+$0x0], $0xffff  }
0x52f: {  	v61 =	vor.u32 $0x20, v54;
	_ =	sdelay $0x3  }
0x530: {  	v62 =	vadd.s32 $0x60, v1;
	[tilespmem:v56+s0+$0x0] =	vst.idx.msk $0xffff, v57  }
0x531: {  	v56 =	vadd.s32 v62, v51;
	v57 =	vld.idx.msk [tilespmem:v61+s26+$0x0], $0xffff  }
0x532: {  	v63 =	vadd.s32 $0x160, v53;
	_ =	sdelay $0x3  }
0x533: {  	v60 =	vadd.s32 $0xA0, v1;
	[tilespmem:v56+s0+$0x0] =	vst.idx.msk $0xffff, v57  }
0x534: {  	v56 =	vadd.s32 v60, v51;
	v57 =	vld.idx.msk [tilespmem:v63+s26+$0x0], $0xffff  }
0x535: {  	v61 =	vadd.s32 $0x260, v55;
	_ =	sdelay $0x3  }
0x536: {  	v62 =	vadd.s32 $0xE1, v1;
	[tilespmem:v56+s0+$0x0] =	vst.idx.msk $0xffff, v57  }
0x537: {  	v56 =	vadd.s32 v62, v51;
	v57 =	vld.idx.msk [tilespmem:v61+s26+$0x0], $0xffff  }
0x538: {  	v63 =	vor.u32 $0x21, v52;
	_ =	sdelay $0x3  }
0x539: {  	v60 =	vadd.s32 $0x21, v1;
	[tilespmem:v56+s0+$0x0] =	vst.idx.msk $0xffff, v57  }
0x53a: {  	v56 =	vadd.s32 v60, v51;
	v57 =	vld.idx.msk [tilespmem:v63+s22+$0x0], $0xffff  }
0x53b: {  	v61 =	vor.u32 $0x21, v54;
	_ =	sdelay $0x3  }
0x53c: {  	v62 =	vadd.s32 $0x61, v1;
	[tilespmem:v56+s0+$0x0] =	vst.idx.msk $0xffff, v57  }
0x53d: {  	v56 =	vadd.s32 v62, v51;
	v57 =	vld.idx.msk [tilespmem:v61+s26+$0x0], $0xffff  }
0x53e: {  	v63 =	vadd.s32 $0x161, v53;
	_ =	sdelay $0x3  }
0x53f: {  	v60 =	vadd.s32 $0xA1, v1;
	[tilespmem:v56+s0+$0x0] =	vst.idx.msk $0xffff, v57  }
0x540: {  	v56 =	vadd.s32 v60, v51;
	v57 =	vld.idx.msk [tilespmem:v63+s26+$0x0], $0xffff  }
0x541: {  	v61 =	vadd.s32 $0x261, v55;
	_ =	sdelay $0x3  }
0x542: {  	v62 =	vadd.s32 $0xE2, v1;
	[tilespmem:v56+s0+$0x0] =	vst.idx.msk $0xffff, v57  }
0x543: {  	v56 =	vadd.s32 v62, v51;
	v57 =	vld.idx.msk [tilespmem:v61+s26+$0x0], $0xffff  }
0x544: {  	v63 =	vor.u32 $0x22, v52;
	_ =	sdelay $0x3  }
0x545: {  	v60 =	vadd.s32 $0x22, v1;
	[tilespmem:v56+s0+$0x0] =	vst.idx.msk $0xffff, v57  }
0x546: {  	v56 =	vadd.s32 v60, v51;
	v57 =	vld.idx.msk [tilespmem:v63+s22+$0x0], $0xffff  }
0x547: {  	v61 =	vor.u32 $0x22, v54;
	_ =	sdelay $0x3  }
0x548: {  	v62 =	vadd.s32 $0x62, v1;
	[tilespmem:v56+s0+$0x0] =	vst.idx.msk $0xffff, v57  }
0x549: {  	v56 =	vadd.s32 v62, v51;
	v57 =	vld.idx.msk [tilespmem:v61+s26+$0x0], $0xffff  }
0x54a: {  	v63 =	vadd.s32 $0x162, v53;
	_ =	sdelay $0x3  }
0x54b: {  	v60 =	vadd.s32 $0xA2, v1;
	[tilespmem:v56+s0+$0x0] =	vst.idx.msk $0xffff, v57  }
0x54c: {  	v56 =	vadd.s32 v60, v51;
	v57 =	vld.idx.msk [tilespmem:v63+s26+$0x0], $0xffff  }
0x54d: {  	v61 =	vadd.s32 $0x262, v55;
	_ =	sdelay $0x3  }
0x54e: {  	v62 =	vadd.s32 $0xE3, v1;
	[tilespmem:v56+s0+$0x0] =	vst.idx.msk $0xffff, v57  }
0x54f: {  	v56 =	vadd.s32 v62, v51;
	v57 =	vld.idx.msk [tilespmem:v61+s26+$0x0], $0xffff  }
0x550: {  	v63 =	vor.u32 $0x23, v52;
	_ =	sdelay $0x3  }
0x551: {  	v60 =	vadd.s32 $0x23, v1;
	[tilespmem:v56+s0+$0x0] =	vst.idx.msk $0xffff, v57  }
0x552: {  	v56 =	vadd.s32 v60, v51;
	v57 =	vld.idx.msk [tilespmem:v63+s22+$0x0], $0xffff  }
0x553: {  	v61 =	vor.u32 $0x23, v54;
	_ =	sdelay $0x3  }
0x554: {  	v62 =	vadd.s32 $0x63, v1;
	[tilespmem:v56+s0+$0x0] =	vst.idx.msk $0xffff, v57  }
0x555: {  	v56 =	vadd.s32 v62, v51;
	v57 =	vld.idx.msk [tilespmem:v61+s26+$0x0], $0xffff  }
0x556: {  	v63 =	vadd.s32 $0x163, v53;
	_ =	sdelay $0x3  }
0x557: {  	v60 =	vadd.s32 $0xA3, v1;
	[tilespmem:v56+s0+$0x0] =	vst.idx.msk $0xffff, v57  }
0x558: {  	v56 =	vadd.s32 v60, v51;
	v57 =	vld.idx.msk [tilespmem:v63+s26+$0x0], $0xffff  }
0x559: {  	v61 =	vadd.s32 $0x263, v55;
	_ =	sdelay $0x3  }
0x55a: {  	v62 =	vadd.s32 $0xE4, v1;
	[tilespmem:v56+s0+$0x0] =	vst.idx.msk $0xffff, v57  }
0x55b: {  	v56 =	vadd.s32 v62, v51;
	v57 =	vld.idx.msk [tilespmem:v61+s26+$0x0], $0xffff  }
0x55c: {  	v63 =	vor.u32 $0x24, v52;
	_ =	sdelay $0x3  }
0x55d: {  	v60 =	vadd.s32 $0x24, v1;
	[tilespmem:v56+s0+$0x0] =	vst.idx.msk $0xffff, v57  }
0x55e: {  	v56 =	vadd.s32 v60, v51;
	v57 =	vld.idx.msk [tilespmem:v63+s22+$0x0], $0xffff  }
0x55f: {  	v61 =	vor.u32 $0x24, v54;
	_ =	sdelay $0x3  }
0x560: {  	v62 =	vadd.s32 $0x64, v1;
	[tilespmem:v56+s0+$0x0] =	vst.idx.msk $0xffff, v57  }
0x561: {  	v56 =	vadd.s32 v62, v51;
	v57 =	vld.idx.msk [tilespmem:v61+s26+$0x0], $0xffff  }
0x562: {  	v63 =	vadd.s32 $0x164, v53;
	_ =	sdelay $0x3  }
0x563: {  	v60 =	vadd.s32 $0xA4, v1;
	[tilespmem:v56+s0+$0x0] =	vst.idx.msk $0xffff, v57  }
0x564: {  	v56 =	vadd.s32 v60, v51;
	v57 =	vld.idx.msk [tilespmem:v63+s26+$0x0], $0xffff  }
0x565: {  	v61 =	vadd.s32 $0x264, v55;
	_ =	sdelay $0x3  }
0x566: {  	v62 =	vadd.s32 $0xE5, v1;
	[tilespmem:v56+s0+$0x0] =	vst.idx.msk $0xffff, v57  }
0x567: {  	v56 =	vadd.s32 v62, v51;
	v57 =	vld.idx.msk [tilespmem:v61+s26+$0x0], $0xffff  }
0x568: {  	v63 =	vor.u32 $0x25, v52;
	_ =	sdelay $0x3  }
0x569: {  	v60 =	vadd.s32 $0x25, v1;
	[tilespmem:v56+s0+$0x0] =	vst.idx.msk $0xffff, v57  }
0x56a: {  	v56 =	vadd.s32 v60, v51;
	v57 =	vld.idx.msk [tilespmem:v63+s22+$0x0], $0xffff  }
0x56b: {  	v61 =	vor.u32 $0x25, v54;
	_ =	sdelay $0x3  }
0x56c: {  	v62 =	vadd.s32 $0x65, v1;
	[tilespmem:v56+s0+$0x0] =	vst.idx.msk $0xffff, v57  }
0x56d: {  	v56 =	vadd.s32 v62, v51;
	v57 =	vld.idx.msk [tilespmem:v61+s26+$0x0], $0xffff  }
0x56e: {  	v63 =	vadd.s32 $0x165, v53;
	_ =	sdelay $0x3  }
0x56f: {  	v60 =	vadd.s32 $0xA5, v1;
	[tilespmem:v56+s0+$0x0] =	vst.idx.msk $0xffff, v57  }
0x570: {  	v56 =	vadd.s32 v60, v51;
	v57 =	vld.idx.msk [tilespmem:v63+s26+$0x0], $0xffff  }
0x571: {  	v61 =	vadd.s32 $0x265, v55;
	_ =	sdelay $0x3  }
0x572: {  	v62 =	vadd.s32 $0xE6, v1;
	[tilespmem:v56+s0+$0x0] =	vst.idx.msk $0xffff, v57  }
0x573: {  	v56 =	vadd.s32 v62, v51;
	v57 =	vld.idx.msk [tilespmem:v61+s26+$0x0], $0xffff  }
0x574: {  	v63 =	vor.u32 $0x26, v52;
	_ =	sdelay $0x3  }
0x575: {  	v60 =	vadd.s32 $0x26, v1;
	[tilespmem:v56+s0+$0x0] =	vst.idx.msk $0xffff, v57  }
0x576: {  	v56 =	vadd.s32 v60, v51;
	v57 =	vld.idx.msk [tilespmem:v63+s22+$0x0], $0xffff  }
0x577: {  	v61 =	vor.u32 $0x26, v54;
	_ =	sdelay $0x3  }
0x578: {  	v62 =	vadd.s32 $0x66, v1;
	[tilespmem:v56+s0+$0x0] =	vst.idx.msk $0xffff, v57  }
0x579: {  	v56 =	vadd.s32 v62, v51;
	v57 =	vld.idx.msk [tilespmem:v61+s26+$0x0], $0xffff  }
0x57a: {  	v63 =	vadd.s32 $0x166, v53;
	_ =	sdelay $0x3  }
0x57b: {  	v60 =	vadd.s32 $0xA6, v1;
	[tilespmem:v56+s0+$0x0] =	vst.idx.msk $0xffff, v57  }
0x57c: {  	v56 =	vadd.s32 v60, v51;
	v57 =	vld.idx.msk [tilespmem:v63+s26+$0x0], $0xffff  }
0x57d: {  	v61 =	vadd.s32 $0x266, v55;
	_ =	sdelay $0x3  }
0x57e: {  	v62 =	vadd.s32 $0xE7, v1;
	[tilespmem:v56+s0+$0x0] =	vst.idx.msk $0xffff, v57  }
0x57f: {  	v56 =	vadd.s32 v62, v51;
	v57 =	vld.idx.msk [tilespmem:v61+s26+$0x0], $0xffff  }
0x580: {  	v63 =	vor.u32 $0x27, v52;
	_ =	sdelay $0x3  }
0x581: {  	v60 =	vadd.s32 $0x27, v1;
	[tilespmem:v56+s0+$0x0] =	vst.idx.msk $0xffff, v57  }
0x582: {  	v56 =	vadd.s32 v60, v51;
	v57 =	vld.idx.msk [tilespmem:v63+s22+$0x0], $0xffff  }
0x583: {  	v61 =	vor.u32 $0x27, v54;
	_ =	sdelay $0x3  }
0x584: {  	v62 =	vadd.s32 $0x67, v1;
	[tilespmem:v56+s0+$0x0] =	vst.idx.msk $0xffff, v57  }
0x585: {  	v56 =	vadd.s32 v62, v51;
	v57 =	vld.idx.msk [tilespmem:v61+s26+$0x0], $0xffff  }
0x586: {  	v63 =	vadd.s32 $0x167, v53;
	_ =	sdelay $0x3  }
0x587: {  	v60 =	vadd.s32 $0xA7, v1;
	[tilespmem:v56+s0+$0x0] =	vst.idx.msk $0xffff, v57  }
0x588: {  	v56 =	vadd.s32 v60, v51;
	v57 =	vld.idx.msk [tilespmem:v63+s26+$0x0], $0xffff  }
0x589: {  	v61 =	vadd.s32 $0x267, v55;
	_ =	sdelay $0x3  }
0x58a: {  	v62 =	vadd.s32 $0xE8, v1;
	[tilespmem:v56+s0+$0x0] =	vst.idx.msk $0xffff, v57  }
0x58b: {  	v56 =	vadd.s32 v62, v51;
	v57 =	vld.idx.msk [tilespmem:v61+s26+$0x0], $0xffff  }
0x58c: {  	v63 =	vor.u32 $0x28, v52;
	_ =	sdelay $0x3  }
0x58d: {  	v60 =	vadd.s32 $0x28, v1;
	[tilespmem:v56+s0+$0x0] =	vst.idx.msk $0xffff, v57  }
0x58e: {  	v56 =	vadd.s32 v60, v51;
	v57 =	vld.idx.msk [tilespmem:v63+s22+$0x0], $0xffff  }
0x58f: {  	v61 =	vor.u32 $0x28, v54;
	_ =	sdelay $0x3  }
0x590: {  	v62 =	vadd.s32 $0x68, v1;
	[tilespmem:v56+s0+$0x0] =	vst.idx.msk $0xffff, v57  }
0x591: {  	v56 =	vadd.s32 v62, v51;
	v57 =	vld.idx.msk [tilespmem:v61+s26+$0x0], $0xffff  }
0x592: {  	v63 =	vadd.s32 $0x168, v53;
	_ =	sdelay $0x3  }
0x593: {  	v60 =	vadd.s32 $0xA8, v1;
	[tilespmem:v56+s0+$0x0] =	vst.idx.msk $0xffff, v57  }
0x594: {  	v56 =	vadd.s32 v60, v51;
	v57 =	vld.idx.msk [tilespmem:v63+s26+$0x0], $0xffff  }
0x595: {  	v61 =	vadd.s32 $0x268, v55;
	_ =	sdelay $0x3  }
0x596: {  	v62 =	vadd.s32 $0xE9, v1;
	[tilespmem:v56+s0+$0x0] =	vst.idx.msk $0xffff, v57  }
0x597: {  	v56 =	vadd.s32 v62, v51;
	v57 =	vld.idx.msk [tilespmem:v61+s26+$0x0], $0xffff  }
0x598: {  	v63 =	vor.u32 $0x29, v52;
	_ =	sdelay $0x3  }
0x599: {  	v60 =	vadd.s32 $0x29, v1;
	[tilespmem:v56+s0+$0x0] =	vst.idx.msk $0xffff, v57  }
0x59a: {  	v56 =	vadd.s32 v60, v51;
	v57 =	vld.idx.msk [tilespmem:v63+s22+$0x0], $0xffff  }
0x59b: {  	v61 =	vor.u32 $0x29, v54;
	_ =	sdelay $0x3  }
0x59c: {  	v62 =	vadd.s32 $0x69, v1;
	[tilespmem:v56+s0+$0x0] =	vst.idx.msk $0xffff, v57  }
0x59d: {  	v56 =	vadd.s32 v62, v51;
	v57 =	vld.idx.msk [tilespmem:v61+s26+$0x0], $0xffff  }
0x59e: {  	v63 =	vadd.s32 $0x169, v53;
	_ =	sdelay $0x3  }
0x59f: {  	v60 =	vadd.s32 $0xA9, v1;
	[tilespmem:v56+s0+$0x0] =	vst.idx.msk $0xffff, v57  }
0x5a0: {  	v56 =	vadd.s32 v60, v51;
	v57 =	vld.idx.msk [tilespmem:v63+s26+$0x0], $0xffff  }
0x5a1: {  	v61 =	vadd.s32 $0x269, v55;
	_ =	sdelay $0x3  }
0x5a2: {  	v62 =	vadd.s32 $0xEA, v1;
	[tilespmem:v56+s0+$0x0] =	vst.idx.msk $0xffff, v57  }
0x5a3: {  	v56 =	vadd.s32 v62, v51;
	v57 =	vld.idx.msk [tilespmem:v61+s26+$0x0], $0xffff  }
0x5a4: {  	v63 =	vor.u32 $0x2A, v52;
	_ =	sdelay $0x3  }
0x5a5: {  	v60 =	vadd.s32 $0x2A, v1;
	[tilespmem:v56+s0+$0x0] =	vst.idx.msk $0xffff, v57  }
0x5a6: {  	v56 =	vadd.s32 v60, v51;
	v57 =	vld.idx.msk [tilespmem:v63+s22+$0x0], $0xffff  }
0x5a7: {  	v61 =	vor.u32 $0x2A, v54;
	_ =	sdelay $0x3  }
0x5a8: {  	v62 =	vadd.s32 $0x6A, v1;
	[tilespmem:v56+s0+$0x0] =	vst.idx.msk $0xffff, v57  }
0x5a9: {  	v56 =	vadd.s32 v62, v51;
	v57 =	vld.idx.msk [tilespmem:v61+s26+$0x0], $0xffff  }
0x5aa: {  	v63 =	vadd.s32 $0x16A, v53;
	_ =	sdelay $0x3  }
0x5ab: {  	v60 =	vadd.s32 $0xAA, v1;
	[tilespmem:v56+s0+$0x0] =	vst.idx.msk $0xffff, v57  }
0x5ac: {  	v56 =	vadd.s32 v60, v51;
	v57 =	vld.idx.msk [tilespmem:v63+s26+$0x0], $0xffff  }
0x5ad: {  	v61 =	vadd.s32 $0x26A, v55;
	_ =	sdelay $0x3  }
0x5ae: {  	v62 =	vadd.s32 $0xEB, v1;
	[tilespmem:v56+s0+$0x0] =	vst.idx.msk $0xffff, v57  }
0x5af: {  	v56 =	vadd.s32 v62, v51;
	v57 =	vld.idx.msk [tilespmem:v61+s26+$0x0], $0xffff  }
0x5b0: {  	v63 =	vor.u32 $0x2B, v52;
	_ =	sdelay $0x3  }
0x5b1: {  	v60 =	vadd.s32 $0x2B, v1;
	[tilespmem:v56+s0+$0x0] =	vst.idx.msk $0xffff, v57  }
0x5b2: {  	v56 =	vadd.s32 v60, v51;
	v57 =	vld.idx.msk [tilespmem:v63+s22+$0x0], $0xffff  }
0x5b3: {  	v61 =	vor.u32 $0x2B, v54;
	_ =	sdelay $0x3  }
0x5b4: {  	v62 =	vadd.s32 $0x6B, v1;
	[tilespmem:v56+s0+$0x0] =	vst.idx.msk $0xffff, v57  }
0x5b5: {  	v56 =	vadd.s32 v62, v51;
	v57 =	vld.idx.msk [tilespmem:v61+s26+$0x0], $0xffff  }
0x5b6: {  	v63 =	vadd.s32 $0x16B, v53;
	_ =	sdelay $0x3  }
0x5b7: {  	v60 =	vadd.s32 $0xAB, v1;
	[tilespmem:v56+s0+$0x0] =	vst.idx.msk $0xffff, v57  }
0x5b8: {  	v56 =	vadd.s32 v60, v51;
	v57 =	vld.idx.msk [tilespmem:v63+s26+$0x0], $0xffff  }
0x5b9: {  	v61 =	vadd.s32 $0x26B, v55;
	_ =	sdelay $0x3  }
0x5ba: {  	v62 =	vadd.s32 $0xEC, v1;
	[tilespmem:v56+s0+$0x0] =	vst.idx.msk $0xffff, v57  }
0x5bb: {  	v56 =	vadd.s32 v62, v51;
	v57 =	vld.idx.msk [tilespmem:v61+s26+$0x0], $0xffff  }
0x5bc: {  	v63 =	vor.u32 $0x2C, v52;
	_ =	sdelay $0x3  }
0x5bd: {  	v60 =	vadd.s32 $0x2C, v1;
	[tilespmem:v56+s0+$0x0] =	vst.idx.msk $0xffff, v57  }
0x5be: {  	v56 =	vadd.s32 v60, v51;
	v57 =	vld.idx.msk [tilespmem:v63+s22+$0x0], $0xffff  }
0x5bf: {  	v61 =	vor.u32 $0x2C, v54;
	_ =	sdelay $0x3  }
0x5c0: {  	v62 =	vadd.s32 $0x6C, v1;
	[tilespmem:v56+s0+$0x0] =	vst.idx.msk $0xffff, v57  }
0x5c1: {  	v56 =	vadd.s32 v62, v51;
	v57 =	vld.idx.msk [tilespmem:v61+s26+$0x0], $0xffff  }
0x5c2: {  	v63 =	vadd.s32 $0x16C, v53;
	_ =	sdelay $0x3  }
0x5c3: {  	v60 =	vadd.s32 $0xAC, v1;
	[tilespmem:v56+s0+$0x0] =	vst.idx.msk $0xffff, v57  }
0x5c4: {  	v56 =	vadd.s32 v60, v51;
	v57 =	vld.idx.msk [tilespmem:v63+s26+$0x0], $0xffff  }
0x5c5: {  	v61 =	vadd.s32 $0x26C, v55;
	_ =	sdelay $0x3  }
0x5c6: {  	v62 =	vadd.s32 $0xED, v1;
	[tilespmem:v56+s0+$0x0] =	vst.idx.msk $0xffff, v57  }
0x5c7: {  	v56 =	vadd.s32 v62, v51;
	v57 =	vld.idx.msk [tilespmem:v61+s26+$0x0], $0xffff  }
0x5c8: {  	v63 =	vor.u32 $0x2D, v52;
	_ =	sdelay $0x3  }
0x5c9: {  	v60 =	vadd.s32 $0x2D, v1;
	[tilespmem:v56+s0+$0x0] =	vst.idx.msk $0xffff, v57  }
0x5ca: {  	v56 =	vadd.s32 v60, v51;
	v57 =	vld.idx.msk [tilespmem:v63+s22+$0x0], $0xffff  }
0x5cb: {  	v61 =	vor.u32 $0x2D, v54;
	_ =	sdelay $0x3  }
0x5cc: {  	v62 =	vadd.s32 $0x6D, v1;
	[tilespmem:v56+s0+$0x0] =	vst.idx.msk $0xffff, v57  }
0x5cd: {  	v56 =	vadd.s32 v62, v51;
	v57 =	vld.idx.msk [tilespmem:v61+s26+$0x0], $0xffff  }
0x5ce: {  	v63 =	vadd.s32 $0x16D, v53;
	_ =	sdelay $0x3  }
0x5cf: {  	v60 =	vadd.s32 $0xAD, v1;
	[tilespmem:v56+s0+$0x0] =	vst.idx.msk $0xffff, v57  }
0x5d0: {  	v56 =	vadd.s32 v60, v51;
	v57 =	vld.idx.msk [tilespmem:v63+s26+$0x0], $0xffff  }
0x5d1: {  	v61 =	vadd.s32 $0x26D, v55;
	_ =	sdelay $0x3  }
0x5d2: {  	v62 =	vadd.s32 $0xEE, v1;
	[tilespmem:v56+s0+$0x0] =	vst.idx.msk $0xffff, v57  }
0x5d3: {  	v56 =	vadd.s32 v62, v51;
	v57 =	vld.idx.msk [tilespmem:v61+s26+$0x0], $0xffff  }
0x5d4: {  	v63 =	vor.u32 $0x2E, v52;
	_ =	sdelay $0x3  }
0x5d5: {  	v60 =	vadd.s32 $0x2E, v1;
	[tilespmem:v56+s0+$0x0] =	vst.idx.msk $0xffff, v57  }
0x5d6: {  	v56 =	vadd.s32 v60, v51;
	v57 =	vld.idx.msk [tilespmem:v63+s22+$0x0], $0xffff  }
0x5d7: {  	v61 =	vor.u32 $0x2E, v54;
	_ =	sdelay $0x3  }
0x5d8: {  	v62 =	vadd.s32 $0x6E, v1;
	[tilespmem:v56+s0+$0x0] =	vst.idx.msk $0xffff, v57  }
0x5d9: {  	v56 =	vadd.s32 v62, v51;
	v57 =	vld.idx.msk [tilespmem:v61+s26+$0x0], $0xffff  }
0x5da: {  	v63 =	vadd.s32 $0x16E, v53;
	_ =	sdelay $0x3  }
0x5db: {  	v60 =	vadd.s32 $0xAE, v1;
	[tilespmem:v56+s0+$0x0] =	vst.idx.msk $0xffff, v57  }
0x5dc: {  	v56 =	vadd.s32 v60, v51;
	v57 =	vld.idx.msk [tilespmem:v63+s26+$0x0], $0xffff  }
0x5dd: {  	v61 =	vadd.s32 $0x26E, v55;
	_ =	sdelay $0x3  }
0x5de: {  	v62 =	vadd.s32 $0xEF, v1;
	[tilespmem:v56+s0+$0x0] =	vst.idx.msk $0xffff, v57  }
0x5df: {  	v56 =	vadd.s32 v62, v51;
	v57 =	vld.idx.msk [tilespmem:v61+s26+$0x0], $0xffff  }
0x5e0: {  	v63 =	vor.u32 $0x2F, v52;
	_ =	sdelay $0x3  }
0x5e1: {  	v60 =	vadd.s32 $0x2F, v1;
	[tilespmem:v56+s0+$0x0] =	vst.idx.msk $0xffff, v57  }
0x5e2: {  	v56 =	vadd.s32 v60, v51;
	v57 =	vld.idx.msk [tilespmem:v63+s22+$0x0], $0xffff  }
0x5e3: {  	v61 =	vor.u32 $0x2F, v54;
	_ =	sdelay $0x3  }
0x5e4: {  	v62 =	vadd.s32 $0x6F, v1;
	[tilespmem:v56+s0+$0x0] =	vst.idx.msk $0xffff, v57  }
0x5e5: {  	v56 =	vadd.s32 v62, v51;
	v57 =	vld.idx.msk [tilespmem:v61+s26+$0x0], $0xffff  }
0x5e6: {  	v63 =	vadd.s32 $0x16F, v53;
	_ =	sdelay $0x3  }
0x5e7: {  	v60 =	vadd.s32 $0xAF, v1;
	[tilespmem:v56+s0+$0x0] =	vst.idx.msk $0xffff, v57  }
0x5e8: {  	v56 =	vadd.s32 v60, v51;
	v57 =	vld.idx.msk [tilespmem:v63+s26+$0x0], $0xffff  }
0x5e9: {  	v61 =	vadd.s32 $0x26F, v55;
	_ =	sdelay $0x3  }
0x5ea: {  	v62 =	vadd.s32 $0xF0, v1;
	[tilespmem:v56+s0+$0x0] =	vst.idx.msk $0xffff, v57  }
0x5eb: {  	v56 =	vadd.s32 v62, v51;
	v57 =	vld.idx.msk [tilespmem:v61+s26+$0x0], $0xffff  }
0x5ec: {  	v63 =	vor.u32 $0x30, v52;
	_ =	sdelay $0x3  }
0x5ed: {  	v60 =	vadd.s32 $0x30, v1;
	[tilespmem:v56+s0+$0x0] =	vst.idx.msk $0xffff, v57  }
0x5ee: {  	v56 =	vadd.s32 v60, v51;
	v57 =	vld.idx.msk [tilespmem:v63+s22+$0x0], $0xffff  }
0x5ef: {  	v61 =	vor.u32 $0x30, v54;
	_ =	sdelay $0x3  }
0x5f0: {  	v62 =	vadd.s32 $0x70, v1;
	[tilespmem:v56+s0+$0x0] =	vst.idx.msk $0xffff, v57  }
0x5f1: {  	v56 =	vadd.s32 v62, v51;
	v57 =	vld.idx.msk [tilespmem:v61+s26+$0x0], $0xffff  }
0x5f2: {  	v63 =	vadd.s32 $0x170, v53;
	_ =	sdelay $0x3  }
0x5f3: {  	v60 =	vadd.s32 $0xB0, v1;
	[tilespmem:v56+s0+$0x0] =	vst.idx.msk $0xffff, v57  }
0x5f4: {  	v56 =	vadd.s32 v60, v51;
	v57 =	vld.idx.msk [tilespmem:v63+s26+$0x0], $0xffff  }
0x5f5: {  	v61 =	vadd.s32 $0x270, v55;
	_ =	sdelay $0x3  }
0x5f6: {  	v62 =	vadd.s32 $0xF1, v1;
	[tilespmem:v56+s0+$0x0] =	vst.idx.msk $0xffff, v57  }
0x5f7: {  	v56 =	vadd.s32 v62, v51;
	v57 =	vld.idx.msk [tilespmem:v61+s26+$0x0], $0xffff  }
0x5f8: {  	v63 =	vor.u32 $0x31, v52;
	_ =	sdelay $0x3  }
0x5f9: {  	v60 =	vadd.s32 $0x31, v1;
	[tilespmem:v56+s0+$0x0] =	vst.idx.msk $0xffff, v57  }
0x5fa: {  	v56 =	vadd.s32 v60, v51;
	v57 =	vld.idx.msk [tilespmem:v63+s22+$0x0], $0xffff  }
0x5fb: {  	v61 =	vor.u32 $0x31, v54;
	_ =	sdelay $0x3  }
0x5fc: {  	v62 =	vadd.s32 $0x71, v1;
	[tilespmem:v56+s0+$0x0] =	vst.idx.msk $0xffff, v57  }
0x5fd: {  	v56 =	vadd.s32 v62, v51;
	v57 =	vld.idx.msk [tilespmem:v61+s26+$0x0], $0xffff  }
0x5fe: {  	v63 =	vadd.s32 $0x171, v53;
	_ =	sdelay $0x3  }
0x5ff: {  	v60 =	vadd.s32 $0xB1, v1;
	[tilespmem:v56+s0+$0x0] =	vst.idx.msk $0xffff, v57  }
0x600: {  	v56 =	vadd.s32 v60, v51;
	v57 =	vld.idx.msk [tilespmem:v63+s26+$0x0], $0xffff  }
0x601: {  	v61 =	vadd.s32 $0x271, v55;
	_ =	sdelay $0x3  }
0x602: {  	v62 =	vadd.s32 $0xF2, v1;
	[tilespmem:v56+s0+$0x0] =	vst.idx.msk $0xffff, v57  }
0x603: {  	v56 =	vadd.s32 v62, v51;
	v57 =	vld.idx.msk [tilespmem:v61+s26+$0x0], $0xffff  }
0x604: {  	v63 =	vor.u32 $0x32, v52;
	_ =	sdelay $0x3  }
0x605: {  	v60 =	vadd.s32 $0x32, v1;
	[tilespmem:v56+s0+$0x0] =	vst.idx.msk $0xffff, v57  }
0x606: {  	v56 =	vadd.s32 v60, v51;
	v57 =	vld.idx.msk [tilespmem:v63+s22+$0x0], $0xffff  }
0x607: {  	v61 =	vor.u32 $0x32, v54;
	_ =	sdelay $0x3  }
0x608: {  	v62 =	vadd.s32 $0x72, v1;
	[tilespmem:v56+s0+$0x0] =	vst.idx.msk $0xffff, v57  }
0x609: {  	v56 =	vadd.s32 v62, v51;
	v57 =	vld.idx.msk [tilespmem:v61+s26+$0x0], $0xffff  }
0x60a: {  	v63 =	vadd.s32 $0x172, v53;
	_ =	sdelay $0x3  }
0x60b: {  	v60 =	vadd.s32 $0xB2, v1;
	[tilespmem:v56+s0+$0x0] =	vst.idx.msk $0xffff, v57  }
0x60c: {  	v56 =	vadd.s32 v60, v51;
	v57 =	vld.idx.msk [tilespmem:v63+s26+$0x0], $0xffff  }
0x60d: {  	v61 =	vadd.s32 $0x272, v55;
	_ =	sdelay $0x3  }
0x60e: {  	v62 =	vadd.s32 $0xF3, v1;
	[tilespmem:v56+s0+$0x0] =	vst.idx.msk $0xffff, v57  }
0x60f: {  	v56 =	vadd.s32 v62, v51;
	v57 =	vld.idx.msk [tilespmem:v61+s26+$0x0], $0xffff  }
0x610: {  	v63 =	vor.u32 $0x33, v52;
	_ =	sdelay $0x3  }
0x611: {  	v60 =	vadd.s32 $0x33, v1;
	[tilespmem:v56+s0+$0x0] =	vst.idx.msk $0xffff, v57  }
0x612: {  	v56 =	vadd.s32 v60, v51;
	v57 =	vld.idx.msk [tilespmem:v63+s22+$0x0], $0xffff  }
0x613: {  	v61 =	vor.u32 $0x33, v54;
	_ =	sdelay $0x3  }
0x614: {  	v62 =	vadd.s32 $0x73, v1;
	[tilespmem:v56+s0+$0x0] =	vst.idx.msk $0xffff, v57  }
0x615: {  	v56 =	vadd.s32 v62, v51;
	v57 =	vld.idx.msk [tilespmem:v61+s26+$0x0], $0xffff  }
0x616: {  	v63 =	vadd.s32 $0x173, v53;
	_ =	sdelay $0x3  }
0x617: {  	v60 =	vadd.s32 $0xB3, v1;
	[tilespmem:v56+s0+$0x0] =	vst.idx.msk $0xffff, v57  }
0x618: {  	v56 =	vadd.s32 v60, v51;
	v57 =	vld.idx.msk [tilespmem:v63+s26+$0x0], $0xffff  }
0x619: {  	v61 =	vadd.s32 $0x273, v55;
	_ =	sdelay $0x3  }
0x61a: {  	v62 =	vadd.s32 $0xF4, v1;
	[tilespmem:v56+s0+$0x0] =	vst.idx.msk $0xffff, v57  }
0x61b: {  	v56 =	vadd.s32 v62, v51;
	v57 =	vld.idx.msk [tilespmem:v61+s26+$0x0], $0xffff  }
0x61c: {  	v63 =	vor.u32 $0x34, v52;
	_ =	sdelay $0x3  }
0x61d: {  	v60 =	vadd.s32 $0x34, v1;
	[tilespmem:v56+s0+$0x0] =	vst.idx.msk $0xffff, v57  }
0x61e: {  	v56 =	vadd.s32 v60, v51;
	v57 =	vld.idx.msk [tilespmem:v63+s22+$0x0], $0xffff  }
0x61f: {  	v61 =	vor.u32 $0x34, v54;
	_ =	sdelay $0x3  }
0x620: {  	v62 =	vadd.s32 $0x74, v1;
	[tilespmem:v56+s0+$0x0] =	vst.idx.msk $0xffff, v57  }
0x621: {  	v56 =	vadd.s32 v62, v51;
	v57 =	vld.idx.msk [tilespmem:v61+s26+$0x0], $0xffff  }
0x622: {  	v63 =	vadd.s32 $0x174, v53;
	_ =	sdelay $0x3  }
0x623: {  	v60 =	vadd.s32 $0xB4, v1;
	[tilespmem:v56+s0+$0x0] =	vst.idx.msk $0xffff, v57  }
0x624: {  	v56 =	vadd.s32 v60, v51;
	v57 =	vld.idx.msk [tilespmem:v63+s26+$0x0], $0xffff  }
0x625: {  	v61 =	vadd.s32 $0x274, v55;
	_ =	sdelay $0x3  }
0x626: {  	v62 =	vadd.s32 $0xF5, v1;
	[tilespmem:v56+s0+$0x0] =	vst.idx.msk $0xffff, v57  }
0x627: {  	v56 =	vadd.s32 v62, v51;
	v57 =	vld.idx.msk [tilespmem:v61+s26+$0x0], $0xffff  }
0x628: {  	v63 =	vor.u32 $0x35, v52;
	_ =	sdelay $0x3  }
0x629: {  	v60 =	vadd.s32 $0x35, v1;
	[tilespmem:v56+s0+$0x0] =	vst.idx.msk $0xffff, v57  }
0x62a: {  	v56 =	vadd.s32 v60, v51;
	v57 =	vld.idx.msk [tilespmem:v63+s22+$0x0], $0xffff  }
0x62b: {  	v61 =	vor.u32 $0x35, v54;
	_ =	sdelay $0x3  }
0x62c: {  	v62 =	vadd.s32 $0x75, v1;
	[tilespmem:v56+s0+$0x0] =	vst.idx.msk $0xffff, v57  }
0x62d: {  	v56 =	vadd.s32 v62, v51;
	v57 =	vld.idx.msk [tilespmem:v61+s26+$0x0], $0xffff  }
0x62e: {  	v63 =	vadd.s32 $0x175, v53;
	_ =	sdelay $0x3  }
0x62f: {  	v60 =	vadd.s32 $0xB5, v1;
	[tilespmem:v56+s0+$0x0] =	vst.idx.msk $0xffff, v57  }
0x630: {  	v56 =	vadd.s32 v60, v51;
	v57 =	vld.idx.msk [tilespmem:v63+s26+$0x0], $0xffff  }
0x631: {  	v61 =	vadd.s32 $0x275, v55;
	_ =	sdelay $0x3  }
0x632: {  	v62 =	vadd.s32 $0xF6, v1;
	[tilespmem:v56+s0+$0x0] =	vst.idx.msk $0xffff, v57  }
0x633: {  	v56 =	vadd.s32 v62, v51;
	v57 =	vld.idx.msk [tilespmem:v61+s26+$0x0], $0xffff  }
0x634: {  	v63 =	vor.u32 $0x36, v52;
	_ =	sdelay $0x3  }
0x635: {  	v60 =	vadd.s32 $0x36, v1;
	[tilespmem:v56+s0+$0x0] =	vst.idx.msk $0xffff, v57  }
0x636: {  	v56 =	vadd.s32 v60, v51;
	v57 =	vld.idx.msk [tilespmem:v63+s22+$0x0], $0xffff  }
0x637: {  	v61 =	vor.u32 $0x36, v54;
	_ =	sdelay $0x3  }
0x638: {  	v62 =	vadd.s32 $0x76, v1;
	[tilespmem:v56+s0+$0x0] =	vst.idx.msk $0xffff, v57  }
0x639: {  	v56 =	vadd.s32 v62, v51;
	v57 =	vld.idx.msk [tilespmem:v61+s26+$0x0], $0xffff  }
0x63a: {  	v63 =	vadd.s32 $0x176, v53;
	_ =	sdelay $0x3  }
0x63b: {  	v60 =	vadd.s32 $0xB6, v1;
	[tilespmem:v56+s0+$0x0] =	vst.idx.msk $0xffff, v57  }
0x63c: {  	v56 =	vadd.s32 v60, v51;
	v57 =	vld.idx.msk [tilespmem:v63+s26+$0x0], $0xffff  }
0x63d: {  	v61 =	vadd.s32 $0x276, v55;
	_ =	sdelay $0x3  }
0x63e: {  	v62 =	vadd.s32 $0xF7, v1;
	[tilespmem:v56+s0+$0x0] =	vst.idx.msk $0xffff, v57  }
0x63f: {  	v56 =	vadd.s32 v62, v51;
	v57 =	vld.idx.msk [tilespmem:v61+s26+$0x0], $0xffff  }
0x640: {  	v63 =	vor.u32 $0x37, v52;
	_ =	sdelay $0x3  }
0x641: {  	v60 =	vadd.s32 $0x37, v1;
	[tilespmem:v56+s0+$0x0] =	vst.idx.msk $0xffff, v57  }
0x642: {  	v56 =	vadd.s32 v60, v51;
	v57 =	vld.idx.msk [tilespmem:v63+s22+$0x0], $0xffff  }
0x643: {  	v61 =	vor.u32 $0x37, v54;
	_ =	sdelay $0x3  }
0x644: {  	v62 =	vadd.s32 $0x77, v1;
	[tilespmem:v56+s0+$0x0] =	vst.idx.msk $0xffff, v57  }
0x645: {  	v56 =	vadd.s32 v62, v51;
	v57 =	vld.idx.msk [tilespmem:v61+s26+$0x0], $0xffff  }
0x646: {  	v63 =	vadd.s32 $0x177, v53;
	_ =	sdelay $0x3  }
0x647: {  	v60 =	vadd.s32 $0xB7, v1;
	[tilespmem:v56+s0+$0x0] =	vst.idx.msk $0xffff, v57  }
0x648: {  	v56 =	vadd.s32 v60, v51;
	v57 =	vld.idx.msk [tilespmem:v63+s26+$0x0], $0xffff  }
0x649: {  	v61 =	vadd.s32 $0x277, v55;
	_ =	sdelay $0x3  }
0x64a: {  	v62 =	vadd.s32 $0xF8, v1;
	[tilespmem:v56+s0+$0x0] =	vst.idx.msk $0xffff, v57  }
0x64b: {  	v56 =	vadd.s32 v62, v51;
	v57 =	vld.idx.msk [tilespmem:v61+s26+$0x0], $0xffff  }
0x64c: {  	v63 =	vor.u32 $0x38, v52;
	_ =	sdelay $0x3  }
0x64d: {  	v60 =	vadd.s32 $0x38, v1;
	[tilespmem:v56+s0+$0x0] =	vst.idx.msk $0xffff, v57  }
0x64e: {  	v56 =	vadd.s32 v60, v51;
	v57 =	vld.idx.msk [tilespmem:v63+s22+$0x0], $0xffff  }
0x64f: {  	v61 =	vor.u32 $0x38, v54;
	_ =	sdelay $0x3  }
0x650: {  	v62 =	vadd.s32 $0x78, v1;
	[tilespmem:v56+s0+$0x0] =	vst.idx.msk $0xffff, v57  }
0x651: {  	v56 =	vadd.s32 v62, v51;
	v57 =	vld.idx.msk [tilespmem:v61+s26+$0x0], $0xffff  }
0x652: {  	v63 =	vadd.s32 $0x178, v53;
	_ =	sdelay $0x3  }
0x653: {  	v60 =	vadd.s32 $0xB8, v1;
	[tilespmem:v56+s0+$0x0] =	vst.idx.msk $0xffff, v57  }
0x654: {  	v56 =	vadd.s32 v60, v51;
	v57 =	vld.idx.msk [tilespmem:v63+s26+$0x0], $0xffff  }
0x655: {  	v61 =	vadd.s32 $0x278, v55;
	_ =	sdelay $0x3  }
0x656: {  	v62 =	vadd.s32 $0xF9, v1;
	[tilespmem:v56+s0+$0x0] =	vst.idx.msk $0xffff, v57  }
0x657: {  	v56 =	vadd.s32 v62, v51;
	v57 =	vld.idx.msk [tilespmem:v61+s26+$0x0], $0xffff  }
0x658: {  	v63 =	vor.u32 $0x39, v52;
	_ =	sdelay $0x3  }
0x659: {  	v60 =	vadd.s32 $0x39, v1;
	[tilespmem:v56+s0+$0x0] =	vst.idx.msk $0xffff, v57  }
0x65a: {  	v56 =	vadd.s32 v60, v51;
	v57 =	vld.idx.msk [tilespmem:v63+s22+$0x0], $0xffff  }
0x65b: {  	v61 =	vor.u32 $0x39, v54;
	_ =	sdelay $0x3  }
0x65c: {  	v62 =	vadd.s32 $0x79, v1;
	[tilespmem:v56+s0+$0x0] =	vst.idx.msk $0xffff, v57  }
0x65d: {  	v56 =	vadd.s32 v62, v51;
	v57 =	vld.idx.msk [tilespmem:v61+s26+$0x0], $0xffff  }
0x65e: {  	v63 =	vadd.s32 $0x179, v53;
	_ =	sdelay $0x3  }
0x65f: {  	v60 =	vadd.s32 $0xB9, v1;
	[tilespmem:v56+s0+$0x0] =	vst.idx.msk $0xffff, v57  }
0x660: {  	v56 =	vadd.s32 v60, v51;
	v57 =	vld.idx.msk [tilespmem:v63+s26+$0x0], $0xffff  }
0x661: {  	v61 =	vadd.s32 $0x279, v55;
	_ =	sdelay $0x3  }
0x662: {  	v62 =	vadd.s32 $0xFA, v1;
	[tilespmem:v56+s0+$0x0] =	vst.idx.msk $0xffff, v57  }
0x663: {  	v56 =	vadd.s32 v62, v51;
	v57 =	vld.idx.msk [tilespmem:v61+s26+$0x0], $0xffff  }
0x664: {  	v63 =	vor.u32 $0x3A, v52;
	_ =	sdelay $0x3  }
0x665: {  	v60 =	vadd.s32 $0x3A, v1;
	[tilespmem:v56+s0+$0x0] =	vst.idx.msk $0xffff, v57  }
0x666: {  	v56 =	vadd.s32 v60, v51;
	v57 =	vld.idx.msk [tilespmem:v63+s22+$0x0], $0xffff  }
0x667: {  	v61 =	vor.u32 $0x3A, v54;
	_ =	sdelay $0x3  }
0x668: {  	v62 =	vadd.s32 $0x7A, v1;
	[tilespmem:v56+s0+$0x0] =	vst.idx.msk $0xffff, v57  }
0x669: {  	v56 =	vadd.s32 v62, v51;
	v57 =	vld.idx.msk [tilespmem:v61+s26+$0x0], $0xffff  }
0x66a: {  	v63 =	vadd.s32 $0x17A, v53;
	_ =	sdelay $0x3  }
0x66b: {  	v60 =	vadd.s32 $0xBA, v1;
	[tilespmem:v56+s0+$0x0] =	vst.idx.msk $0xffff, v57  }
0x66c: {  	v56 =	vadd.s32 v60, v51;
	v57 =	vld.idx.msk [tilespmem:v63+s26+$0x0], $0xffff  }
0x66d: {  	v61 =	vadd.s32 $0x27A, v55;
	_ =	sdelay $0x3  }
0x66e: {  	v62 =	vadd.s32 $0xFB, v1;
	[tilespmem:v56+s0+$0x0] =	vst.idx.msk $0xffff, v57  }
0x66f: {  	v56 =	vadd.s32 v62, v51;
	v57 =	vld.idx.msk [tilespmem:v61+s26+$0x0], $0xffff  }
0x670: {  	v63 =	vor.u32 $0x3B, v52;
	_ =	sdelay $0x3  }
0x671: {  	v60 =	vadd.s32 $0x3B, v1;
	[tilespmem:v56+s0+$0x0] =	vst.idx.msk $0xffff, v57  }
0x672: {  	v56 =	vadd.s32 v60, v51;
	v57 =	vld.idx.msk [tilespmem:v63+s22+$0x0], $0xffff  }
0x673: {  	v61 =	vor.u32 $0x3B, v54;
	_ =	sdelay $0x3  }
0x674: {  	v62 =	vadd.s32 $0x7B, v1;
	[tilespmem:v56+s0+$0x0] =	vst.idx.msk $0xffff, v57  }
0x675: {  	v56 =	vadd.s32 v62, v51;
	v57 =	vld.idx.msk [tilespmem:v61+s26+$0x0], $0xffff  }
0x676: {  	v63 =	vadd.s32 $0x17B, v53;
	_ =	sdelay $0x3  }
0x677: {  	v60 =	vadd.s32 $0xBB, v1;
	[tilespmem:v56+s0+$0x0] =	vst.idx.msk $0xffff, v57  }
0x678: {  	v56 =	vadd.s32 v60, v51;
	v57 =	vld.idx.msk [tilespmem:v63+s26+$0x0], $0xffff  }
0x679: {  	v61 =	vadd.s32 $0x27B, v55;
	_ =	sdelay $0x3  }
0x67a: {  	v62 =	vadd.s32 $0xFC, v1;
	[tilespmem:v56+s0+$0x0] =	vst.idx.msk $0xffff, v57  }
0x67b: {  	v56 =	vadd.s32 v62, v51;
	v57 =	vld.idx.msk [tilespmem:v61+s26+$0x0], $0xffff  }
0x67c: {  	v63 =	vor.u32 $0x3C, v52;
	_ =	sdelay $0x3  }
0x67d: {  	v60 =	vadd.s32 $0x3C, v1;
	[tilespmem:v56+s0+$0x0] =	vst.idx.msk $0xffff, v57  }
0x67e: {  	v56 =	vadd.s32 v60, v51;
	v57 =	vld.idx.msk [tilespmem:v63+s22+$0x0], $0xffff  }
0x67f: {  	v61 =	vor.u32 $0x3C, v54;
	_ =	sdelay $0x3  }
0x680: {  	v62 =	vadd.s32 $0x7C, v1;
	[tilespmem:v56+s0+$0x0] =	vst.idx.msk $0xffff, v57  }
0x681: {  	v56 =	vadd.s32 v62, v51;
	v57 =	vld.idx.msk [tilespmem:v61+s26+$0x0], $0xffff  }
0x682: {  	v63 =	vadd.s32 $0x17C, v53;
	_ =	sdelay $0x3  }
0x683: {  	v60 =	vadd.s32 $0xBC, v1;
	[tilespmem:v56+s0+$0x0] =	vst.idx.msk $0xffff, v57  }
0x684: {  	v56 =	vadd.s32 v60, v51;
	v57 =	vld.idx.msk [tilespmem:v63+s26+$0x0], $0xffff  }
0x685: {  	v61 =	vadd.s32 $0x27C, v55;
	_ =	sdelay $0x3  }
0x686: {  	v62 =	vadd.s32 $0xFD, v1;
	[tilespmem:v56+s0+$0x0] =	vst.idx.msk $0xffff, v57  }
0x687: {  	v56 =	vadd.s32 v62, v51;
	v57 =	vld.idx.msk [tilespmem:v61+s26+$0x0], $0xffff  }
0x688: {  	v63 =	vor.u32 $0x3D, v52;
	_ =	sdelay $0x3  }
0x689: {  	v60 =	vadd.s32 $0x3D, v1;
	[tilespmem:v56+s0+$0x0] =	vst.idx.msk $0xffff, v57  }
0x68a: {  	v56 =	vadd.s32 v60, v51;
	v57 =	vld.idx.msk [tilespmem:v63+s22+$0x0], $0xffff  }
0x68b: {  	v61 =	vor.u32 $0x3D, v54;
	_ =	sdelay $0x3  }
0x68c: {  	v62 =	vadd.s32 $0x7D, v1;
	[tilespmem:v56+s0+$0x0] =	vst.idx.msk $0xffff, v57  }
0x68d: {  	v56 =	vadd.s32 v62, v51;
	v57 =	vld.idx.msk [tilespmem:v61+s26+$0x0], $0xffff  }
0x68e: {  	v63 =	vadd.s32 $0x17D, v53;
	_ =	sdelay $0x3  }
0x68f: {  	v60 =	vadd.s32 $0xBD, v1;
	[tilespmem:v56+s0+$0x0] =	vst.idx.msk $0xffff, v57  }
0x690: {  	v56 =	vadd.s32 v60, v51;
	v57 =	vld.idx.msk [tilespmem:v63+s26+$0x0], $0xffff  }
0x691: {  	v61 =	vadd.s32 $0x27D, v55;
	_ =	sdelay $0x3  }
0x692: {  	v62 =	vadd.s32 $0xFE, v1;
	[tilespmem:v56+s0+$0x0] =	vst.idx.msk $0xffff, v57  }
0x693: {  	v56 =	vadd.s32 v62, v51;
	v57 =	vld.idx.msk [tilespmem:v61+s26+$0x0], $0xffff  }
0x694: {  	v63 =	vor.u32 $0x3E, v52;
	_ =	sdelay $0x3  }
0x695: {  	v60 =	vadd.s32 $0x3E, v1;
	[tilespmem:v56+s0+$0x0] =	vst.idx.msk $0xffff, v57  }
0x696: {  	v56 =	vadd.s32 v60, v51;
	v57 =	vld.idx.msk [tilespmem:v63+s22+$0x0], $0xffff  }
0x697: {  	v61 =	vor.u32 $0x3E, v54;
	_ =	sdelay $0x3  }
0x698: {  	v62 =	vadd.s32 $0x7E, v1;
	[tilespmem:v56+s0+$0x0] =	vst.idx.msk $0xffff, v57  }
0x699: {  	v56 =	vadd.s32 v62, v51;
	v57 =	vld.idx.msk [tilespmem:v61+s26+$0x0], $0xffff  }
0x69a: {  	v63 =	vadd.s32 $0x17E, v53;
	_ =	sdelay $0x3  }
0x69b: {  	v60 =	vadd.s32 $0xBE, v1;
	[tilespmem:v56+s0+$0x0] =	vst.idx.msk $0xffff, v57  }
0x69c: {  	v56 =	vadd.s32 v60, v51;
	v57 =	vld.idx.msk [tilespmem:v63+s26+$0x0], $0xffff  }
0x69d: {  	v61 =	vadd.s32 $0x27E, v55;
	_ =	sdelay $0x3  }
0x69e: {  	v62 =	vadd.s32 $0xFF, v1;
	[tilespmem:v56+s0+$0x0] =	vst.idx.msk $0xffff, v57  }
0x69f: {  	v56 =	vadd.s32 v62, v51;
	v57 =	vld.idx.msk [tilespmem:v61+s26+$0x0], $0xffff  }
0x6a0: {  	v52 =	vor.u32 $0x3F, v52;
	_ =	sdelay $0x3  }
0x6a1: {  	v63 =	vadd.s32 $0x3F, v1;
	[tilespmem:v56+s0+$0x0] =	vst.idx.msk $0xffff, v57  }
0x6a2: {  	v56 =	vadd.s32 v63, v51;
	v52 =	vld.idx.msk [tilespmem:v52+s22+$0x0], $0xffff  }
0x6a3: {  	v54 =	vor.u32 $0x3F, v54;
	_ =	sdelay $0x3  }
0x6a4: {  	v60 =	vadd.s32 $0x7F, v1;
	[tilespmem:v56+s0+$0x0] =	vst.idx.msk $0xffff, v52  }
0x6a5: {  	v52 =	vadd.s32 v60, v51;
	v54 =	vld.idx.msk [tilespmem:v54+s26+$0x0], $0xffff  }
0x6a6: {  	v53 =	vadd.s32 $0x17F, v53;
	_ =	sdelay $0x3  }
0x6a7: {  	v61 =	vadd.s32 $0xBF, v1;
	[tilespmem:v52+s0+$0x0] =	vst.idx.msk $0xffff, v54  }
0x6a8: {  	v52 =	vadd.s32 v61, v51;
	v53 =	vld.idx.msk [tilespmem:v53+s26+$0x0], $0xffff  }
0x6a9: {  	v62 =	vadd.s32 $0x27F, v55;
	_ =	sdelay $0x3  }
0x6aa: {  	v63 =	vadd.s32 $0x100, v1;
	[tilespmem:v52+s0+$0x0] =	vst.idx.msk $0xffff, v53  }
0x6ab: {  	p0 =	sne.s32 s23, $0xF0;
	v51 =	vadd.s32 v63, v51;
	v53 =	vld.idx.msk [tilespmem:v62+s26+$0x0], $0xffff  }
.Ltmp1:
0x6ac: {  	_ = 	snop;
	(pc) =	sbr.rel @p0 .LBB2_4-.Ltmp1, $3  }
0x6ad: {  	_ =	sdelay $0x1  }
0x6ae: {  	s24 =	sadd.s32 $0x10, s24  }
0x6af: {  	s23 =	sadd.s32 $0x10, s23;
	s29 =	sadd.s32 $0x10, s29;
	s25 =	sadd.s32 $0x10, s25;
	[tilespmem:v51+s0+$0x0] =	vst.idx.msk $0xffff, v53  }
0x6b0: {  	s3 =	sadd.s32 $0x1, s3  }
0x6b1: {  	p0 =	sne.s32 s3, s17  }
.Ltmp2:
0x6b2: {  	_ = 	snop;
	(pc) =	sbr.rel @p0 .LBB2_1-.Ltmp2, $4  }
0x6b3: {  	[hbm4b:s16+s1] =	stream.linear.scatter [tilespmem:s0], [sflag:$0x2], $0x10800, $0x38;
	[tilespmem:$0x1B120] =	vst v63  }
0x6b4: {  	_ =	swait.ge [sflag:s18], $0x10800  }
0x6b5: {  	[sflag:s18] =	ssyncset.done $0x0  }
0x6b6: {  	[sflag:s18] =	ssyncadd.s32 $0xFFFEF800  }
0x6b7: {  	_ =	sfence.sel $0x180000  }
0x6b8: {  	[bflag:$0x0] =	sbarrier.arrive $0xFFFF  }
0x6b9: {  	_ =	strace $0x90000047  }
0x6ba: {  	s0 =	stileid.u32;
	[bflag:$0x2] =	sbarrier.arrive $0xFFFF  }
0x6bb: {  	p0 =	sne.s32 s0, $0x0;
	s0 =	rddreg [dreg:$0x6]  }
0x6bc: {  	s0 =	sadd.s32 @!p0 $0x100000, s0  }
0x6bd: {  	[sflag:s0] =	ssyncadd.tile.s32 @!p0 $0x1;
	_ =	shalt  }
.Lfunc_end2:
_tile_overlayer_lowered:
.L_overlay_start_2:
0x6be: {  	(tag) =	ssettag $0x2  }
0x6bf: {  	s0 =	rddreg [dreg:$0x0];
	s2 =	stileid.u32  }
0x6c0: {  	s1 =	rddreg [dreg:$0x1];
	p0 =	sne.s32 s2, $0x0  }
0x6c1: {  	s3 =	rddreg [dreg:$0x2];
	[bflag:$0x3] =	sbarrier.arrive $0xFFFF;
	s2 =	simm.s32 @!p0 $0x1C02  }
0x6c2: {  	[timem:s3], [sflag:s2] =	dma.local @!p0 [hbm:s0], s1  }
0x6c3: {  	s0 =	simm.s32 @!p0 $0x2  }
0x6c4: {  	_ =	swait.ge @!p0 [sflag:s0], s1  }
0x6c5: {  	s1 =	ssub.s32 @!p0 $0x0, s1;
	[sflag:s0] =	ssyncset.done @!p0 $0x0  }
0x6c6: {  	[sflag:s0] =	ssyncadd.s32 @!p0 s1  }
0x6c7: {  	[bflag:$0x3] =	sbarrier.arrive $0xFFFF  }
0x6c8: {  	_ =	shalt  }

</sc_bundles>
